<compile_context>
chip_gen: v7x
topology: tpu7x:2x2x1
jax: 0.10.2.dev20260603
libtpu: 0.0.44.dev20260713+nightly
codegen_flags: <defaults>
</compile_context>

<pallas_src>
import functools

import jax
import jax.numpy as jnp
from jax import lax
from jax.experimental import pallas as pl
from jax.experimental.pallas import tpu as pltpu
from jax.experimental.pallas import tpu_sc as plsc

N = 10000
E = 320000
D = 128
DE = 16
C = 10
B = 64

NC = 2
NS = 16
NW = NC * NS
CH = 128
KCH = 79
EW = KCH * CH
EP = NW * EW
NP = 10240
DUMMY = N


def _lrelu(x):
    return jnp.where(x >= 0, x, 0.01 * x)


def _elu(x):
    return jnp.where(x > 0, x, jnp.exp(x) - 1.0)



def _gate_body(ea_ref, we1_ref, be1_ref, we2_ref, be2_ref,
               o0_ref, o1_ref, o2_ref, o3_ref):
    ea = ea_ref[...]
    outs = (o0_ref, o1_ref, o2_ref, o3_ref)
    for l in range(4):
        t = jnp.dot(ea, we1_ref[l], preferred_element_type=jnp.float32)
        t = _lrelu(t + be1_ref[l])
        z = jnp.dot(t, we2_ref[l], preferred_element_type=jnp.float32)
        outs[l][...] = _elu(z + be2_ref[l])


def _edge_gates(ea_p, we1s, be1s, we2s, be2s):
    be = 512
    grid = (EP // be,)
    full = lambda shape: pl.BlockSpec(shape, lambda b: (0,) * len(shape))
    return pl.pallas_call(
        _gate_body,
        grid=grid,
        in_specs=[
            pl.BlockSpec((be, DE), lambda b: (b, 0)),
            full((4, DE, 8)), full((4, 1, 8)),
            full((4, 8, D)), full((4, 1, D)),
        ],
        out_specs=[pl.BlockSpec((be, D), lambda b: (b, 0))] * 4,
        out_shape=[jax.ShapeDtypeStruct((EP, D), jnp.float32)] * 4,
    )(ea_p, we1s, be1s, we2s, be2s)



def _edge_pass_body(h_hbm, w_hbm, src_hbm, dst_hbm, out_hbm,
                    agg, src_v, dst_v, hrow_v, w_v, sem):
    c = lax.axis_index("c")
    s = lax.axis_index("s")
    wid = c * NS + s
    base = wid * EW

    zvec = jnp.zeros((16,), jnp.float32)

    def zero_row(i, _):
        for jj in range(D // 16):
            w_v[i, pl.ds(jj * 16, 16)] = zvec
        return 0

    lax.fori_loop(0, CH, zero_row, 0)
    row0 = s * (NP // NS)
    for j in range(NP // NS // CH):
        pltpu.sync_copy(w_v, agg.at[pl.ds(row0 + j * CH, CH)])
    plsc.subcore_barrier()

    def chunk(k, _):
        off = base + k * CH
        pltpu.sync_copy(src_hbm.at[pl.ds(off, CH)], src_v)
        pltpu.sync_copy(dst_hbm.at[pl.ds(off, CH)], dst_v)
        pltpu.async_copy(h_hbm.at[src_v], hrow_v, sem).wait()
        pltpu.sync_copy(w_hbm.at[pl.ds(off, CH)], w_v)

        def mul_row(i, _):
            for jj in range(D // 16):
                sl = pl.ds(jj * 16, 16)
                w_v[i, sl] = w_v[i, sl] * hrow_v[i, sl]
            return 0

        lax.fori_loop(0, CH, mul_row, 0)
        pltpu.sync_copy(w_v, agg.at[dst_v], add=True)
        return 0

    lax.fori_loop(0, KCH, chunk, 0)
    plsc.subcore_barrier()

    for j in range(NP // NS // CH):
        r = row0 + j * CH
        pltpu.sync_copy(agg.at[pl.ds(r, CH)], hrow_v)
        pltpu.sync_copy(hrow_v, out_hbm.at[c, pl.ds(r, CH)])


def _edge_pass(h, w, src_p, dst_p):
    mesh = plsc.VectorSubcoreMesh(core_axis_name="c", subcore_axis_name="s",
                                  num_cores=NC, num_subcores=NS)
    f = pl.kernel(
        _edge_pass_body,
        out_type=jax.ShapeDtypeStruct((NC, NP, D), jnp.float32),
        mesh=mesh,
        scratch_types=[
            pltpu.VMEM_SHARED((NP, D), jnp.float32),
            pltpu.VMEM((CH,), jnp.int32),
            pltpu.VMEM((CH,), jnp.int32),
            pltpu.VMEM((CH, D), jnp.float32),
            pltpu.VMEM((CH, D), jnp.float32),
            pltpu.SemaphoreType.DMA,
        ],
    )
    return f(h, w, src_p, dst_p)



def _node_body(with_skip, agg_ref, h_ref, eps_ref, wn1_ref, bn1_ref,
               wn2_ref, bn2_ref, g_ref, b_ref, *rest):
    if with_skip:
        skip_ref, out_ref = rest
    else:
        (out_ref,) = rest
    agg = agg_ref[0, :N, :] + agg_ref[1, :N, :]
    u = agg + (1.0 + eps_ref[0, 0]) * h_ref[...]
    t = _lrelu(jnp.dot(u, wn1_ref[...], preferred_element_type=jnp.float32)
               + bn1_ref[...])
    v = jnp.dot(t, wn2_ref[...], preferred_element_type=jnp.float32) + bn2_ref[...]
    hh = _lrelu(v)
    mu = jnp.mean(hh, axis=0, keepdims=True)
    var = jnp.mean((hh - mu) ** 2, axis=0, keepdims=True)
    res = g_ref[...] * (hh - mu) * lax.rsqrt(var + 1e-5) + b_ref[...]
    if with_skip:
        res = res + skip_ref[...]
    out_ref[...] = res


def _node_update(agg2, h, cp, g, b, skip=None):
    with_skip = skip is not None
    args = [agg2, h, cp['eps'].reshape(1, 1),
            cp['Wn1'], cp['bn1'].reshape(1, D),
            cp['Wn2'], cp['bn2'].reshape(1, D),
            g.reshape(1, D), b.reshape(1, D)]
    if with_skip:
        args.append(skip)
    return pl.pallas_call(
        functools.partial(_node_body, with_skip),
        out_shape=jax.ShapeDtypeStruct((N, D), jnp.float32),
    )(*args)



def _set2set_body(h_ref, batch_ref, wih0_ref, whh0_ref, bih0_ref, bhh0_ref,
                  wih1_ref, whh1_ref, bih1_ref, bhh1_ref, wf_ref, bf_ref,
                  out_ref):
    h = h_ref[...]
    bat = batch_ref[...]
    seg = lax.broadcasted_iota(jnp.int32, (N, B), 1)
    onehot = (bat == seg).astype(jnp.float32)

    def segsumT(x):
        return lax.dot_general(onehot, x, (((0,), (0,)), ((), ())),
                               preferred_element_type=jnp.float32)

    wihs = (wih0_ref[...], wih1_ref[...])
    whhs = (whh0_ref[...], whh1_ref[...])
    bihs = (bih0_ref[...], bih1_ref[...])
    bhhs = (bhh0_ref[...], bhh1_ref[...])

    q_star = jnp.zeros((B, 2 * D), jnp.float32)
    hs = [jnp.zeros((B, D), jnp.float32) for _ in range(2)]
    cs = [jnp.zeros((B, D), jnp.float32) for _ in range(2)]
    for _ in range(5):
        inp = q_star
        for l in range(2):
            gates = (jnp.dot(inp, wihs[l], preferred_element_type=jnp.float32)
                     + bihs[l]
                     + jnp.dot(hs[l], whhs[l], preferred_element_type=jnp.float32)
                     + bhhs[l])
            ig = gates[:, 0 * D:1 * D]
            fg = gates[:, 1 * D:2 * D]
            gg = gates[:, 2 * D:3 * D]
            og = gates[:, 3 * D:4 * D]
            cc = (jax.nn.sigmoid(fg) * cs[l]
                  + jax.nn.sigmoid(ig) * jnp.tanh(gg))
            hl = jax.nn.sigmoid(og) * jnp.tanh(cc)
            hs[l] = hl
            cs[l] = cc
            inp = hl
        q = hs[1]
        qb = jnp.dot(onehot, q, preferred_element_type=jnp.float32)
        e = jnp.sum(h * qb, axis=1, keepdims=True)
        masked = jnp.where(onehot > 0, e, -jnp.inf)
        emax = jnp.max(masked, axis=0, keepdims=True)
        emax = jnp.where(jnp.isfinite(emax), emax, 0.0)
        eb = jnp.dot(onehot, emax.T, preferred_element_type=jnp.float32)
        ee = jnp.exp(e - eb)
        denom = segsumT(ee)
        db = jnp.dot(onehot, denom, preferred_element_type=jnp.float32)
        a = ee / (db + 1e-16)
        r = segsumT(a * h)
        q_star = jnp.concatenate([q, r], axis=1)

    logits = jnp.dot(q_star, wf_ref[...], preferred_element_type=jnp.float32) \
        + bf_ref[...]
    m = jnp.max(logits, axis=1, keepdims=True)
    lse = m + jnp.log(jnp.sum(jnp.exp(logits - m), axis=1, keepdims=True))
    out_ref[...] = logits - lse


def _set2set(h, batch, lp, wf, bf):
    return pl.pallas_call(
        _set2set_body,
        out_shape=jax.ShapeDtypeStruct((B, C), jnp.float32),
    )(h, batch.reshape(N, 1).astype(jnp.int32),
      lp['Wih0'].T, lp['Whh0'].T, lp['bih0'].reshape(1, 4 * D),
      lp['bhh0'].reshape(1, 4 * D),
      lp['Wih1'].T, lp['Whh1'].T, lp['bih1'].reshape(1, 4 * D),
      lp['bhh1'].reshape(1, 4 * D),
      wf, bf.reshape(1, C))



def kernel(x, edge_index, edge_attr, batch, params):
    pad = EP - E
    src_p = jnp.concatenate(
        [edge_index[0].astype(jnp.int32), jnp.zeros((pad,), jnp.int32)])
    dst_p = jnp.concatenate(
        [edge_index[1].astype(jnp.int32), jnp.full((pad,), DUMMY, jnp.int32)])
    ea_p = jnp.concatenate(
        [edge_attr, jnp.zeros((pad, DE), jnp.float32)], axis=0)

    we1s = jnp.stack([params['conv%d' % i]['We1'] for i in range(4)])
    be1s = jnp.stack([params['conv%d' % i]['be1'] for i in range(4)])[:, None, :]
    we2s = jnp.stack([params['conv%d' % i]['We2'] for i in range(4)])
    be2s = jnp.stack([params['conv%d' % i]['be2'] for i in range(4)])[:, None, :]
    ws = _edge_gates(ea_p, we1s, be1s, we2s, be2s)

    h = x
    skip = None
    for i in range(4):
        cp = params['conv%d' % i]
        agg2 = _edge_pass(h, ws[i], src_p, dst_p)
        h = _node_update(agg2, h, cp,
                         params['bn%d_g' % i], params['bn%d_b' % i],
                         skip=skip if i == 3 else None)
        if i == 0:
            skip = h

    return _set2set(h, batch, params['lstm'], params['Wf'], params['bf'])

# --- scband reference (transcript-rebuilt; emitter-appended) ---
"""Pipeline reference for scband-mo-net-23682449670681 (READ-ONLY COPY).

The authoritative reference and input builder live on the scoring server;
editing this copy changes nothing except your own understanding.
"""

import jax, jax.numpy as jnp
import numpy as np

N = 10000
E = 320000
D = 128
DE = 16
C = 10
B = 64


def _forward(x, edge_attr, params, edge_index, batch):
    src = edge_index[0]
    dst = edge_index[1]

    def conv(h, cp):
        w = jax.nn.elu(jnp.dot(jax.nn.leaky_relu(jnp.dot(edge_attr, cp['We1']) + cp['be1']), cp['We2']) + cp['be2'])
        m = h[src] * w
        agg = jax.ops.segment_sum(m, dst, num_segments=N)
        out = agg + (1.0 + cp['eps']) * h
        return jnp.dot(jax.nn.leaky_relu(jnp.dot(out, cp['Wn1']) + cp['bn1']), cp['Wn2']) + cp['bn2']

    def bn(h, g, b):
        mu = jnp.mean(h, axis=0)
        var = jnp.var(h, axis=0)
        return g * (h - mu) / jnp.sqrt(var + 1e-5) + b

    h = bn(jax.nn.leaky_relu(conv(x, params['conv0'])), params['bn0_g'], params['bn0_b'])
    skip = h
    h = bn(jax.nn.leaky_relu(conv(h, params['conv1'])), params['bn1_g'], params['bn1_b'])
    h = bn(jax.nn.leaky_relu(conv(h, params['conv2'])), params['bn2_g'], params['bn2_b'])
    h = bn(jax.nn.leaky_relu(conv(h, params['conv3'])), params['bn3_g'], params['bn3_b'])
    h = h + skip

    lp = params['lstm']
    q_star = jnp.zeros((B, 2 * D), dtype=h.dtype)
    hs = [jnp.zeros((B, D), dtype=h.dtype) for _ in range(2)]
    cs = [jnp.zeros((B, D), dtype=h.dtype) for _ in range(2)]
    for _ in range(5):
        inp = q_star
        for l in range(2):
            gates = jnp.dot(inp, lp['Wih' + str(l)].T) + lp['bih' + str(l)] + jnp.dot(hs[l], lp['Whh' + str(l)].T) + lp['bhh' + str(l)]
            ig, fg, gg, og = jnp.split(gates, 4, axis=1)
            c = jax.nn.sigmoid(fg) * cs[l] + jax.nn.sigmoid(ig) * jnp.tanh(gg)
            hl = jax.nn.sigmoid(og) * jnp.tanh(c)
            hs[l] = hl
            cs[l] = c
            inp = hl
        q = hs[1]
        e = jnp.sum(h * q[batch], axis=-1)
        emax = jax.ops.segment_max(e, batch, num_segments=B)
        emax = jnp.where(jnp.isfinite(emax), emax, 0.0)
        ee = jnp.exp(e - emax[batch])
        denom = jax.ops.segment_sum(ee, batch, num_segments=B)
        a = ee / (denom[batch] + 1e-16)
        r = jax.ops.segment_sum(a[:, None] * h, batch, num_segments=B)
        q_star = jnp.concatenate([q, r], axis=1)

    logits = jnp.dot(q_star, params['Wf']) + params['bf']
    return jax.nn.log_softmax(logits, axis=-1)


def setup_inputs() -> dict:
    keys = jax.random.split(jax.random.key(0), 80)
    it = iter(range(80))

    def nrm(shape, s=0.05):
        return (jax.random.normal(keys[next(it)], shape) * s).astype(jnp.float32)

    x = jax.random.normal(keys[next(it)], (N, D), dtype=jnp.float32)
    edge_index = jax.random.randint(keys[next(it)], (2, E), 0, N)
    edge_attr = jax.random.normal(keys[next(it)], (E, DE), dtype=jnp.float32)
    batch = jnp.sort(jax.random.randint(keys[next(it)], (N,), 0, B))

    params = {}
    for i in range(4):
        params['conv' + str(i)] = {
            'We1': nrm((DE, 8)), 'be1': jnp.zeros((8,), jnp.float32),
            'We2': nrm((8, D)), 'be2': jnp.zeros((D,), jnp.float32),
            'Wn1': nrm((D, D)), 'bn1': jnp.zeros((D,), jnp.float32),
            'Wn2': nrm((D, D)), 'bn2': jnp.zeros((D,), jnp.float32),
            'eps': jnp.zeros((), jnp.float32),
        }
        params['bn' + str(i) + '_g'] = jnp.ones((D,), jnp.float32)
        params['bn' + str(i) + '_b'] = jnp.zeros((D,), jnp.float32)
    params['lstm'] = {
        'Wih0': nrm((4 * D, 2 * D)), 'Whh0': nrm((4 * D, D)),
        'bih0': jnp.zeros((4 * D,), jnp.float32), 'bhh0': jnp.zeros((4 * D,), jnp.float32),
        'Wih1': nrm((4 * D, D)), 'Whh1': nrm((4 * D, D)),
        'bih1': jnp.zeros((4 * D,), jnp.float32), 'bhh1': jnp.zeros((4 * D,), jnp.float32),
    }
    params['Wf'] = nrm((2 * D, C))
    params['bf'] = jnp.zeros((C,), jnp.float32)

    return {'x': x, 'edge_index': edge_index, 'edge_attr': edge_attr, 'batch': batch, 'params': params}


def reference(x, edge_index, edge_attr, batch, params):
    return _forward(x, edge_attr, params, edge_index, batch)

if __name__ == "__main__":
    import jax
    _d = setup_inputs()
    print(jax.jit(kernel)(*tuple(_d.values())))

</pallas_src>

<mosaic_0001>
#map = affine_map<(d0, d1) -> (0, 0)>
#map1 = affine_map<(d0, d1) -> (0)>
#map2 = affine_map<(d0, d1) -> (0, 0, 0)>
module attributes {stable_mosaic.version = 14 : i64} {
  func.func @_edge_pass_body(%arg0: i32, %arg1: i32, %arg2: memref<10000x128xf32, #tpu.memory_space<hbm>>, %arg3: memref<323584x128xf32, #tpu.memory_space<hbm>>, %arg4: memref<323584xi32, #tpu.memory_space<hbm>>, %arg5: memref<323584xi32, #tpu.memory_space<hbm>>, %arg6: memref<2x10240x128xf32, #tpu.memory_space<hbm>>, %arg7: memref<10240x128xf32, #tpu.memory_space<vmem_shared>>, %arg8: memref<128xi32, #tpu.memory_space<vmem>>, %arg9: memref<128xi32, #tpu.memory_space<vmem>>, %arg10: memref<128x128xf32, #tpu.memory_space<vmem>>, %arg11: memref<128x128xf32, #tpu.memory_space<vmem>>, %arg12: memref<!tpu.dma_semaphore, #tpu.memory_space<semaphore_mem>>) attributes {dimension_semantics = [#tpu.dimension_semantics<core_parallel>, #tpu.dimension_semantics<subcore_parallel>], iteration_bounds = array<i64: 2, 16>, scalar_prefetch = 0 : i64, scratch_operands = 6 : i64, tpu.core_type = #tpu.core_type<sc_vector_subcore>, window_params = [{transform_indices = #map}, {transform_indices = #map}, {transform_indices = #map1}, {transform_indices = #map1}, {transform_indices = #map2}]} {
    %mul3A = arith.constant 16 : i32
    %mul3A_0 = arith.muli %arg0, %mul3A : i32
    %add3A = arith.addi %mul3A_0, %arg1 : i32
    %mul3A_1 = arith.constant 10112 : i32
    %mul3A_2 = arith.muli %add3A, %mul3A_1 : i32
    %broadcast_in_dim3A = arith.constant 0.000000e+00 : f32
    %broadcast_in_dim3A_3 = vector.broadcast %broadcast_in_dim3A : f32 to vector<16xf32>
    %scan3A = arith.constant 0 : i32
    %scan3A_4 = arith.constant 0 : i32
    %scan3A_5 = arith.constant 128 : i32
    %scan3A_6 = arith.addi %scan3A_4, %scan3A_5 : i32
    %scan3A_7 = arith.constant 1 : i32
    %scan3A_8 = scf.for %scan3A_40 = %scan3A_4 to %scan3A_6 step %scan3A_7 iter_args(%scan3A_41 = %scan3A) -> (i32)  : i32 {
      %swap3A = arith.index_cast %scan3A_40 : i32 to index
      %swap3A_42 = arith.constant 0 : index
      %swap3A_43 = tpu.vector_load %arg11[%swap3A, %swap3A_42] {strides = array<i32>} : memref<128x128xf32, #tpu.memory_space<vmem>>, vector<1x16xf32>,
      %swap3A_44 = vector.shape_cast %swap3A_43 : vector<1x16xf32> to vector<16xf32>
      %swap3A_45 = vector.shape_cast %broadcast_in_dim3A_3 : vector<16xf32> to vector<1x16xf32>
      tpu.vector_store %arg11[%swap3A, %swap3A_42], %swap3A_45 {strides = array<i32>} : memref<128x128xf32, #tpu.memory_space<vmem>>, vector<1x16xf32>,
      %swap3A_46 = arith.index_cast %scan3A_40 : i32 to index
      %swap3A_47 = arith.constant 16 : index
      %swap3A_48 = tpu.vector_load %arg11[%swap3A_46, %swap3A_47] {strides = array<i32>} : memref<128x128xf32, #tpu.memory_space<vmem>>, vector<1x16xf32>,
      %swap3A_49 = vector.shape_cast %swap3A_48 : vector<1x16xf32> to vector<16xf32>
      %swap3A_50 = vector.shape_cast %broadcast_in_dim3A_3 : vector<16xf32> to vector<1x16xf32>
      tpu.vector_store %arg11[%swap3A_46, %swap3A_47], %swap3A_50 {strides = array<i32>} : memref<128x128xf32, #tpu.memory_space<vmem>>, vector<1x16xf32>,
      %swap3A_51 = arith.index_cast %scan3A_40 : i32 to index
      %swap3A_52 = arith.constant 32 : index
      %swap3A_53 = tpu.vector_load %arg11[%swap3A_51, %swap3A_52] {strides = array<i32>} : memref<128x128xf32, #tpu.memory_space<vmem>>, vector<1x16xf32>,
      %swap3A_54 = vector.shape_cast %swap3A_53 : vector<1x16xf32> to vector<16xf32>
      %swap3A_55 = vector.shape_cast %broadcast_in_dim3A_3 : vector<16xf32> to vector<1x16xf32>
      tpu.vector_store %arg11[%swap3A_51, %swap3A_52], %swap3A_55 {strides = array<i32>} : memref<128x128xf32, #tpu.memory_space<vmem>>, vector<1x16xf32>,
      %swap3A_56 = arith.index_cast %scan3A_40 : i32 to index
      %swap3A_57 = arith.constant 48 : index
      %swap3A_58 = tpu.vector_load %arg11[%swap3A_56, %swap3A_57] {strides = array<i32>} : memref<128x128xf32, #tpu.memory_space<vmem>>, vector<1x16xf32>,
      %swap3A_59 = vector.shape_cast %swap3A_58 : vector<1x16xf32> to vector<16xf32>
      %swap3A_60 = vector.shape_cast %broadcast_in_dim3A_3 : vector<16xf32> to vector<1x16xf32>
      tpu.vector_store %arg11[%swap3A_56, %swap3A_57], %swap3A_60 {strides = array<i32>} : memref<128x128xf32, #tpu.memory_space<vmem>>, vector<1x16xf32>,
      %swap3A_61 = arith.index_cast %scan3A_40 : i32 to index
      %swap3A_62 = arith.constant 64 : index
      %swap3A_63 = tpu.vector_load %arg11[%swap3A_61, %swap3A_62] {strides = array<i32>} : memref<128x128xf32, #tpu.memory_space<vmem>>, vector<1x16xf32>,
      %swap3A_64 = vector.shape_cast %swap3A_63 : vector<1x16xf32> to vector<16xf32>
      %swap3A_65 = vector.shape_cast %broadcast_in_dim3A_3 : vector<16xf32> to vector<1x16xf32>
      tpu.vector_store %arg11[%swap3A_61, %swap3A_62], %swap3A_65 {strides = array<i32>} : memref<128x128xf32, #tpu.memory_space<vmem>>, vector<1x16xf32>,
      %swap3A_66 = arith.index_cast %scan3A_40 : i32 to index
      %swap3A_67 = arith.constant 80 : index
      %swap3A_68 = tpu.vector_load %arg11[%swap3A_66, %swap3A_67] {strides = array<i32>} : memref<128x128xf32, #tpu.memory_space<vmem>>, vector<1x16xf32>,
      %swap3A_69 = vector.shape_cast %swap3A_68 : vector<1x16xf32> to vector<16xf32>
      %swap3A_70 = vector.shape_cast %broadcast_in_dim3A_3 : vector<16xf32> to vector<1x16xf32>
      tpu.vector_store %arg11[%swap3A_66, %swap3A_67], %swap3A_70 {strides = array<i32>} : memref<128x128xf32, #tpu.memory_space<vmem>>, vector<1x16xf32>,
      %swap3A_71 = arith.index_cast %scan3A_40 : i32 to index
      %swap3A_72 = arith.constant 96 : index
      %swap3A_73 = tpu.vector_load %arg11[%swap3A_71, %swap3A_72] {strides = array<i32>} : memref<128x128xf32, #tpu.memory_space<vmem>>, vector<1x16xf32>,
      %swap3A_74 = vector.shape_cast %swap3A_73 : vector<1x16xf32> to vector<16xf32>
      %swap3A_75 = vector.shape_cast %broadcast_in_dim3A_3 : vector<16xf32> to vector<1x16xf32>
      tpu.vector_store %arg11[%swap3A_71, %swap3A_72], %swap3A_75 {strides = array<i32>} : memref<128x128xf32, #tpu.memory_space<vmem>>, vector<1x16xf32>,
      %swap3A_76 = arith.index_cast %scan3A_40 : i32 to index
      %swap3A_77 = arith.constant 112 : index
      %swap3A_78 = tpu.vector_load %arg11[%swap3A_76, %swap3A_77] {strides = array<i32>} : memref<128x128xf32, #tpu.memory_space<vmem>>, vector<1x16xf32>,
      %swap3A_79 = vector.shape_cast %swap3A_78 : vector<1x16xf32> to vector<16xf32>
      %swap3A_80 = vector.shape_cast %broadcast_in_dim3A_3 : vector<16xf32> to vector<1x16xf32>
      tpu.vector_store %arg11[%swap3A_76, %swap3A_77], %swap3A_80 {strides = array<i32>} : memref<128x128xf32, #tpu.memory_space<vmem>>, vector<1x16xf32>,
      %scan3A_81 = arith.constant 0 : i32
      scf.yield %scan3A_81 : i32
    }
    %scan3A_9 = arith.constant 128 : i32
    %mul3A_10 = arith.constant 640 : i32
    %mul3A_11 = arith.muli %arg1, %mul3A_10 : i32
    %add3A_12 = arith.constant 0 : i32
    %add3A_13 = arith.addi %mul3A_11, %add3A_12 : i32
    "tpu.region"() ({
      %run_scoped3A = tpu.sem_alloc : memref<!tpu.dma_semaphore, #tpu.memory_space<semaphore_mem>>
      %dma_start3A = arith.constant 0 : i32
      %dma_start3A_40 = tpu.memref_slice %arg7[%add3A_13, %dma_start3A] : memref<10240x128xf32, #tpu.memory_space<vmem_shared>> -> memref<128x128xf32, #tpu.memory_space<vmem_shared>>
      %dma_start3A_41 = arith.constant 0 : i32
      %dma_start3A_42 = tpu.memref_slice %arg7[%add3A_13, %dma_start3A_41] : memref<10240x128xf32, #tpu.memory_space<vmem_shared>> -> memref<128x128xf32, #tpu.memory_space<vmem_shared>>
      tpu.enqueue_dma source(%arg11 : memref<128x128xf32, #tpu.memory_space<vmem>>) target(%dma_start3A_42 : memref<128x128xf32, #tpu.memory_space<vmem_shared>>) target_semaphore(%run_scoped3A : memref<!tpu.dma_semaphore, #tpu.memory_space<semaphore_mem>>)
      %dma_wait3A = arith.constant 0 : i32
      %dma_wait3A_43 = tpu.memref_slice %arg7[%add3A_13, %dma_wait3A] : memref<10240x128xf32, #tpu.memory_space<vmem_shared>> -> memref<128x128xf32, #tpu.memory_space<vmem_shared>>
      %dma_wait3A_44 = arith.constant 0 : i32
      %dma_wait3A_45 = tpu.memref_slice %arg7[%add3A_13, %dma_wait3A_44] : memref<10240x128xf32, #tpu.memory_space<vmem_shared>> -> memref<128x128xf32, #tpu.memory_space<vmem_shared>>
      tpu.wait_dma2 semaphore(%run_scoped3A : memref<!tpu.dma_semaphore, #tpu.memory_space<semaphore_mem>>) src(%arg11 : memref<128x128xf32, #tpu.memory_space<vmem>>) dst(%dma_wait3A_45 : memref<128x128xf32, #tpu.memory_space<vmem_shared>>)
      tpu.yield
    }) : () -> ()
    %add3A_14 = arith.constant 128 : i32
    %add3A_15 = arith.addi %mul3A_11, %add3A_14 : i32
    "tpu.region"() ({
      %run_scoped3A = tpu.sem_alloc : memref<!tpu.dma_semaphore, #tpu.memory_space<semaphore_mem>>
      %dma_start3A = arith.constant 0 : i32
      %dma_start3A_40 = tpu.memref_slice %arg7[%add3A_15, %dma_start3A] : memref<10240x128xf32, #tpu.memory_space<vmem_shared>> -> memref<128x128xf32, #tpu.memory_space<vmem_shared>>
      %dma_start3A_41 = arith.constant 0 : i32
      %dma_start3A_42 = tpu.memref_slice %arg7[%add3A_15, %dma_start3A_41] : memref<10240x128xf32, #tpu.memory_space<vmem_shared>> -> memref<128x128xf32, #tpu.memory_space<vmem_shared>>
      tpu.enqueue_dma source(%arg11 : memref<128x128xf32, #tpu.memory_space<vmem>>) target(%dma_start3A_42 : memref<128x128xf32, #tpu.memory_space<vmem_shared>>) target_semaphore(%run_scoped3A : memref<!tpu.dma_semaphore, #tpu.memory_space<semaphore_mem>>)
      %dma_wait3A = arith.constant 0 : i32
      %dma_wait3A_43 = tpu.memref_slice %arg7[%add3A_15, %dma_wait3A] : memref<10240x128xf32, #tpu.memory_space<vmem_shared>> -> memref<128x128xf32, #tpu.memory_space<vmem_shared>>
      %dma_wait3A_44 = arith.constant 0 : i32
      %dma_wait3A_45 = tpu.memref_slice %arg7[%add3A_15, %dma_wait3A_44] : memref<10240x128xf32, #tpu.memory_space<vmem_shared>> -> memref<128x128xf32, #tpu.memory_space<vmem_shared>>
      tpu.wait_dma2 semaphore(%run_scoped3A : memref<!tpu.dma_semaphore, #tpu.memory_space<semaphore_mem>>) src(%arg11 : memref<128x128xf32, #tpu.memory_space<vmem>>) dst(%dma_wait3A_45 : memref<128x128xf32, #tpu.memory_space<vmem_shared>>)
      tpu.yield
    }) : () -> ()
    %add3A_16 = arith.constant 256 : i32
    %add3A_17 = arith.addi %mul3A_11, %add3A_16 : i32
    "tpu.region"() ({
      %run_scoped3A = tpu.sem_alloc : memref<!tpu.dma_semaphore, #tpu.memory_space<semaphore_mem>>
      %dma_start3A = arith.constant 0 : i32
      %dma_start3A_40 = tpu.memref_slice %arg7[%add3A_17, %dma_start3A] : memref<10240x128xf32, #tpu.memory_space<vmem_shared>> -> memref<128x128xf32, #tpu.memory_space<vmem_shared>>
      %dma_start3A_41 = arith.constant 0 : i32
      %dma_start3A_42 = tpu.memref_slice %arg7[%add3A_17, %dma_start3A_41] : memref<10240x128xf32, #tpu.memory_space<vmem_shared>> -> memref<128x128xf32, #tpu.memory_space<vmem_shared>>
      tpu.enqueue_dma source(%arg11 : memref<128x128xf32, #tpu.memory_space<vmem>>) target(%dma_start3A_42 : memref<128x128xf32, #tpu.memory_space<vmem_shared>>) target_semaphore(%run_scoped3A : memref<!tpu.dma_semaphore, #tpu.memory_space<semaphore_mem>>)
      %dma_wait3A = arith.constant 0 : i32
      %dma_wait3A_43 = tpu.memref_slice %arg7[%add3A_17, %dma_wait3A] : memref<10240x128xf32, #tpu.memory_space<vmem_shared>> -> memref<128x128xf32, #tpu.memory_space<vmem_shared>>
      %dma_wait3A_44 = arith.constant 0 : i32
      %dma_wait3A_45 = tpu.memref_slice %arg7[%add3A_17, %dma_wait3A_44] : memref<10240x128xf32, #tpu.memory_space<vmem_shared>> -> memref<128x128xf32, #tpu.memory_space<vmem_shared>>
      tpu.wait_dma2 semaphore(%run_scoped3A : memref<!tpu.dma_semaphore, #tpu.memory_space<semaphore_mem>>) src(%arg11 : memref<128x128xf32, #tpu.memory_space<vmem>>) dst(%dma_wait3A_45 : memref<128x128xf32, #tpu.memory_space<vmem_shared>>)
      tpu.yield
    }) : () -> ()
    %add3A_18 = arith.constant 384 : i32
    %add3A_19 = arith.addi %mul3A_11, %add3A_18 : i32
    "tpu.region"() ({
      %run_scoped3A = tpu.sem_alloc : memref<!tpu.dma_semaphore, #tpu.memory_space<semaphore_mem>>
      %dma_start3A = arith.constant 0 : i32
      %dma_start3A_40 = tpu.memref_slice %arg7[%add3A_19, %dma_start3A] : memref<10240x128xf32, #tpu.memory_space<vmem_shared>> -> memref<128x128xf32, #tpu.memory_space<vmem_shared>>
      %dma_start3A_41 = arith.constant 0 : i32
      %dma_start3A_42 = tpu.memref_slice %arg7[%add3A_19, %dma_start3A_41] : memref<10240x128xf32, #tpu.memory_space<vmem_shared>> -> memref<128x128xf32, #tpu.memory_space<vmem_shared>>
      tpu.enqueue_dma source(%arg11 : memref<128x128xf32, #tpu.memory_space<vmem>>) target(%dma_start3A_42 : memref<128x128xf32, #tpu.memory_space<vmem_shared>>) target_semaphore(%run_scoped3A : memref<!tpu.dma_semaphore, #tpu.memory_space<semaphore_mem>>)
      %dma_wait3A = arith.constant 0 : i32
      %dma_wait3A_43 = tpu.memref_slice %arg7[%add3A_19, %dma_wait3A] : memref<10240x128xf32, #tpu.memory_space<vmem_shared>> -> memref<128x128xf32, #tpu.memory_space<vmem_shared>>
      %dma_wait3A_44 = arith.constant 0 : i32
      %dma_wait3A_45 = tpu.memref_slice %arg7[%add3A_19, %dma_wait3A_44] : memref<10240x128xf32, #tpu.memory_space<vmem_shared>> -> memref<128x128xf32, #tpu.memory_space<vmem_shared>>
      tpu.wait_dma2 semaphore(%run_scoped3A : memref<!tpu.dma_semaphore, #tpu.memory_space<semaphore_mem>>) src(%arg11 : memref<128x128xf32, #tpu.memory_space<vmem>>) dst(%dma_wait3A_45 : memref<128x128xf32, #tpu.memory_space<vmem_shared>>)
      tpu.yield
    }) : () -> ()
    %add3A_20 = arith.constant 512 : i32
    %add3A_21 = arith.addi %mul3A_11, %add3A_20 : i32
    "tpu.region"() ({
      %run_scoped3A = tpu.sem_alloc : memref<!tpu.dma_semaphore, #tpu.memory_space<semaphore_mem>>
      %dma_start3A = arith.constant 0 : i32
      %dma_start3A_40 = tpu.memref_slice %arg7[%add3A_21, %dma_start3A] : memref<10240x128xf32, #tpu.memory_space<vmem_shared>> -> memref<128x128xf32, #tpu.memory_space<vmem_shared>>
      %dma_start3A_41 = arith.constant 0 : i32
      %dma_start3A_42 = tpu.memref_slice %arg7[%add3A_21, %dma_start3A_41] : memref<10240x128xf32, #tpu.memory_space<vmem_shared>> -> memref<128x128xf32, #tpu.memory_space<vmem_shared>>
      tpu.enqueue_dma source(%arg11 : memref<128x128xf32, #tpu.memory_space<vmem>>) target(%dma_start3A_42 : memref<128x128xf32, #tpu.memory_space<vmem_shared>>) target_semaphore(%run_scoped3A : memref<!tpu.dma_semaphore, #tpu.memory_space<semaphore_mem>>)
      %dma_wait3A = arith.constant 0 : i32
      %dma_wait3A_43 = tpu.memref_slice %arg7[%add3A_21, %dma_wait3A] : memref<10240x128xf32, #tpu.memory_space<vmem_shared>> -> memref<128x128xf32, #tpu.memory_space<vmem_shared>>
      %dma_wait3A_44 = arith.constant 0 : i32
      %dma_wait3A_45 = tpu.memref_slice %arg7[%add3A_21, %dma_wait3A_44] : memref<10240x128xf32, #tpu.memory_space<vmem_shared>> -> memref<128x128xf32, #tpu.memory_space<vmem_shared>>
      tpu.wait_dma2 semaphore(%run_scoped3A : memref<!tpu.dma_semaphore, #tpu.memory_space<semaphore_mem>>) src(%arg11 : memref<128x128xf32, #tpu.memory_space<vmem>>) dst(%dma_wait3A_45 : memref<128x128xf32, #tpu.memory_space<vmem_shared>>)
      tpu.yield
    }) : () -> ()
    %barrier3A = arith.constant 0 : index
    tpu.barrier barrier_id(%barrier3A)
    %scan3A_22 = arith.constant 0 : i32
    %scan3A_23 = arith.constant 0 : i32
    %scan3A_24 = arith.constant 79 : i32
    %scan3A_25 = arith.addi %scan3A_23, %scan3A_24 : i32
    %scan3A_26 = arith.constant 1 : i32
    %scan3A_27 = scf.for %scan3A_40 = %scan3A_23 to %scan3A_25 step %scan3A_26 iter_args(%scan3A_41 = %scan3A_22) -> (i32)  : i32 {
      %mul3A_42 = arith.constant 128 : i32
      %mul3A_43 = arith.muli %scan3A_40, %mul3A_42 : i32
      %add3A_44 = arith.addi %mul3A_2, %mul3A_43 : i32
      "tpu.region"() ({
        %run_scoped3A = tpu.sem_alloc : memref<!tpu.dma_semaphore, #tpu.memory_space<semaphore_mem>>
        %dma_start3A_57 = tpu.memref_slice %arg4[%add3A_44] : memref<323584xi32, #tpu.memory_space<hbm>> -> memref<128xi32, #tpu.memory_space<hbm>>
        %dma_start3A_58 = tpu.memref_slice %arg4[%add3A_44] : memref<323584xi32, #tpu.memory_space<hbm>> -> memref<128xi32, #tpu.memory_space<hbm>>
        tpu.enqueue_dma source(%dma_start3A_58 : memref<128xi32, #tpu.memory_space<hbm>>) target(%arg8 : memref<128xi32, #tpu.memory_space<vmem>>) target_semaphore(%run_scoped3A : memref<!tpu.dma_semaphore, #tpu.memory_space<semaphore_mem>>)
        %dma_wait3A_59 = tpu.memref_slice %arg4[%add3A_44] : memref<323584xi32, #tpu.memory_space<hbm>> -> memref<128xi32, #tpu.memory_space<hbm>>
        %dma_wait3A_60 = tpu.memref_slice %arg4[%add3A_44] : memref<323584xi32, #tpu.memory_space<hbm>> -> memref<128xi32, #tpu.memory_space<hbm>>
        tpu.wait_dma2 semaphore(%run_scoped3A : memref<!tpu.dma_semaphore, #tpu.memory_space<semaphore_mem>>) src(%dma_wait3A_60 : memref<128xi32, #tpu.memory_space<hbm>>) dst(%arg8 : memref<128xi32, #tpu.memory_space<vmem>>)
        tpu.yield
      }) : () -> ()
      "tpu.region"() ({
        %run_scoped3A = tpu.sem_alloc : memref<!tpu.dma_semaphore, #tpu.memory_space<semaphore_mem>>
        %dma_start3A_57 = tpu.memref_slice %arg5[%add3A_44] : memref<323584xi32, #tpu.memory_space<hbm>> -> memref<128xi32, #tpu.memory_space<hbm>>
        %dma_start3A_58 = tpu.memref_slice %arg5[%add3A_44] : memref<323584xi32, #tpu.memory_space<hbm>> -> memref<128xi32, #tpu.memory_space<hbm>>
        tpu.enqueue_dma source(%dma_start3A_58 : memref<128xi32, #tpu.memory_space<hbm>>) target(%arg9 : memref<128xi32, #tpu.memory_space<vmem>>) target_semaphore(%run_scoped3A : memref<!tpu.dma_semaphore, #tpu.memory_space<semaphore_mem>>)
        %dma_wait3A_59 = tpu.memref_slice %arg5[%add3A_44] : memref<323584xi32, #tpu.memory_space<hbm>> -> memref<128xi32, #tpu.memory_space<hbm>>
        %dma_wait3A_60 = tpu.memref_slice %arg5[%add3A_44] : memref<323584xi32, #tpu.memory_space<hbm>> -> memref<128xi32, #tpu.memory_space<hbm>>
        tpu.wait_dma2 semaphore(%run_scoped3A : memref<!tpu.dma_semaphore, #tpu.memory_space<semaphore_mem>>) src(%dma_wait3A_60 : memref<128xi32, #tpu.memory_space<hbm>>) dst(%arg9 : memref<128xi32, #tpu.memory_space<vmem>>)
        tpu.yield
      }) : () -> ()
      %dma_start3A = arith.constant 0 : i32
      %dma_start3A_45 = arith.constant 0 : i32
      %dma_start3A_46 = tpu.memref_slice %arg2[%dma_start3A, %dma_start3A_45] : memref<10000x128xf32, #tpu.memory_space<hbm>> -> memref<10000x128xf32, #tpu.memory_space<hbm>>
      tpu.enqueue_indirect_dma source(%dma_start3A_46 : memref<10000x128xf32, #tpu.memory_space<hbm>>) target(%arg10 : memref<128x128xf32, #tpu.memory_space<vmem>>) offsets(%arg8 : memref<128xi32, #tpu.memory_space<vmem>>) semaphore(%arg12 : memref<!tpu.dma_semaphore, #tpu.memory_space<semaphore_mem>>)
      %dma_wait3A = arith.constant 0 : i32
      %dma_wait3A_47 = arith.constant 0 : i32
      %dma_wait3A_48 = tpu.memref_slice %arg2[%dma_wait3A, %dma_wait3A_47] : memref<10000x128xf32, #tpu.memory_space<hbm>> -> memref<10000x128xf32, #tpu.memory_space<hbm>>
      tpu.wait_indirect_dma semaphore(%arg12 : memref<!tpu.dma_semaphore, #tpu.memory_space<semaphore_mem>>) src(%dma_wait3A_48 : memref<10000x128xf32, #tpu.memory_space<hbm>>) dst(%arg10 : memref<128x128xf32, #tpu.memory_space<vmem>>)
      "tpu.region"() ({
        %run_scoped3A = tpu.sem_alloc : memref<!tpu.dma_semaphore, #tpu.memory_space<semaphore_mem>>
        %dma_start3A_57 = arith.constant 0 : i32
        %dma_start3A_58 = tpu.memref_slice %arg3[%add3A_44, %dma_start3A_57] : memref<323584x128xf32, #tpu.memory_space<hbm>> -> memref<128x128xf32, #tpu.memory_space<hbm>>
        %dma_start3A_59 = arith.constant 0 : i32
        %dma_start3A_60 = tpu.memref_slice %arg3[%add3A_44, %dma_start3A_59] : memref<323584x128xf32, #tpu.memory_space<hbm>> -> memref<128x128xf32, #tpu.memory_space<hbm>>
        tpu.enqueue_dma source(%dma_start3A_60 : memref<128x128xf32, #tpu.memory_space<hbm>>) target(%arg11 : memref<128x128xf32, #tpu.memory_space<vmem>>) target_semaphore(%run_scoped3A : memref<!tpu.dma_semaphore, #tpu.memory_space<semaphore_mem>>)
        %dma_wait3A_61 = arith.constant 0 : i32
        %dma_wait3A_62 = tpu.memref_slice %arg3[%add3A_44, %dma_wait3A_61] : memref<323584x128xf32, #tpu.memory_space<hbm>> -> memref<128x128xf32, #tpu.memory_space<hbm>>
        %dma_wait3A_63 = arith.constant 0 : i32
        %dma_wait3A_64 = tpu.memref_slice %arg3[%add3A_44, %dma_wait3A_63] : memref<323584x128xf32, #tpu.memory_space<hbm>> -> memref<128x128xf32, #tpu.memory_space<hbm>>
        tpu.wait_dma2 semaphore(%run_scoped3A : memref<!tpu.dma_semaphore, #tpu.memory_space<semaphore_mem>>) src(%dma_wait3A_64 : memref<128x128xf32, #tpu.memory_space<hbm>>) dst(%arg11 : memref<128x128xf32, #tpu.memory_space<vmem>>)
        tpu.yield
      }) : () -> ()
      %scan3A_49 = arith.constant 0 : i32
      %scan3A_50 = arith.constant 0 : i32
      %scan3A_51 = arith.constant 128 : i32
      %scan3A_52 = arith.addi %scan3A_50, %scan3A_51 : i32
      %scan3A_53 = arith.constant 1 : i32
      %scan3A_54 = scf.for %scan3A_57 = %scan3A_50 to %scan3A_52 step %scan3A_53 iter_args(%scan3A_58 = %scan3A_49) -> (i32)  : i32 {
        %get3A = arith.index_cast %scan3A_57 : i32 to index
        %get3A_59 = arith.constant 0 : index
        %get3A_60 = tpu.vector_load %arg11[%get3A, %get3A_59] {strides = array<i32>} : memref<128x128xf32, #tpu.memory_space<vmem>>, vector<1x16xf32>,
        %get3A_61 = vector.shape_cast %get3A_60 : vector<1x16xf32> to vector<16xf32>
        %get3A_62 = arith.index_cast %scan3A_57 : i32 to index
        %get3A_63 = arith.constant 0 : index
        %get3A_64 = tpu.vector_load %arg10[%get3A_62, %get3A_63] {strides = array<i32>} : memref<128x128xf32, #tpu.memory_space<vmem>>, vector<1x16xf32>,
        %get3A_65 = vector.shape_cast %get3A_64 : vector<1x16xf32> to vector<16xf32>
        %mul3A_66 = arith.mulf %get3A_61, %get3A_65 : vector<16xf32>
        %swap3A = arith.index_cast %scan3A_57 : i32 to index
        %swap3A_67 = arith.constant 0 : index
        %swap3A_68 = tpu.vector_load %arg11[%swap3A, %swap3A_67] {strides = array<i32>} : memref<128x128xf32, #tpu.memory_space<vmem>>, vector<1x16xf32>,
        %swap3A_69 = vector.shape_cast %swap3A_68 : vector<1x16xf32> to vector<16xf32>
        %swap3A_70 = vector.shape_cast %mul3A_66 : vector<16xf32> to vector<1x16xf32>
        tpu.vector_store %arg11[%swap3A, %swap3A_67], %swap3A_70 {strides = array<i32>} : memref<128x128xf32, #tpu.memory_space<vmem>>, vector<1x16xf32>,
        %get3A_71 = arith.index_cast %scan3A_57 : i32 to index
        %get3A_72 = arith.constant 16 : index
        %get3A_73 = tpu.vector_load %arg11[%get3A_71, %get3A_72] {strides = array<i32>} : memref<128x128xf32, #tpu.memory_space<vmem>>, vector<1x16xf32>,
        %get3A_74 = vector.shape_cast %get3A_73 : vector<1x16xf32> to vector<16xf32>
        %get3A_75 = arith.index_cast %scan3A_57 : i32 to index
        %get3A_76 = arith.constant 16 : index
        %get3A_77 = tpu.vector_load %arg10[%get3A_75, %get3A_76] {strides = array<i32>} : memref<128x128xf32, #tpu.memory_space<vmem>>, vector<1x16xf32>,
        %get3A_78 = vector.shape_cast %get3A_77 : vector<1x16xf32> to vector<16xf32>
        %mul3A_79 = arith.mulf %get3A_74, %get3A_78 : vector<16xf32>
        %swap3A_80 = arith.index_cast %scan3A_57 : i32 to index
        %swap3A_81 = arith.constant 16 : index
        %swap3A_82 = tpu.vector_load %arg11[%swap3A_80, %swap3A_81] {strides = array<i32>} : memref<128x128xf32, #tpu.memory_space<vmem>>, vector<1x16xf32>,
        %swap3A_83 = vector.shape_cast %swap3A_82 : vector<1x16xf32> to vector<16xf32>
        %swap3A_84 = vector.shape_cast %mul3A_79 : vector<16xf32> to vector<1x16xf32>
        tpu.vector_store %arg11[%swap3A_80, %swap3A_81], %swap3A_84 {strides = array<i32>} : memref<128x128xf32, #tpu.memory_space<vmem>>, vector<1x16xf32>,
        %get3A_85 = arith.index_cast %scan3A_57 : i32 to index
        %get3A_86 = arith.constant 32 : index
        %get3A_87 = tpu.vector_load %arg11[%get3A_85, %get3A_86] {strides = array<i32>} : memref<128x128xf32, #tpu.memory_space<vmem>>, vector<1x16xf32>,
        %get3A_88 = vector.shape_cast %get3A_87 : vector<1x16xf32> to vector<16xf32>
        %get3A_89 = arith.index_cast %scan3A_57 : i32 to index
        %get3A_90 = arith.constant 32 : index
        %get3A_91 = tpu.vector_load %arg10[%get3A_89, %get3A_90] {strides = array<i32>} : memref<128x128xf32, #tpu.memory_space<vmem>>, vector<1x16xf32>,
        %get3A_92 = vector.shape_cast %get3A_91 : vector<1x16xf32> to vector<16xf32>
        %mul3A_93 = arith.mulf %get3A_88, %get3A_92 : vector<16xf32>
        %swap3A_94 = arith.index_cast %scan3A_57 : i32 to index
        %swap3A_95 = arith.constant 32 : index
        %swap3A_96 = tpu.vector_load %arg11[%swap3A_94, %swap3A_95] {strides = array<i32>} : memref<128x128xf32, #tpu.memory_space<vmem>>, vector<1x16xf32>,
        %swap3A_97 = vector.shape_cast %swap3A_96 : vector<1x16xf32> to vector<16xf32>
        %swap3A_98 = vector.shape_cast %mul3A_93 : vector<16xf32> to vector<1x16xf32>
        tpu.vector_store %arg11[%swap3A_94, %swap3A_95], %swap3A_98 {strides = array<i32>} : memref<128x128xf32, #tpu.memory_space<vmem>>, vector<1x16xf32>,
        %get3A_99 = arith.index_cast %scan3A_57 : i32 to index
        %get3A_100 = arith.constant 48 : index
        %get3A_101 = tpu.vector_load %arg11[%get3A_99, %get3A_100] {strides = array<i32>} : memref<128x128xf32, #tpu.memory_space<vmem>>, vector<1x16xf32>,
        %get3A_102 = vector.shape_cast %get3A_101 : vector<1x16xf32> to vector<16xf32>
        %get3A_103 = arith.index_cast %scan3A_57 : i32 to index
        %get3A_104 = arith.constant 48 : index
        %get3A_105 = tpu.vector_load %arg10[%get3A_103, %get3A_104] {strides = array<i32>} : memref<128x128xf32, #tpu.memory_space<vmem>>, vector<1x16xf32>,
        %get3A_106 = vector.shape_cast %get3A_105 : vector<1x16xf32> to vector<16xf32>
        %mul3A_107 = arith.mulf %get3A_102, %get3A_106 : vector<16xf32>
        %swap3A_108 = arith.index_cast %scan3A_57 : i32 to index
        %swap3A_109 = arith.constant 48 : index
        %swap3A_110 = tpu.vector_load %arg11[%swap3A_108, %swap3A_109] {strides = array<i32>} : memref<128x128xf32, #tpu.memory_space<vmem>>, vector<1x16xf32>,
        %swap3A_111 = vector.shape_cast %swap3A_110 : vector<1x16xf32> to vector<16xf32>
        %swap3A_112 = vector.shape_cast %mul3A_107 : vector<16xf32> to vector<1x16xf32>
        tpu.vector_store %arg11[%swap3A_108, %swap3A_109], %swap3A_112 {strides = array<i32>} : memref<128x128xf32, #tpu.memory_space<vmem>>, vector<1x16xf32>,
        %get3A_113 = arith.index_cast %scan3A_57 : i32 to index
        %get3A_114 = arith.constant 64 : index
        %get3A_115 = tpu.vector_load %arg11[%get3A_113, %get3A_114] {strides = array<i32>} : memref<128x128xf32, #tpu.memory_space<vmem>>, vector<1x16xf32>,
        %get3A_116 = vector.shape_cast %get3A_115 : vector<1x16xf32> to vector<16xf32>
        %get3A_117 = arith.index_cast %scan3A_57 : i32 to index
        %get3A_118 = arith.constant 64 : index
        %get3A_119 = tpu.vector_load %arg10[%get3A_117, %get3A_118] {strides = array<i32>} : memref<128x128xf32, #tpu.memory_space<vmem>>, vector<1x16xf32>,
        %get3A_120 = vector.shape_cast %get3A_119 : vector<1x16xf32> to vector<16xf32>
        %mul3A_121 = arith.mulf %get3A_116, %get3A_120 : vector<16xf32>
        %swap3A_122 = arith.index_cast %scan3A_57 : i32 to index
        %swap3A_123 = arith.constant 64 : index
        %swap3A_124 = tpu.vector_load %arg11[%swap3A_122, %swap3A_123] {strides = array<i32>} : memref<128x128xf32, #tpu.memory_space<vmem>>, vector<1x16xf32>,
        %swap3A_125 = vector.shape_cast %swap3A_124 : vector<1x16xf32> to vector<16xf32>
        %swap3A_126 = vector.shape_cast %mul3A_121 : vector<16xf32> to vector<1x16xf32>
        tpu.vector_store %arg11[%swap3A_122, %swap3A_123], %swap3A_126 {strides = array<i32>} : memref<128x128xf32, #tpu.memory_space<vmem>>, vector<1x16xf32>,
        %get3A_127 = arith.index_cast %scan3A_57 : i32 to index
        %get3A_128 = arith.constant 80 : index
        %get3A_129 = tpu.vector_load %arg11[%get3A_127, %get3A_128] {strides = array<i32>} : memref<128x128xf32, #tpu.memory_space<vmem>>, vector<1x16xf32>,
        %get3A_130 = vector.shape_cast %get3A_129 : vector<1x16xf32> to vector<16xf32>
        %get3A_131 = arith.index_cast %scan3A_57 : i32 to index
        %get3A_132 = arith.constant 80 : index
        %get3A_133 = tpu.vector_load %arg10[%get3A_131, %get3A_132] {strides = array<i32>} : memref<128x128xf32, #tpu.memory_space<vmem>>, vector<1x16xf32>,
        %get3A_134 = vector.shape_cast %get3A_133 : vector<1x16xf32> to vector<16xf32>
        %mul3A_135 = arith.mulf %get3A_130, %get3A_134 : vector<16xf32>
        %swap3A_136 = arith.index_cast %scan3A_57 : i32 to index
        %swap3A_137 = arith.constant 80 : index
        %swap3A_138 = tpu.vector_load %arg11[%swap3A_136, %swap3A_137] {strides = array<i32>} : memref<128x128xf32, #tpu.memory_space<vmem>>, vector<1x16xf32>,
        %swap3A_139 = vector.shape_cast %swap3A_138 : vector<1x16xf32> to vector<16xf32>
        %swap3A_140 = vector.shape_cast %mul3A_135 : vector<16xf32> to vector<1x16xf32>
        tpu.vector_store %arg11[%swap3A_136, %swap3A_137], %swap3A_140 {strides = array<i32>} : memref<128x128xf32, #tpu.memory_space<vmem>>, vector<1x16xf32>,
        %get3A_141 = arith.index_cast %scan3A_57 : i32 to index
        %get3A_142 = arith.constant 96 : index
        %get3A_143 = tpu.vector_load %arg11[%get3A_141, %get3A_142] {strides = array<i32>} : memref<128x128xf32, #tpu.memory_space<vmem>>, vector<1x16xf32>,
        %get3A_144 = vector.shape_cast %get3A_143 : vector<1x16xf32> to vector<16xf32>
        %get3A_145 = arith.index_cast %scan3A_57 : i32 to index
        %get3A_146 = arith.constant 96 : index
        %get3A_147 = tpu.vector_load %arg10[%get3A_145, %get3A_146] {strides = array<i32>} : memref<128x128xf32, #tpu.memory_space<vmem>>, vector<1x16xf32>,
        %get3A_148 = vector.shape_cast %get3A_147 : vector<1x16xf32> to vector<16xf32>
        %mul3A_149 = arith.mulf %get3A_144, %get3A_148 : vector<16xf32>
        %swap3A_150 = arith.index_cast %scan3A_57 : i32 to index
        %swap3A_151 = arith.constant 96 : index
        %swap3A_152 = tpu.vector_load %arg11[%swap3A_150, %swap3A_151] {strides = array<i32>} : memref<128x128xf32, #tpu.memory_space<vmem>>, vector<1x16xf32>,
        %swap3A_153 = vector.shape_cast %swap3A_152 : vector<1x16xf32> to vector<16xf32>
        %swap3A_154 = vector.shape_cast %mul3A_149 : vector<16xf32> to vector<1x16xf32>
        tpu.vector_store %arg11[%swap3A_150, %swap3A_151], %swap3A_154 {strides = array<i32>} : memref<128x128xf32, #tpu.memory_space<vmem>>, vector<1x16xf32>,
        %get3A_155 = arith.index_cast %scan3A_57 : i32 to index
        %get3A_156 = arith.constant 112 : index
        %get3A_157 = tpu.vector_load %arg11[%get3A_155, %get3A_156] {strides = array<i32>} : memref<128x128xf32, #tpu.memory_space<vmem>>, vector<1x16xf32>,
        %get3A_158 = vector.shape_cast %get3A_157 : vector<1x16xf32> to vector<16xf32>
        %get3A_159 = arith.index_cast %scan3A_57 : i32 to index
        %get3A_160 = arith.constant 112 : index
        %get3A_161 = tpu.vector_load %arg10[%get3A_159, %get3A_160] {strides = array<i32>} : memref<128x128xf32, #tpu.memory_space<vmem>>, vector<1x16xf32>,
        %get3A_162 = vector.shape_cast %get3A_161 : vector<1x16xf32> to vector<16xf32>
        %mul3A_163 = arith.mulf %get3A_158, %get3A_162 : vector<16xf32>
        %swap3A_164 = arith.index_cast %scan3A_57 : i32 to index
        %swap3A_165 = arith.constant 112 : index
        %swap3A_166 = tpu.vector_load %arg11[%swap3A_164, %swap3A_165] {strides = array<i32>} : memref<128x128xf32, #tpu.memory_space<vmem>>, vector<1x16xf32>,
        %swap3A_167 = vector.shape_cast %swap3A_166 : vector<1x16xf32> to vector<16xf32>
        %swap3A_168 = vector.shape_cast %mul3A_163 : vector<16xf32> to vector<1x16xf32>
        tpu.vector_store %arg11[%swap3A_164, %swap3A_165], %swap3A_168 {strides = array<i32>} : memref<128x128xf32, #tpu.memory_space<vmem>>, vector<1x16xf32>,
        %scan3A_169 = arith.constant 0 : i32
        scf.yield %scan3A_169 : i32
      }
      %scan3A_55 = arith.constant 128 : i32
      "tpu.region"() ({
        %run_scoped3A = tpu.sem_alloc : memref<!tpu.dma_semaphore, #tpu.memory_space<semaphore_mem>>
        %dma_start3A_57 = arith.constant 0 : i32
        %dma_start3A_58 = arith.constant 0 : i32
        %dma_start3A_59 = tpu.memref_slice %arg7[%dma_start3A_57, %dma_start3A_58] : memref<10240x128xf32, #tpu.memory_space<vmem_shared>> -> memref<10240x128xf32, #tpu.memory_space<vmem_shared>>
        tpu.enqueue_indirect_dma source(%arg11 : memref<128x128xf32, #tpu.memory_space<vmem>>) target(%dma_start3A_59 : memref<10240x128xf32, #tpu.memory_space<vmem_shared>>) offsets(%arg9 : memref<128xi32, #tpu.memory_space<vmem>>) semaphore(%run_scoped3A : memref<!tpu.dma_semaphore, #tpu.memory_space<semaphore_mem>>) {add = true}
        %dma_wait3A_60 = arith.constant 0 : i32
        %dma_wait3A_61 = arith.constant 0 : i32
        %dma_wait3A_62 = tpu.memref_slice %arg7[%dma_wait3A_60, %dma_wait3A_61] : memref<10240x128xf32, #tpu.memory_space<vmem_shared>> -> memref<10240x128xf32, #tpu.memory_space<vmem_shared>>
        tpu.wait_indirect_dma semaphore(%run_scoped3A : memref<!tpu.dma_semaphore, #tpu.memory_space<semaphore_mem>>) src(%arg11 : memref<128x128xf32, #tpu.memory_space<vmem>>) dst(%dma_wait3A_62 : memref<10240x128xf32, #tpu.memory_space<vmem_shared>>)
        tpu.yield
      }) : () -> ()
      %scan3A_56 = arith.constant 0 : i32
      scf.yield %scan3A_56 : i32
    }
    %scan3A_28 = arith.constant 79 : i32
    %barrier3A_29 = arith.constant 0 : index
    tpu.barrier barrier_id(%barrier3A_29)
    %add3A_30 = arith.constant 0 : i32
    %add3A_31 = arith.addi %mul3A_11, %add3A_30 : i32
    "tpu.region"() ({
      %run_scoped3A = tpu.sem_alloc : memref<!tpu.dma_semaphore, #tpu.memory_space<semaphore_mem>>
      %dma_start3A = arith.constant 0 : i32
      %dma_start3A_40 = tpu.memref_slice %arg7[%add3A_31, %dma_start3A] : memref<10240x128xf32, #tpu.memory_space<vmem_shared>> -> memref<128x128xf32, #tpu.memory_space<vmem_shared>>
      %dma_start3A_41 = arith.constant 0 : i32
      %dma_start3A_42 = tpu.memref_slice %arg7[%add3A_31, %dma_start3A_41] : memref<10240x128xf32, #tpu.memory_space<vmem_shared>> -> memref<128x128xf32, #tpu.memory_space<vmem_shared>>
      tpu.enqueue_dma source(%dma_start3A_42 : memref<128x128xf32, #tpu.memory_space<vmem_shared>>) target(%arg10 : memref<128x128xf32, #tpu.memory_space<vmem>>) target_semaphore(%run_scoped3A : memref<!tpu.dma_semaphore, #tpu.memory_space<semaphore_mem>>)
      %dma_wait3A = arith.constant 0 : i32
      %dma_wait3A_43 = tpu.memref_slice %arg7[%add3A_31, %dma_wait3A] : memref<10240x128xf32, #tpu.memory_space<vmem_shared>> -> memref<128x128xf32, #tpu.memory_space<vmem_shared>>
      %dma_wait3A_44 = arith.constant 0 : i32
      %dma_wait3A_45 = tpu.memref_slice %arg7[%add3A_31, %dma_wait3A_44] : memref<10240x128xf32, #tpu.memory_space<vmem_shared>> -> memref<128x128xf32, #tpu.memory_space<vmem_shared>>
      tpu.wait_dma2 semaphore(%run_scoped3A : memref<!tpu.dma_semaphore, #tpu.memory_space<semaphore_mem>>) src(%dma_wait3A_45 : memref<128x128xf32, #tpu.memory_space<vmem_shared>>) dst(%arg10 : memref<128x128xf32, #tpu.memory_space<vmem>>)
      tpu.yield
    }) : () -> ()
    "tpu.region"() ({
      %run_scoped3A = tpu.sem_alloc : memref<!tpu.dma_semaphore, #tpu.memory_space<semaphore_mem>>
      %dma_start3A = arith.constant 0 : i32
      %dma_start3A_40 = tpu.memref_slice %arg6[%arg0, %add3A_31, %dma_start3A] : memref<2x10240x128xf32, #tpu.memory_space<hbm>> -> memref<1x128x128xf32, #tpu.memory_space<hbm>>
      %dma_start3A_41 = tpu.memref_squeeze %dma_start3A_40 : memref<1x128x128xf32, #tpu.memory_space<hbm>> -> memref<128x128xf32, #tpu.memory_space<hbm>>
      %dma_start3A_42 = arith.constant 0 : i32
      %dma_start3A_43 = tpu.memref_slice %arg6[%arg0, %add3A_31, %dma_start3A_42] : memref<2x10240x128xf32, #tpu.memory_space<hbm>> -> memref<1x128x128xf32, #tpu.memory_space<hbm>>
      %dma_start3A_44 = tpu.memref_squeeze %dma_start3A_43 : memref<1x128x128xf32, #tpu.memory_space<hbm>> -> memref<128x128xf32, #tpu.memory_space<hbm>>
      tpu.enqueue_dma source(%arg10 : memref<128x128xf32, #tpu.memory_space<vmem>>) target(%dma_start3A_44 : memref<128x128xf32, #tpu.memory_space<hbm>>) target_semaphore(%run_scoped3A : memref<!tpu.dma_semaphore, #tpu.memory_space<semaphore_mem>>)
      %dma_wait3A = arith.constant 0 : i32
      %dma_wait3A_45 = tpu.memref_slice %arg6[%arg0, %add3A_31, %dma_wait3A] : memref<2x10240x128xf32, #tpu.memory_space<hbm>> -> memref<1x128x128xf32, #tpu.memory_space<hbm>>
      %dma_wait3A_46 = tpu.memref_squeeze %dma_wait3A_45 : memref<1x128x128xf32, #tpu.memory_space<hbm>> -> memref<128x128xf32, #tpu.memory_space<hbm>>
      %dma_wait3A_47 = arith.constant 0 : i32
      %dma_wait3A_48 = tpu.memref_slice %arg6[%arg0, %add3A_31, %dma_wait3A_47] : memref<2x10240x128xf32, #tpu.memory_space<hbm>> -> memref<1x128x128xf32, #tpu.memory_space<hbm>>
      %dma_wait3A_49 = tpu.memref_squeeze %dma_wait3A_48 : memref<1x128x128xf32, #tpu.memory_space<hbm>> -> memref<128x128xf32, #tpu.memory_space<hbm>>
      tpu.wait_dma2 semaphore(%run_scoped3A : memref<!tpu.dma_semaphore, #tpu.memory_space<semaphore_mem>>) src(%arg10 : memref<128x128xf32, #tpu.memory_space<vmem>>) dst(%dma_wait3A_49 : memref<128x128xf32, #tpu.memory_space<hbm>>)
      tpu.yield
    }) : () -> ()
    %add3A_32 = arith.constant 128 : i32
    %add3A_33 = arith.addi %mul3A_11, %add3A_32 : i32
    "tpu.region"() ({
      %run_scoped3A = tpu.sem_alloc : memref<!tpu.dma_semaphore, #tpu.memory_space<semaphore_mem>>
      %dma_start3A = arith.constant 0 : i32
      %dma_start3A_40 = tpu.memref_slice %arg7[%add3A_33, %dma_start3A] : memref<10240x128xf32, #tpu.memory_space<vmem_shared>> -> memref<128x128xf32, #tpu.memory_space<vmem_shared>>
      %dma_start3A_41 = arith.constant 0 : i32
      %dma_start3A_42 = tpu.memref_slice %arg7[%add3A_33, %dma_start3A_41] : memref<10240x128xf32, #tpu.memory_space<vmem_shared>> -> memref<128x128xf32, #tpu.memory_space<vmem_shared>>
      tpu.enqueue_dma source(%dma_start3A_42 : memref<128x128xf32, #tpu.memory_space<vmem_shared>>) target(%arg10 : memref<128x128xf32, #tpu.memory_space<vmem>>) target_semaphore(%run_scoped3A : memref<!tpu.dma_semaphore, #tpu.memory_space<semaphore_mem>>)
      %dma_wait3A = arith.constant 0 : i32
      %dma_wait3A_43 = tpu.memref_slice %arg7[%add3A_33, %dma_wait3A] : memref<10240x128xf32, #tpu.memory_space<vmem_shared>> -> memref<128x128xf32, #tpu.memory_space<vmem_shared>>
      %dma_wait3A_44 = arith.constant 0 : i32
      %dma_wait3A_45 = tpu.memref_slice %arg7[%add3A_33, %dma_wait3A_44] : memref<10240x128xf32, #tpu.memory_space<vmem_shared>> -> memref<128x128xf32, #tpu.memory_space<vmem_shared>>
      tpu.wait_dma2 semaphore(%run_scoped3A : memref<!tpu.dma_semaphore, #tpu.memory_space<semaphore_mem>>) src(%dma_wait3A_45 : memref<128x128xf32, #tpu.memory_space<vmem_shared>>) dst(%arg10 : memref<128x128xf32, #tpu.memory_space<vmem>>)
      tpu.yield
    }) : () -> ()
    "tpu.region"() ({
      %run_scoped3A = tpu.sem_alloc : memref<!tpu.dma_semaphore, #tpu.memory_space<semaphore_mem>>
      %dma_start3A = arith.constant 0 : i32
      %dma_start3A_40 = tpu.memref_slice %arg6[%arg0, %add3A_33, %dma_start3A] : memref<2x10240x128xf32, #tpu.memory_space<hbm>> -> memref<1x128x128xf32, #tpu.memory_space<hbm>>
      %dma_start3A_41 = tpu.memref_squeeze %dma_start3A_40 : memref<1x128x128xf32, #tpu.memory_space<hbm>> -> memref<128x128xf32, #tpu.memory_space<hbm>>
      %dma_start3A_42 = arith.constant 0 : i32
      %dma_start3A_43 = tpu.memref_slice %arg6[%arg0, %add3A_33, %dma_start3A_42] : memref<2x10240x128xf32, #tpu.memory_space<hbm>> -> memref<1x128x128xf32, #tpu.memory_space<hbm>>
      %dma_start3A_44 = tpu.memref_squeeze %dma_start3A_43 : memref<1x128x128xf32, #tpu.memory_space<hbm>> -> memref<128x128xf32, #tpu.memory_space<hbm>>
      tpu.enqueue_dma source(%arg10 : memref<128x128xf32, #tpu.memory_space<vmem>>) target(%dma_start3A_44 : memref<128x128xf32, #tpu.memory_space<hbm>>) target_semaphore(%run_scoped3A : memref<!tpu.dma_semaphore, #tpu.memory_space<semaphore_mem>>)
      %dma_wait3A = arith.constant 0 : i32
      %dma_wait3A_45 = tpu.memref_slice %arg6[%arg0, %add3A_33, %dma_wait3A] : memref<2x10240x128xf32, #tpu.memory_space<hbm>> -> memref<1x128x128xf32, #tpu.memory_space<hbm>>
      %dma_wait3A_46 = tpu.memref_squeeze %dma_wait3A_45 : memref<1x128x128xf32, #tpu.memory_space<hbm>> -> memref<128x128xf32, #tpu.memory_space<hbm>>
      %dma_wait3A_47 = arith.constant 0 : i32
      %dma_wait3A_48 = tpu.memref_slice %arg6[%arg0, %add3A_33, %dma_wait3A_47] : memref<2x10240x128xf32, #tpu.memory_space<hbm>> -> memref<1x128x128xf32, #tpu.memory_space<hbm>>
      %dma_wait3A_49 = tpu.memref_squeeze %dma_wait3A_48 : memref<1x128x128xf32, #tpu.memory_space<hbm>> -> memref<128x128xf32, #tpu.memory_space<hbm>>
      tpu.wait_dma2 semaphore(%run_scoped3A : memref<!tpu.dma_semaphore, #tpu.memory_space<semaphore_mem>>) src(%arg10 : memref<128x128xf32, #tpu.memory_space<vmem>>) dst(%dma_wait3A_49 : memref<128x128xf32, #tpu.memory_space<hbm>>)
      tpu.yield
    }) : () -> ()
    %add3A_34 = arith.constant 256 : i32
    %add3A_35 = arith.addi %mul3A_11, %add3A_34 : i32
    "tpu.region"() ({
      %run_scoped3A = tpu.sem_alloc : memref<!tpu.dma_semaphore, #tpu.memory_space<semaphore_mem>>
      %dma_start3A = arith.constant 0 : i32
      %dma_start3A_40 = tpu.memref_slice %arg7[%add3A_35, %dma_start3A] : memref<10240x128xf32, #tpu.memory_space<vmem_shared>> -> memref<128x128xf32, #tpu.memory_space<vmem_shared>>
      %dma_start3A_41 = arith.constant 0 : i32
      %dma_start3A_42 = tpu.memref_slice %arg7[%add3A_35, %dma_start3A_41] : memref<10240x128xf32, #tpu.memory_space<vmem_shared>> -> memref<128x128xf32, #tpu.memory_space<vmem_shared>>
      tpu.enqueue_dma source(%dma_start3A_42 : memref<128x128xf32, #tpu.memory_space<vmem_shared>>) target(%arg10 : memref<128x128xf32, #tpu.memory_space<vmem>>) target_semaphore(%run_scoped3A : memref<!tpu.dma_semaphore, #tpu.memory_space<semaphore_mem>>)
      %dma_wait3A = arith.constant 0 : i32
      %dma_wait3A_43 = tpu.memref_slice %arg7[%add3A_35, %dma_wait3A] : memref<10240x128xf32, #tpu.memory_space<vmem_shared>> -> memref<128x128xf32, #tpu.memory_space<vmem_shared>>
      %dma_wait3A_44 = arith.constant 0 : i32
      %dma_wait3A_45 = tpu.memref_slice %arg7[%add3A_35, %dma_wait3A_44] : memref<10240x128xf32, #tpu.memory_space<vmem_shared>> -> memref<128x128xf32, #tpu.memory_space<vmem_shared>>
      tpu.wait_dma2 semaphore(%run_scoped3A : memref<!tpu.dma_semaphore, #tpu.memory_space<semaphore_mem>>) src(%dma_wait3A_45 : memref<128x128xf32, #tpu.memory_space<vmem_shared>>) dst(%arg10 : memref<128x128xf32, #tpu.memory_space<vmem>>)
      tpu.yield
    }) : () -> ()
    "tpu.region"() ({
      %run_scoped3A = tpu.sem_alloc : memref<!tpu.dma_semaphore, #tpu.memory_space<semaphore_mem>>
      %dma_start3A = arith.constant 0 : i32
      %dma_start3A_40 = tpu.memref_slice %arg6[%arg0, %add3A_35, %dma_start3A] : memref<2x10240x128xf32, #tpu.memory_space<hbm>> -> memref<1x128x128xf32, #tpu.memory_space<hbm>>
      %dma_start3A_41 = tpu.memref_squeeze %dma_start3A_40 : memref<1x128x128xf32, #tpu.memory_space<hbm>> -> memref<128x128xf32, #tpu.memory_space<hbm>>
      %dma_start3A_42 = arith.constant 0 : i32
      %dma_start3A_43 = tpu.memref_slice %arg6[%arg0, %add3A_35, %dma_start3A_42] : memref<2x10240x128xf32, #tpu.memory_space<hbm>> -> memref<1x128x128xf32, #tpu.memory_space<hbm>>
      %dma_start3A_44 = tpu.memref_squeeze %dma_start3A_43 : memref<1x128x128xf32, #tpu.memory_space<hbm>> -> memref<128x128xf32, #tpu.memory_space<hbm>>
      tpu.enqueue_dma source(%arg10 : memref<128x128xf32, #tpu.memory_space<vmem>>) target(%dma_start3A_44 : memref<128x128xf32, #tpu.memory_space<hbm>>) target_semaphore(%run_scoped3A : memref<!tpu.dma_semaphore, #tpu.memory_space<semaphore_mem>>)
      %dma_wait3A = arith.constant 0 : i32
      %dma_wait3A_45 = tpu.memref_slice %arg6[%arg0, %add3A_35, %dma_wait3A] : memref<2x10240x128xf32, #tpu.memory_space<hbm>> -> memref<1x128x128xf32, #tpu.memory_space<hbm>>
      %dma_wait3A_46 = tpu.memref_squeeze %dma_wait3A_45 : memref<1x128x128xf32, #tpu.memory_space<hbm>> -> memref<128x128xf32, #tpu.memory_space<hbm>>
      %dma_wait3A_47 = arith.constant 0 : i32
      %dma_wait3A_48 = tpu.memref_slice %arg6[%arg0, %add3A_35, %dma_wait3A_47] : memref<2x10240x128xf32, #tpu.memory_space<hbm>> -> memref<1x128x128xf32, #tpu.memory_space<hbm>>
      %dma_wait3A_49 = tpu.memref_squeeze %dma_wait3A_48 : memref<1x128x128xf32, #tpu.memory_space<hbm>> -> memref<128x128xf32, #tpu.memory_space<hbm>>
      tpu.wait_dma2 semaphore(%run_scoped3A : memref<!tpu.dma_semaphore, #tpu.memory_space<semaphore_mem>>) src(%arg10 : memref<128x128xf32, #tpu.memory_space<vmem>>) dst(%dma_wait3A_49 : memref<128x128xf32, #tpu.memory_space<hbm>>)
      tpu.yield
    }) : () -> ()
    %add3A_36 = arith.constant 384 : i32
    %add3A_37 = arith.addi %mul3A_11, %add3A_36 : i32
    "tpu.region"() ({
      %run_scoped3A = tpu.sem_alloc : memref<!tpu.dma_semaphore, #tpu.memory_space<semaphore_mem>>
      %dma_start3A = arith.constant 0 : i32
      %dma_start3A_40 = tpu.memref_slice %arg7[%add3A_37, %dma_start3A] : memref<10240x128xf32, #tpu.memory_space<vmem_shared>> -> memref<128x128xf32, #tpu.memory_space<vmem_shared>>
      %dma_start3A_41 = arith.constant 0 : i32
      %dma_start3A_42 = tpu.memref_slice %arg7[%add3A_37, %dma_start3A_41] : memref<10240x128xf32, #tpu.memory_space<vmem_shared>> -> memref<128x128xf32, #tpu.memory_space<vmem_shared>>
      tpu.enqueue_dma source(%dma_start3A_42 : memref<128x128xf32, #tpu.memory_space<vmem_shared>>) target(%arg10 : memref<128x128xf32, #tpu.memory_space<vmem>>) target_semaphore(%run_scoped3A : memref<!tpu.dma_semaphore, #tpu.memory_space<semaphore_mem>>)
      %dma_wait3A = arith.constant 0 : i32
      %dma_wait3A_43 = tpu.memref_slice %arg7[%add3A_37, %dma_wait3A] : memref<10240x128xf32, #tpu.memory_space<vmem_shared>> -> memref<128x128xf32, #tpu.memory_space<vmem_shared>>
      %dma_wait3A_44 = arith.constant 0 : i32
      %dma_wait3A_45 = tpu.memref_slice %arg7[%add3A_37, %dma_wait3A_44] : memref<10240x128xf32, #tpu.memory_space<vmem_shared>> -> memref<128x128xf32, #tpu.memory_space<vmem_shared>>
      tpu.wait_dma2 semaphore(%run_scoped3A : memref<!tpu.dma_semaphore, #tpu.memory_space<semaphore_mem>>) src(%dma_wait3A_45 : memref<128x128xf32, #tpu.memory_space<vmem_shared>>) dst(%arg10 : memref<128x128xf32, #tpu.memory_space<vmem>>)
      tpu.yield
    }) : () -> ()
    "tpu.region"() ({
      %run_scoped3A = tpu.sem_alloc : memref<!tpu.dma_semaphore, #tpu.memory_space<semaphore_mem>>
      %dma_start3A = arith.constant 0 : i32
      %dma_start3A_40 = tpu.memref_slice %arg6[%arg0, %add3A_37, %dma_start3A] : memref<2x10240x128xf32, #tpu.memory_space<hbm>> -> memref<1x128x128xf32, #tpu.memory_space<hbm>>
      %dma_start3A_41 = tpu.memref_squeeze %dma_start3A_40 : memref<1x128x128xf32, #tpu.memory_space<hbm>> -> memref<128x128xf32, #tpu.memory_space<hbm>>
      %dma_start3A_42 = arith.constant 0 : i32
      %dma_start3A_43 = tpu.memref_slice %arg6[%arg0, %add3A_37, %dma_start3A_42] : memref<2x10240x128xf32, #tpu.memory_space<hbm>> -> memref<1x128x128xf32, #tpu.memory_space<hbm>>
      %dma_start3A_44 = tpu.memref_squeeze %dma_start3A_43 : memref<1x128x128xf32, #tpu.memory_space<hbm>> -> memref<128x128xf32, #tpu.memory_space<hbm>>
      tpu.enqueue_dma source(%arg10 : memref<128x128xf32, #tpu.memory_space<vmem>>) target(%dma_start3A_44 : memref<128x128xf32, #tpu.memory_space<hbm>>) target_semaphore(%run_scoped3A : memref<!tpu.dma_semaphore, #tpu.memory_space<semaphore_mem>>)
      %dma_wait3A = arith.constant 0 : i32
      %dma_wait3A_45 = tpu.memref_slice %arg6[%arg0, %add3A_37, %dma_wait3A] : memref<2x10240x128xf32, #tpu.memory_space<hbm>> -> memref<1x128x128xf32, #tpu.memory_space<hbm>>
      %dma_wait3A_46 = tpu.memref_squeeze %dma_wait3A_45 : memref<1x128x128xf32, #tpu.memory_space<hbm>> -> memref<128x128xf32, #tpu.memory_space<hbm>>
      %dma_wait3A_47 = arith.constant 0 : i32
      %dma_wait3A_48 = tpu.memref_slice %arg6[%arg0, %add3A_37, %dma_wait3A_47] : memref<2x10240x128xf32, #tpu.memory_space<hbm>> -> memref<1x128x128xf32, #tpu.memory_space<hbm>>
      %dma_wait3A_49 = tpu.memref_squeeze %dma_wait3A_48 : memref<1x128x128xf32, #tpu.memory_space<hbm>> -> memref<128x128xf32, #tpu.memory_space<hbm>>
      tpu.wait_dma2 semaphore(%run_scoped3A : memref<!tpu.dma_semaphore, #tpu.memory_space<semaphore_mem>>) src(%arg10 : memref<128x128xf32, #tpu.memory_space<vmem>>) dst(%dma_wait3A_49 : memref<128x128xf32, #tpu.memory_space<hbm>>)
      tpu.yield
    }) : () -> ()
    %add3A_38 = arith.constant 512 : i32
    %add3A_39 = arith.addi %mul3A_11, %add3A_38 : i32
    "tpu.region"() ({
      %run_scoped3A = tpu.sem_alloc : memref<!tpu.dma_semaphore, #tpu.memory_space<semaphore_mem>>
      %dma_start3A = arith.constant 0 : i32
      %dma_start3A_40 = tpu.memref_slice %arg7[%add3A_39, %dma_start3A] : memref<10240x128xf32, #tpu.memory_space<vmem_shared>> -> memref<128x128xf32, #tpu.memory_space<vmem_shared>>
      %dma_start3A_41 = arith.constant 0 : i32
      %dma_start3A_42 = tpu.memref_slice %arg7[%add3A_39, %dma_start3A_41] : memref<10240x128xf32, #tpu.memory_space<vmem_shared>> -> memref<128x128xf32, #tpu.memory_space<vmem_shared>>
      tpu.enqueue_dma source(%dma_start3A_42 : memref<128x128xf32, #tpu.memory_space<vmem_shared>>) target(%arg10 : memref<128x128xf32, #tpu.memory_space<vmem>>) target_semaphore(%run_scoped3A : memref<!tpu.dma_semaphore, #tpu.memory_space<semaphore_mem>>)
      %dma_wait3A = arith.constant 0 : i32
      %dma_wait3A_43 = tpu.memref_slice %arg7[%add3A_39, %dma_wait3A] : memref<10240x128xf32, #tpu.memory_space<vmem_shared>> -> memref<128x128xf32, #tpu.memory_space<vmem_shared>>
      %dma_wait3A_44 = arith.constant 0 : i32
      %dma_wait3A_45 = tpu.memref_slice %arg7[%add3A_39, %dma_wait3A_44] : memref<10240x128xf32, #tpu.memory_space<vmem_shared>> -> memref<128x128xf32, #tpu.memory_space<vmem_shared>>
      tpu.wait_dma2 semaphore(%run_scoped3A : memref<!tpu.dma_semaphore, #tpu.memory_space<semaphore_mem>>) src(%dma_wait3A_45 : memref<128x128xf32, #tpu.memory_space<vmem_shared>>) dst(%arg10 : memref<128x128xf32, #tpu.memory_space<vmem>>)
      tpu.yield
    }) : () -> ()
    "tpu.region"() ({
      %run_scoped3A = tpu.sem_alloc : memref<!tpu.dma_semaphore, #tpu.memory_space<semaphore_mem>>
      %dma_start3A = arith.constant 0 : i32
      %dma_start3A_40 = tpu.memref_slice %arg6[%arg0, %add3A_39, %dma_start3A] : memref<2x10240x128xf32, #tpu.memory_space<hbm>> -> memref<1x128x128xf32, #tpu.memory_space<hbm>>
      %dma_start3A_41 = tpu.memref_squeeze %dma_start3A_40 : memref<1x128x128xf32, #tpu.memory_space<hbm>> -> memref<128x128xf32, #tpu.memory_space<hbm>>
      %dma_start3A_42 = arith.constant 0 : i32
      %dma_start3A_43 = tpu.memref_slice %arg6[%arg0, %add3A_39, %dma_start3A_42] : memref<2x10240x128xf32, #tpu.memory_space<hbm>> -> memref<1x128x128xf32, #tpu.memory_space<hbm>>
      %dma_start3A_44 = tpu.memref_squeeze %dma_start3A_43 : memref<1x128x128xf32, #tpu.memory_space<hbm>> -> memref<128x128xf32, #tpu.memory_space<hbm>>
      tpu.enqueue_dma source(%arg10 : memref<128x128xf32, #tpu.memory_space<vmem>>) target(%dma_start3A_44 : memref<128x128xf32, #tpu.memory_space<hbm>>) target_semaphore(%run_scoped3A : memref<!tpu.dma_semaphore, #tpu.memory_space<semaphore_mem>>)
      %dma_wait3A = arith.constant 0 : i32
      %dma_wait3A_45 = tpu.memref_slice %arg6[%arg0, %add3A_39, %dma_wait3A] : memref<2x10240x128xf32, #tpu.memory_space<hbm>> -> memref<1x128x128xf32, #tpu.memory_space<hbm>>
      %dma_wait3A_46 = tpu.memref_squeeze %dma_wait3A_45 : memref<1x128x128xf32, #tpu.memory_space<hbm>> -> memref<128x128xf32, #tpu.memory_space<hbm>>
      %dma_wait3A_47 = arith.constant 0 : i32
      %dma_wait3A_48 = tpu.memref_slice %arg6[%arg0, %add3A_39, %dma_wait3A_47] : memref<2x10240x128xf32, #tpu.memory_space<hbm>> -> memref<1x128x128xf32, #tpu.memory_space<hbm>>
      %dma_wait3A_49 = tpu.memref_squeeze %dma_wait3A_48 : memref<1x128x128xf32, #tpu.memory_space<hbm>> -> memref<128x128xf32, #tpu.memory_space<hbm>>
      tpu.wait_dma2 semaphore(%run_scoped3A : memref<!tpu.dma_semaphore, #tpu.memory_space<semaphore_mem>>) src(%arg10 : memref<128x128xf32, #tpu.memory_space<vmem>>) dst(%dma_wait3A_49 : memref<128x128xf32, #tpu.memory_space<hbm>>)
      tpu.yield
    }) : () -> ()
    return
  }
}

#map = affine_map<(d0, d1) -> (0, 0)>
#map1 = affine_map<(d0, d1) -> (0)>
#map2 = affine_map<(d0, d1) -> (0, 0, 0)>
module attributes {stable_mosaic.version = 14 : i64} {
  func.func @_edge_pass_body(%arg0: i32, %arg1: i32, %arg2: memref<10000x128xf32, #tpu.memory_space<hbm>>, %arg3: memref<323584x128xf32, #tpu.memory_space<hbm>>, %arg4: memref<323584xi32, #tpu.memory_space<hbm>>, %arg5: memref<323584xi32, #tpu.memory_space<hbm>>, %arg6: memref<2x10240x128xf32, #tpu.memory_space<hbm>>, %arg7: memref<10240x128xf32, #tpu.memory_space<vmem_shared>>, %arg8: memref<128xi32, #tpu.memory_space<vmem>>, %arg9: memref<128xi32, #tpu.memory_space<vmem>>, %arg10: memref<128x128xf32, #tpu.memory_space<vmem>>, %arg11: memref<128x128xf32, #tpu.memory_space<vmem>>, %arg12: memref<!tpu.dma_semaphore, #tpu.memory_space<semaphore_mem>>) attributes {dimension_semantics = [#tpu.dimension_semantics<core_parallel>, #tpu.dimension_semantics<subcore_parallel>], iteration_bounds = array<i64: 2, 16>, scalar_prefetch = 0 : i64, scratch_operands = 6 : i64, tpu.core_type = #tpu.core_type<sc_vector_subcore>, window_params = [{transform_indices = #map}, {transform_indices = #map}, {transform_indices = #map1}, {transform_indices = #map1}, {transform_indices = #map2}]} {
    %mul3A = arith.constant 16 : i32
    %mul3A_0 = arith.muli %arg0, %mul3A : i32
    %add3A = arith.addi %mul3A_0, %arg1 : i32
    %mul3A_1 = arith.constant 10112 : i32
    %mul3A_2 = arith.muli %add3A, %mul3A_1 : i32
    %broadcast_in_dim3A = arith.constant 0.000000e+00 : f32
    %broadcast_in_dim3A_3 = vector.broadcast %broadcast_in_dim3A : f32 to vector<16xf32>
    %scan3A = arith.constant 0 : i32
    %scan3A_4 = arith.constant 0 : i32
    %scan3A_5 = arith.constant 128 : i32
    %scan3A_6 = arith.addi %scan3A_4, %scan3A_5 : i32
    %scan3A_7 = arith.constant 1 : i32
    %scan3A_8 = scf.for %scan3A_40 = %scan3A_4 to %scan3A_6 step %scan3A_7 iter_args(%scan3A_41 = %scan3A) -> (i32)  : i32 {
      %swap3A = arith.index_cast %scan3A_40 : i32 to index
      %swap3A_42 = arith.constant 0 : index
      %swap3A_43 = tpu.vector_load %arg11[%swap3A, %swap3A_42] {strides = array<i32>} : memref<128x128xf32, #tpu.memory_space<vmem>>, vector<1x16xf32>,
      %swap3A_44 = vector.shape_cast %swap3A_43 : vector<1x16xf32> to vector<16xf32>
      %swap3A_45 = vector.shape_cast %broadcast_in_dim3A_3 : vector<16xf32> to vector<1x16xf32>
      tpu.vector_store %arg11[%swap3A, %swap3A_42], %swap3A_45 {strides = array<i32>} : memref<128x128xf32, #tpu.memory_space<vmem>>, vector<1x16xf32>,
      %swap3A_46 = arith.index_cast %scan3A_40 : i32 to index
      %swap3A_47 = arith.constant 16 : index
      %swap3A_48 = tpu.vector_load %arg11[%swap3A_46, %swap3A_47] {strides = array<i32>} : memref<128x128xf32, #tpu.memory_space<vmem>>, vector<1x16xf32>,
      %swap3A_49 = vector.shape_cast %swap3A_48 : vector<1x16xf32> to vector<16xf32>
      %swap3A_50 = vector.shape_cast %broadcast_in_dim3A_3 : vector<16xf32> to vector<1x16xf32>
      tpu.vector_store %arg11[%swap3A_46, %swap3A_47], %swap3A_50 {strides = array<i32>} : memref<128x128xf32, #tpu.memory_space<vmem>>, vector<1x16xf32>,
      %swap3A_51 = arith.index_cast %scan3A_40 : i32 to index
      %swap3A_52 = arith.constant 32 : index
      %swap3A_53 = tpu.vector_load %arg11[%swap3A_51, %swap3A_52] {strides = array<i32>} : memref<128x128xf32, #tpu.memory_space<vmem>>, vector<1x16xf32>,
      %swap3A_54 = vector.shape_cast %swap3A_53 : vector<1x16xf32> to vector<16xf32>
      %swap3A_55 = vector.shape_cast %broadcast_in_dim3A_3 : vector<16xf32> to vector<1x16xf32>
      tpu.vector_store %arg11[%swap3A_51, %swap3A_52], %swap3A_55 {strides = array<i32>} : memref<128x128xf32, #tpu.memory_space<vmem>>, vector<1x16xf32>,
      %swap3A_56 = arith.index_cast %scan3A_40 : i32 to index
      %swap3A_57 = arith.constant 48 : index
      %swap3A_58 = tpu.vector_load %arg11[%swap3A_56, %swap3A_57] {strides = array<i32>} : memref<128x128xf32, #tpu.memory_space<vmem>>, vector<1x16xf32>,
      %swap3A_59 = vector.shape_cast %swap3A_58 : vector<1x16xf32> to vector<16xf32>
      %swap3A_60 = vector.shape_cast %broadcast_in_dim3A_3 : vector<16xf32> to vector<1x16xf32>
      tpu.vector_store %arg11[%swap3A_56, %swap3A_57], %swap3A_60 {strides = array<i32>} : memref<128x128xf32, #tpu.memory_space<vmem>>, vector<1x16xf32>,
      %swap3A_61 = arith.index_cast %scan3A_40 : i32 to index
      %swap3A_62 = arith.constant 64 : index
      %swap3A_63 = tpu.vector_load %arg11[%swap3A_61, %swap3A_62] {strides = array<i32>} : memref<128x128xf32, #tpu.memory_space<vmem>>, vector<1x16xf32>,
      %swap3A_64 = vector.shape_cast %swap3A_63 : vector<1x16xf32> to vector<16xf32>
      %swap3A_65 = vector.shape_cast %broadcast_in_dim3A_3 : vector<16xf32> to vector<1x16xf32>
      tpu.vector_store %arg11[%swap3A_61, %swap3A_62], %swap3A_65 {strides = array<i32>} : memref<128x128xf32, #tpu.memory_space<vmem>>, vector<1x16xf32>,
      %swap3A_66 = arith.index_cast %scan3A_40 : i32 to index
      %swap3A_67 = arith.constant 80 : index
      %swap3A_68 = tpu.vector_load %arg11[%swap3A_66, %swap3A_67] {strides = array<i32>} : memref<128x128xf32, #tpu.memory_space<vmem>>, vector<1x16xf32>,
      %swap3A_69 = vector.shape_cast %swap3A_68 : vector<1x16xf32> to vector<16xf32>
      %swap3A_70 = vector.shape_cast %broadcast_in_dim3A_3 : vector<16xf32> to vector<1x16xf32>
      tpu.vector_store %arg11[%swap3A_66, %swap3A_67], %swap3A_70 {strides = array<i32>} : memref<128x128xf32, #tpu.memory_space<vmem>>, vector<1x16xf32>,
      %swap3A_71 = arith.index_cast %scan3A_40 : i32 to index
      %swap3A_72 = arith.constant 96 : index
      %swap3A_73 = tpu.vector_load %arg11[%swap3A_71, %swap3A_72] {strides = array<i32>} : memref<128x128xf32, #tpu.memory_space<vmem>>, vector<1x16xf32>,
      %swap3A_74 = vector.shape_cast %swap3A_73 : vector<1x16xf32> to vector<16xf32>
      %swap3A_75 = vector.shape_cast %broadcast_in_dim3A_3 : vector<16xf32> to vector<1x16xf32>
      tpu.vector_store %arg11[%swap3A_71, %swap3A_72], %swap3A_75 {strides = array<i32>} : memref<128x128xf32, #tpu.memory_space<vmem>>, vector<1x16xf32>,
      %swap3A_76 = arith.index_cast %scan3A_40 : i32 to index
      %swap3A_77 = arith.constant 112 : index
      %swap3A_78 = tpu.vector_load %arg11[%swap3A_76, %swap3A_77] {strides = array<i32>} : memref<128x128xf32, #tpu.memory_space<vmem>>, vector<1x16xf32>,
      %swap3A_79 = vector.shape_cast %swap3A_78 : vector<1x16xf32> to vector<16xf32>
      %swap3A_80 = vector.shape_cast %broadcast_in_dim3A_3 : vector<16xf32> to vector<1x16xf32>
      tpu.vector_store %arg11[%swap3A_76, %swap3A_77], %swap3A_80 {strides = array<i32>} : memref<128x128xf32, #tpu.memory_space<vmem>>, vector<1x16xf32>,
      %scan3A_81 = arith.constant 0 : i32
      scf.yield %scan3A_81 : i32
    }
    %scan3A_9 = arith.constant 128 : i32
    %mul3A_10 = arith.constant 640 : i32
    %mul3A_11 = arith.muli %arg1, %mul3A_10 : i32
    %add3A_12 = arith.constant 0 : i32
    %add3A_13 = arith.addi %mul3A_11, %add3A_12 : i32
    "tpu.region"() ({
      %run_scoped3A = tpu.sem_alloc : memref<!tpu.dma_semaphore, #tpu.memory_space<semaphore_mem>>
      %dma_start3A = arith.constant 0 : i32
      %dma_start3A_40 = tpu.memref_slice %arg7[%add3A_13, %dma_start3A] : memref<10240x128xf32, #tpu.memory_space<vmem_shared>> -> memref<128x128xf32, #tpu.memory_space<vmem_shared>>
      %dma_start3A_41 = arith.constant 0 : i32
      %dma_start3A_42 = tpu.memref_slice %arg7[%add3A_13, %dma_start3A_41] : memref<10240x128xf32, #tpu.memory_space<vmem_shared>> -> memref<128x128xf32, #tpu.memory_space<vmem_shared>>
      tpu.enqueue_dma source(%arg11 : memref<128x128xf32, #tpu.memory_space<vmem>>) target(%dma_start3A_42 : memref<128x128xf32, #tpu.memory_space<vmem_shared>>) target_semaphore(%run_scoped3A : memref<!tpu.dma_semaphore, #tpu.memory_space<semaphore_mem>>)
      %dma_wait3A = arith.constant 0 : i32
      %dma_wait3A_43 = tpu.memref_slice %arg7[%add3A_13, %dma_wait3A] : memref<10240x128xf32, #tpu.memory_space<vmem_shared>> -> memref<128x128xf32, #tpu.memory_space<vmem_shared>>
      %dma_wait3A_44 = arith.constant 0 : i32
      %dma_wait3A_45 = tpu.memref_slice %arg7[%add3A_13, %dma_wait3A_44] : memref<10240x128xf32, #tpu.memory_space<vmem_shared>> -> memref<128x128xf32, #tpu.memory_space<vmem_shared>>
      tpu.wait_dma2 semaphore(%run_scoped3A : memref<!tpu.dma_semaphore, #tpu.memory_space<semaphore_mem>>) src(%arg11 : memref<128x128xf32, #tpu.memory_space<vmem>>) dst(%dma_wait3A_45 : memref<128x128xf32, #tpu.memory_space<vmem_shared>>)
      tpu.yield
    }) : () -> ()
    %add3A_14 = arith.constant 128 : i32
    %add3A_15 = arith.addi %mul3A_11, %add3A_14 : i32
    "tpu.region"() ({
      %run_scoped3A = tpu.sem_alloc : memref<!tpu.dma_semaphore, #tpu.memory_space<semaphore_mem>>
      %dma_start3A = arith.constant 0 : i32
      %dma_start3A_40 = tpu.memref_slice %arg7[%add3A_15, %dma_start3A] : memref<10240x128xf32, #tpu.memory_space<vmem_shared>> -> memref<128x128xf32, #tpu.memory_space<vmem_shared>>
      %dma_start3A_41 = arith.constant 0 : i32
      %dma_start3A_42 = tpu.memref_slice %arg7[%add3A_15, %dma_start3A_41] : memref<10240x128xf32, #tpu.memory_space<vmem_shared>> -> memref<128x128xf32, #tpu.memory_space<vmem_shared>>
      tpu.enqueue_dma source(%arg11 : memref<128x128xf32, #tpu.memory_space<vmem>>) target(%dma_start3A_42 : memref<128x128xf32, #tpu.memory_space<vmem_shared>>) target_semaphore(%run_scoped3A : memref<!tpu.dma_semaphore, #tpu.memory_space<semaphore_mem>>)
      %dma_wait3A = arith.constant 0 : i32
      %dma_wait3A_43 = tpu.memref_slice %arg7[%add3A_15, %dma_wait3A] : memref<10240x128xf32, #tpu.memory_space<vmem_shared>> -> memref<128x128xf32, #tpu.memory_space<vmem_shared>>
      %dma_wait3A_44 = arith.constant 0 : i32
      %dma_wait3A_45 = tpu.memref_slice %arg7[%add3A_15, %dma_wait3A_44] : memref<10240x128xf32, #tpu.memory_space<vmem_shared>> -> memref<128x128xf32, #tpu.memory_space<vmem_shared>>
      tpu.wait_dma2 semaphore(%run_scoped3A : memref<!tpu.dma_semaphore, #tpu.memory_space<semaphore_mem>>) src(%arg11 : memref<128x128xf32, #tpu.memory_space<vmem>>) dst(%dma_wait3A_45 : memref<128x128xf32, #tpu.memory_space<vmem_shared>>)
      tpu.yield
    }) : () -> ()
    %add3A_16 = arith.constant 256 : i32
    %add3A_17 = arith.addi %mul3A_11, %add3A_16 : i32
    "tpu.region"() ({
      %run_scoped3A = tpu.sem_alloc : memref<!tpu.dma_semaphore, #tpu.memory_space<semaphore_mem>>
      %dma_start3A = arith.constant 0 : i32
      %dma_start3A_40 = tpu.memref_slice %arg7[%add3A_17, %dma_start3A] : memref<10240x128xf32, #tpu.memory_space<vmem_shared>> -> memref<128x128xf32, #tpu.memory_space<vmem_shared>>
      %dma_start3A_41 = arith.constant 0 : i32
      %dma_start3A_42 = tpu.memref_slice %arg7[%add3A_17, %dma_start3A_41] : memref<10240x128xf32, #tpu.memory_space<vmem_shared>> -> memref<128x128xf32, #tpu.memory_space<vmem_shared>>
      tpu.enqueue_dma source(%arg11 : memref<128x128xf32, #tpu.memory_space<vmem>>) target(%dma_start3A_42 : memref<128x128xf32, #tpu.memory_space<vmem_shared>>) target_semaphore(%run_scoped3A : memref<!tpu.dma_semaphore, #tpu.memory_space<semaphore_mem>>)
      %dma_wait3A = arith.constant 0 : i32
      %dma_wait3A_43 = tpu.memref_slice %arg7[%add3A_17, %dma_wait3A] : memref<10240x128xf32, #tpu.memory_space<vmem_shared>> -> memref<128x128xf32, #tpu.memory_space<vmem_shared>>
      %dma_wait3A_44 = arith.constant 0 : i32
      %dma_wait3A_45 = tpu.memref_slice %arg7[%add3A_17, %dma_wait3A_44] : memref<10240x128xf32, #tpu.memory_space<vmem_shared>> -> memref<128x128xf32, #tpu.memory_space<vmem_shared>>
      tpu.wait_dma2 semaphore(%run_scoped3A : memref<!tpu.dma_semaphore, #tpu.memory_space<semaphore_mem>>) src(%arg11 : memref<128x128xf32, #tpu.memory_space<vmem>>) dst(%dma_wait3A_45 : memref<128x128xf32, #tpu.memory_space<vmem_shared>>)
      tpu.yield
    }) : () -> ()
    %add3A_18 = arith.constant 384 : i32
    %add3A_19 = arith.addi %mul3A_11, %add3A_18 : i32
    "tpu.region"() ({
      %run_scoped3A = tpu.sem_alloc : memref<!tpu.dma_semaphore, #tpu.memory_space<semaphore_mem>>
      %dma_start3A = arith.constant 0 : i32
      %dma_start3A_40 = tpu.memref_slice %arg7[%add3A_19, %dma_start3A] : memref<10240x128xf32, #tpu.memory_space<vmem_shared>> -> memref<128x128xf32, #tpu.memory_space<vmem_shared>>
      %dma_start3A_41 = arith.constant 0 : i32
      %dma_start3A_42 = tpu.memref_slice %arg7[%add3A_19, %dma_start3A_41] : memref<10240x128xf32, #tpu.memory_space<vmem_shared>> -> memref<128x128xf32, #tpu.memory_space<vmem_shared>>
      tpu.enqueue_dma source(%arg11 : memref<128x128xf32, #tpu.memory_space<vmem>>) target(%dma_start3A_42 : memref<128x128xf32, #tpu.memory_space<vmem_shared>>) target_semaphore(%run_scoped3A : memref<!tpu.dma_semaphore, #tpu.memory_space<semaphore_mem>>)
      %dma_wait3A = arith.constant 0 : i32
      %dma_wait3A_43 = tpu.memref_slice %arg7[%add3A_19, %dma_wait3A] : memref<10240x128xf32, #tpu.memory_space<vmem_shared>> -> memref<128x128xf32, #tpu.memory_space<vmem_shared>>
      %dma_wait3A_44 = arith.constant 0 : i32
      %dma_wait3A_45 = tpu.memref_slice %arg7[%add3A_19, %dma_wait3A_44] : memref<10240x128xf32, #tpu.memory_space<vmem_shared>> -> memref<128x128xf32, #tpu.memory_space<vmem_shared>>
      tpu.wait_dma2 semaphore(%run_scoped3A : memref<!tpu.dma_semaphore, #tpu.memory_space<semaphore_mem>>) src(%arg11 : memref<128x128xf32, #tpu.memory_space<vmem>>) dst(%dma_wait3A_45 : memref<128x128xf32, #tpu.memory_space<vmem_shared>>)
      tpu.yield
    }) : () -> ()
    %add3A_20 = arith.constant 512 : i32
    %add3A_21 = arith.addi %mul3A_11, %add3A_20 : i32
    "tpu.region"() ({
      %run_scoped3A = tpu.sem_alloc : memref<!tpu.dma_semaphore, #tpu.memory_space<semaphore_mem>>
      %dma_start3A = arith.constant 0 : i32
      %dma_start3A_40 = tpu.memref_slice %arg7[%add3A_21, %dma_start3A] : memref<10240x128xf32, #tpu.memory_space<vmem_shared>> -> memref<128x128xf32, #tpu.memory_space<vmem_shared>>
      %dma_start3A_41 = arith.constant 0 : i32
      %dma_start3A_42 = tpu.memref_slice %arg7[%add3A_21, %dma_start3A_41] : memref<10240x128xf32, #tpu.memory_space<vmem_shared>> -> memref<128x128xf32, #tpu.memory_space<vmem_shared>>
      tpu.enqueue_dma source(%arg11 : memref<128x128xf32, #tpu.memory_space<vmem>>) target(%dma_start3A_42 : memref<128x128xf32, #tpu.memory_space<vmem_shared>>) target_semaphore(%run_scoped3A : memref<!tpu.dma_semaphore, #tpu.memory_space<semaphore_mem>>)
      %dma_wait3A = arith.constant 0 : i32
      %dma_wait3A_43 = tpu.memref_slice %arg7[%add3A_21, %dma_wait3A] : memref<10240x128xf32, #tpu.memory_space<vmem_shared>> -> memref<128x128xf32, #tpu.memory_space<vmem_shared>>
      %dma_wait3A_44 = arith.constant 0 : i32
      %dma_wait3A_45 = tpu.memref_slice %arg7[%add3A_21, %dma_wait3A_44] : memref<10240x128xf32, #tpu.memory_space<vmem_shared>> -> memref<128x128xf32, #tpu.memory_space<vmem_shared>>
      tpu.wait_dma2 semaphore(%run_scoped3A : memref<!tpu.dma_semaphore, #tpu.memory_space<semaphore_mem>>) src(%arg11 : memref<128x128xf32, #tpu.memory_space<vmem>>) dst(%dma_wait3A_45 : memref<128x128xf32, #tpu.memory_space<vmem_shared>>)
      tpu.yield
    }) : () -> ()
    %barrier3A = arith.constant 0 : index
    tpu.barrier barrier_id(%barrier3A)
    %scan3A_22 = arith.constant 0 : i32
    %scan3A_23 = arith.constant 0 : i32
    %scan3A_24 = arith.constant 79 : i32
    %scan3A_25 = arith.addi %scan3A_23, %scan3A_24 : i32
    %scan3A_26 = arith.constant 1 : i32
    %scan3A_27 = scf.for %scan3A_40 = %scan3A_23 to %scan3A_25 step %scan3A_26 iter_args(%scan3A_41 = %scan3A_22) -> (i32)  : i32 {
      %mul3A_42 = arith.constant 128 : i32
      %mul3A_43 = arith.muli %scan3A_40, %mul3A_42 : i32
      %add3A_44 = arith.addi %mul3A_2, %mul3A_43 : i32
      "tpu.region"() ({
        %run_scoped3A = tpu.sem_alloc : memref<!tpu.dma_semaphore, #tpu.memory_space<semaphore_mem>>
        %dma_start3A_57 = tpu.memref_slice %arg4[%add3A_44] : memref<323584xi32, #tpu.memory_space<hbm>> -> memref<128xi32, #tpu.memory_space<hbm>>
        %dma_start3A_58 = tpu.memref_slice %arg4[%add3A_44] : memref<323584xi32, #tpu.memory_space<hbm>> -> memref<128xi32, #tpu.memory_space<hbm>>
        tpu.enqueue_dma source(%dma_start3A_58 : memref<128xi32, #tpu.memory_space<hbm>>) target(%arg8 : memref<128xi32, #tpu.memory_space<vmem>>) target_semaphore(%run_scoped3A : memref<!tpu.dma_semaphore, #tpu.memory_space<semaphore_mem>>)
        %dma_wait3A_59 = tpu.memref_slice %arg4[%add3A_44] : memref<323584xi32, #tpu.memory_space<hbm>> -> memref<128xi32, #tpu.memory_space<hbm>>
        %dma_wait3A_60 = tpu.memref_slice %arg4[%add3A_44] : memref<323584xi32, #tpu.memory_space<hbm>> -> memref<128xi32, #tpu.memory_space<hbm>>
        tpu.wait_dma2 semaphore(%run_scoped3A : memref<!tpu.dma_semaphore, #tpu.memory_space<semaphore_mem>>) src(%dma_wait3A_60 : memref<128xi32, #tpu.memory_space<hbm>>) dst(%arg8 : memref<128xi32, #tpu.memory_space<vmem>>)
        tpu.yield
      }) : () -> ()
      "tpu.region"() ({
        %run_scoped3A = tpu.sem_alloc : memref<!tpu.dma_semaphore, #tpu.memory_space<semaphore_mem>>
        %dma_start3A_57 = tpu.memref_slice %arg5[%add3A_44] : memref<323584xi32, #tpu.memory_space<hbm>> -> memref<128xi32, #tpu.memory_space<hbm>>
        %dma_start3A_58 = tpu.memref_slice %arg5[%add3A_44] : memref<323584xi32, #tpu.memory_space<hbm>> -> memref<128xi32, #tpu.memory_space<hbm>>
        tpu.enqueue_dma source(%dma_start3A_58 : memref<128xi32, #tpu.memory_space<hbm>>) target(%arg9 : memref<128xi32, #tpu.memory_space<vmem>>) target_semaphore(%run_scoped3A : memref<!tpu.dma_semaphore, #tpu.memory_space<semaphore_mem>>)
        %dma_wait3A_59 = tpu.memref_slice %arg5[%add3A_44] : memref<323584xi32, #tpu.memory_space<hbm>> -> memref<128xi32, #tpu.memory_space<hbm>>
        %dma_wait3A_60 = tpu.memref_slice %arg5[%add3A_44] : memref<323584xi32, #tpu.memory_space<hbm>> -> memref<128xi32, #tpu.memory_space<hbm>>
        tpu.wait_dma2 semaphore(%run_scoped3A : memref<!tpu.dma_semaphore, #tpu.memory_space<semaphore_mem>>) src(%dma_wait3A_60 : memref<128xi32, #tpu.memory_space<hbm>>) dst(%arg9 : memref<128xi32, #tpu.memory_space<vmem>>)
        tpu.yield
      }) : () -> ()
      %dma_start3A = arith.constant 0 : i32
      %dma_start3A_45 = arith.constant 0 : i32
      %dma_start3A_46 = tpu.memref_slice %arg2[%dma_start3A, %dma_start3A_45] : memref<10000x128xf32, #tpu.memory_space<hbm>> -> memref<10000x128xf32, #tpu.memory_space<hbm>>
      tpu.enqueue_indirect_dma source(%dma_start3A_46 : memref<10000x128xf32, #tpu.memory_space<hbm>>) target(%arg10 : memref<128x128xf32, #tpu.memory_space<vmem>>) offsets(%arg8 : memref<128xi32, #tpu.memory_space<vmem>>) semaphore(%arg12 : memref<!tpu.dma_semaphore, #tpu.memory_space<semaphore_mem>>)
      %dma_wait3A = arith.constant 0 : i32
      %dma_wait3A_47 = arith.constant 0 : i32
      %dma_wait3A_48 = tpu.memref_slice %arg2[%dma_wait3A, %dma_wait3A_47] : memref<10000x128xf32, #tpu.memory_space<hbm>> -> memref<10000x128xf32, #tpu.memory_space<hbm>>
      tpu.wait_indirect_dma semaphore(%arg12 : memref<!tpu.dma_semaphore, #tpu.memory_space<semaphore_mem>>) src(%dma_wait3A_48 : memref<10000x128xf32, #tpu.memory_space<hbm>>) dst(%arg10 : memref<128x128xf32, #tpu.memory_space<vmem>>)
      "tpu.region"() ({
        %run_scoped3A = tpu.sem_alloc : memref<!tpu.dma_semaphore, #tpu.memory_space<semaphore_mem>>
        %dma_start3A_57 = arith.constant 0 : i32
        %dma_start3A_58 = tpu.memref_slice %arg3[%add3A_44, %dma_start3A_57] : memref<323584x128xf32, #tpu.memory_space<hbm>> -> memref<128x128xf32, #tpu.memory_space<hbm>>
        %dma_start3A_59 = arith.constant 0 : i32
        %dma_start3A_60 = tpu.memref_slice %arg3[%add3A_44, %dma_start3A_59] : memref<323584x128xf32, #tpu.memory_space<hbm>> -> memref<128x128xf32, #tpu.memory_space<hbm>>
        tpu.enqueue_dma source(%dma_start3A_60 : memref<128x128xf32, #tpu.memory_space<hbm>>) target(%arg11 : memref<128x128xf32, #tpu.memory_space<vmem>>) target_semaphore(%run_scoped3A : memref<!tpu.dma_semaphore, #tpu.memory_space<semaphore_mem>>)
        %dma_wait3A_61 = arith.constant 0 : i32
        %dma_wait3A_62 = tpu.memref_slice %arg3[%add3A_44, %dma_wait3A_61] : memref<323584x128xf32, #tpu.memory_space<hbm>> -> memref<128x128xf32, #tpu.memory_space<hbm>>
        %dma_wait3A_63 = arith.constant 0 : i32
        %dma_wait3A_64 = tpu.memref_slice %arg3[%add3A_44, %dma_wait3A_63] : memref<323584x128xf32, #tpu.memory_space<hbm>> -> memref<128x128xf32, #tpu.memory_space<hbm>>
        tpu.wait_dma2 semaphore(%run_scoped3A : memref<!tpu.dma_semaphore, #tpu.memory_space<semaphore_mem>>) src(%dma_wait3A_64 : memref<128x128xf32, #tpu.memory_space<hbm>>) dst(%arg11 : memref<128x128xf32, #tpu.memory_space<vmem>>)
        tpu.yield
      }) : () -> ()
      %scan3A_49 = arith.constant 0 : i32
      %scan3A_50 = arith.constant 0 : i32
      %scan3A_51 = arith.constant 128 : i32
      %scan3A_52 = arith.addi %scan3A_50, %scan3A_51 : i32
      %scan3A_53 = arith.constant 1 : i32
      %scan3A_54 = scf.for %scan3A_57 = %scan3A_50 to %scan3A_52 step %scan3A_53 iter_args(%scan3A_58 = %scan3A_49) -> (i32)  : i32 {
        %get3A = arith.index_cast %scan3A_57 : i32 to index
        %get3A_59 = arith.constant 0 : index
        %get3A_60 = tpu.vector_load %arg11[%get3A, %get3A_59] {strides = array<i32>} : memref<128x128xf32, #tpu.memory_space<vmem>>, vector<1x16xf32>,
        %get3A_61 = vector.shape_cast %get3A_60 : vector<1x16xf32> to vector<16xf32>
        %get3A_62 = arith.index_cast %scan3A_57 : i32 to index
        %get3A_63 = arith.constant 0 : index
        %get3A_64 = tpu.vector_load %arg10[%get3A_62, %get3A_63] {strides = array<i32>} : memref<128x128xf32, #tpu.memory_space<vmem>>, vector<1x16xf32>,
        %get3A_65 = vector.shape_cast %get3A_64 : vector<1x16xf32> to vector<16xf32>
        %mul3A_66 = arith.mulf %get3A_61, %get3A_65 : vector<16xf32>
        %swap3A = arith.index_cast %scan3A_57 : i32 to index
        %swap3A_67 = arith.constant 0 : index
        %swap3A_68 = tpu.vector_load %arg11[%swap3A, %swap3A_67] {strides = array<i32>} : memref<128x128xf32, #tpu.memory_space<vmem>>, vector<1x16xf32>,
        %swap3A_69 = vector.shape_cast %swap3A_68 : vector<1x16xf32> to vector<16xf32>
        %swap3A_70 = vector.shape_cast %mul3A_66 : vector<16xf32> to vector<1x16xf32>
        tpu.vector_store %arg11[%swap3A, %swap3A_67], %swap3A_70 {strides = array<i32>} : memref<128x128xf32, #tpu.memory_space<vmem>>, vector<1x16xf32>,
        %get3A_71 = arith.index_cast %scan3A_57 : i32 to index
        %get3A_72 = arith.constant 16 : index
        %get3A_73 = tpu.vector_load %arg11[%get3A_71, %get3A_72] {strides = array<i32>} : memref<128x128xf32, #tpu.memory_space<vmem>>, vector<1x16xf32>,
        %get3A_74 = vector.shape_cast %get3A_73 : vector<1x16xf32> to vector<16xf32>
        %get3A_75 = arith.index_cast %scan3A_57 : i32 to index
        %get3A_76 = arith.constant 16 : index
        %get3A_77 = tpu.vector_load %arg10[%get3A_75, %get3A_76] {strides = array<i32>} : memref<128x128xf32, #tpu.memory_space<vmem>>, vector<1x16xf32>,
        %get3A_78 = vector.shape_cast %get3A_77 : vector<1x16xf32> to vector<16xf32>
        %mul3A_79 = arith.mulf %get3A_74, %get3A_78 : vector<16xf32>
        %swap3A_80 = arith.index_cast %scan3A_57 : i32 to index
        %swap3A_81 = arith.constant 16 : index
        %swap3A_82 = tpu.vector_load %arg11[%swap3A_80, %swap3A_81] {strides = array<i32>} : memref<128x128xf32, #tpu.memory_space<vmem>>, vector<1x16xf32>,
        %swap3A_83 = vector.shape_cast %swap3A_82 : vector<1x16xf32> to vector<16xf32>
        %swap3A_84 = vector.shape_cast %mul3A_79 : vector<16xf32> to vector<1x16xf32>
        tpu.vector_store %arg11[%swap3A_80, %swap3A_81], %swap3A_84 {strides = array<i32>} : memref<128x128xf32, #tpu.memory_space<vmem>>, vector<1x16xf32>,
        %get3A_85 = arith.index_cast %scan3A_57 : i32 to index
        %get3A_86 = arith.constant 32 : index
        %get3A_87 = tpu.vector_load %arg11[%get3A_85, %get3A_86] {strides = array<i32>} : memref<128x128xf32, #tpu.memory_space<vmem>>, vector<1x16xf32>,
        %get3A_88 = vector.shape_cast %get3A_87 : vector<1x16xf32> to vector<16xf32>
        %get3A_89 = arith.index_cast %scan3A_57 : i32 to index
        %get3A_90 = arith.constant 32 : index
        %get3A_91 = tpu.vector_load %arg10[%get3A_89, %get3A_90] {strides = array<i32>} : memref<128x128xf32, #tpu.memory_space<vmem>>, vector<1x16xf32>,
        %get3A_92 = vector.shape_cast %get3A_91 : vector<1x16xf32> to vector<16xf32>
        %mul3A_93 = arith.mulf %get3A_88, %get3A_92 : vector<16xf32>
        %swap3A_94 = arith.index_cast %scan3A_57 : i32 to index
        %swap3A_95 = arith.constant 32 : index
        %swap3A_96 = tpu.vector_load %arg11[%swap3A_94, %swap3A_95] {strides = array<i32>} : memref<128x128xf32, #tpu.memory_space<vmem>>, vector<1x16xf32>,
        %swap3A_97 = vector.shape_cast %swap3A_96 : vector<1x16xf32> to vector<16xf32>
        %swap3A_98 = vector.shape_cast %mul3A_93 : vector<16xf32> to vector<1x16xf32>
        tpu.vector_store %arg11[%swap3A_94, %swap3A_95], %swap3A_98 {strides = array<i32>} : memref<128x128xf32, #tpu.memory_space<vmem>>, vector<1x16xf32>,
        %get3A_99 = arith.index_cast %scan3A_57 : i32 to index
        %get3A_100 = arith.constant 48 : index
        %get3A_101 = tpu.vector_load %arg11[%get3A_99, %get3A_100] {strides = array<i32>} : memref<128x128xf32, #tpu.memory_space<vmem>>, vector<1x16xf32>,
        %get3A_102 = vector.shape_cast %get3A_101 : vector<1x16xf32> to vector<16xf32>
        %get3A_103 = arith.index_cast %scan3A_57 : i32 to index
        %get3A_104 = arith.constant 48 : index
        %get3A_105 = tpu.vector_load %arg10[%get3A_103, %get3A_104] {strides = array<i32>} : memref<128x128xf32, #tpu.memory_space<vmem>>, vector<1x16xf32>,
        %get3A_106 = vector.shape_cast %get3A_105 : vector<1x16xf32> to vector<16xf32>
        %mul3A_107 = arith.mulf %get3A_102, %get3A_106 : vector<16xf32>
        %swap3A_108 = arith.index_cast %scan3A_57 : i32 to index
        %swap3A_109 = arith.constant 48 : index
        %swap3A_110 = tpu.vector_load %arg11[%swap3A_108, %swap3A_109] {strides = array<i32>} : memref<128x128xf32, #tpu.memory_space<vmem>>, vector<1x16xf32>,
        %swap3A_111 = vector.shape_cast %swap3A_110 : vector<1x16xf32> to vector<16xf32>
        %swap3A_112 = vector.shape_cast %mul3A_107 : vector<16xf32> to vector<1x16xf32>
        tpu.vector_store %arg11[%swap3A_108, %swap3A_109], %swap3A_112 {strides = array<i32>} : memref<128x128xf32, #tpu.memory_space<vmem>>, vector<1x16xf32>,
        %get3A_113 = arith.index_cast %scan3A_57 : i32 to index
        %get3A_114 = arith.constant 64 : index
        %get3A_115 = tpu.vector_load %arg11[%get3A_113, %get3A_114] {strides = array<i32>} : memref<128x128xf32, #tpu.memory_space<vmem>>, vector<1x16xf32>,
        %get3A_116 = vector.shape_cast %get3A_115 : vector<1x16xf32> to vector<16xf32>
        %get3A_117 = arith.index_cast %scan3A_57 : i32 to index
        %get3A_118 = arith.constant 64 : index
        %get3A_119 = tpu.vector_load %arg10[%get3A_117, %get3A_118] {strides = array<i32>} : memref<128x128xf32, #tpu.memory_space<vmem>>, vector<1x16xf32>,
        %get3A_120 = vector.shape_cast %get3A_119 : vector<1x16xf32> to vector<16xf32>
        %mul3A_121 = arith.mulf %get3A_116, %get3A_120 : vector<16xf32>
        %swap3A_122 = arith.index_cast %scan3A_57 : i32 to index
        %swap3A_123 = arith.constant 64 : index
        %swap3A_124 = tpu.vector_load %arg11[%swap3A_122, %swap3A_123] {strides = array<i32>} : memref<128x128xf32, #tpu.memory_space<vmem>>, vector<1x16xf32>,
        %swap3A_125 = vector.shape_cast %swap3A_124 : vector<1x16xf32> to vector<16xf32>
        %swap3A_126 = vector.shape_cast %mul3A_121 : vector<16xf32> to vector<1x16xf32>
        tpu.vector_store %arg11[%swap3A_122, %swap3A_123], %swap3A_126 {strides = array<i32>} : memref<128x128xf32, #tpu.memory_space<vmem>>, vector<1x16xf32>,
        %get3A_127 = arith.index_cast %scan3A_57 : i32 to index
        %get3A_128 = arith.constant 80 : index
        %get3A_129 = tpu.vector_load %arg11[%get3A_127, %get3A_128] {strides = array<i32>} : memref<128x128xf32, #tpu.memory_space<vmem>>, vector<1x16xf32>,
        %get3A_130 = vector.shape_cast %get3A_129 : vector<1x16xf32> to vector<16xf32>
        %get3A_131 = arith.index_cast %scan3A_57 : i32 to index
        %get3A_132 = arith.constant 80 : index
        %get3A_133 = tpu.vector_load %arg10[%get3A_131, %get3A_132] {strides = array<i32>} : memref<128x128xf32, #tpu.memory_space<vmem>>, vector<1x16xf32>,
        %get3A_134 = vector.shape_cast %get3A_133 : vector<1x16xf32> to vector<16xf32>
        %mul3A_135 = arith.mulf %get3A_130, %get3A_134 : vector<16xf32>
        %swap3A_136 = arith.index_cast %scan3A_57 : i32 to index
        %swap3A_137 = arith.constant 80 : index
        %swap3A_138 = tpu.vector_load %arg11[%swap3A_136, %swap3A_137] {strides = array<i32>} : memref<128x128xf32, #tpu.memory_space<vmem>>, vector<1x16xf32>,
        %swap3A_139 = vector.shape_cast %swap3A_138 : vector<1x16xf32> to vector<16xf32>
        %swap3A_140 = vector.shape_cast %mul3A_135 : vector<16xf32> to vector<1x16xf32>
        tpu.vector_store %arg11[%swap3A_136, %swap3A_137], %swap3A_140 {strides = array<i32>} : memref<128x128xf32, #tpu.memory_space<vmem>>, vector<1x16xf32>,
        %get3A_141 = arith.index_cast %scan3A_57 : i32 to index
        %get3A_142 = arith.constant 96 : index
        %get3A_143 = tpu.vector_load %arg11[%get3A_141, %get3A_142] {strides = array<i32>} : memref<128x128xf32, #tpu.memory_space<vmem>>, vector<1x16xf32>,
        %get3A_144 = vector.shape_cast %get3A_143 : vector<1x16xf32> to vector<16xf32>
        %get3A_145 = arith.index_cast %scan3A_57 : i32 to index
        %get3A_146 = arith.constant 96 : index
        %get3A_147 = tpu.vector_load %arg10[%get3A_145, %get3A_146] {strides = array<i32>} : memref<128x128xf32, #tpu.memory_space<vmem>>, vector<1x16xf32>,
        %get3A_148 = vector.shape_cast %get3A_147 : vector<1x16xf32> to vector<16xf32>
        %mul3A_149 = arith.mulf %get3A_144, %get3A_148 : vector<16xf32>
        %swap3A_150 = arith.index_cast %scan3A_57 : i32 to index
        %swap3A_151 = arith.constant 96 : index
        %swap3A_152 = tpu.vector_load %arg11[%swap3A_150, %swap3A_151] {strides = array<i32>} : memref<128x128xf32, #tpu.memory_space<vmem>>, vector<1x16xf32>,
        %swap3A_153 = vector.shape_cast %swap3A_152 : vector<1x16xf32> to vector<16xf32>
        %swap3A_154 = vector.shape_cast %mul3A_149 : vector<16xf32> to vector<1x16xf32>
        tpu.vector_store %arg11[%swap3A_150, %swap3A_151], %swap3A_154 {strides = array<i32>} : memref<128x128xf32, #tpu.memory_space<vmem>>, vector<1x16xf32>,
        %get3A_155 = arith.index_cast %scan3A_57 : i32 to index
        %get3A_156 = arith.constant 112 : index
        %get3A_157 = tpu.vector_load %arg11[%get3A_155, %get3A_156] {strides = array<i32>} : memref<128x128xf32, #tpu.memory_space<vmem>>, vector<1x16xf32>,
        %get3A_158 = vector.shape_cast %get3A_157 : vector<1x16xf32> to vector<16xf32>
        %get3A_159 = arith.index_cast %scan3A_57 : i32 to index
        %get3A_160 = arith.constant 112 : index
        %get3A_161 = tpu.vector_load %arg10[%get3A_159, %get3A_160] {strides = array<i32>} : memref<128x128xf32, #tpu.memory_space<vmem>>, vector<1x16xf32>,
        %get3A_162 = vector.shape_cast %get3A_161 : vector<1x16xf32> to vector<16xf32>
        %mul3A_163 = arith.mulf %get3A_158, %get3A_162 : vector<16xf32>
        %swap3A_164 = arith.index_cast %scan3A_57 : i32 to index
        %swap3A_165 = arith.constant 112 : index
        %swap3A_166 = tpu.vector_load %arg11[%swap3A_164, %swap3A_165] {strides = array<i32>} : memref<128x128xf32, #tpu.memory_space<vmem>>, vector<1x16xf32>,
        %swap3A_167 = vector.shape_cast %swap3A_166 : vector<1x16xf32> to vector<16xf32>
        %swap3A_168 = vector.shape_cast %mul3A_163 : vector<16xf32> to vector<1x16xf32>
        tpu.vector_store %arg11[%swap3A_164, %swap3A_165], %swap3A_168 {strides = array<i32>} : memref<128x128xf32, #tpu.memory_space<vmem>>, vector<1x16xf32>,
        %scan3A_169 = arith.constant 0 : i32
        scf.yield %scan3A_169 : i32
      }
      %scan3A_55 = arith.constant 128 : i32
      "tpu.region"() ({
        %run_scoped3A = tpu.sem_alloc : memref<!tpu.dma_semaphore, #tpu.memory_space<semaphore_mem>>
        %dma_start3A_57 = arith.constant 0 : i32
        %dma_start3A_58 = arith.constant 0 : i32
        %dma_start3A_59 = tpu.memref_slice %arg7[%dma_start3A_57, %dma_start3A_58] : memref<10240x128xf32, #tpu.memory_space<vmem_shared>> -> memref<10240x128xf32, #tpu.memory_space<vmem_shared>>
        tpu.enqueue_indirect_dma source(%arg11 : memref<128x128xf32, #tpu.memory_space<vmem>>) target(%dma_start3A_59 : memref<10240x128xf32, #tpu.memory_space<vmem_shared>>) offsets(%arg9 : memref<128xi32, #tpu.memory_space<vmem>>) semaphore(%run_scoped3A : memref<!tpu.dma_semaphore, #tpu.memory_space<semaphore_mem>>) {add = true}
        %dma_wait3A_60 = arith.constant 0 : i32
        %dma_wait3A_61 = arith.constant 0 : i32
        %dma_wait3A_62 = tpu.memref_slice %arg7[%dma_wait3A_60, %dma_wait3A_61] : memref<10240x128xf32, #tpu.memory_space<vmem_shared>> -> memref<10240x128xf32, #tpu.memory_space<vmem_shared>>
        tpu.wait_indirect_dma semaphore(%run_scoped3A : memref<!tpu.dma_semaphore, #tpu.memory_space<semaphore_mem>>) src(%arg11 : memref<128x128xf32, #tpu.memory_space<vmem>>) dst(%dma_wait3A_62 : memref<10240x128xf32, #tpu.memory_space<vmem_shared>>)
        tpu.yield
      }) : () -> ()
      %scan3A_56 = arith.constant 0 : i32
      scf.yield %scan3A_56 : i32
    }
    %scan3A_28 = arith.constant 79 : i32
    %barrier3A_29 = arith.constant 0 : index
    tpu.barrier barrier_id(%barrier3A_29)
    %add3A_30 = arith.constant 0 : i32
    %add3A_31 = arith.addi %mul3A_11, %add3A_30 : i32
    "tpu.region"() ({
      %run_scoped3A = tpu.sem_alloc : memref<!tpu.dma_semaphore, #tpu.memory_space<semaphore_mem>>
      %dma_start3A = arith.constant 0 : i32
      %dma_start3A_40 = tpu.memref_slice %arg7[%add3A_31, %dma_start3A] : memref<10240x128xf32, #tpu.memory_space<vmem_shared>> -> memref<128x128xf32, #tpu.memory_space<vmem_shared>>
      %dma_start3A_41 = arith.constant 0 : i32
      %dma_start3A_42 = tpu.memref_slice %arg7[%add3A_31, %dma_start3A_41] : memref<10240x128xf32, #tpu.memory_space<vmem_shared>> -> memref<128x128xf32, #tpu.memory_space<vmem_shared>>
      tpu.enqueue_dma source(%dma_start3A_42 : memref<128x128xf32, #tpu.memory_space<vmem_shared>>) target(%arg10 : memref<128x128xf32, #tpu.memory_space<vmem>>) target_semaphore(%run_scoped3A : memref<!tpu.dma_semaphore, #tpu.memory_space<semaphore_mem>>)
      %dma_wait3A = arith.constant 0 : i32
      %dma_wait3A_43 = tpu.memref_slice %arg7[%add3A_31, %dma_wait3A] : memref<10240x128xf32, #tpu.memory_space<vmem_shared>> -> memref<128x128xf32, #tpu.memory_space<vmem_shared>>
      %dma_wait3A_44 = arith.constant 0 : i32
      %dma_wait3A_45 = tpu.memref_slice %arg7[%add3A_31, %dma_wait3A_44] : memref<10240x128xf32, #tpu.memory_space<vmem_shared>> -> memref<128x128xf32, #tpu.memory_space<vmem_shared>>
      tpu.wait_dma2 semaphore(%run_scoped3A : memref<!tpu.dma_semaphore, #tpu.memory_space<semaphore_mem>>) src(%dma_wait3A_45 : memref<128x128xf32, #tpu.memory_space<vmem_shared>>) dst(%arg10 : memref<128x128xf32, #tpu.memory_space<vmem>>)
      tpu.yield
    }) : () -> ()
    "tpu.region"() ({
      %run_scoped3A = tpu.sem_alloc : memref<!tpu.dma_semaphore, #tpu.memory_space<semaphore_mem>>
      %dma_start3A = arith.constant 0 : i32
      %dma_start3A_40 = tpu.memref_slice %arg6[%arg0, %add3A_31, %dma_start3A] : memref<2x10240x128xf32, #tpu.memory_space<hbm>> -> memref<1x128x128xf32, #tpu.memory_space<hbm>>
      %dma_start3A_41 = tpu.memref_squeeze %dma_start3A_40 : memref<1x128x128xf32, #tpu.memory_space<hbm>> -> memref<128x128xf32, #tpu.memory_space<hbm>>
      %dma_start3A_42 = arith.constant 0 : i32
      %dma_start3A_43 = tpu.memref_slice %arg6[%arg0, %add3A_31, %dma_start3A_42] : memref<2x10240x128xf32, #tpu.memory_space<hbm>> -> memref<1x128x128xf32, #tpu.memory_space<hbm>>
      %dma_start3A_44 = tpu.memref_squeeze %dma_start3A_43 : memref<1x128x128xf32, #tpu.memory_space<hbm>> -> memref<128x128xf32, #tpu.memory_space<hbm>>
      tpu.enqueue_dma source(%arg10 : memref<128x128xf32, #tpu.memory_space<vmem>>) target(%dma_start3A_44 : memref<128x128xf32, #tpu.memory_space<hbm>>) target_semaphore(%run_scoped3A : memref<!tpu.dma_semaphore, #tpu.memory_space<semaphore_mem>>)
      %dma_wait3A = arith.constant 0 : i32
      %dma_wait3A_45 = tpu.memref_slice %arg6[%arg0, %add3A_31, %dma_wait3A] : memref<2x10240x128xf32, #tpu.memory_space<hbm>> -> memref<1x128x128xf32, #tpu.memory_space<hbm>>
      %dma_wait3A_46 = tpu.memref_squeeze %dma_wait3A_45 : memref<1x128x128xf32, #tpu.memory_space<hbm>> -> memref<128x128xf32, #tpu.memory_space<hbm>>
      %dma_wait3A_47 = arith.constant 0 : i32
      %dma_wait3A_48 = tpu.memref_slice %arg6[%arg0, %add3A_31, %dma_wait3A_47] : memref<2x10240x128xf32, #tpu.memory_space<hbm>> -> memref<1x128x128xf32, #tpu.memory_space<hbm>>
      %dma_wait3A_49 = tpu.memref_squeeze %dma_wait3A_48 : memref<1x128x128xf32, #tpu.memory_space<hbm>> -> memref<128x128xf32, #tpu.memory_space<hbm>>
      tpu.wait_dma2 semaphore(%run_scoped3A : memref<!tpu.dma_semaphore, #tpu.memory_space<semaphore_mem>>) src(%arg10 : memref<128x128xf32, #tpu.memory_space<vmem>>) dst(%dma_wait3A_49 : memref<128x128xf32, #tpu.memory_space<hbm>>)
      tpu.yield
    }) : () -> ()
    %add3A_32 = arith.constant 128 : i32
    %add3A_33 = arith.addi %mul3A_11, %add3A_32 : i32
    "tpu.region"() ({
      %run_scoped3A = tpu.sem_alloc : memref<!tpu.dma_semaphore, #tpu.memory_space<semaphore_mem>>
      %dma_start3A = arith.constant 0 : i32
      %dma_start3A_40 = tpu.memref_slice %arg7[%add3A_33, %dma_start3A] : memref<10240x128xf32, #tpu.memory_space<vmem_shared>> -> memref<128x128xf32, #tpu.memory_space<vmem_shared>>
      %dma_start3A_41 = arith.constant 0 : i32
      %dma_start3A_42 = tpu.memref_slice %arg7[%add3A_33, %dma_start3A_41] : memref<10240x128xf32, #tpu.memory_space<vmem_shared>> -> memref<128x128xf32, #tpu.memory_space<vmem_shared>>
      tpu.enqueue_dma source(%dma_start3A_42 : memref<128x128xf32, #tpu.memory_space<vmem_shared>>) target(%arg10 : memref<128x128xf32, #tpu.memory_space<vmem>>) target_semaphore(%run_scoped3A : memref<!tpu.dma_semaphore, #tpu.memory_space<semaphore_mem>>)
      %dma_wait3A = arith.constant 0 : i32
      %dma_wait3A_43 = tpu.memref_slice %arg7[%add3A_33, %dma_wait3A] : memref<10240x128xf32, #tpu.memory_space<vmem_shared>> -> memref<128x128xf32, #tpu.memory_space<vmem_shared>>
      %dma_wait3A_44 = arith.constant 0 : i32
      %dma_wait3A_45 = tpu.memref_slice %arg7[%add3A_33, %dma_wait3A_44] : memref<10240x128xf32, #tpu.memory_space<vmem_shared>> -> memref<128x128xf32, #tpu.memory_space<vmem_shared>>
      tpu.wait_dma2 semaphore(%run_scoped3A : memref<!tpu.dma_semaphore, #tpu.memory_space<semaphore_mem>>) src(%dma_wait3A_45 : memref<128x128xf32, #tpu.memory_space<vmem_shared>>) dst(%arg10 : memref<128x128xf32, #tpu.memory_space<vmem>>)
      tpu.yield
    }) : () -> ()
    "tpu.region"() ({
      %run_scoped3A = tpu.sem_alloc : memref<!tpu.dma_semaphore, #tpu.memory_space<semaphore_mem>>
      %dma_start3A = arith.constant 0 : i32
      %dma_start3A_40 = tpu.memref_slice %arg6[%arg0, %add3A_33, %dma_start3A] : memref<2x10240x128xf32, #tpu.memory_space<hbm>> -> memref<1x128x128xf32, #tpu.memory_space<hbm>>
      %dma_start3A_41 = tpu.memref_squeeze %dma_start3A_40 : memref<1x128x128xf32, #tpu.memory_space<hbm>> -> memref<128x128xf32, #tpu.memory_space<hbm>>
      %dma_start3A_42 = arith.constant 0 : i32
      %dma_start3A_43 = tpu.memref_slice %arg6[%arg0, %add3A_33, %dma_start3A_42] : memref<2x10240x128xf32, #tpu.memory_space<hbm>> -> memref<1x128x128xf32, #tpu.memory_space<hbm>>
      %dma_start3A_44 = tpu.memref_squeeze %dma_start3A_43 : memref<1x128x128xf32, #tpu.memory_space<hbm>> -> memref<128x128xf32, #tpu.memory_space<hbm>>
      tpu.enqueue_dma source(%arg10 : memref<128x128xf32, #tpu.memory_space<vmem>>) target(%dma_start3A_44 : memref<128x128xf32, #tpu.memory_space<hbm>>) target_semaphore(%run_scoped3A : memref<!tpu.dma_semaphore, #tpu.memory_space<semaphore_mem>>)
      %dma_wait3A = arith.constant 0 : i32
      %dma_wait3A_45 = tpu.memref_slice %arg6[%arg0, %add3A_33, %dma_wait3A] : memref<2x10240x128xf32, #tpu.memory_space<hbm>> -> memref<1x128x128xf32, #tpu.memory_space<hbm>>
      %dma_wait3A_46 = tpu.memref_squeeze %dma_wait3A_45 : memref<1x128x128xf32, #tpu.memory_space<hbm>> -> memref<128x128xf32, #tpu.memory_space<hbm>>
      %dma_wait3A_47 = arith.constant 0 : i32
      %dma_wait3A_48 = tpu.memref_slice %arg6[%arg0, %add3A_33, %dma_wait3A_47] : memref<2x10240x128xf32, #tpu.memory_space<hbm>> -> memref<1x128x128xf32, #tpu.memory_space<hbm>>
      %dma_wait3A_49 = tpu.memref_squeeze %dma_wait3A_48 : memref<1x128x128xf32, #tpu.memory_space<hbm>> -> memref<128x128xf32, #tpu.memory_space<hbm>>
      tpu.wait_dma2 semaphore(%run_scoped3A : memref<!tpu.dma_semaphore, #tpu.memory_space<semaphore_mem>>) src(%arg10 : memref<128x128xf32, #tpu.memory_space<vmem>>) dst(%dma_wait3A_49 : memref<128x128xf32, #tpu.memory_space<hbm>>)
      tpu.yield
    }) : () -> ()
    %add3A_34 = arith.constant 256 : i32
    %add3A_35 = arith.addi %mul3A_11, %add3A_34 : i32
    "tpu.region"() ({
      %run_scoped3A = tpu.sem_alloc : memref<!tpu.dma_semaphore, #tpu.memory_space<semaphore_mem>>
      %dma_start3A = arith.constant 0 : i32
      %dma_start3A_40 = tpu.memref_slice %arg7[%add3A_35, %dma_start3A] : memref<10240x128xf32, #tpu.memory_space<vmem_shared>> -> memref<128x128xf32, #tpu.memory_space<vmem_shared>>
      %dma_start3A_41 = arith.constant 0 : i32
      %dma_start3A_42 = tpu.memref_slice %arg7[%add3A_35, %dma_start3A_41] : memref<10240x128xf32, #tpu.memory_space<vmem_shared>> -> memref<128x128xf32, #tpu.memory_space<vmem_shared>>
      tpu.enqueue_dma source(%dma_start3A_42 : memref<128x128xf32, #tpu.memory_space<vmem_shared>>) target(%arg10 : memref<128x128xf32, #tpu.memory_space<vmem>>) target_semaphore(%run_scoped3A : memref<!tpu.dma_semaphore, #tpu.memory_space<semaphore_mem>>)
      %dma_wait3A = arith.constant 0 : i32
      %dma_wait3A_43 = tpu.memref_slice %arg7[%add3A_35, %dma_wait3A] : memref<10240x128xf32, #tpu.memory_space<vmem_shared>> -> memref<128x128xf32, #tpu.memory_space<vmem_shared>>
      %dma_wait3A_44 = arith.constant 0 : i32
      %dma_wait3A_45 = tpu.memref_slice %arg7[%add3A_35, %dma_wait3A_44] : memref<10240x128xf32, #tpu.memory_space<vmem_shared>> -> memref<128x128xf32, #tpu.memory_space<vmem_shared>>
      tpu.wait_dma2 semaphore(%run_scoped3A : memref<!tpu.dma_semaphore, #tpu.memory_space<semaphore_mem>>) src(%dma_wait3A_45 : memref<128x128xf32, #tpu.memory_space<vmem_shared>>) dst(%arg10 : memref<128x128xf32, #tpu.memory_space<vmem>>)
      tpu.yield
    }) : () -> ()
    "tpu.region"() ({
      %run_scoped3A = tpu.sem_alloc : memref<!tpu.dma_semaphore, #tpu.memory_space<semaphore_mem>>
      %dma_start3A = arith.constant 0 : i32
      %dma_start3A_40 = tpu.memref_slice %arg6[%arg0, %add3A_35, %dma_start3A] : memref<2x10240x128xf32, #tpu.memory_space<hbm>> -> memref<1x128x128xf32, #tpu.memory_space<hbm>>
      %dma_start3A_41 = tpu.memref_squeeze %dma_start3A_40 : memref<1x128x128xf32, #tpu.memory_space<hbm>> -> memref<128x128xf32, #tpu.memory_space<hbm>>
      %dma_start3A_42 = arith.constant 0 : i32
      %dma_start3A_43 = tpu.memref_slice %arg6[%arg0, %add3A_35, %dma_start3A_42] : memref<2x10240x128xf32, #tpu.memory_space<hbm>> -> memref<1x128x128xf32, #tpu.memory_space<hbm>>
      %dma_start3A_44 = tpu.memref_squeeze %dma_start3A_43 : memref<1x128x128xf32, #tpu.memory_space<hbm>> -> memref<128x128xf32, #tpu.memory_space<hbm>>
      tpu.enqueue_dma source(%arg10 : memref<128x128xf32, #tpu.memory_space<vmem>>) target(%dma_start3A_44 : memref<128x128xf32, #tpu.memory_space<hbm>>) target_semaphore(%run_scoped3A : memref<!tpu.dma_semaphore, #tpu.memory_space<semaphore_mem>>)
      %dma_wait3A = arith.constant 0 : i32
      %dma_wait3A_45 = tpu.memref_slice %arg6[%arg0, %add3A_35, %dma_wait3A] : memref<2x10240x128xf32, #tpu.memory_space<hbm>> -> memref<1x128x128xf32, #tpu.memory_space<hbm>>
      %dma_wait3A_46 = tpu.memref_squeeze %dma_wait3A_45 : memref<1x128x128xf32, #tpu.memory_space<hbm>> -> memref<128x128xf32, #tpu.memory_space<hbm>>
      %dma_wait3A_47 = arith.constant 0 : i32
      %dma_wait3A_48 = tpu.memref_slice %arg6[%arg0, %add3A_35, %dma_wait3A_47] : memref<2x10240x128xf32, #tpu.memory_space<hbm>> -> memref<1x128x128xf32, #tpu.memory_space<hbm>>
      %dma_wait3A_49 = tpu.memref_squeeze %dma_wait3A_48 : memref<1x128x128xf32, #tpu.memory_space<hbm>> -> memref<128x128xf32, #tpu.memory_space<hbm>>
      tpu.wait_dma2 semaphore(%run_scoped3A : memref<!tpu.dma_semaphore, #tpu.memory_space<semaphore_mem>>) src(%arg10 : memref<128x128xf32, #tpu.memory_space<vmem>>) dst(%dma_wait3A_49 : memref<128x128xf32, #tpu.memory_space<hbm>>)
      tpu.yield
    }) : () -> ()
    %add3A_36 = arith.constant 384 : i32
    %add3A_37 = arith.addi %mul3A_11, %add3A_36 : i32
    "tpu.region"() ({
      %run_scoped3A = tpu.sem_alloc : memref<!tpu.dma_semaphore, #tpu.memory_space<semaphore_mem>>
      %dma_start3A = arith.constant 0 : i32
      %dma_start3A_40 = tpu.memref_slice %arg7[%add3A_37, %dma_start3A] : memref<10240x128xf32, #tpu.memory_space<vmem_shared>> -> memref<128x128xf32, #tpu.memory_space<vmem_shared>>
      %dma_start3A_41 = arith.constant 0 : i32
      %dma_start3A_42 = tpu.memref_slice %arg7[%add3A_37, %dma_start3A_41] : memref<10240x128xf32, #tpu.memory_space<vmem_shared>> -> memref<128x128xf32, #tpu.memory_space<vmem_shared>>
      tpu.enqueue_dma source(%dma_start3A_42 : memref<128x128xf32, #tpu.memory_space<vmem_shared>>) target(%arg10 : memref<128x128xf32, #tpu.memory_space<vmem>>) target_semaphore(%run_scoped3A : memref<!tpu.dma_semaphore, #tpu.memory_space<semaphore_mem>>)
      %dma_wait3A = arith.constant 0 : i32
      %dma_wait3A_43 = tpu.memref_slice %arg7[%add3A_37, %dma_wait3A] : memref<10240x128xf32, #tpu.memory_space<vmem_shared>> -> memref<128x128xf32, #tpu.memory_space<vmem_shared>>
      %dma_wait3A_44 = arith.constant 0 : i32
      %dma_wait3A_45 = tpu.memref_slice %arg7[%add3A_37, %dma_wait3A_44] : memref<10240x128xf32, #tpu.memory_space<vmem_shared>> -> memref<128x128xf32, #tpu.memory_space<vmem_shared>>
      tpu.wait_dma2 semaphore(%run_scoped3A : memref<!tpu.dma_semaphore, #tpu.memory_space<semaphore_mem>>) src(%dma_wait3A_45 : memref<128x128xf32, #tpu.memory_space<vmem_shared>>) dst(%arg10 : memref<128x128xf32, #tpu.memory_space<vmem>>)
      tpu.yield
    }) : () -> ()
    "tpu.region"() ({
      %run_scoped3A = tpu.sem_alloc : memref<!tpu.dma_semaphore, #tpu.memory_space<semaphore_mem>>
      %dma_start3A = arith.constant 0 : i32
      %dma_start3A_40 = tpu.memref_slice %arg6[%arg0, %add3A_37, %dma_start3A] : memref<2x10240x128xf32, #tpu.memory_space<hbm>> -> memref<1x128x128xf32, #tpu.memory_space<hbm>>
      %dma_start3A_41 = tpu.memref_squeeze %dma_start3A_40 : memref<1x128x128xf32, #tpu.memory_space<hbm>> -> memref<128x128xf32, #tpu.memory_space<hbm>>
      %dma_start3A_42 = arith.constant 0 : i32
      %dma_start3A_43 = tpu.memref_slice %arg6[%arg0, %add3A_37, %dma_start3A_42] : memref<2x10240x128xf32, #tpu.memory_space<hbm>> -> memref<1x128x128xf32, #tpu.memory_space<hbm>>
      %dma_start3A_44 = tpu.memref_squeeze %dma_start3A_43 : memref<1x128x128xf32, #tpu.memory_space<hbm>> -> memref<128x128xf32, #tpu.memory_space<hbm>>
      tpu.enqueue_dma source(%arg10 : memref<128x128xf32, #tpu.memory_space<vmem>>) target(%dma_start3A_44 : memref<128x128xf32, #tpu.memory_space<hbm>>) target_semaphore(%run_scoped3A : memref<!tpu.dma_semaphore, #tpu.memory_space<semaphore_mem>>)
      %dma_wait3A = arith.constant 0 : i32
      %dma_wait3A_45 = tpu.memref_slice %arg6[%arg0, %add3A_37, %dma_wait3A] : memref<2x10240x128xf32, #tpu.memory_space<hbm>> -> memref<1x128x128xf32, #tpu.memory_space<hbm>>
      %dma_wait3A_46 = tpu.memref_squeeze %dma_wait3A_45 : memref<1x128x128xf32, #tpu.memory_space<hbm>> -> memref<128x128xf32, #tpu.memory_space<hbm>>
      %dma_wait3A_47 = arith.constant 0 : i32
      %dma_wait3A_48 = tpu.memref_slice %arg6[%arg0, %add3A_37, %dma_wait3A_47] : memref<2x10240x128xf32, #tpu.memory_space<hbm>> -> memref<1x128x128xf32, #tpu.memory_space<hbm>>
      %dma_wait3A_49 = tpu.memref_squeeze %dma_wait3A_48 : memref<1x128x128xf32, #tpu.memory_space<hbm>> -> memref<128x128xf32, #tpu.memory_space<hbm>>
      tpu.wait_dma2 semaphore(%run_scoped3A : memref<!tpu.dma_semaphore, #tpu.memory_space<semaphore_mem>>) src(%arg10 : memref<128x128xf32, #tpu.memory_space<vmem>>) dst(%dma_wait3A_49 : memref<128x128xf32, #tpu.memory_space<hbm>>)
      tpu.yield
    }) : () -> ()
    %add3A_38 = arith.constant 512 : i32
    %add3A_39 = arith.addi %mul3A_11, %add3A_38 : i32
    "tpu.region"() ({
      %run_scoped3A = tpu.sem_alloc : memref<!tpu.dma_semaphore, #tpu.memory_space<semaphore_mem>>
      %dma_start3A = arith.constant 0 : i32
      %dma_start3A_40 = tpu.memref_slice %arg7[%add3A_39, %dma_start3A] : memref<10240x128xf32, #tpu.memory_space<vmem_shared>> -> memref<128x128xf32, #tpu.memory_space<vmem_shared>>
      %dma_start3A_41 = arith.constant 0 : i32
      %dma_start3A_42 = tpu.memref_slice %arg7[%add3A_39, %dma_start3A_41] : memref<10240x128xf32, #tpu.memory_space<vmem_shared>> -> memref<128x128xf32, #tpu.memory_space<vmem_shared>>
      tpu.enqueue_dma source(%dma_start3A_42 : memref<128x128xf32, #tpu.memory_space<vmem_shared>>) target(%arg10 : memref<128x128xf32, #tpu.memory_space<vmem>>) target_semaphore(%run_scoped3A : memref<!tpu.dma_semaphore, #tpu.memory_space<semaphore_mem>>)
      %dma_wait3A = arith.constant 0 : i32
      %dma_wait3A_43 = tpu.memref_slice %arg7[%add3A_39, %dma_wait3A] : memref<10240x128xf32, #tpu.memory_space<vmem_shared>> -> memref<128x128xf32, #tpu.memory_space<vmem_shared>>
      %dma_wait3A_44 = arith.constant 0 : i32
      %dma_wait3A_45 = tpu.memref_slice %arg7[%add3A_39, %dma_wait3A_44] : memref<10240x128xf32, #tpu.memory_space<vmem_shared>> -> memref<128x128xf32, #tpu.memory_space<vmem_shared>>
      tpu.wait_dma2 semaphore(%run_scoped3A : memref<!tpu.dma_semaphore, #tpu.memory_space<semaphore_mem>>) src(%dma_wait3A_45 : memref<128x128xf32, #tpu.memory_space<vmem_shared>>) dst(%arg10 : memref<128x128xf32, #tpu.memory_space<vmem>>)
      tpu.yield
    }) : () -> ()
    "tpu.region"() ({
      %run_scoped3A = tpu.sem_alloc : memref<!tpu.dma_semaphore, #tpu.memory_space<semaphore_mem>>
      %dma_start3A = arith.constant 0 : i32
      %dma_start3A_40 = tpu.memref_slice %arg6[%arg0, %add3A_39, %dma_start3A] : memref<2x10240x128xf32, #tpu.memory_space<hbm>> -> memref<1x128x128xf32, #tpu.memory_space<hbm>>
      %dma_start3A_41 = tpu.memref_squeeze %dma_start3A_40 : memref<1x128x128xf32, #tpu.memory_space<hbm>> -> memref<128x128xf32, #tpu.memory_space<hbm>>
      %dma_start3A_42 = arith.constant 0 : i32
      %dma_start3A_43 = tpu.memref_slice %arg6[%arg0, %add3A_39, %dma_start3A_42] : memref<2x10240x128xf32, #tpu.memory_space<hbm>> -> memref<1x128x128xf32, #tpu.memory_space<hbm>>
      %dma_start3A_44 = tpu.memref_squeeze %dma_start3A_43 : memref<1x128x128xf32, #tpu.memory_space<hbm>> -> memref<128x128xf32, #tpu.memory_space<hbm>>
      tpu.enqueue_dma source(%arg10 : memref<128x128xf32, #tpu.memory_space<vmem>>) target(%dma_start3A_44 : memref<128x128xf32, #tpu.memory_space<hbm>>) target_semaphore(%run_scoped3A : memref<!tpu.dma_semaphore, #tpu.memory_space<semaphore_mem>>)
      %dma_wait3A = arith.constant 0 : i32
      %dma_wait3A_45 = tpu.memref_slice %arg6[%arg0, %add3A_39, %dma_wait3A] : memref<2x10240x128xf32, #tpu.memory_space<hbm>> -> memref<1x128x128xf32, #tpu.memory_space<hbm>>
      %dma_wait3A_46 = tpu.memref_squeeze %dma_wait3A_45 : memref<1x128x128xf32, #tpu.memory_space<hbm>> -> memref<128x128xf32, #tpu.memory_space<hbm>>
      %dma_wait3A_47 = arith.constant 0 : i32
      %dma_wait3A_48 = tpu.memref_slice %arg6[%arg0, %add3A_39, %dma_wait3A_47] : memref<2x10240x128xf32, #tpu.memory_space<hbm>> -> memref<1x128x128xf32, #tpu.memory_space<hbm>>
      %dma_wait3A_49 = tpu.memref_squeeze %dma_wait3A_48 : memref<1x128x128xf32, #tpu.memory_space<hbm>> -> memref<128x128xf32, #tpu.memory_space<hbm>>
      tpu.wait_dma2 semaphore(%run_scoped3A : memref<!tpu.dma_semaphore, #tpu.memory_space<semaphore_mem>>) src(%arg10 : memref<128x128xf32, #tpu.memory_space<vmem>>) dst(%dma_wait3A_49 : memref<128x128xf32, #tpu.memory_space<hbm>>)
      tpu.yield
    }) : () -> ()
    return
  }
}

#map = affine_map<(d0, d1) -> (0, 0)>
#map1 = affine_map<(d0, d1) -> (0)>
#map2 = affine_map<(d0, d1) -> (0, 0, 0)>
module attributes {stable_mosaic.version = 14 : i64} {
  func.func @_edge_pass_body(%arg0: i32, %arg1: i32, %arg2: memref<10000x128xf32, #tpu.memory_space<hbm>>, %arg3: memref<323584x128xf32, #tpu.memory_space<hbm>>, %arg4: memref<323584xi32, #tpu.memory_space<hbm>>, %arg5: memref<323584xi32, #tpu.memory_space<hbm>>, %arg6: memref<2x10240x128xf32, #tpu.memory_space<hbm>>, %arg7: memref<10240x128xf32, #tpu.memory_space<vmem_shared>>, %arg8: memref<128xi32, #tpu.memory_space<vmem>>, %arg9: memref<128xi32, #tpu.memory_space<vmem>>, %arg10: memref<128x128xf32, #tpu.memory_space<vmem>>, %arg11: memref<128x128xf32, #tpu.memory_space<vmem>>, %arg12: memref<!tpu.dma_semaphore, #tpu.memory_space<semaphore_mem>>) attributes {dimension_semantics = [#tpu.dimension_semantics<core_parallel>, #tpu.dimension_semantics<subcore_parallel>], iteration_bounds = array<i64: 2, 16>, scalar_prefetch = 0 : i64, scratch_operands = 6 : i64, tpu.core_type = #tpu.core_type<sc_vector_subcore>, window_params = [{transform_indices = #map}, {transform_indices = #map}, {transform_indices = #map1}, {transform_indices = #map1}, {transform_indices = #map2}]} {
    %mul3A = arith.constant 16 : i32
    %mul3A_0 = arith.muli %arg0, %mul3A : i32
    %add3A = arith.addi %mul3A_0, %arg1 : i32
    %mul3A_1 = arith.constant 10112 : i32
    %mul3A_2 = arith.muli %add3A, %mul3A_1 : i32
    %broadcast_in_dim3A = arith.constant 0.000000e+00 : f32
    %broadcast_in_dim3A_3 = vector.broadcast %broadcast_in_dim3A : f32 to vector<16xf32>
    %scan3A = arith.constant 0 : i32
    %scan3A_4 = arith.constant 0 : i32
    %scan3A_5 = arith.constant 128 : i32
    %scan3A_6 = arith.addi %scan3A_4, %scan3A_5 : i32
    %scan3A_7 = arith.constant 1 : i32
    %scan3A_8 = scf.for %scan3A_40 = %scan3A_4 to %scan3A_6 step %scan3A_7 iter_args(%scan3A_41 = %scan3A) -> (i32)  : i32 {
      %swap3A = arith.index_cast %scan3A_40 : i32 to index
      %swap3A_42 = arith.constant 0 : index
      %swap3A_43 = tpu.vector_load %arg11[%swap3A, %swap3A_42] {strides = array<i32>} : memref<128x128xf32, #tpu.memory_space<vmem>>, vector<1x16xf32>,
      %swap3A_44 = vector.shape_cast %swap3A_43 : vector<1x16xf32> to vector<16xf32>
      %swap3A_45 = vector.shape_cast %broadcast_in_dim3A_3 : vector<16xf32> to vector<1x16xf32>
      tpu.vector_store %arg11[%swap3A, %swap3A_42], %swap3A_45 {strides = array<i32>} : memref<128x128xf32, #tpu.memory_space<vmem>>, vector<1x16xf32>,
      %swap3A_46 = arith.index_cast %scan3A_40 : i32 to index
      %swap3A_47 = arith.constant 16 : index
      %swap3A_48 = tpu.vector_load %arg11[%swap3A_46, %swap3A_47] {strides = array<i32>} : memref<128x128xf32, #tpu.memory_space<vmem>>, vector<1x16xf32>,
      %swap3A_49 = vector.shape_cast %swap3A_48 : vector<1x16xf32> to vector<16xf32>
      %swap3A_50 = vector.shape_cast %broadcast_in_dim3A_3 : vector<16xf32> to vector<1x16xf32>
      tpu.vector_store %arg11[%swap3A_46, %swap3A_47], %swap3A_50 {strides = array<i32>} : memref<128x128xf32, #tpu.memory_space<vmem>>, vector<1x16xf32>,
      %swap3A_51 = arith.index_cast %scan3A_40 : i32 to index
      %swap3A_52 = arith.constant 32 : index
      %swap3A_53 = tpu.vector_load %arg11[%swap3A_51, %swap3A_52] {strides = array<i32>} : memref<128x128xf32, #tpu.memory_space<vmem>>, vector<1x16xf32>,
      %swap3A_54 = vector.shape_cast %swap3A_53 : vector<1x16xf32> to vector<16xf32>
      %swap3A_55 = vector.shape_cast %broadcast_in_dim3A_3 : vector<16xf32> to vector<1x16xf32>
      tpu.vector_store %arg11[%swap3A_51, %swap3A_52], %swap3A_55 {strides = array<i32>} : memref<128x128xf32, #tpu.memory_space<vmem>>, vector<1x16xf32>,
      %swap3A_56 = arith.index_cast %scan3A_40 : i32 to index
      %swap3A_57 = arith.constant 48 : index
      %swap3A_58 = tpu.vector_load %arg11[%swap3A_56, %swap3A_57] {strides = array<i32>} : memref<128x128xf32, #tpu.memory_space<vmem>>, vector<1x16xf32>,
      %swap3A_59 = vector.shape_cast %swap3A_58 : vector<1x16xf32> to vector<16xf32>
      %swap3A_60 = vector.shape_cast %broadcast_in_dim3A_3 : vector<16xf32> to vector<1x16xf32>
      tpu.vector_store %arg11[%swap3A_56, %swap3A_57], %swap3A_60 {strides = array<i32>} : memref<128x128xf32, #tpu.memory_space<vmem>>, vector<1x16xf32>,
      %swap3A_61 = arith.index_cast %scan3A_40 : i32 to index
      %swap3A_62 = arith.constant 64 : index
      %swap3A_63 = tpu.vector_load %arg11[%swap3A_61, %swap3A_62] {strides = array<i32>} : memref<128x128xf32, #tpu.memory_space<vmem>>, vector<1x16xf32>,
      %swap3A_64 = vector.shape_cast %swap3A_63 : vector<1x16xf32> to vector<16xf32>
      %swap3A_65 = vector.shape_cast %broadcast_in_dim3A_3 : vector<16xf32> to vector<1x16xf32>
      tpu.vector_store %arg11[%swap3A_61, %swap3A_62], %swap3A_65 {strides = array<i32>} : memref<128x128xf32, #tpu.memory_space<vmem>>, vector<1x16xf32>,
      %swap3A_66 = arith.index_cast %scan3A_40 : i32 to index
      %swap3A_67 = arith.constant 80 : index
      %swap3A_68 = tpu.vector_load %arg11[%swap3A_66, %swap3A_67] {strides = array<i32>} : memref<128x128xf32, #tpu.memory_space<vmem>>, vector<1x16xf32>,
      %swap3A_69 = vector.shape_cast %swap3A_68 : vector<1x16xf32> to vector<16xf32>
      %swap3A_70 = vector.shape_cast %broadcast_in_dim3A_3 : vector<16xf32> to vector<1x16xf32>
      tpu.vector_store %arg11[%swap3A_66, %swap3A_67], %swap3A_70 {strides = array<i32>} : memref<128x128xf32, #tpu.memory_space<vmem>>, vector<1x16xf32>,
      %swap3A_71 = arith.index_cast %scan3A_40 : i32 to index
      %swap3A_72 = arith.constant 96 : index
      %swap3A_73 = tpu.vector_load %arg11[%swap3A_71, %swap3A_72] {strides = array<i32>} : memref<128x128xf32, #tpu.memory_space<vmem>>, vector<1x16xf32>,
      %swap3A_74 = vector.shape_cast %swap3A_73 : vector<1x16xf32> to vector<16xf32>
      %swap3A_75 = vector.shape_cast %broadcast_in_dim3A_3 : vector<16xf32> to vector<1x16xf32>
      tpu.vector_store %arg11[%swap3A_71, %swap3A_72], %swap3A_75 {strides = array<i32>} : memref<128x128xf32, #tpu.memory_space<vmem>>, vector<1x16xf32>,
      %swap3A_76 = arith.index_cast %scan3A_40 : i32 to index
      %swap3A_77 = arith.constant 112 : index
      %swap3A_78 = tpu.vector_load %arg11[%swap3A_76, %swap3A_77] {strides = array<i32>} : memref<128x128xf32, #tpu.memory_space<vmem>>, vector<1x16xf32>,
      %swap3A_79 = vector.shape_cast %swap3A_78 : vector<1x16xf32> to vector<16xf32>
      %swap3A_80 = vector.shape_cast %broadcast_in_dim3A_3 : vector<16xf32> to vector<1x16xf32>
      tpu.vector_store %arg11[%swap3A_76, %swap3A_77], %swap3A_80 {strides = array<i32>} : memref<128x128xf32, #tpu.memory_space<vmem>>, vector<1x16xf32>,
      %scan3A_81 = arith.constant 0 : i32
      scf.yield %scan3A_81 : i32
    }
    %scan3A_9 = arith.constant 128 : i32
    %mul3A_10 = arith.constant 640 : i32
    %mul3A_11 = arith.muli %arg1, %mul3A_10 : i32
    %add3A_12 = arith.constant 0 : i32
    %add3A_13 = arith.addi %mul3A_11, %add3A_12 : i32
    "tpu.region"() ({
      %run_scoped3A = tpu.sem_alloc : memref<!tpu.dma_semaphore, #tpu.memory_space<semaphore_mem>>
      %dma_start3A = arith.constant 0 : i32
      %dma_start3A_40 = tpu.memref_slice %arg7[%add3A_13, %dma_start3A] : memref<10240x128xf32, #tpu.memory_space<vmem_shared>> -> memref<128x128xf32, #tpu.memory_space<vmem_shared>>
      %dma_start3A_41 = arith.constant 0 : i32
      %dma_start3A_42 = tpu.memref_slice %arg7[%add3A_13, %dma_start3A_41] : memref<10240x128xf32, #tpu.memory_space<vmem_shared>> -> memref<128x128xf32, #tpu.memory_space<vmem_shared>>
      tpu.enqueue_dma source(%arg11 : memref<128x128xf32, #tpu.memory_space<vmem>>) target(%dma_start3A_42 : memref<128x128xf32, #tpu.memory_space<vmem_shared>>) target_semaphore(%run_scoped3A : memref<!tpu.dma_semaphore, #tpu.memory_space<semaphore_mem>>)
      %dma_wait3A = arith.constant 0 : i32
      %dma_wait3A_43 = tpu.memref_slice %arg7[%add3A_13, %dma_wait3A] : memref<10240x128xf32, #tpu.memory_space<vmem_shared>> -> memref<128x128xf32, #tpu.memory_space<vmem_shared>>
      %dma_wait3A_44 = arith.constant 0 : i32
      %dma_wait3A_45 = tpu.memref_slice %arg7[%add3A_13, %dma_wait3A_44] : memref<10240x128xf32, #tpu.memory_space<vmem_shared>> -> memref<128x128xf32, #tpu.memory_space<vmem_shared>>
      tpu.wait_dma2 semaphore(%run_scoped3A : memref<!tpu.dma_semaphore, #tpu.memory_space<semaphore_mem>>) src(%arg11 : memref<128x128xf32, #tpu.memory_space<vmem>>) dst(%dma_wait3A_45 : memref<128x128xf32, #tpu.memory_space<vmem_shared>>)
      tpu.yield
    }) : () -> ()
    %add3A_14 = arith.constant 128 : i32
    %add3A_15 = arith.addi %mul3A_11, %add3A_14 : i32
    "tpu.region"() ({
      %run_scoped3A = tpu.sem_alloc : memref<!tpu.dma_semaphore, #tpu.memory_space<semaphore_mem>>
      %dma_start3A = arith.constant 0 : i32
      %dma_start3A_40 = tpu.memref_slice %arg7[%add3A_15, %dma_start3A] : memref<10240x128xf32, #tpu.memory_space<vmem_shared>> -> memref<128x128xf32, #tpu.memory_space<vmem_shared>>
      %dma_start3A_41 = arith.constant 0 : i32
      %dma_start3A_42 = tpu.memref_slice %arg7[%add3A_15, %dma_start3A_41] : memref<10240x128xf32, #tpu.memory_space<vmem_shared>> -> memref<128x128xf32, #tpu.memory_space<vmem_shared>>
      tpu.enqueue_dma source(%arg11 : memref<128x128xf32, #tpu.memory_space<vmem>>) target(%dma_start3A_42 : memref<128x128xf32, #tpu.memory_space<vmem_shared>>) target_semaphore(%run_scoped3A : memref<!tpu.dma_semaphore, #tpu.memory_space<semaphore_mem>>)
      %dma_wait3A = arith.constant 0 : i32
      %dma_wait3A_43 = tpu.memref_slice %arg7[%add3A_15, %dma_wait3A] : memref<10240x128xf32, #tpu.memory_space<vmem_shared>> -> memref<128x128xf32, #tpu.memory_space<vmem_shared>>
      %dma_wait3A_44 = arith.constant 0 : i32
      %dma_wait3A_45 = tpu.memref_slice %arg7[%add3A_15, %dma_wait3A_44] : memref<10240x128xf32, #tpu.memory_space<vmem_shared>> -> memref<128x128xf32, #tpu.memory_space<vmem_shared>>
      tpu.wait_dma2 semaphore(%run_scoped3A : memref<!tpu.dma_semaphore, #tpu.memory_space<semaphore_mem>>) src(%arg11 : memref<128x128xf32, #tpu.memory_space<vmem>>) dst(%dma_wait3A_45 : memref<128x128xf32, #tpu.memory_space<vmem_shared>>)
      tpu.yield
    }) : () -> ()
    %add3A_16 = arith.constant 256 : i32
    %add3A_17 = arith.addi %mul3A_11, %add3A_16 : i32
    "tpu.region"() ({
      %run_scoped3A = tpu.sem_alloc : memref<!tpu.dma_semaphore, #tpu.memory_space<semaphore_mem>>
      %dma_start3A = arith.constant 0 : i32
      %dma_start3A_40 = tpu.memref_slice %arg7[%add3A_17, %dma_start3A] : memref<10240x128xf32, #tpu.memory_space<vmem_shared>> -> memref<128x128xf32, #tpu.memory_space<vmem_shared>>
      %dma_start3A_41 = arith.constant 0 : i32
      %dma_start3A_42 = tpu.memref_slice %arg7[%add3A_17, %dma_start3A_41] : memref<10240x128xf32, #tpu.memory_space<vmem_shared>> -> memref<128x128xf32, #tpu.memory_space<vmem_shared>>
      tpu.enqueue_dma source(%arg11 : memref<128x128xf32, #tpu.memory_space<vmem>>) target(%dma_start3A_42 : memref<128x128xf32, #tpu.memory_space<vmem_shared>>) target_semaphore(%run_scoped3A : memref<!tpu.dma_semaphore, #tpu.memory_space<semaphore_mem>>)
      %dma_wait3A = arith.constant 0 : i32
      %dma_wait3A_43 = tpu.memref_slice %arg7[%add3A_17, %dma_wait3A] : memref<10240x128xf32, #tpu.memory_space<vmem_shared>> -> memref<128x128xf32, #tpu.memory_space<vmem_shared>>
      %dma_wait3A_44 = arith.constant 0 : i32
      %dma_wait3A_45 = tpu.memref_slice %arg7[%add3A_17, %dma_wait3A_44] : memref<10240x128xf32, #tpu.memory_space<vmem_shared>> -> memref<128x128xf32, #tpu.memory_space<vmem_shared>>
      tpu.wait_dma2 semaphore(%run_scoped3A : memref<!tpu.dma_semaphore, #tpu.memory_space<semaphore_mem>>) src(%arg11 : memref<128x128xf32, #tpu.memory_space<vmem>>) dst(%dma_wait3A_45 : memref<128x128xf32, #tpu.memory_space<vmem_shared>>)
      tpu.yield
    }) : () -> ()
    %add3A_18 = arith.constant 384 : i32
    %add3A_19 = arith.addi %mul3A_11, %add3A_18 : i32
    "tpu.region"() ({
      %run_scoped3A = tpu.sem_alloc : memref<!tpu.dma_semaphore, #tpu.memory_space<semaphore_mem>>
      %dma_start3A = arith.constant 0 : i32
      %dma_start3A_40 = tpu.memref_slice %arg7[%add3A_19, %dma_start3A] : memref<10240x128xf32, #tpu.memory_space<vmem_shared>> -> memref<128x128xf32, #tpu.memory_space<vmem_shared>>
      %dma_start3A_41 = arith.constant 0 : i32
      %dma_start3A_42 = tpu.memref_slice %arg7[%add3A_19, %dma_start3A_41] : memref<10240x128xf32, #tpu.memory_space<vmem_shared>> -> memref<128x128xf32, #tpu.memory_space<vmem_shared>>
      tpu.enqueue_dma source(%arg11 : memref<128x128xf32, #tpu.memory_space<vmem>>) target(%dma_start3A_42 : memref<128x128xf32, #tpu.memory_space<vmem_shared>>) target_semaphore(%run_scoped3A : memref<!tpu.dma_semaphore, #tpu.memory_space<semaphore_mem>>)
      %dma_wait3A = arith.constant 0 : i32
      %dma_wait3A_43 = tpu.memref_slice %arg7[%add3A_19, %dma_wait3A] : memref<10240x128xf32, #tpu.memory_space<vmem_shared>> -> memref<128x128xf32, #tpu.memory_space<vmem_shared>>
      %dma_wait3A_44 = arith.constant 0 : i32
      %dma_wait3A_45 = tpu.memref_slice %arg7[%add3A_19, %dma_wait3A_44] : memref<10240x128xf32, #tpu.memory_space<vmem_shared>> -> memref<128x128xf32, #tpu.memory_space<vmem_shared>>
      tpu.wait_dma2 semaphore(%run_scoped3A : memref<!tpu.dma_semaphore, #tpu.memory_space<semaphore_mem>>) src(%arg11 : memref<128x128xf32, #tpu.memory_space<vmem>>) dst(%dma_wait3A_45 : memref<128x128xf32, #tpu.memory_space<vmem_shared>>)
      tpu.yield
    }) : () -> ()
    %add3A_20 = arith.constant 512 : i32
    %add3A_21 = arith.addi %mul3A_11, %add3A_20 : i32
    "tpu.region"() ({
      %run_scoped3A = tpu.sem_alloc : memref<!tpu.dma_semaphore, #tpu.memory_space<semaphore_mem>>
      %dma_start3A = arith.constant 0 : i32
      %dma_start3A_40 = tpu.memref_slice %arg7[%add3A_21, %dma_start3A] : memref<10240x128xf32, #tpu.memory_space<vmem_shared>> -> memref<128x128xf32, #tpu.memory_space<vmem_shared>>
      %dma_start3A_41 = arith.constant 0 : i32
      %dma_start3A_42 = tpu.memref_slice %arg7[%add3A_21, %dma_start3A_41] : memref<10240x128xf32, #tpu.memory_space<vmem_shared>> -> memref<128x128xf32, #tpu.memory_space<vmem_shared>>
      tpu.enqueue_dma source(%arg11 : memref<128x128xf32, #tpu.memory_space<vmem>>) target(%dma_start3A_42 : memref<128x128xf32, #tpu.memory_space<vmem_shared>>) target_semaphore(%run_scoped3A : memref<!tpu.dma_semaphore, #tpu.memory_space<semaphore_mem>>)
      %dma_wait3A = arith.constant 0 : i32
      %dma_wait3A_43 = tpu.memref_slice %arg7[%add3A_21, %dma_wait3A] : memref<10240x128xf32, #tpu.memory_space<vmem_shared>> -> memref<128x128xf32, #tpu.memory_space<vmem_shared>>
      %dma_wait3A_44 = arith.constant 0 : i32
      %dma_wait3A_45 = tpu.memref_slice %arg7[%add3A_21, %dma_wait3A_44] : memref<10240x128xf32, #tpu.memory_space<vmem_shared>> -> memref<128x128xf32, #tpu.memory_space<vmem_shared>>
      tpu.wait_dma2 semaphore(%run_scoped3A : memref<!tpu.dma_semaphore, #tpu.memory_space<semaphore_mem>>) src(%arg11 : memref<128x128xf32, #tpu.memory_space<vmem>>) dst(%dma_wait3A_45 : memref<128x128xf32, #tpu.memory_space<vmem_shared>>)
      tpu.yield
    }) : () -> ()
    %barrier3A = arith.constant 0 : index
    tpu.barrier barrier_id(%barrier3A)
    %scan3A_22 = arith.constant 0 : i32
    %scan3A_23 = arith.constant 0 : i32
    %scan3A_24 = arith.constant 79 : i32
    %scan3A_25 = arith.addi %scan3A_23, %scan3A_24 : i32
    %scan3A_26 = arith.constant 1 : i32
    %scan3A_27 = scf.for %scan3A_40 = %scan3A_23 to %scan3A_25 step %scan3A_26 iter_args(%scan3A_41 = %scan3A_22) -> (i32)  : i32 {
      %mul3A_42 = arith.constant 128 : i32
      %mul3A_43 = arith.muli %scan3A_40, %mul3A_42 : i32
      %add3A_44 = arith.addi %mul3A_2, %mul3A_43 : i32
      "tpu.region"() ({
        %run_scoped3A = tpu.sem_alloc : memref<!tpu.dma_semaphore, #tpu.memory_space<semaphore_mem>>
        %dma_start3A_57 = tpu.memref_slice %arg4[%add3A_44] : memref<323584xi32, #tpu.memory_space<hbm>> -> memref<128xi32, #tpu.memory_space<hbm>>
        %dma_start3A_58 = tpu.memref_slice %arg4[%add3A_44] : memref<323584xi32, #tpu.memory_space<hbm>> -> memref<128xi32, #tpu.memory_space<hbm>>
        tpu.enqueue_dma source(%dma_start3A_58 : memref<128xi32, #tpu.memory_space<hbm>>) target(%arg8 : memref<128xi32, #tpu.memory_space<vmem>>) target_semaphore(%run_scoped3A : memref<!tpu.dma_semaphore, #tpu.memory_space<semaphore_mem>>)
        %dma_wait3A_59 = tpu.memref_slice %arg4[%add3A_44] : memref<323584xi32, #tpu.memory_space<hbm>> -> memref<128xi32, #tpu.memory_space<hbm>>
        %dma_wait3A_60 = tpu.memref_slice %arg4[%add3A_44] : memref<323584xi32, #tpu.memory_space<hbm>> -> memref<128xi32, #tpu.memory_space<hbm>>
        tpu.wait_dma2 semaphore(%run_scoped3A : memref<!tpu.dma_semaphore, #tpu.memory_space<semaphore_mem>>) src(%dma_wait3A_60 : memref<128xi32, #tpu.memory_space<hbm>>) dst(%arg8 : memref<128xi32, #tpu.memory_space<vmem>>)
        tpu.yield
      }) : () -> ()
      "tpu.region"() ({
        %run_scoped3A = tpu.sem_alloc : memref<!tpu.dma_semaphore, #tpu.memory_space<semaphore_mem>>
        %dma_start3A_57 = tpu.memref_slice %arg5[%add3A_44] : memref<323584xi32, #tpu.memory_space<hbm>> -> memref<128xi32, #tpu.memory_space<hbm>>
        %dma_start3A_58 = tpu.memref_slice %arg5[%add3A_44] : memref<323584xi32, #tpu.memory_space<hbm>> -> memref<128xi32, #tpu.memory_space<hbm>>
        tpu.enqueue_dma source(%dma_start3A_58 : memref<128xi32, #tpu.memory_space<hbm>>) target(%arg9 : memref<128xi32, #tpu.memory_space<vmem>>) target_semaphore(%run_scoped3A : memref<!tpu.dma_semaphore, #tpu.memory_space<semaphore_mem>>)
        %dma_wait3A_59 = tpu.memref_slice %arg5[%add3A_44] : memref<323584xi32, #tpu.memory_space<hbm>> -> memref<128xi32, #tpu.memory_space<hbm>>
        %dma_wait3A_60 = tpu.memref_slice %arg5[%add3A_44] : memref<323584xi32, #tpu.memory_space<hbm>> -> memref<128xi32, #tpu.memory_space<hbm>>
        tpu.wait_dma2 semaphore(%run_scoped3A : memref<!tpu.dma_semaphore, #tpu.memory_space<semaphore_mem>>) src(%dma_wait3A_60 : memref<128xi32, #tpu.memory_space<hbm>>) dst(%arg9 : memref<128xi32, #tpu.memory_space<vmem>>)
        tpu.yield
      }) : () -> ()
      %dma_start3A = arith.constant 0 : i32
      %dma_start3A_45 = arith.constant 0 : i32
      %dma_start3A_46 = tpu.memref_slice %arg2[%dma_start3A, %dma_start3A_45] : memref<10000x128xf32, #tpu.memory_space<hbm>> -> memref<10000x128xf32, #tpu.memory_space<hbm>>
      tpu.enqueue_indirect_dma source(%dma_start3A_46 : memref<10000x128xf32, #tpu.memory_space<hbm>>) target(%arg10 : memref<128x128xf32, #tpu.memory_space<vmem>>) offsets(%arg8 : memref<128xi32, #tpu.memory_space<vmem>>) semaphore(%arg12 : memref<!tpu.dma_semaphore, #tpu.memory_space<semaphore_mem>>)
      %dma_wait3A = arith.constant 0 : i32
      %dma_wait3A_47 = arith.constant 0 : i32
      %dma_wait3A_48 = tpu.memref_slice %arg2[%dma_wait3A, %dma_wait3A_47] : memref<10000x128xf32, #tpu.memory_space<hbm>> -> memref<10000x128xf32, #tpu.memory_space<hbm>>
      tpu.wait_indirect_dma semaphore(%arg12 : memref<!tpu.dma_semaphore, #tpu.memory_space<semaphore_mem>>) src(%dma_wait3A_48 : memref<10000x128xf32, #tpu.memory_space<hbm>>) dst(%arg10 : memref<128x128xf32, #tpu.memory_space<vmem>>)
      "tpu.region"() ({
        %run_scoped3A = tpu.sem_alloc : memref<!tpu.dma_semaphore, #tpu.memory_space<semaphore_mem>>
        %dma_start3A_57 = arith.constant 0 : i32
        %dma_start3A_58 = tpu.memref_slice %arg3[%add3A_44, %dma_start3A_57] : memref<323584x128xf32, #tpu.memory_space<hbm>> -> memref<128x128xf32, #tpu.memory_space<hbm>>
        %dma_start3A_59 = arith.constant 0 : i32
        %dma_start3A_60 = tpu.memref_slice %arg3[%add3A_44, %dma_start3A_59] : memref<323584x128xf32, #tpu.memory_space<hbm>> -> memref<128x128xf32, #tpu.memory_space<hbm>>
        tpu.enqueue_dma source(%dma_start3A_60 : memref<128x128xf32, #tpu.memory_space<hbm>>) target(%arg11 : memref<128x128xf32, #tpu.memory_space<vmem>>) target_semaphore(%run_scoped3A : memref<!tpu.dma_semaphore, #tpu.memory_space<semaphore_mem>>)
        %dma_wait3A_61 = arith.constant 0 : i32
        %dma_wait3A_62 = tpu.memref_slice %arg3[%add3A_44, %dma_wait3A_61] : memref<323584x128xf32, #tpu.memory_space<hbm>> -> memref<128x128xf32, #tpu.memory_space<hbm>>
        %dma_wait3A_63 = arith.constant 0 : i32
        %dma_wait3A_64 = tpu.memref_slice %arg3[%add3A_44, %dma_wait3A_63] : memref<323584x128xf32, #tpu.memory_space<hbm>> -> memref<128x128xf32, #tpu.memory_space<hbm>>
        tpu.wait_dma2 semaphore(%run_scoped3A : memref<!tpu.dma_semaphore, #tpu.memory_space<semaphore_mem>>) src(%dma_wait3A_64 : memref<128x128xf32, #tpu.memory_space<hbm>>) dst(%arg11 : memref<128x128xf32, #tpu.memory_space<vmem>>)
        tpu.yield
      }) : () -> ()
      %scan3A_49 = arith.constant 0 : i32
      %scan3A_50 = arith.constant 0 : i32
      %scan3A_51 = arith.constant 128 : i32
      %scan3A_52 = arith.addi %scan3A_50, %scan3A_51 : i32
      %scan3A_53 = arith.constant 1 : i32
      %scan3A_54 = scf.for %scan3A_57 = %scan3A_50 to %scan3A_52 step %scan3A_53 iter_args(%scan3A_58 = %scan3A_49) -> (i32)  : i32 {
        %get3A = arith.index_cast %scan3A_57 : i32 to index
        %get3A_59 = arith.constant 0 : index
        %get3A_60 = tpu.vector_load %arg11[%get3A, %get3A_59] {strides = array<i32>} : memref<128x128xf32, #tpu.memory_space<vmem>>, vector<1x16xf32>,
        %get3A_61 = vector.shape_cast %get3A_60 : vector<1x16xf32> to vector<16xf32>
        %get3A_62 = arith.index_cast %scan3A_57 : i32 to index
        %get3A_63 = arith.constant 0 : index
        %get3A_64 = tpu.vector_load %arg10[%get3A_62, %get3A_63] {strides = array<i32>} : memref<128x128xf32, #tpu.memory_space<vmem>>, vector<1x16xf32>,
        %get3A_65 = vector.shape_cast %get3A_64 : vector<1x16xf32> to vector<16xf32>
        %mul3A_66 = arith.mulf %get3A_61, %get3A_65 : vector<16xf32>
        %swap3A = arith.index_cast %scan3A_57 : i32 to index
        %swap3A_67 = arith.constant 0 : index
        %swap3A_68 = tpu.vector_load %arg11[%swap3A, %swap3A_67] {strides = array<i32>} : memref<128x128xf32, #tpu.memory_space<vmem>>, vector<1x16xf32>,
        %swap3A_69 = vector.shape_cast %swap3A_68 : vector<1x16xf32> to vector<16xf32>
        %swap3A_70 = vector.shape_cast %mul3A_66 : vector<16xf32> to vector<1x16xf32>
        tpu.vector_store %arg11[%swap3A, %swap3A_67], %swap3A_70 {strides = array<i32>} : memref<128x128xf32, #tpu.memory_space<vmem>>, vector<1x16xf32>,
        %get3A_71 = arith.index_cast %scan3A_57 : i32 to index
        %get3A_72 = arith.constant 16 : index
        %get3A_73 = tpu.vector_load %arg11[%get3A_71, %get3A_72] {strides = array<i32>} : memref<128x128xf32, #tpu.memory_space<vmem>>, vector<1x16xf32>,
        %get3A_74 = vector.shape_cast %get3A_73 : vector<1x16xf32> to vector<16xf32>
        %get3A_75 = arith.index_cast %scan3A_57 : i32 to index
        %get3A_76 = arith.constant 16 : index
        %get3A_77 = tpu.vector_load %arg10[%get3A_75, %get3A_76] {strides = array<i32>} : memref<128x128xf32, #tpu.memory_space<vmem>>, vector<1x16xf32>,
        %get3A_78 = vector.shape_cast %get3A_77 : vector<1x16xf32> to vector<16xf32>
        %mul3A_79 = arith.mulf %get3A_74, %get3A_78 : vector<16xf32>
        %swap3A_80 = arith.index_cast %scan3A_57 : i32 to index
        %swap3A_81 = arith.constant 16 : index
        %swap3A_82 = tpu.vector_load %arg11[%swap3A_80, %swap3A_81] {strides = array<i32>} : memref<128x128xf32, #tpu.memory_space<vmem>>, vector<1x16xf32>,
        %swap3A_83 = vector.shape_cast %swap3A_82 : vector<1x16xf32> to vector<16xf32>
        %swap3A_84 = vector.shape_cast %mul3A_79 : vector<16xf32> to vector<1x16xf32>
        tpu.vector_store %arg11[%swap3A_80, %swap3A_81], %swap3A_84 {strides = array<i32>} : memref<128x128xf32, #tpu.memory_space<vmem>>, vector<1x16xf32>,
        %get3A_85 = arith.index_cast %scan3A_57 : i32 to index
        %get3A_86 = arith.constant 32 : index
        %get3A_87 = tpu.vector_load %arg11[%get3A_85, %get3A_86] {strides = array<i32>} : memref<128x128xf32, #tpu.memory_space<vmem>>, vector<1x16xf32>,
        %get3A_88 = vector.shape_cast %get3A_87 : vector<1x16xf32> to vector<16xf32>
        %get3A_89 = arith.index_cast %scan3A_57 : i32 to index
        %get3A_90 = arith.constant 32 : index
        %get3A_91 = tpu.vector_load %arg10[%get3A_89, %get3A_90] {strides = array<i32>} : memref<128x128xf32, #tpu.memory_space<vmem>>, vector<1x16xf32>,
        %get3A_92 = vector.shape_cast %get3A_91 : vector<1x16xf32> to vector<16xf32>
        %mul3A_93 = arith.mulf %get3A_88, %get3A_92 : vector<16xf32>
        %swap3A_94 = arith.index_cast %scan3A_57 : i32 to index
        %swap3A_95 = arith.constant 32 : index
        %swap3A_96 = tpu.vector_load %arg11[%swap3A_94, %swap3A_95] {strides = array<i32>} : memref<128x128xf32, #tpu.memory_space<vmem>>, vector<1x16xf32>,
        %swap3A_97 = vector.shape_cast %swap3A_96 : vector<1x16xf32> to vector<16xf32>
        %swap3A_98 = vector.shape_cast %mul3A_93 : vector<16xf32> to vector<1x16xf32>
        tpu.vector_store %arg11[%swap3A_94, %swap3A_95], %swap3A_98 {strides = array<i32>} : memref<128x128xf32, #tpu.memory_space<vmem>>, vector<1x16xf32>,
        %get3A_99 = arith.index_cast %scan3A_57 : i32 to index
        %get3A_100 = arith.constant 48 : index
        %get3A_101 = tpu.vector_load %arg11[%get3A_99, %get3A_100] {strides = array<i32>} : memref<128x128xf32, #tpu.memory_space<vmem>>, vector<1x16xf32>,
        %get3A_102 = vector.shape_cast %get3A_101 : vector<1x16xf32> to vector<16xf32>
        %get3A_103 = arith.index_cast %scan3A_57 : i32 to index
        %get3A_104 = arith.constant 48 : index
        %get3A_105 = tpu.vector_load %arg10[%get3A_103, %get3A_104] {strides = array<i32>} : memref<128x128xf32, #tpu.memory_space<vmem>>, vector<1x16xf32>,
        %get3A_106 = vector.shape_cast %get3A_105 : vector<1x16xf32> to vector<16xf32>
        %mul3A_107 = arith.mulf %get3A_102, %get3A_106 : vector<16xf32>
        %swap3A_108 = arith.index_cast %scan3A_57 : i32 to index
        %swap3A_109 = arith.constant 48 : index
        %swap3A_110 = tpu.vector_load %arg11[%swap3A_108, %swap3A_109] {strides = array<i32>} : memref<128x128xf32, #tpu.memory_space<vmem>>, vector<1x16xf32>,
        %swap3A_111 = vector.shape_cast %swap3A_110 : vector<1x16xf32> to vector<16xf32>
        %swap3A_112 = vector.shape_cast %mul3A_107 : vector<16xf32> to vector<1x16xf32>
        tpu.vector_store %arg11[%swap3A_108, %swap3A_109], %swap3A_112 {strides = array<i32>} : memref<128x128xf32, #tpu.memory_space<vmem>>, vector<1x16xf32>,
        %get3A_113 = arith.index_cast %scan3A_57 : i32 to index
        %get3A_114 = arith.constant 64 : index
        %get3A_115 = tpu.vector_load %arg11[%get3A_113, %get3A_114] {strides = array<i32>} : memref<128x128xf32, #tpu.memory_space<vmem>>, vector<1x16xf32>,
        %get3A_116 = vector.shape_cast %get3A_115 : vector<1x16xf32> to vector<16xf32>
        %get3A_117 = arith.index_cast %scan3A_57 : i32 to index
        %get3A_118 = arith.constant 64 : index
        %get3A_119 = tpu.vector_load %arg10[%get3A_117, %get3A_118] {strides = array<i32>} : memref<128x128xf32, #tpu.memory_space<vmem>>, vector<1x16xf32>,
        %get3A_120 = vector.shape_cast %get3A_119 : vector<1x16xf32> to vector<16xf32>
        %mul3A_121 = arith.mulf %get3A_116, %get3A_120 : vector<16xf32>
        %swap3A_122 = arith.index_cast %scan3A_57 : i32 to index
        %swap3A_123 = arith.constant 64 : index
        %swap3A_124 = tpu.vector_load %arg11[%swap3A_122, %swap3A_123] {strides = array<i32>} : memref<128x128xf32, #tpu.memory_space<vmem>>, vector<1x16xf32>,
        %swap3A_125 = vector.shape_cast %swap3A_124 : vector<1x16xf32> to vector<16xf32>
        %swap3A_126 = vector.shape_cast %mul3A_121 : vector<16xf32> to vector<1x16xf32>
        tpu.vector_store %arg11[%swap3A_122, %swap3A_123], %swap3A_126 {strides = array<i32>} : memref<128x128xf32, #tpu.memory_space<vmem>>, vector<1x16xf32>,
        %get3A_127 = arith.index_cast %scan3A_57 : i32 to index
        %get3A_128 = arith.constant 80 : index
        %get3A_129 = tpu.vector_load %arg11[%get3A_127, %get3A_128] {strides = array<i32>} : memref<128x128xf32, #tpu.memory_space<vmem>>, vector<1x16xf32>,
        %get3A_130 = vector.shape_cast %get3A_129 : vector<1x16xf32> to vector<16xf32>
        %get3A_131 = arith.index_cast %scan3A_57 : i32 to index
        %get3A_132 = arith.constant 80 : index
        %get3A_133 = tpu.vector_load %arg10[%get3A_131, %get3A_132] {strides = array<i32>} : memref<128x128xf32, #tpu.memory_space<vmem>>, vector<1x16xf32>,
        %get3A_134 = vector.shape_cast %get3A_133 : vector<1x16xf32> to vector<16xf32>
        %mul3A_135 = arith.mulf %get3A_130, %get3A_134 : vector<16xf32>
        %swap3A_136 = arith.index_cast %scan3A_57 : i32 to index
        %swap3A_137 = arith.constant 80 : index
        %swap3A_138 = tpu.vector_load %arg11[%swap3A_136, %swap3A_137] {strides = array<i32>} : memref<128x128xf32, #tpu.memory_space<vmem>>, vector<1x16xf32>,
        %swap3A_139 = vector.shape_cast %swap3A_138 : vector<1x16xf32> to vector<16xf32>
        %swap3A_140 = vector.shape_cast %mul3A_135 : vector<16xf32> to vector<1x16xf32>
        tpu.vector_store %arg11[%swap3A_136, %swap3A_137], %swap3A_140 {strides = array<i32>} : memref<128x128xf32, #tpu.memory_space<vmem>>, vector<1x16xf32>,
        %get3A_141 = arith.index_cast %scan3A_57 : i32 to index
        %get3A_142 = arith.constant 96 : index
        %get3A_143 = tpu.vector_load %arg11[%get3A_141, %get3A_142] {strides = array<i32>} : memref<128x128xf32, #tpu.memory_space<vmem>>, vector<1x16xf32>,
        %get3A_144 = vector.shape_cast %get3A_143 : vector<1x16xf32> to vector<16xf32>
        %get3A_145 = arith.index_cast %scan3A_57 : i32 to index
        %get3A_146 = arith.constant 96 : index
        %get3A_147 = tpu.vector_load %arg10[%get3A_145, %get3A_146] {strides = array<i32>} : memref<128x128xf32, #tpu.memory_space<vmem>>, vector<1x16xf32>,
        %get3A_148 = vector.shape_cast %get3A_147 : vector<1x16xf32> to vector<16xf32>
        %mul3A_149 = arith.mulf %get3A_144, %get3A_148 : vector<16xf32>
        %swap3A_150 = arith.index_cast %scan3A_57 : i32 to index
        %swap3A_151 = arith.constant 96 : index
        %swap3A_152 = tpu.vector_load %arg11[%swap3A_150, %swap3A_151] {strides = array<i32>} : memref<128x128xf32, #tpu.memory_space<vmem>>, vector<1x16xf32>,
        %swap3A_153 = vector.shape_cast %swap3A_152 : vector<1x16xf32> to vector<16xf32>
        %swap3A_154 = vector.shape_cast %mul3A_149 : vector<16xf32> to vector<1x16xf32>
        tpu.vector_store %arg11[%swap3A_150, %swap3A_151], %swap3A_154 {strides = array<i32>} : memref<128x128xf32, #tpu.memory_space<vmem>>, vector<1x16xf32>,
        %get3A_155 = arith.index_cast %scan3A_57 : i32 to index
        %get3A_156 = arith.constant 112 : index
        %get3A_157 = tpu.vector_load %arg11[%get3A_155, %get3A_156] {strides = array<i32>} : memref<128x128xf32, #tpu.memory_space<vmem>>, vector<1x16xf32>,
        %get3A_158 = vector.shape_cast %get3A_157 : vector<1x16xf32> to vector<16xf32>
        %get3A_159 = arith.index_cast %scan3A_57 : i32 to index
        %get3A_160 = arith.constant 112 : index
        %get3A_161 = tpu.vector_load %arg10[%get3A_159, %get3A_160] {strides = array<i32>} : memref<128x128xf32, #tpu.memory_space<vmem>>, vector<1x16xf32>,
        %get3A_162 = vector.shape_cast %get3A_161 : vector<1x16xf32> to vector<16xf32>
        %mul3A_163 = arith.mulf %get3A_158, %get3A_162 : vector<16xf32>
        %swap3A_164 = arith.index_cast %scan3A_57 : i32 to index
        %swap3A_165 = arith.constant 112 : index
        %swap3A_166 = tpu.vector_load %arg11[%swap3A_164, %swap3A_165] {strides = array<i32>} : memref<128x128xf32, #tpu.memory_space<vmem>>, vector<1x16xf32>,
        %swap3A_167 = vector.shape_cast %swap3A_166 : vector<1x16xf32> to vector<16xf32>
        %swap3A_168 = vector.shape_cast %mul3A_163 : vector<16xf32> to vector<1x16xf32>
        tpu.vector_store %arg11[%swap3A_164, %swap3A_165], %swap3A_168 {strides = array<i32>} : memref<128x128xf32, #tpu.memory_space<vmem>>, vector<1x16xf32>,
        %scan3A_169 = arith.constant 0 : i32
        scf.yield %scan3A_169 : i32
      }
      %scan3A_55 = arith.constant 128 : i32
      "tpu.region"() ({
        %run_scoped3A = tpu.sem_alloc : memref<!tpu.dma_semaphore, #tpu.memory_space<semaphore_mem>>
        %dma_start3A_57 = arith.constant 0 : i32
        %dma_start3A_58 = arith.constant 0 : i32
        %dma_start3A_59 = tpu.memref_slice %arg7[%dma_start3A_57, %dma_start3A_58] : memref<10240x128xf32, #tpu.memory_space<vmem_shared>> -> memref<10240x128xf32, #tpu.memory_space<vmem_shared>>
        tpu.enqueue_indirect_dma source(%arg11 : memref<128x128xf32, #tpu.memory_space<vmem>>) target(%dma_start3A_59 : memref<10240x128xf32, #tpu.memory_space<vmem_shared>>) offsets(%arg9 : memref<128xi32, #tpu.memory_space<vmem>>) semaphore(%run_scoped3A : memref<!tpu.dma_semaphore, #tpu.memory_space<semaphore_mem>>) {add = true}
        %dma_wait3A_60 = arith.constant 0 : i32
        %dma_wait3A_61 = arith.constant 0 : i32
        %dma_wait3A_62 = tpu.memref_slice %arg7[%dma_wait3A_60, %dma_wait3A_61] : memref<10240x128xf32, #tpu.memory_space<vmem_shared>> -> memref<10240x128xf32, #tpu.memory_space<vmem_shared>>
        tpu.wait_indirect_dma semaphore(%run_scoped3A : memref<!tpu.dma_semaphore, #tpu.memory_space<semaphore_mem>>) src(%arg11 : memref<128x128xf32, #tpu.memory_space<vmem>>) dst(%dma_wait3A_62 : memref<10240x128xf32, #tpu.memory_space<vmem_shared>>)
        tpu.yield
      }) : () -> ()
      %scan3A_56 = arith.constant 0 : i32
      scf.yield %scan3A_56 : i32
    }
    %scan3A_28 = arith.constant 79 : i32
    %barrier3A_29 = arith.constant 0 : index
    tpu.barrier barrier_id(%barrier3A_29)
    %add3A_30 = arith.constant 0 : i32
    %add3A_31 = arith.addi %mul3A_11, %add3A_30 : i32
    "tpu.region"() ({
      %run_scoped3A = tpu.sem_alloc : memref<!tpu.dma_semaphore, #tpu.memory_space<semaphore_mem>>
      %dma_start3A = arith.constant 0 : i32
      %dma_start3A_40 = tpu.memref_slice %arg7[%add3A_31, %dma_start3A] : memref<10240x128xf32, #tpu.memory_space<vmem_shared>> -> memref<128x128xf32, #tpu.memory_space<vmem_shared>>
      %dma_start3A_41 = arith.constant 0 : i32
      %dma_start3A_42 = tpu.memref_slice %arg7[%add3A_31, %dma_start3A_41] : memref<10240x128xf32, #tpu.memory_space<vmem_shared>> -> memref<128x128xf32, #tpu.memory_space<vmem_shared>>
      tpu.enqueue_dma source(%dma_start3A_42 : memref<128x128xf32, #tpu.memory_space<vmem_shared>>) target(%arg10 : memref<128x128xf32, #tpu.memory_space<vmem>>) target_semaphore(%run_scoped3A : memref<!tpu.dma_semaphore, #tpu.memory_space<semaphore_mem>>)
      %dma_wait3A = arith.constant 0 : i32
      %dma_wait3A_43 = tpu.memref_slice %arg7[%add3A_31, %dma_wait3A] : memref<10240x128xf32, #tpu.memory_space<vmem_shared>> -> memref<128x128xf32, #tpu.memory_space<vmem_shared>>
      %dma_wait3A_44 = arith.constant 0 : i32
      %dma_wait3A_45 = tpu.memref_slice %arg7[%add3A_31, %dma_wait3A_44] : memref<10240x128xf32, #tpu.memory_space<vmem_shared>> -> memref<128x128xf32, #tpu.memory_space<vmem_shared>>
      tpu.wait_dma2 semaphore(%run_scoped3A : memref<!tpu.dma_semaphore, #tpu.memory_space<semaphore_mem>>) src(%dma_wait3A_45 : memref<128x128xf32, #tpu.memory_space<vmem_shared>>) dst(%arg10 : memref<128x128xf32, #tpu.memory_space<vmem>>)
      tpu.yield
    }) : () -> ()
    "tpu.region"() ({
      %run_scoped3A = tpu.sem_alloc : memref<!tpu.dma_semaphore, #tpu.memory_space<semaphore_mem>>
      %dma_start3A = arith.constant 0 : i32
      %dma_start3A_40 = tpu.memref_slice %arg6[%arg0, %add3A_31, %dma_start3A] : memref<2x10240x128xf32, #tpu.memory_space<hbm>> -> memref<1x128x128xf32, #tpu.memory_space<hbm>>
      %dma_start3A_41 = tpu.memref_squeeze %dma_start3A_40 : memref<1x128x128xf32, #tpu.memory_space<hbm>> -> memref<128x128xf32, #tpu.memory_space<hbm>>
      %dma_start3A_42 = arith.constant 0 : i32
      %dma_start3A_43 = tpu.memref_slice %arg6[%arg0, %add3A_31, %dma_start3A_42] : memref<2x10240x128xf32, #tpu.memory_space<hbm>> -> memref<1x128x128xf32, #tpu.memory_space<hbm>>
      %dma_start3A_44 = tpu.memref_squeeze %dma_start3A_43 : memref<1x128x128xf32, #tpu.memory_space<hbm>> -> memref<128x128xf32, #tpu.memory_space<hbm>>
      tpu.enqueue_dma source(%arg10 : memref<128x128xf32, #tpu.memory_space<vmem>>) target(%dma_start3A_44 : memref<128x128xf32, #tpu.memory_space<hbm>>) target_semaphore(%run_scoped3A : memref<!tpu.dma_semaphore, #tpu.memory_space<semaphore_mem>>)
      %dma_wait3A = arith.constant 0 : i32
      %dma_wait3A_45 = tpu.memref_slice %arg6[%arg0, %add3A_31, %dma_wait3A] : memref<2x10240x128xf32, #tpu.memory_space<hbm>> -> memref<1x128x128xf32, #tpu.memory_space<hbm>>
      %dma_wait3A_46 = tpu.memref_squeeze %dma_wait3A_45 : memref<1x128x128xf32, #tpu.memory_space<hbm>> -> memref<128x128xf32, #tpu.memory_space<hbm>>
      %dma_wait3A_47 = arith.constant 0 : i32
      %dma_wait3A_48 = tpu.memref_slice %arg6[%arg0, %add3A_31, %dma_wait3A_47] : memref<2x10240x128xf32, #tpu.memory_space<hbm>> -> memref<1x128x128xf32, #tpu.memory_space<hbm>>
      %dma_wait3A_49 = tpu.memref_squeeze %dma_wait3A_48 : memref<1x128x128xf32, #tpu.memory_space<hbm>> -> memref<128x128xf32, #tpu.memory_space<hbm>>
      tpu.wait_dma2 semaphore(%run_scoped3A : memref<!tpu.dma_semaphore, #tpu.memory_space<semaphore_mem>>) src(%arg10 : memref<128x128xf32, #tpu.memory_space<vmem>>) dst(%dma_wait3A_49 : memref<128x128xf32, #tpu.memory_space<hbm>>)
      tpu.yield
    }) : () -> ()
    %add3A_32 = arith.constant 128 : i32
    %add3A_33 = arith.addi %mul3A_11, %add3A_32 : i32
    "tpu.region"() ({
      %run_scoped3A = tpu.sem_alloc : memref<!tpu.dma_semaphore, #tpu.memory_space<semaphore_mem>>
      %dma_start3A = arith.constant 0 : i32
      %dma_start3A_40 = tpu.memref_slice %arg7[%add3A_33, %dma_start3A] : memref<10240x128xf32, #tpu.memory_space<vmem_shared>> -> memref<128x128xf32, #tpu.memory_space<vmem_shared>>
      %dma_start3A_41 = arith.constant 0 : i32
      %dma_start3A_42 = tpu.memref_slice %arg7[%add3A_33, %dma_start3A_41] : memref<10240x128xf32, #tpu.memory_space<vmem_shared>> -> memref<128x128xf32, #tpu.memory_space<vmem_shared>>
      tpu.enqueue_dma source(%dma_start3A_42 : memref<128x128xf32, #tpu.memory_space<vmem_shared>>) target(%arg10 : memref<128x128xf32, #tpu.memory_space<vmem>>) target_semaphore(%run_scoped3A : memref<!tpu.dma_semaphore, #tpu.memory_space<semaphore_mem>>)
      %dma_wait3A = arith.constant 0 : i32
      %dma_wait3A_43 = tpu.memref_slice %arg7[%add3A_33, %dma_wait3A] : memref<10240x128xf32, #tpu.memory_space<vmem_shared>> -> memref<128x128xf32, #tpu.memory_space<vmem_shared>>
      %dma_wait3A_44 = arith.constant 0 : i32
      %dma_wait3A_45 = tpu.memref_slice %arg7[%add3A_33, %dma_wait3A_44] : memref<10240x128xf32, #tpu.memory_space<vmem_shared>> -> memref<128x128xf32, #tpu.memory_space<vmem_shared>>
      tpu.wait_dma2 semaphore(%run_scoped3A : memref<!tpu.dma_semaphore, #tpu.memory_space<semaphore_mem>>) src(%dma_wait3A_45 : memref<128x128xf32, #tpu.memory_space<vmem_shared>>) dst(%arg10 : memref<128x128xf32, #tpu.memory_space<vmem>>)
      tpu.yield
    }) : () -> ()
    "tpu.region"() ({
      %run_scoped3A = tpu.sem_alloc : memref<!tpu.dma_semaphore, #tpu.memory_space<semaphore_mem>>
      %dma_start3A = arith.constant 0 : i32
      %dma_start3A_40 = tpu.memref_slice %arg6[%arg0, %add3A_33, %dma_start3A] : memref<2x10240x128xf32, #tpu.memory_space<hbm>> -> memref<1x128x128xf32, #tpu.memory_space<hbm>>
      %dma_start3A_41 = tpu.memref_squeeze %dma_start3A_40 : memref<1x128x128xf32, #tpu.memory_space<hbm>> -> memref<128x128xf32, #tpu.memory_space<hbm>>
      %dma_start3A_42 = arith.constant 0 : i32
      %dma_start3A_43 = tpu.memref_slice %arg6[%arg0, %add3A_33, %dma_start3A_42] : memref<2x10240x128xf32, #tpu.memory_space<hbm>> -> memref<1x128x128xf32, #tpu.memory_space<hbm>>
      %dma_start3A_44 = tpu.memref_squeeze %dma_start3A_43 : memref<1x128x128xf32, #tpu.memory_space<hbm>> -> memref<128x128xf32, #tpu.memory_space<hbm>>
      tpu.enqueue_dma source(%arg10 : memref<128x128xf32, #tpu.memory_space<vmem>>) target(%dma_start3A_44 : memref<128x128xf32, #tpu.memory_space<hbm>>) target_semaphore(%run_scoped3A : memref<!tpu.dma_semaphore, #tpu.memory_space<semaphore_mem>>)
      %dma_wait3A = arith.constant 0 : i32
      %dma_wait3A_45 = tpu.memref_slice %arg6[%arg0, %add3A_33, %dma_wait3A] : memref<2x10240x128xf32, #tpu.memory_space<hbm>> -> memref<1x128x128xf32, #tpu.memory_space<hbm>>
      %dma_wait3A_46 = tpu.memref_squeeze %dma_wait3A_45 : memref<1x128x128xf32, #tpu.memory_space<hbm>> -> memref<128x128xf32, #tpu.memory_space<hbm>>
      %dma_wait3A_47 = arith.constant 0 : i32
      %dma_wait3A_48 = tpu.memref_slice %arg6[%arg0, %add3A_33, %dma_wait3A_47] : memref<2x10240x128xf32, #tpu.memory_space<hbm>> -> memref<1x128x128xf32, #tpu.memory_space<hbm>>
      %dma_wait3A_49 = tpu.memref_squeeze %dma_wait3A_48 : memref<1x128x128xf32, #tpu.memory_space<hbm>> -> memref<128x128xf32, #tpu.memory_space<hbm>>
      tpu.wait_dma2 semaphore(%run_scoped3A : memref<!tpu.dma_semaphore, #tpu.memory_space<semaphore_mem>>) src(%arg10 : memref<128x128xf32, #tpu.memory_space<vmem>>) dst(%dma_wait3A_49 : memref<128x128xf32, #tpu.memory_space<hbm>>)
      tpu.yield
    }) : () -> ()
    %add3A_34 = arith.constant 256 : i32
    %add3A_35 = arith.addi %mul3A_11, %add3A_34 : i32
    "tpu.region"() ({
      %run_scoped3A = tpu.sem_alloc : memref<!tpu.dma_semaphore, #tpu.memory_space<semaphore_mem>>
      %dma_start3A = arith.constant 0 : i32
      %dma_start3A_40 = tpu.memref_slice %arg7[%add3A_35, %dma_start3A] : memref<10240x128xf32, #tpu.memory_space<vmem_shared>> -> memref<128x128xf32, #tpu.memory_space<vmem_shared>>
      %dma_start3A_41 = arith.constant 0 : i32
      %dma_start3A_42 = tpu.memref_slice %arg7[%add3A_35, %dma_start3A_41] : memref<10240x128xf32, #tpu.memory_space<vmem_shared>> -> memref<128x128xf32, #tpu.memory_space<vmem_shared>>
      tpu.enqueue_dma source(%dma_start3A_42 : memref<128x128xf32, #tpu.memory_space<vmem_shared>>) target(%arg10 : memref<128x128xf32, #tpu.memory_space<vmem>>) target_semaphore(%run_scoped3A : memref<!tpu.dma_semaphore, #tpu.memory_space<semaphore_mem>>)
      %dma_wait3A = arith.constant 0 : i32
      %dma_wait3A_43 = tpu.memref_slice %arg7[%add3A_35, %dma_wait3A] : memref<10240x128xf32, #tpu.memory_space<vmem_shared>> -> memref<128x128xf32, #tpu.memory_space<vmem_shared>>
      %dma_wait3A_44 = arith.constant 0 : i32
      %dma_wait3A_45 = tpu.memref_slice %arg7[%add3A_35, %dma_wait3A_44] : memref<10240x128xf32, #tpu.memory_space<vmem_shared>> -> memref<128x128xf32, #tpu.memory_space<vmem_shared>>
      tpu.wait_dma2 semaphore(%run_scoped3A : memref<!tpu.dma_semaphore, #tpu.memory_space<semaphore_mem>>) src(%dma_wait3A_45 : memref<128x128xf32, #tpu.memory_space<vmem_shared>>) dst(%arg10 : memref<128x128xf32, #tpu.memory_space<vmem>>)
      tpu.yield
    }) : () -> ()
    "tpu.region"() ({
      %run_scoped3A = tpu.sem_alloc : memref<!tpu.dma_semaphore, #tpu.memory_space<semaphore_mem>>
      %dma_start3A = arith.constant 0 : i32
      %dma_start3A_40 = tpu.memref_slice %arg6[%arg0, %add3A_35, %dma_start3A] : memref<2x10240x128xf32, #tpu.memory_space<hbm>> -> memref<1x128x128xf32, #tpu.memory_space<hbm>>
      %dma_start3A_41 = tpu.memref_squeeze %dma_start3A_40 : memref<1x128x128xf32, #tpu.memory_space<hbm>> -> memref<128x128xf32, #tpu.memory_space<hbm>>
      %dma_start3A_42 = arith.constant 0 : i32
      %dma_start3A_43 = tpu.memref_slice %arg6[%arg0, %add3A_35, %dma_start3A_42] : memref<2x10240x128xf32, #tpu.memory_space<hbm>> -> memref<1x128x128xf32, #tpu.memory_space<hbm>>
      %dma_start3A_44 = tpu.memref_squeeze %dma_start3A_43 : memref<1x128x128xf32, #tpu.memory_space<hbm>> -> memref<128x128xf32, #tpu.memory_space<hbm>>
      tpu.enqueue_dma source(%arg10 : memref<128x128xf32, #tpu.memory_space<vmem>>) target(%dma_start3A_44 : memref<128x128xf32, #tpu.memory_space<hbm>>) target_semaphore(%run_scoped3A : memref<!tpu.dma_semaphore, #tpu.memory_space<semaphore_mem>>)
      %dma_wait3A = arith.constant 0 : i32
      %dma_wait3A_45 = tpu.memref_slice %arg6[%arg0, %add3A_35, %dma_wait3A] : memref<2x10240x128xf32, #tpu.memory_space<hbm>> -> memref<1x128x128xf32, #tpu.memory_space<hbm>>
      %dma_wait3A_46 = tpu.memref_squeeze %dma_wait3A_45 : memref<1x128x128xf32, #tpu.memory_space<hbm>> -> memref<128x128xf32, #tpu.memory_space<hbm>>
      %dma_wait3A_47 = arith.constant 0 : i32
      %dma_wait3A_48 = tpu.memref_slice %arg6[%arg0, %add3A_35, %dma_wait3A_47] : memref<2x10240x128xf32, #tpu.memory_space<hbm>> -> memref<1x128x128xf32, #tpu.memory_space<hbm>>
      %dma_wait3A_49 = tpu.memref_squeeze %dma_wait3A_48 : memref<1x128x128xf32, #tpu.memory_space<hbm>> -> memref<128x128xf32, #tpu.memory_space<hbm>>
      tpu.wait_dma2 semaphore(%run_scoped3A : memref<!tpu.dma_semaphore, #tpu.memory_space<semaphore_mem>>) src(%arg10 : memref<128x128xf32, #tpu.memory_space<vmem>>) dst(%dma_wait3A_49 : memref<128x128xf32, #tpu.memory_space<hbm>>)
      tpu.yield
    }) : () -> ()
    %add3A_36 = arith.constant 384 : i32
    %add3A_37 = arith.addi %mul3A_11, %add3A_36 : i32
    "tpu.region"() ({
      %run_scoped3A = tpu.sem_alloc : memref<!tpu.dma_semaphore, #tpu.memory_space<semaphore_mem>>
      %dma_start3A = arith.constant 0 : i32
      %dma_start3A_40 = tpu.memref_slice %arg7[%add3A_37, %dma_start3A] : memref<10240x128xf32, #tpu.memory_space<vmem_shared>> -> memref<128x128xf32, #tpu.memory_space<vmem_shared>>
      %dma_start3A_41 = arith.constant 0 : i32
      %dma_start3A_42 = tpu.memref_slice %arg7[%add3A_37, %dma_start3A_41] : memref<10240x128xf32, #tpu.memory_space<vmem_shared>> -> memref<128x128xf32, #tpu.memory_space<vmem_shared>>
      tpu.enqueue_dma source(%dma_start3A_42 : memref<128x128xf32, #tpu.memory_space<vmem_shared>>) target(%arg10 : memref<128x128xf32, #tpu.memory_space<vmem>>) target_semaphore(%run_scoped3A : memref<!tpu.dma_semaphore, #tpu.memory_space<semaphore_mem>>)
      %dma_wait3A = arith.constant 0 : i32
      %dma_wait3A_43 = tpu.memref_slice %arg7[%add3A_37, %dma_wait3A] : memref<10240x128xf32, #tpu.memory_space<vmem_shared>> -> memref<128x128xf32, #tpu.memory_space<vmem_shared>>
      %dma_wait3A_44 = arith.constant 0 : i32
      %dma_wait3A_45 = tpu.memref_slice %arg7[%add3A_37, %dma_wait3A_44] : memref<10240x128xf32, #tpu.memory_space<vmem_shared>> -> memref<128x128xf32, #tpu.memory_space<vmem_shared>>
      tpu.wait_dma2 semaphore(%run_scoped3A : memref<!tpu.dma_semaphore, #tpu.memory_space<semaphore_mem>>) src(%dma_wait3A_45 : memref<128x128xf32, #tpu.memory_space<vmem_shared>>) dst(%arg10 : memref<128x128xf32, #tpu.memory_space<vmem>>)
      tpu.yield
    }) : () -> ()
    "tpu.region"() ({
      %run_scoped3A = tpu.sem_alloc : memref<!tpu.dma_semaphore, #tpu.memory_space<semaphore_mem>>
      %dma_start3A = arith.constant 0 : i32
      %dma_start3A_40 = tpu.memref_slice %arg6[%arg0, %add3A_37, %dma_start3A] : memref<2x10240x128xf32, #tpu.memory_space<hbm>> -> memref<1x128x128xf32, #tpu.memory_space<hbm>>
      %dma_start3A_41 = tpu.memref_squeeze %dma_start3A_40 : memref<1x128x128xf32, #tpu.memory_space<hbm>> -> memref<128x128xf32, #tpu.memory_space<hbm>>
      %dma_start3A_42 = arith.constant 0 : i32
      %dma_start3A_43 = tpu.memref_slice %arg6[%arg0, %add3A_37, %dma_start3A_42] : memref<2x10240x128xf32, #tpu.memory_space<hbm>> -> memref<1x128x128xf32, #tpu.memory_space<hbm>>
      %dma_start3A_44 = tpu.memref_squeeze %dma_start3A_43 : memref<1x128x128xf32, #tpu.memory_space<hbm>> -> memref<128x128xf32, #tpu.memory_space<hbm>>
      tpu.enqueue_dma source(%arg10 : memref<128x128xf32, #tpu.memory_space<vmem>>) target(%dma_start3A_44 : memref<128x128xf32, #tpu.memory_space<hbm>>) target_semaphore(%run_scoped3A : memref<!tpu.dma_semaphore, #tpu.memory_space<semaphore_mem>>)
      %dma_wait3A = arith.constant 0 : i32
      %dma_wait3A_45 = tpu.memref_slice %arg6[%arg0, %add3A_37, %dma_wait3A] : memref<2x10240x128xf32, #tpu.memory_space<hbm>> -> memref<1x128x128xf32, #tpu.memory_space<hbm>>
      %dma_wait3A_46 = tpu.memref_squeeze %dma_wait3A_45 : memref<1x128x128xf32, #tpu.memory_space<hbm>> -> memref<128x128xf32, #tpu.memory_space<hbm>>
      %dma_wait3A_47 = arith.constant 0 : i32
      %dma_wait3A_48 = tpu.memref_slice %arg6[%arg0, %add3A_37, %dma_wait3A_47] : memref<2x10240x128xf32, #tpu.memory_space<hbm>> -> memref<1x128x128xf32, #tpu.memory_space<hbm>>
      %dma_wait3A_49 = tpu.memref_squeeze %dma_wait3A_48 : memref<1x128x128xf32, #tpu.memory_space<hbm>> -> memref<128x128xf32, #tpu.memory_space<hbm>>
      tpu.wait_dma2 semaphore(%run_scoped3A : memref<!tpu.dma_semaphore, #tpu.memory_space<semaphore_mem>>) src(%arg10 : memref<128x128xf32, #tpu.memory_space<vmem>>) dst(%dma_wait3A_49 : memref<128x128xf32, #tpu.memory_space<hbm>>)
      tpu.yield
    }) : () -> ()
    %add3A_38 = arith.constant 512 : i32
    %add3A_39 = arith.addi %mul3A_11, %add3A_38 : i32
    "tpu.region"() ({
      %run_scoped3A = tpu.sem_alloc : memref<!tpu.dma_semaphore, #tpu.memory_space<semaphore_mem>>
      %dma_start3A = arith.constant 0 : i32
      %dma_start3A_40 = tpu.memref_slice %arg7[%add3A_39, %dma_start3A] : memref<10240x128xf32, #tpu.memory_space<vmem_shared>> -> memref<128x128xf32, #tpu.memory_space<vmem_shared>>
      %dma_start3A_41 = arith.constant 0 : i32
      %dma_start3A_42 = tpu.memref_slice %arg7[%add3A_39, %dma_start3A_41] : memref<10240x128xf32, #tpu.memory_space<vmem_shared>> -> memref<128x128xf32, #tpu.memory_space<vmem_shared>>
      tpu.enqueue_dma source(%dma_start3A_42 : memref<128x128xf32, #tpu.memory_space<vmem_shared>>) target(%arg10 : memref<128x128xf32, #tpu.memory_space<vmem>>) target_semaphore(%run_scoped3A : memref<!tpu.dma_semaphore, #tpu.memory_space<semaphore_mem>>)
      %dma_wait3A = arith.constant 0 : i32
      %dma_wait3A_43 = tpu.memref_slice %arg7[%add3A_39, %dma_wait3A] : memref<10240x128xf32, #tpu.memory_space<vmem_shared>> -> memref<128x128xf32, #tpu.memory_space<vmem_shared>>
      %dma_wait3A_44 = arith.constant 0 : i32
      %dma_wait3A_45 = tpu.memref_slice %arg7[%add3A_39, %dma_wait3A_44] : memref<10240x128xf32, #tpu.memory_space<vmem_shared>> -> memref<128x128xf32, #tpu.memory_space<vmem_shared>>
      tpu.wait_dma2 semaphore(%run_scoped3A : memref<!tpu.dma_semaphore, #tpu.memory_space<semaphore_mem>>) src(%dma_wait3A_45 : memref<128x128xf32, #tpu.memory_space<vmem_shared>>) dst(%arg10 : memref<128x128xf32, #tpu.memory_space<vmem>>)
      tpu.yield
    }) : () -> ()
    "tpu.region"() ({
      %run_scoped3A = tpu.sem_alloc : memref<!tpu.dma_semaphore, #tpu.memory_space<semaphore_mem>>
      %dma_start3A = arith.constant 0 : i32
      %dma_start3A_40 = tpu.memref_slice %arg6[%arg0, %add3A_39, %dma_start3A] : memref<2x10240x128xf32, #tpu.memory_space<hbm>> -> memref<1x128x128xf32, #tpu.memory_space<hbm>>
      %dma_start3A_41 = tpu.memref_squeeze %dma_start3A_40 : memref<1x128x128xf32, #tpu.memory_space<hbm>> -> memref<128x128xf32, #tpu.memory_space<hbm>>
      %dma_start3A_42 = arith.constant 0 : i32
      %dma_start3A_43 = tpu.memref_slice %arg6[%arg0, %add3A_39, %dma_start3A_42] : memref<2x10240x128xf32, #tpu.memory_space<hbm>> -> memref<1x128x128xf32, #tpu.memory_space<hbm>>
      %dma_start3A_44 = tpu.memref_squeeze %dma_start3A_43 : memref<1x128x128xf32, #tpu.memory_space<hbm>> -> memref<128x128xf32, #tpu.memory_space<hbm>>
      tpu.enqueue_dma source(%arg10 : memref<128x128xf32, #tpu.memory_space<vmem>>) target(%dma_start3A_44 : memref<128x128xf32, #tpu.memory_space<hbm>>) target_semaphore(%run_scoped3A : memref<!tpu.dma_semaphore, #tpu.memory_space<semaphore_mem>>)
      %dma_wait3A = arith.constant 0 : i32
      %dma_wait3A_45 = tpu.memref_slice %arg6[%arg0, %add3A_39, %dma_wait3A] : memref<2x10240x128xf32, #tpu.memory_space<hbm>> -> memref<1x128x128xf32, #tpu.memory_space<hbm>>
      %dma_wait3A_46 = tpu.memref_squeeze %dma_wait3A_45 : memref<1x128x128xf32, #tpu.memory_space<hbm>> -> memref<128x128xf32, #tpu.memory_space<hbm>>
      %dma_wait3A_47 = arith.constant 0 : i32
      %dma_wait3A_48 = tpu.memref_slice %arg6[%arg0, %add3A_39, %dma_wait3A_47] : memref<2x10240x128xf32, #tpu.memory_space<hbm>> -> memref<1x128x128xf32, #tpu.memory_space<hbm>>
      %dma_wait3A_49 = tpu.memref_squeeze %dma_wait3A_48 : memref<1x128x128xf32, #tpu.memory_space<hbm>> -> memref<128x128xf32, #tpu.memory_space<hbm>>
      tpu.wait_dma2 semaphore(%run_scoped3A : memref<!tpu.dma_semaphore, #tpu.memory_space<semaphore_mem>>) src(%arg10 : memref<128x128xf32, #tpu.memory_space<vmem>>) dst(%dma_wait3A_49 : memref<128x128xf32, #tpu.memory_space<hbm>>)
      tpu.yield
    }) : () -> ()
    return
  }
}

#map = affine_map<(d0, d1) -> (0, 0)>
#map1 = affine_map<(d0, d1) -> (0)>
#map2 = affine_map<(d0, d1) -> (0, 0, 0)>
module attributes {stable_mosaic.version = 14 : i64} {
  func.func @_edge_pass_body(%arg0: i32, %arg1: i32, %arg2: memref<10000x128xf32, #tpu.memory_space<hbm>>, %arg3: memref<323584x128xf32, #tpu.memory_space<hbm>>, %arg4: memref<323584xi32, #tpu.memory_space<hbm>>, %arg5: memref<323584xi32, #tpu.memory_space<hbm>>, %arg6: memref<2x10240x128xf32, #tpu.memory_space<hbm>>, %arg7: memref<10240x128xf32, #tpu.memory_space<vmem_shared>>, %arg8: memref<128xi32, #tpu.memory_space<vmem>>, %arg9: memref<128xi32, #tpu.memory_space<vmem>>, %arg10: memref<128x128xf32, #tpu.memory_space<vmem>>, %arg11: memref<128x128xf32, #tpu.memory_space<vmem>>, %arg12: memref<!tpu.dma_semaphore, #tpu.memory_space<semaphore_mem>>) attributes {dimension_semantics = [#tpu.dimension_semantics<core_parallel>, #tpu.dimension_semantics<subcore_parallel>], iteration_bounds = array<i64: 2, 16>, scalar_prefetch = 0 : i64, scratch_operands = 6 : i64, tpu.core_type = #tpu.core_type<sc_vector_subcore>, window_params = [{transform_indices = #map}, {transform_indices = #map}, {transform_indices = #map1}, {transform_indices = #map1}, {transform_indices = #map2}]} {
    %mul3A = arith.constant 16 : i32
    %mul3A_0 = arith.muli %arg0, %mul3A : i32
    %add3A = arith.addi %mul3A_0, %arg1 : i32
    %mul3A_1 = arith.constant 10112 : i32
    %mul3A_2 = arith.muli %add3A, %mul3A_1 : i32
    %broadcast_in_dim3A = arith.constant 0.000000e+00 : f32
    %broadcast_in_dim3A_3 = vector.broadcast %broadcast_in_dim3A : f32 to vector<16xf32>
    %scan3A = arith.constant 0 : i32
    %scan3A_4 = arith.constant 0 : i32
    %scan3A_5 = arith.constant 128 : i32
    %scan3A_6 = arith.addi %scan3A_4, %scan3A_5 : i32
    %scan3A_7 = arith.constant 1 : i32
    %scan3A_8 = scf.for %scan3A_40 = %scan3A_4 to %scan3A_6 step %scan3A_7 iter_args(%scan3A_41 = %scan3A) -> (i32)  : i32 {
      %swap3A = arith.index_cast %scan3A_40 : i32 to index
      %swap3A_42 = arith.constant 0 : index
      %swap3A_43 = tpu.vector_load %arg11[%swap3A, %swap3A_42] {strides = array<i32>} : memref<128x128xf32, #tpu.memory_space<vmem>>, vector<1x16xf32>,
      %swap3A_44 = vector.shape_cast %swap3A_43 : vector<1x16xf32> to vector<16xf32>
      %swap3A_45 = vector.shape_cast %broadcast_in_dim3A_3 : vector<16xf32> to vector<1x16xf32>
      tpu.vector_store %arg11[%swap3A, %swap3A_42], %swap3A_45 {strides = array<i32>} : memref<128x128xf32, #tpu.memory_space<vmem>>, vector<1x16xf32>,
      %swap3A_46 = arith.index_cast %scan3A_40 : i32 to index
      %swap3A_47 = arith.constant 16 : index
      %swap3A_48 = tpu.vector_load %arg11[%swap3A_46, %swap3A_47] {strides = array<i32>} : memref<128x128xf32, #tpu.memory_space<vmem>>, vector<1x16xf32>,
      %swap3A_49 = vector.shape_cast %swap3A_48 : vector<1x16xf32> to vector<16xf32>
      %swap3A_50 = vector.shape_cast %broadcast_in_dim3A_3 : vector<16xf32> to vector<1x16xf32>
      tpu.vector_store %arg11[%swap3A_46, %swap3A_47], %swap3A_50 {strides = array<i32>} : memref<128x128xf32, #tpu.memory_space<vmem>>, vector<1x16xf32>,
      %swap3A_51 = arith.index_cast %scan3A_40 : i32 to index
      %swap3A_52 = arith.constant 32 : index
      %swap3A_53 = tpu.vector_load %arg11[%swap3A_51, %swap3A_52] {strides = array<i32>} : memref<128x128xf32, #tpu.memory_space<vmem>>, vector<1x16xf32>,
      %swap3A_54 = vector.shape_cast %swap3A_53 : vector<1x16xf32> to vector<16xf32>
      %swap3A_55 = vector.shape_cast %broadcast_in_dim3A_3 : vector<16xf32> to vector<1x16xf32>
      tpu.vector_store %arg11[%swap3A_51, %swap3A_52], %swap3A_55 {strides = array<i32>} : memref<128x128xf32, #tpu.memory_space<vmem>>, vector<1x16xf32>,
      %swap3A_56 = arith.index_cast %scan3A_40 : i32 to index
      %swap3A_57 = arith.constant 48 : index
      %swap3A_58 = tpu.vector_load %arg11[%swap3A_56, %swap3A_57] {strides = array<i32>} : memref<128x128xf32, #tpu.memory_space<vmem>>, vector<1x16xf32>,
      %swap3A_59 = vector.shape_cast %swap3A_58 : vector<1x16xf32> to vector<16xf32>
      %swap3A_60 = vector.shape_cast %broadcast_in_dim3A_3 : vector<16xf32> to vector<1x16xf32>
      tpu.vector_store %arg11[%swap3A_56, %swap3A_57], %swap3A_60 {strides = array<i32>} : memref<128x128xf32, #tpu.memory_space<vmem>>, vector<1x16xf32>,
      %swap3A_61 = arith.index_cast %scan3A_40 : i32 to index
      %swap3A_62 = arith.constant 64 : index
      %swap3A_63 = tpu.vector_load %arg11[%swap3A_61, %swap3A_62] {strides = array<i32>} : memref<128x128xf32, #tpu.memory_space<vmem>>, vector<1x16xf32>,
      %swap3A_64 = vector.shape_cast %swap3A_63 : vector<1x16xf32> to vector<16xf32>
      %swap3A_65 = vector.shape_cast %broadcast_in_dim3A_3 : vector<16xf32> to vector<1x16xf32>
      tpu.vector_store %arg11[%swap3A_61, %swap3A_62], %swap3A_65 {strides = array<i32>} : memref<128x128xf32, #tpu.memory_space<vmem>>, vector<1x16xf32>,
      %swap3A_66 = arith.index_cast %scan3A_40 : i32 to index
      %swap3A_67 = arith.constant 80 : index
      %swap3A_68 = tpu.vector_load %arg11[%swap3A_66, %swap3A_67] {strides = array<i32>} : memref<128x128xf32, #tpu.memory_space<vmem>>, vector<1x16xf32>,
      %swap3A_69 = vector.shape_cast %swap3A_68 : vector<1x16xf32> to vector<16xf32>
      %swap3A_70 = vector.shape_cast %broadcast_in_dim3A_3 : vector<16xf32> to vector<1x16xf32>
      tpu.vector_store %arg11[%swap3A_66, %swap3A_67], %swap3A_70 {strides = array<i32>} : memref<128x128xf32, #tpu.memory_space<vmem>>, vector<1x16xf32>,
      %swap3A_71 = arith.index_cast %scan3A_40 : i32 to index
      %swap3A_72 = arith.constant 96 : index
      %swap3A_73 = tpu.vector_load %arg11[%swap3A_71, %swap3A_72] {strides = array<i32>} : memref<128x128xf32, #tpu.memory_space<vmem>>, vector<1x16xf32>,
      %swap3A_74 = vector.shape_cast %swap3A_73 : vector<1x16xf32> to vector<16xf32>
      %swap3A_75 = vector.shape_cast %broadcast_in_dim3A_3 : vector<16xf32> to vector<1x16xf32>
      tpu.vector_store %arg11[%swap3A_71, %swap3A_72], %swap3A_75 {strides = array<i32>} : memref<128x128xf32, #tpu.memory_space<vmem>>, vector<1x16xf32>,
      %swap3A_76 = arith.index_cast %scan3A_40 : i32 to index
      %swap3A_77 = arith.constant 112 : index
      %swap3A_78 = tpu.vector_load %arg11[%swap3A_76, %swap3A_77] {strides = array<i32>} : memref<128x128xf32, #tpu.memory_space<vmem>>, vector<1x16xf32>,
      %swap3A_79 = vector.shape_cast %swap3A_78 : vector<1x16xf32> to vector<16xf32>
      %swap3A_80 = vector.shape_cast %broadcast_in_dim3A_3 : vector<16xf32> to vector<1x16xf32>
      tpu.vector_store %arg11[%swap3A_76, %swap3A_77], %swap3A_80 {strides = array<i32>} : memref<128x128xf32, #tpu.memory_space<vmem>>, vector<1x16xf32>,
      %scan3A_81 = arith.constant 0 : i32
      scf.yield %scan3A_81 : i32
    }
    %scan3A_9 = arith.constant 128 : i32
    %mul3A_10 = arith.constant 640 : i32
    %mul3A_11 = arith.muli %arg1, %mul3A_10 : i32
    %add3A_12 = arith.constant 0 : i32
    %add3A_13 = arith.addi %mul3A_11, %add3A_12 : i32
    "tpu.region"() ({
      %run_scoped3A = tpu.sem_alloc : memref<!tpu.dma_semaphore, #tpu.memory_space<semaphore_mem>>
      %dma_start3A = arith.constant 0 : i32
      %dma_start3A_40 = tpu.memref_slice %arg7[%add3A_13, %dma_start3A] : memref<10240x128xf32, #tpu.memory_space<vmem_shared>> -> memref<128x128xf32, #tpu.memory_space<vmem_shared>>
      %dma_start3A_41 = arith.constant 0 : i32
      %dma_start3A_42 = tpu.memref_slice %arg7[%add3A_13, %dma_start3A_41] : memref<10240x128xf32, #tpu.memory_space<vmem_shared>> -> memref<128x128xf32, #tpu.memory_space<vmem_shared>>
      tpu.enqueue_dma source(%arg11 : memref<128x128xf32, #tpu.memory_space<vmem>>) target(%dma_start3A_42 : memref<128x128xf32, #tpu.memory_space<vmem_shared>>) target_semaphore(%run_scoped3A : memref<!tpu.dma_semaphore, #tpu.memory_space<semaphore_mem>>)
      %dma_wait3A = arith.constant 0 : i32
      %dma_wait3A_43 = tpu.memref_slice %arg7[%add3A_13, %dma_wait3A] : memref<10240x128xf32, #tpu.memory_space<vmem_shared>> -> memref<128x128xf32, #tpu.memory_space<vmem_shared>>
      %dma_wait3A_44 = arith.constant 0 : i32
      %dma_wait3A_45 = tpu.memref_slice %arg7[%add3A_13, %dma_wait3A_44] : memref<10240x128xf32, #tpu.memory_space<vmem_shared>> -> memref<128x128xf32, #tpu.memory_space<vmem_shared>>
      tpu.wait_dma2 semaphore(%run_scoped3A : memref<!tpu.dma_semaphore, #tpu.memory_space<semaphore_mem>>) src(%arg11 : memref<128x128xf32, #tpu.memory_space<vmem>>) dst(%dma_wait3A_45 : memref<128x128xf32, #tpu.memory_space<vmem_shared>>)
      tpu.yield
    }) : () -> ()
    %add3A_14 = arith.constant 128 : i32
    %add3A_15 = arith.addi %mul3A_11, %add3A_14 : i32
    "tpu.region"() ({
      %run_scoped3A = tpu.sem_alloc : memref<!tpu.dma_semaphore, #tpu.memory_space<semaphore_mem>>
      %dma_start3A = arith.constant 0 : i32
      %dma_start3A_40 = tpu.memref_slice %arg7[%add3A_15, %dma_start3A] : memref<10240x128xf32, #tpu.memory_space<vmem_shared>> -> memref<128x128xf32, #tpu.memory_space<vmem_shared>>
      %dma_start3A_41 = arith.constant 0 : i32
      %dma_start3A_42 = tpu.memref_slice %arg7[%add3A_15, %dma_start3A_41] : memref<10240x128xf32, #tpu.memory_space<vmem_shared>> -> memref<128x128xf32, #tpu.memory_space<vmem_shared>>
      tpu.enqueue_dma source(%arg11 : memref<128x128xf32, #tpu.memory_space<vmem>>) target(%dma_start3A_42 : memref<128x128xf32, #tpu.memory_space<vmem_shared>>) target_semaphore(%run_scoped3A : memref<!tpu.dma_semaphore, #tpu.memory_space<semaphore_mem>>)
      %dma_wait3A = arith.constant 0 : i32
      %dma_wait3A_43 = tpu.memref_slice %arg7[%add3A_15, %dma_wait3A] : memref<10240x128xf32, #tpu.memory_space<vmem_shared>> -> memref<128x128xf32, #tpu.memory_space<vmem_shared>>
      %dma_wait3A_44 = arith.constant 0 : i32
      %dma_wait3A_45 = tpu.memref_slice %arg7[%add3A_15, %dma_wait3A_44] : memref<10240x128xf32, #tpu.memory_space<vmem_shared>> -> memref<128x128xf32, #tpu.memory_space<vmem_shared>>
      tpu.wait_dma2 semaphore(%run_scoped3A : memref<!tpu.dma_semaphore, #tpu.memory_space<semaphore_mem>>) src(%arg11 : memref<128x128xf32, #tpu.memory_space<vmem>>) dst(%dma_wait3A_45 : memref<128x128xf32, #tpu.memory_space<vmem_shared>>)
      tpu.yield
    }) : () -> ()
    %add3A_16 = arith.constant 256 : i32
    %add3A_17 = arith.addi %mul3A_11, %add3A_16 : i32
    "tpu.region"() ({
      %run_scoped3A = tpu.sem_alloc : memref<!tpu.dma_semaphore, #tpu.memory_space<semaphore_mem>>
      %dma_start3A = arith.constant 0 : i32
      %dma_start3A_40 = tpu.memref_slice %arg7[%add3A_17, %dma_start3A] : memref<10240x128xf32, #tpu.memory_space<vmem_shared>> -> memref<128x128xf32, #tpu.memory_space<vmem_shared>>
      %dma_start3A_41 = arith.constant 0 : i32
      %dma_start3A_42 = tpu.memref_slice %arg7[%add3A_17, %dma_start3A_41] : memref<10240x128xf32, #tpu.memory_space<vmem_shared>> -> memref<128x128xf32, #tpu.memory_space<vmem_shared>>
      tpu.enqueue_dma source(%arg11 : memref<128x128xf32, #tpu.memory_space<vmem>>) target(%dma_start3A_42 : memref<128x128xf32, #tpu.memory_space<vmem_shared>>) target_semaphore(%run_scoped3A : memref<!tpu.dma_semaphore, #tpu.memory_space<semaphore_mem>>)
      %dma_wait3A = arith.constant 0 : i32
      %dma_wait3A_43 = tpu.memref_slice %arg7[%add3A_17, %dma_wait3A] : memref<10240x128xf32, #tpu.memory_space<vmem_shared>> -> memref<128x128xf32, #tpu.memory_space<vmem_shared>>
      %dma_wait3A_44 = arith.constant 0 : i32
      %dma_wait3A_45 = tpu.memref_slice %arg7[%add3A_17, %dma_wait3A_44] : memref<10240x128xf32, #tpu.memory_space<vmem_shared>> -> memref<128x128xf32, #tpu.memory_space<vmem_shared>>
      tpu.wait_dma2 semaphore(%run_scoped3A : memref<!tpu.dma_semaphore, #tpu.memory_space<semaphore_mem>>) src(%arg11 : memref<128x128xf32, #tpu.memory_space<vmem>>) dst(%dma_wait3A_45 : memref<128x128xf32, #tpu.memory_space<vmem_shared>>)
      tpu.yield
    }) : () -> ()
    %add3A_18 = arith.constant 384 : i32
    %add3A_19 = arith.addi %mul3A_11, %add3A_18 : i32
    "tpu.region"() ({
      %run_scoped3A = tpu.sem_alloc : memref<!tpu.dma_semaphore, #tpu.memory_space<semaphore_mem>>
      %dma_start3A = arith.constant 0 : i32
      %dma_start3A_40 = tpu.memref_slice %arg7[%add3A_19, %dma_start3A] : memref<10240x128xf32, #tpu.memory_space<vmem_shared>> -> memref<128x128xf32, #tpu.memory_space<vmem_shared>>
      %dma_start3A_41 = arith.constant 0 : i32
      %dma_start3A_42 = tpu.memref_slice %arg7[%add3A_19, %dma_start3A_41] : memref<10240x128xf32, #tpu.memory_space<vmem_shared>> -> memref<128x128xf32, #tpu.memory_space<vmem_shared>>
      tpu.enqueue_dma source(%arg11 : memref<128x128xf32, #tpu.memory_space<vmem>>) target(%dma_start3A_42 : memref<128x128xf32, #tpu.memory_space<vmem_shared>>) target_semaphore(%run_scoped3A : memref<!tpu.dma_semaphore, #tpu.memory_space<semaphore_mem>>)
      %dma_wait3A = arith.constant 0 : i32
      %dma_wait3A_43 = tpu.memref_slice %arg7[%add3A_19, %dma_wait3A] : memref<10240x128xf32, #tpu.memory_space<vmem_shared>> -> memref<128x128xf32, #tpu.memory_space<vmem_shared>>
      %dma_wait3A_44 = arith.constant 0 : i32
      %dma_wait3A_45 = tpu.memref_slice %arg7[%add3A_19, %dma_wait3A_44] : memref<10240x128xf32, #tpu.memory_space<vmem_shared>> -> memref<128x128xf32, #tpu.memory_space<vmem_shared>>
      tpu.wait_dma2 semaphore(%run_scoped3A : memref<!tpu.dma_semaphore, #tpu.memory_space<semaphore_mem>>) src(%arg11 : memref<128x128xf32, #tpu.memory_space<vmem>>) dst(%dma_wait3A_45 : memref<128x128xf32, #tpu.memory_space<vmem_shared>>)
      tpu.yield
    }) : () -> ()
    %add3A_20 = arith.constant 512 : i32
    %add3A_21 = arith.addi %mul3A_11, %add3A_20 : i32
    "tpu.region"() ({
      %run_scoped3A = tpu.sem_alloc : memref<!tpu.dma_semaphore, #tpu.memory_space<semaphore_mem>>
      %dma_start3A = arith.constant 0 : i32
      %dma_start3A_40 = tpu.memref_slice %arg7[%add3A_21, %dma_start3A] : memref<10240x128xf32, #tpu.memory_space<vmem_shared>> -> memref<128x128xf32, #tpu.memory_space<vmem_shared>>
      %dma_start3A_41 = arith.constant 0 : i32
      %dma_start3A_42 = tpu.memref_slice %arg7[%add3A_21, %dma_start3A_41] : memref<10240x128xf32, #tpu.memory_space<vmem_shared>> -> memref<128x128xf32, #tpu.memory_space<vmem_shared>>
      tpu.enqueue_dma source(%arg11 : memref<128x128xf32, #tpu.memory_space<vmem>>) target(%dma_start3A_42 : memref<128x128xf32, #tpu.memory_space<vmem_shared>>) target_semaphore(%run_scoped3A : memref<!tpu.dma_semaphore, #tpu.memory_space<semaphore_mem>>)
      %dma_wait3A = arith.constant 0 : i32
      %dma_wait3A_43 = tpu.memref_slice %arg7[%add3A_21, %dma_wait3A] : memref<10240x128xf32, #tpu.memory_space<vmem_shared>> -> memref<128x128xf32, #tpu.memory_space<vmem_shared>>
      %dma_wait3A_44 = arith.constant 0 : i32
      %dma_wait3A_45 = tpu.memref_slice %arg7[%add3A_21, %dma_wait3A_44] : memref<10240x128xf32, #tpu.memory_space<vmem_shared>> -> memref<128x128xf32, #tpu.memory_space<vmem_shared>>
      tpu.wait_dma2 semaphore(%run_scoped3A : memref<!tpu.dma_semaphore, #tpu.memory_space<semaphore_mem>>) src(%arg11 : memref<128x128xf32, #tpu.memory_space<vmem>>) dst(%dma_wait3A_45 : memref<128x128xf32, #tpu.memory_space<vmem_shared>>)
      tpu.yield
    }) : () -> ()
    %barrier3A = arith.constant 0 : index
    tpu.barrier barrier_id(%barrier3A)
    %scan3A_22 = arith.constant 0 : i32
    %scan3A_23 = arith.constant 0 : i32
    %scan3A_24 = arith.constant 79 : i32
    %scan3A_25 = arith.addi %scan3A_23, %scan3A_24 : i32
    %scan3A_26 = arith.constant 1 : i32
    %scan3A_27 = scf.for %scan3A_40 = %scan3A_23 to %scan3A_25 step %scan3A_26 iter_args(%scan3A_41 = %scan3A_22) -> (i32)  : i32 {
      %mul3A_42 = arith.constant 128 : i32
      %mul3A_43 = arith.muli %scan3A_40, %mul3A_42 : i32
      %add3A_44 = arith.addi %mul3A_2, %mul3A_43 : i32
      "tpu.region"() ({
        %run_scoped3A = tpu.sem_alloc : memref<!tpu.dma_semaphore, #tpu.memory_space<semaphore_mem>>
        %dma_start3A_57 = tpu.memref_slice %arg4[%add3A_44] : memref<323584xi32, #tpu.memory_space<hbm>> -> memref<128xi32, #tpu.memory_space<hbm>>
        %dma_start3A_58 = tpu.memref_slice %arg4[%add3A_44] : memref<323584xi32, #tpu.memory_space<hbm>> -> memref<128xi32, #tpu.memory_space<hbm>>
        tpu.enqueue_dma source(%dma_start3A_58 : memref<128xi32, #tpu.memory_space<hbm>>) target(%arg8 : memref<128xi32, #tpu.memory_space<vmem>>) target_semaphore(%run_scoped3A : memref<!tpu.dma_semaphore, #tpu.memory_space<semaphore_mem>>)
        %dma_wait3A_59 = tpu.memref_slice %arg4[%add3A_44] : memref<323584xi32, #tpu.memory_space<hbm>> -> memref<128xi32, #tpu.memory_space<hbm>>
        %dma_wait3A_60 = tpu.memref_slice %arg4[%add3A_44] : memref<323584xi32, #tpu.memory_space<hbm>> -> memref<128xi32, #tpu.memory_space<hbm>>
        tpu.wait_dma2 semaphore(%run_scoped3A : memref<!tpu.dma_semaphore, #tpu.memory_space<semaphore_mem>>) src(%dma_wait3A_60 : memref<128xi32, #tpu.memory_space<hbm>>) dst(%arg8 : memref<128xi32, #tpu.memory_space<vmem>>)
        tpu.yield
      }) : () -> ()
      "tpu.region"() ({
        %run_scoped3A = tpu.sem_alloc : memref<!tpu.dma_semaphore, #tpu.memory_space<semaphore_mem>>
        %dma_start3A_57 = tpu.memref_slice %arg5[%add3A_44] : memref<323584xi32, #tpu.memory_space<hbm>> -> memref<128xi32, #tpu.memory_space<hbm>>
        %dma_start3A_58 = tpu.memref_slice %arg5[%add3A_44] : memref<323584xi32, #tpu.memory_space<hbm>> -> memref<128xi32, #tpu.memory_space<hbm>>
        tpu.enqueue_dma source(%dma_start3A_58 : memref<128xi32, #tpu.memory_space<hbm>>) target(%arg9 : memref<128xi32, #tpu.memory_space<vmem>>) target_semaphore(%run_scoped3A : memref<!tpu.dma_semaphore, #tpu.memory_space<semaphore_mem>>)
        %dma_wait3A_59 = tpu.memref_slice %arg5[%add3A_44] : memref<323584xi32, #tpu.memory_space<hbm>> -> memref<128xi32, #tpu.memory_space<hbm>>
        %dma_wait3A_60 = tpu.memref_slice %arg5[%add3A_44] : memref<323584xi32, #tpu.memory_space<hbm>> -> memref<128xi32, #tpu.memory_space<hbm>>
        tpu.wait_dma2 semaphore(%run_scoped3A : memref<!tpu.dma_semaphore, #tpu.memory_space<semaphore_mem>>) src(%dma_wait3A_60 : memref<128xi32, #tpu.memory_space<hbm>>) dst(%arg9 : memref<128xi32, #tpu.memory_space<vmem>>)
        tpu.yield
      }) : () -> ()
      %dma_start3A = arith.constant 0 : i32
      %dma_start3A_45 = arith.constant 0 : i32
      %dma_start3A_46 = tpu.memref_slice %arg2[%dma_start3A, %dma_start3A_45] : memref<10000x128xf32, #tpu.memory_space<hbm>> -> memref<10000x128xf32, #tpu.memory_space<hbm>>
      tpu.enqueue_indirect_dma source(%dma_start3A_46 : memref<10000x128xf32, #tpu.memory_space<hbm>>) target(%arg10 : memref<128x128xf32, #tpu.memory_space<vmem>>) offsets(%arg8 : memref<128xi32, #tpu.memory_space<vmem>>) semaphore(%arg12 : memref<!tpu.dma_semaphore, #tpu.memory_space<semaphore_mem>>)
      %dma_wait3A = arith.constant 0 : i32
      %dma_wait3A_47 = arith.constant 0 : i32
      %dma_wait3A_48 = tpu.memref_slice %arg2[%dma_wait3A, %dma_wait3A_47] : memref<10000x128xf32, #tpu.memory_space<hbm>> -> memref<10000x128xf32, #tpu.memory_space<hbm>>
      tpu.wait_indirect_dma semaphore(%arg12 : memref<!tpu.dma_semaphore, #tpu.memory_space<semaphore_mem>>) src(%dma_wait3A_48 : memref<10000x128xf32, #tpu.memory_space<hbm>>) dst(%arg10 : memref<128x128xf32, #tpu.memory_space<vmem>>)
      "tpu.region"() ({
        %run_scoped3A = tpu.sem_alloc : memref<!tpu.dma_semaphore, #tpu.memory_space<semaphore_mem>>
        %dma_start3A_57 = arith.constant 0 : i32
        %dma_start3A_58 = tpu.memref_slice %arg3[%add3A_44, %dma_start3A_57] : memref<323584x128xf32, #tpu.memory_space<hbm>> -> memref<128x128xf32, #tpu.memory_space<hbm>>
        %dma_start3A_59 = arith.constant 0 : i32
        %dma_start3A_60 = tpu.memref_slice %arg3[%add3A_44, %dma_start3A_59] : memref<323584x128xf32, #tpu.memory_space<hbm>> -> memref<128x128xf32, #tpu.memory_space<hbm>>
        tpu.enqueue_dma source(%dma_start3A_60 : memref<128x128xf32, #tpu.memory_space<hbm>>) target(%arg11 : memref<128x128xf32, #tpu.memory_space<vmem>>) target_semaphore(%run_scoped3A : memref<!tpu.dma_semaphore, #tpu.memory_space<semaphore_mem>>)
        %dma_wait3A_61 = arith.constant 0 : i32
        %dma_wait3A_62 = tpu.memref_slice %arg3[%add3A_44, %dma_wait3A_61] : memref<323584x128xf32, #tpu.memory_space<hbm>> -> memref<128x128xf32, #tpu.memory_space<hbm>>
        %dma_wait3A_63 = arith.constant 0 : i32
        %dma_wait3A_64 = tpu.memref_slice %arg3[%add3A_44, %dma_wait3A_63] : memref<323584x128xf32, #tpu.memory_space<hbm>> -> memref<128x128xf32, #tpu.memory_space<hbm>>
        tpu.wait_dma2 semaphore(%run_scoped3A : memref<!tpu.dma_semaphore, #tpu.memory_space<semaphore_mem>>) src(%dma_wait3A_64 : memref<128x128xf32, #tpu.memory_space<hbm>>) dst(%arg11 : memref<128x128xf32, #tpu.memory_space<vmem>>)
        tpu.yield
      }) : () -> ()
      %scan3A_49 = arith.constant 0 : i32
      %scan3A_50 = arith.constant 0 : i32
      %scan3A_51 = arith.constant 128 : i32
      %scan3A_52 = arith.addi %scan3A_50, %scan3A_51 : i32
      %scan3A_53 = arith.constant 1 : i32
      %scan3A_54 = scf.for %scan3A_57 = %scan3A_50 to %scan3A_52 step %scan3A_53 iter_args(%scan3A_58 = %scan3A_49) -> (i32)  : i32 {
        %get3A = arith.index_cast %scan3A_57 : i32 to index
        %get3A_59 = arith.constant 0 : index
        %get3A_60 = tpu.vector_load %arg11[%get3A, %get3A_59] {strides = array<i32>} : memref<128x128xf32, #tpu.memory_space<vmem>>, vector<1x16xf32>,
        %get3A_61 = vector.shape_cast %get3A_60 : vector<1x16xf32> to vector<16xf32>
        %get3A_62 = arith.index_cast %scan3A_57 : i32 to index
        %get3A_63 = arith.constant 0 : index
        %get3A_64 = tpu.vector_load %arg10[%get3A_62, %get3A_63] {strides = array<i32>} : memref<128x128xf32, #tpu.memory_space<vmem>>, vector<1x16xf32>,
        %get3A_65 = vector.shape_cast %get3A_64 : vector<1x16xf32> to vector<16xf32>
        %mul3A_66 = arith.mulf %get3A_61, %get3A_65 : vector<16xf32>
        %swap3A = arith.index_cast %scan3A_57 : i32 to index
        %swap3A_67 = arith.constant 0 : index
        %swap3A_68 = tpu.vector_load %arg11[%swap3A, %swap3A_67] {strides = array<i32>} : memref<128x128xf32, #tpu.memory_space<vmem>>, vector<1x16xf32>,
        %swap3A_69 = vector.shape_cast %swap3A_68 : vector<1x16xf32> to vector<16xf32>
        %swap3A_70 = vector.shape_cast %mul3A_66 : vector<16xf32> to vector<1x16xf32>
        tpu.vector_store %arg11[%swap3A, %swap3A_67], %swap3A_70 {strides = array<i32>} : memref<128x128xf32, #tpu.memory_space<vmem>>, vector<1x16xf32>,
        %get3A_71 = arith.index_cast %scan3A_57 : i32 to index
        %get3A_72 = arith.constant 16 : index
        %get3A_73 = tpu.vector_load %arg11[%get3A_71, %get3A_72] {strides = array<i32>} : memref<128x128xf32, #tpu.memory_space<vmem>>, vector<1x16xf32>,
        %get3A_74 = vector.shape_cast %get3A_73 : vector<1x16xf32> to vector<16xf32>
        %get3A_75 = arith.index_cast %scan3A_57 : i32 to index
        %get3A_76 = arith.constant 16 : index
        %get3A_77 = tpu.vector_load %arg10[%get3A_75, %get3A_76] {strides = array<i32>} : memref<128x128xf32, #tpu.memory_space<vmem>>, vector<1x16xf32>,
        %get3A_78 = vector.shape_cast %get3A_77 : vector<1x16xf32> to vector<16xf32>
        %mul3A_79 = arith.mulf %get3A_74, %get3A_78 : vector<16xf32>
        %swap3A_80 = arith.index_cast %scan3A_57 : i32 to index
        %swap3A_81 = arith.constant 16 : index
        %swap3A_82 = tpu.vector_load %arg11[%swap3A_80, %swap3A_81] {strides = array<i32>} : memref<128x128xf32, #tpu.memory_space<vmem>>, vector<1x16xf32>,
        %swap3A_83 = vector.shape_cast %swap3A_82 : vector<1x16xf32> to vector<16xf32>
        %swap3A_84 = vector.shape_cast %mul3A_79 : vector<16xf32> to vector<1x16xf32>
        tpu.vector_store %arg11[%swap3A_80, %swap3A_81], %swap3A_84 {strides = array<i32>} : memref<128x128xf32, #tpu.memory_space<vmem>>, vector<1x16xf32>,
        %get3A_85 = arith.index_cast %scan3A_57 : i32 to index
        %get3A_86 = arith.constant 32 : index
        %get3A_87 = tpu.vector_load %arg11[%get3A_85, %get3A_86] {strides = array<i32>} : memref<128x128xf32, #tpu.memory_space<vmem>>, vector<1x16xf32>,
        %get3A_88 = vector.shape_cast %get3A_87 : vector<1x16xf32> to vector<16xf32>
        %get3A_89 = arith.index_cast %scan3A_57 : i32 to index
        %get3A_90 = arith.constant 32 : index
        %get3A_91 = tpu.vector_load %arg10[%get3A_89, %get3A_90] {strides = array<i32>} : memref<128x128xf32, #tpu.memory_space<vmem>>, vector<1x16xf32>,
        %get3A_92 = vector.shape_cast %get3A_91 : vector<1x16xf32> to vector<16xf32>
        %mul3A_93 = arith.mulf %get3A_88, %get3A_92 : vector<16xf32>
        %swap3A_94 = arith.index_cast %scan3A_57 : i32 to index
        %swap3A_95 = arith.constant 32 : index
        %swap3A_96 = tpu.vector_load %arg11[%swap3A_94, %swap3A_95] {strides = array<i32>} : memref<128x128xf32, #tpu.memory_space<vmem>>, vector<1x16xf32>,
        %swap3A_97 = vector.shape_cast %swap3A_96 : vector<1x16xf32> to vector<16xf32>
        %swap3A_98 = vector.shape_cast %mul3A_93 : vector<16xf32> to vector<1x16xf32>
        tpu.vector_store %arg11[%swap3A_94, %swap3A_95], %swap3A_98 {strides = array<i32>} : memref<128x128xf32, #tpu.memory_space<vmem>>, vector<1x16xf32>,
        %get3A_99 = arith.index_cast %scan3A_57 : i32 to index
        %get3A_100 = arith.constant 48 : index
        %get3A_101 = tpu.vector_load %arg11[%get3A_99, %get3A_100] {strides = array<i32>} : memref<128x128xf32, #tpu.memory_space<vmem>>, vector<1x16xf32>,
        %get3A_102 = vector.shape_cast %get3A_101 : vector<1x16xf32> to vector<16xf32>
        %get3A_103 = arith.index_cast %scan3A_57 : i32 to index
        %get3A_104 = arith.constant 48 : index
        %get3A_105 = tpu.vector_load %arg10[%get3A_103, %get3A_104] {strides = array<i32>} : memref<128x128xf32, #tpu.memory_space<vmem>>, vector<1x16xf32>,
        %get3A_106 = vector.shape_cast %get3A_105 : vector<1x16xf32> to vector<16xf32>
        %mul3A_107 = arith.mulf %get3A_102, %get3A_106 : vector<16xf32>
        %swap3A_108 = arith.index_cast %scan3A_57 : i32 to index
        %swap3A_109 = arith.constant 48 : index
        %swap3A_110 = tpu.vector_load %arg11[%swap3A_108, %swap3A_109] {strides = array<i32>} : memref<128x128xf32, #tpu.memory_space<vmem>>, vector<1x16xf32>,
        %swap3A_111 = vector.shape_cast %swap3A_110 : vector<1x16xf32> to vector<16xf32>
        %swap3A_112 = vector.shape_cast %mul3A_107 : vector<16xf32> to vector<1x16xf32>
        tpu.vector_store %arg11[%swap3A_108, %swap3A_109], %swap3A_112 {strides = array<i32>} : memref<128x128xf32, #tpu.memory_space<vmem>>, vector<1x16xf32>,
        %get3A_113 = arith.index_cast %scan3A_57 : i32 to index
        %get3A_114 = arith.constant 64 : index
        %get3A_115 = tpu.vector_load %arg11[%get3A_113, %get3A_114] {strides = array<i32>} : memref<128x128xf32, #tpu.memory_space<vmem>>, vector<1x16xf32>,
        %get3A_116 = vector.shape_cast %get3A_115 : vector<1x16xf32> to vector<16xf32>
        %get3A_117 = arith.index_cast %scan3A_57 : i32 to index
        %get3A_118 = arith.constant 64 : index
        %get3A_119 = tpu.vector_load %arg10[%get3A_117, %get3A_118] {strides = array<i32>} : memref<128x128xf32, #tpu.memory_space<vmem>>, vector<1x16xf32>,
        %get3A_120 = vector.shape_cast %get3A_119 : vector<1x16xf32> to vector<16xf32>
        %mul3A_121 = arith.mulf %get3A_116, %get3A_120 : vector<16xf32>
        %swap3A_122 = arith.index_cast %scan3A_57 : i32 to index
        %swap3A_123 = arith.constant 64 : index
        %swap3A_124 = tpu.vector_load %arg11[%swap3A_122, %swap3A_123] {strides = array<i32>} : memref<128x128xf32, #tpu.memory_space<vmem>>, vector<1x16xf32>,
        %swap3A_125 = vector.shape_cast %swap3A_124 : vector<1x16xf32> to vector<16xf32>
        %swap3A_126 = vector.shape_cast %mul3A_121 : vector<16xf32> to vector<1x16xf32>
        tpu.vector_store %arg11[%swap3A_122, %swap3A_123], %swap3A_126 {strides = array<i32>} : memref<128x128xf32, #tpu.memory_space<vmem>>, vector<1x16xf32>,
        %get3A_127 = arith.index_cast %scan3A_57 : i32 to index
        %get3A_128 = arith.constant 80 : index
        %get3A_129 = tpu.vector_load %arg11[%get3A_127, %get3A_128] {strides = array<i32>} : memref<128x128xf32, #tpu.memory_space<vmem>>, vector<1x16xf32>,
        %get3A_130 = vector.shape_cast %get3A_129 : vector<1x16xf32> to vector<16xf32>
        %get3A_131 = arith.index_cast %scan3A_57 : i32 to index
        %get3A_132 = arith.constant 80 : index
        %get3A_133 = tpu.vector_load %arg10[%get3A_131, %get3A_132] {strides = array<i32>} : memref<128x128xf32, #tpu.memory_space<vmem>>, vector<1x16xf32>,
        %get3A_134 = vector.shape_cast %get3A_133 : vector<1x16xf32> to vector<16xf32>
        %mul3A_135 = arith.mulf %get3A_130, %get3A_134 : vector<16xf32>
        %swap3A_136 = arith.index_cast %scan3A_57 : i32 to index
        %swap3A_137 = arith.constant 80 : index
        %swap3A_138 = tpu.vector_load %arg11[%swap3A_136, %swap3A_137] {strides = array<i32>} : memref<128x128xf32, #tpu.memory_space<vmem>>, vector<1x16xf32>,
        %swap3A_139 = vector.shape_cast %swap3A_138 : vector<1x16xf32> to vector<16xf32>
        %swap3A_140 = vector.shape_cast %mul3A_135 : vector<16xf32> to vector<1x16xf32>
        tpu.vector_store %arg11[%swap3A_136, %swap3A_137], %swap3A_140 {strides = array<i32>} : memref<128x128xf32, #tpu.memory_space<vmem>>, vector<1x16xf32>,
        %get3A_141 = arith.index_cast %scan3A_57 : i32 to index
        %get3A_142 = arith.constant 96 : index
        %get3A_143 = tpu.vector_load %arg11[%get3A_141, %get3A_142] {strides = array<i32>} : memref<128x128xf32, #tpu.memory_space<vmem>>, vector<1x16xf32>,
        %get3A_144 = vector.shape_cast %get3A_143 : vector<1x16xf32> to vector<16xf32>
        %get3A_145 = arith.index_cast %scan3A_57 : i32 to index
        %get3A_146 = arith.constant 96 : index
        %get3A_147 = tpu.vector_load %arg10[%get3A_145, %get3A_146] {strides = array<i32>} : memref<128x128xf32, #tpu.memory_space<vmem>>, vector<1x16xf32>,
        %get3A_148 = vector.shape_cast %get3A_147 : vector<1x16xf32> to vector<16xf32>
        %mul3A_149 = arith.mulf %get3A_144, %get3A_148 : vector<16xf32>
        %swap3A_150 = arith.index_cast %scan3A_57 : i32 to index
        %swap3A_151 = arith.constant 96 : index
        %swap3A_152 = tpu.vector_load %arg11[%swap3A_150, %swap3A_151] {strides = array<i32>} : memref<128x128xf32, #tpu.memory_space<vmem>>, vector<1x16xf32>,
        %swap3A_153 = vector.shape_cast %swap3A_152 : vector<1x16xf32> to vector<16xf32>
        %swap3A_154 = vector.shape_cast %mul3A_149 : vector<16xf32> to vector<1x16xf32>
        tpu.vector_store %arg11[%swap3A_150, %swap3A_151], %swap3A_154 {strides = array<i32>} : memref<128x128xf32, #tpu.memory_space<vmem>>, vector<1x16xf32>,
        %get3A_155 = arith.index_cast %scan3A_57 : i32 to index
        %get3A_156 = arith.constant 112 : index
        %get3A_157 = tpu.vector_load %arg11[%get3A_155, %get3A_156] {strides = array<i32>} : memref<128x128xf32, #tpu.memory_space<vmem>>, vector<1x16xf32>,
        %get3A_158 = vector.shape_cast %get3A_157 : vector<1x16xf32> to vector<16xf32>
        %get3A_159 = arith.index_cast %scan3A_57 : i32 to index
        %get3A_160 = arith.constant 112 : index
        %get3A_161 = tpu.vector_load %arg10[%get3A_159, %get3A_160] {strides = array<i32>} : memref<128x128xf32, #tpu.memory_space<vmem>>, vector<1x16xf32>,
        %get3A_162 = vector.shape_cast %get3A_161 : vector<1x16xf32> to vector<16xf32>
        %mul3A_163 = arith.mulf %get3A_158, %get3A_162 : vector<16xf32>
        %swap3A_164 = arith.index_cast %scan3A_57 : i32 to index
        %swap3A_165 = arith.constant 112 : index
        %swap3A_166 = tpu.vector_load %arg11[%swap3A_164, %swap3A_165] {strides = array<i32>} : memref<128x128xf32, #tpu.memory_space<vmem>>, vector<1x16xf32>,
        %swap3A_167 = vector.shape_cast %swap3A_166 : vector<1x16xf32> to vector<16xf32>
        %swap3A_168 = vector.shape_cast %mul3A_163 : vector<16xf32> to vector<1x16xf32>
        tpu.vector_store %arg11[%swap3A_164, %swap3A_165], %swap3A_168 {strides = array<i32>} : memref<128x128xf32, #tpu.memory_space<vmem>>, vector<1x16xf32>,
        %scan3A_169 = arith.constant 0 : i32
        scf.yield %scan3A_169 : i32
      }
      %scan3A_55 = arith.constant 128 : i32
      "tpu.region"() ({
        %run_scoped3A = tpu.sem_alloc : memref<!tpu.dma_semaphore, #tpu.memory_space<semaphore_mem>>
        %dma_start3A_57 = arith.constant 0 : i32
        %dma_start3A_58 = arith.constant 0 : i32
        %dma_start3A_59 = tpu.memref_slice %arg7[%dma_start3A_57, %dma_start3A_58] : memref<10240x128xf32, #tpu.memory_space<vmem_shared>> -> memref<10240x128xf32, #tpu.memory_space<vmem_shared>>
        tpu.enqueue_indirect_dma source(%arg11 : memref<128x128xf32, #tpu.memory_space<vmem>>) target(%dma_start3A_59 : memref<10240x128xf32, #tpu.memory_space<vmem_shared>>) offsets(%arg9 : memref<128xi32, #tpu.memory_space<vmem>>) semaphore(%run_scoped3A : memref<!tpu.dma_semaphore, #tpu.memory_space<semaphore_mem>>) {add = true}
        %dma_wait3A_60 = arith.constant 0 : i32
        %dma_wait3A_61 = arith.constant 0 : i32
        %dma_wait3A_62 = tpu.memref_slice %arg7[%dma_wait3A_60, %dma_wait3A_61] : memref<10240x128xf32, #tpu.memory_space<vmem_shared>> -> memref<10240x128xf32, #tpu.memory_space<vmem_shared>>
        tpu.wait_indirect_dma semaphore(%run_scoped3A : memref<!tpu.dma_semaphore, #tpu.memory_space<semaphore_mem>>) src(%arg11 : memref<128x128xf32, #tpu.memory_space<vmem>>) dst(%dma_wait3A_62 : memref<10240x128xf32, #tpu.memory_space<vmem_shared>>)
        tpu.yield
      }) : () -> ()
      %scan3A_56 = arith.constant 0 : i32
      scf.yield %scan3A_56 : i32
    }
    %scan3A_28 = arith.constant 79 : i32
    %barrier3A_29 = arith.constant 0 : index
    tpu.barrier barrier_id(%barrier3A_29)
    %add3A_30 = arith.constant 0 : i32
    %add3A_31 = arith.addi %mul3A_11, %add3A_30 : i32
    "tpu.region"() ({
      %run_scoped3A = tpu.sem_alloc : memref<!tpu.dma_semaphore, #tpu.memory_space<semaphore_mem>>
      %dma_start3A = arith.constant 0 : i32
      %dma_start3A_40 = tpu.memref_slice %arg7[%add3A_31, %dma_start3A] : memref<10240x128xf32, #tpu.memory_space<vmem_shared>> -> memref<128x128xf32, #tpu.memory_space<vmem_shared>>
      %dma_start3A_41 = arith.constant 0 : i32
      %dma_start3A_42 = tpu.memref_slice %arg7[%add3A_31, %dma_start3A_41] : memref<10240x128xf32, #tpu.memory_space<vmem_shared>> -> memref<128x128xf32, #tpu.memory_space<vmem_shared>>
      tpu.enqueue_dma source(%dma_start3A_42 : memref<128x128xf32, #tpu.memory_space<vmem_shared>>) target(%arg10 : memref<128x128xf32, #tpu.memory_space<vmem>>) target_semaphore(%run_scoped3A : memref<!tpu.dma_semaphore, #tpu.memory_space<semaphore_mem>>)
      %dma_wait3A = arith.constant 0 : i32
      %dma_wait3A_43 = tpu.memref_slice %arg7[%add3A_31, %dma_wait3A] : memref<10240x128xf32, #tpu.memory_space<vmem_shared>> -> memref<128x128xf32, #tpu.memory_space<vmem_shared>>
      %dma_wait3A_44 = arith.constant 0 : i32
      %dma_wait3A_45 = tpu.memref_slice %arg7[%add3A_31, %dma_wait3A_44] : memref<10240x128xf32, #tpu.memory_space<vmem_shared>> -> memref<128x128xf32, #tpu.memory_space<vmem_shared>>
      tpu.wait_dma2 semaphore(%run_scoped3A : memref<!tpu.dma_semaphore, #tpu.memory_space<semaphore_mem>>) src(%dma_wait3A_45 : memref<128x128xf32, #tpu.memory_space<vmem_shared>>) dst(%arg10 : memref<128x128xf32, #tpu.memory_space<vmem>>)
      tpu.yield
    }) : () -> ()
    "tpu.region"() ({
      %run_scoped3A = tpu.sem_alloc : memref<!tpu.dma_semaphore, #tpu.memory_space<semaphore_mem>>
      %dma_start3A = arith.constant 0 : i32
      %dma_start3A_40 = tpu.memref_slice %arg6[%arg0, %add3A_31, %dma_start3A] : memref<2x10240x128xf32, #tpu.memory_space<hbm>> -> memref<1x128x128xf32, #tpu.memory_space<hbm>>
      %dma_start3A_41 = tpu.memref_squeeze %dma_start3A_40 : memref<1x128x128xf32, #tpu.memory_space<hbm>> -> memref<128x128xf32, #tpu.memory_space<hbm>>
      %dma_start3A_42 = arith.constant 0 : i32
      %dma_start3A_43 = tpu.memref_slice %arg6[%arg0, %add3A_31, %dma_start3A_42] : memref<2x10240x128xf32, #tpu.memory_space<hbm>> -> memref<1x128x128xf32, #tpu.memory_space<hbm>>
      %dma_start3A_44 = tpu.memref_squeeze %dma_start3A_43 : memref<1x128x128xf32, #tpu.memory_space<hbm>> -> memref<128x128xf32, #tpu.memory_space<hbm>>
      tpu.enqueue_dma source(%arg10 : memref<128x128xf32, #tpu.memory_space<vmem>>) target(%dma_start3A_44 : memref<128x128xf32, #tpu.memory_space<hbm>>) target_semaphore(%run_scoped3A : memref<!tpu.dma_semaphore, #tpu.memory_space<semaphore_mem>>)
      %dma_wait3A = arith.constant 0 : i32
      %dma_wait3A_45 = tpu.memref_slice %arg6[%arg0, %add3A_31, %dma_wait3A] : memref<2x10240x128xf32, #tpu.memory_space<hbm>> -> memref<1x128x128xf32, #tpu.memory_space<hbm>>
      %dma_wait3A_46 = tpu.memref_squeeze %dma_wait3A_45 : memref<1x128x128xf32, #tpu.memory_space<hbm>> -> memref<128x128xf32, #tpu.memory_space<hbm>>
      %dma_wait3A_47 = arith.constant 0 : i32
      %dma_wait3A_48 = tpu.memref_slice %arg6[%arg0, %add3A_31, %dma_wait3A_47] : memref<2x10240x128xf32, #tpu.memory_space<hbm>> -> memref<1x128x128xf32, #tpu.memory_space<hbm>>
      %dma_wait3A_49 = tpu.memref_squeeze %dma_wait3A_48 : memref<1x128x128xf32, #tpu.memory_space<hbm>> -> memref<128x128xf32, #tpu.memory_space<hbm>>
      tpu.wait_dma2 semaphore(%run_scoped3A : memref<!tpu.dma_semaphore, #tpu.memory_space<semaphore_mem>>) src(%arg10 : memref<128x128xf32, #tpu.memory_space<vmem>>) dst(%dma_wait3A_49 : memref<128x128xf32, #tpu.memory_space<hbm>>)
      tpu.yield
    }) : () -> ()
    %add3A_32 = arith.constant 128 : i32
    %add3A_33 = arith.addi %mul3A_11, %add3A_32 : i32
    "tpu.region"() ({
      %run_scoped3A = tpu.sem_alloc : memref<!tpu.dma_semaphore, #tpu.memory_space<semaphore_mem>>
      %dma_start3A = arith.constant 0 : i32
      %dma_start3A_40 = tpu.memref_slice %arg7[%add3A_33, %dma_start3A] : memref<10240x128xf32, #tpu.memory_space<vmem_shared>> -> memref<128x128xf32, #tpu.memory_space<vmem_shared>>
      %dma_start3A_41 = arith.constant 0 : i32
      %dma_start3A_42 = tpu.memref_slice %arg7[%add3A_33, %dma_start3A_41] : memref<10240x128xf32, #tpu.memory_space<vmem_shared>> -> memref<128x128xf32, #tpu.memory_space<vmem_shared>>
      tpu.enqueue_dma source(%dma_start3A_42 : memref<128x128xf32, #tpu.memory_space<vmem_shared>>) target(%arg10 : memref<128x128xf32, #tpu.memory_space<vmem>>) target_semaphore(%run_scoped3A : memref<!tpu.dma_semaphore, #tpu.memory_space<semaphore_mem>>)
      %dma_wait3A = arith.constant 0 : i32
      %dma_wait3A_43 = tpu.memref_slice %arg7[%add3A_33, %dma_wait3A] : memref<10240x128xf32, #tpu.memory_space<vmem_shared>> -> memref<128x128xf32, #tpu.memory_space<vmem_shared>>
      %dma_wait3A_44 = arith.constant 0 : i32
      %dma_wait3A_45 = tpu.memref_slice %arg7[%add3A_33, %dma_wait3A_44] : memref<10240x128xf32, #tpu.memory_space<vmem_shared>> -> memref<128x128xf32, #tpu.memory_space<vmem_shared>>
      tpu.wait_dma2 semaphore(%run_scoped3A : memref<!tpu.dma_semaphore, #tpu.memory_space<semaphore_mem>>) src(%dma_wait3A_45 : memref<128x128xf32, #tpu.memory_space<vmem_shared>>) dst(%arg10 : memref<128x128xf32, #tpu.memory_space<vmem>>)
      tpu.yield
    }) : () -> ()
    "tpu.region"() ({
      %run_scoped3A = tpu.sem_alloc : memref<!tpu.dma_semaphore, #tpu.memory_space<semaphore_mem>>
      %dma_start3A = arith.constant 0 : i32
      %dma_start3A_40 = tpu.memref_slice %arg6[%arg0, %add3A_33, %dma_start3A] : memref<2x10240x128xf32, #tpu.memory_space<hbm>> -> memref<1x128x128xf32, #tpu.memory_space<hbm>>
      %dma_start3A_41 = tpu.memref_squeeze %dma_start3A_40 : memref<1x128x128xf32, #tpu.memory_space<hbm>> -> memref<128x128xf32, #tpu.memory_space<hbm>>
      %dma_start3A_42 = arith.constant 0 : i32
      %dma_start3A_43 = tpu.memref_slice %arg6[%arg0, %add3A_33, %dma_start3A_42] : memref<2x10240x128xf32, #tpu.memory_space<hbm>> -> memref<1x128x128xf32, #tpu.memory_space<hbm>>
      %dma_start3A_44 = tpu.memref_squeeze %dma_start3A_43 : memref<1x128x128xf32, #tpu.memory_space<hbm>> -> memref<128x128xf32, #tpu.memory_space<hbm>>
      tpu.enqueue_dma source(%arg10 : memref<128x128xf32, #tpu.memory_space<vmem>>) target(%dma_start3A_44 : memref<128x128xf32, #tpu.memory_space<hbm>>) target_semaphore(%run_scoped3A : memref<!tpu.dma_semaphore, #tpu.memory_space<semaphore_mem>>)
      %dma_wait3A = arith.constant 0 : i32
      %dma_wait3A_45 = tpu.memref_slice %arg6[%arg0, %add3A_33, %dma_wait3A] : memref<2x10240x128xf32, #tpu.memory_space<hbm>> -> memref<1x128x128xf32, #tpu.memory_space<hbm>>
      %dma_wait3A_46 = tpu.memref_squeeze %dma_wait3A_45 : memref<1x128x128xf32, #tpu.memory_space<hbm>> -> memref<128x128xf32, #tpu.memory_space<hbm>>
      %dma_wait3A_47 = arith.constant 0 : i32
      %dma_wait3A_48 = tpu.memref_slice %arg6[%arg0, %add3A_33, %dma_wait3A_47] : memref<2x10240x128xf32, #tpu.memory_space<hbm>> -> memref<1x128x128xf32, #tpu.memory_space<hbm>>
      %dma_wait3A_49 = tpu.memref_squeeze %dma_wait3A_48 : memref<1x128x128xf32, #tpu.memory_space<hbm>> -> memref<128x128xf32, #tpu.memory_space<hbm>>
      tpu.wait_dma2 semaphore(%run_scoped3A : memref<!tpu.dma_semaphore, #tpu.memory_space<semaphore_mem>>) src(%arg10 : memref<128x128xf32, #tpu.memory_space<vmem>>) dst(%dma_wait3A_49 : memref<128x128xf32, #tpu.memory_space<hbm>>)
      tpu.yield
    }) : () -> ()
    %add3A_34 = arith.constant 256 : i32
    %add3A_35 = arith.addi %mul3A_11, %add3A_34 : i32
    "tpu.region"() ({
      %run_scoped3A = tpu.sem_alloc : memref<!tpu.dma_semaphore, #tpu.memory_space<semaphore_mem>>
      %dma_start3A = arith.constant 0 : i32
      %dma_start3A_40 = tpu.memref_slice %arg7[%add3A_35, %dma_start3A] : memref<10240x128xf32, #tpu.memory_space<vmem_shared>> -> memref<128x128xf32, #tpu.memory_space<vmem_shared>>
      %dma_start3A_41 = arith.constant 0 : i32
      %dma_start3A_42 = tpu.memref_slice %arg7[%add3A_35, %dma_start3A_41] : memref<10240x128xf32, #tpu.memory_space<vmem_shared>> -> memref<128x128xf32, #tpu.memory_space<vmem_shared>>
      tpu.enqueue_dma source(%dma_start3A_42 : memref<128x128xf32, #tpu.memory_space<vmem_shared>>) target(%arg10 : memref<128x128xf32, #tpu.memory_space<vmem>>) target_semaphore(%run_scoped3A : memref<!tpu.dma_semaphore, #tpu.memory_space<semaphore_mem>>)
      %dma_wait3A = arith.constant 0 : i32
      %dma_wait3A_43 = tpu.memref_slice %arg7[%add3A_35, %dma_wait3A] : memref<10240x128xf32, #tpu.memory_space<vmem_shared>> -> memref<128x128xf32, #tpu.memory_space<vmem_shared>>
      %dma_wait3A_44 = arith.constant 0 : i32
      %dma_wait3A_45 = tpu.memref_slice %arg7[%add3A_35, %dma_wait3A_44] : memref<10240x128xf32, #tpu.memory_space<vmem_shared>> -> memref<128x128xf32, #tpu.memory_space<vmem_shared>>
      tpu.wait_dma2 semaphore(%run_scoped3A : memref<!tpu.dma_semaphore, #tpu.memory_space<semaphore_mem>>) src(%dma_wait3A_45 : memref<128x128xf32, #tpu.memory_space<vmem_shared>>) dst(%arg10 : memref<128x128xf32, #tpu.memory_space<vmem>>)
      tpu.yield
    }) : () -> ()
    "tpu.region"() ({
      %run_scoped3A = tpu.sem_alloc : memref<!tpu.dma_semaphore, #tpu.memory_space<semaphore_mem>>
      %dma_start3A = arith.constant 0 : i32
      %dma_start3A_40 = tpu.memref_slice %arg6[%arg0, %add3A_35, %dma_start3A] : memref<2x10240x128xf32, #tpu.memory_space<hbm>> -> memref<1x128x128xf32, #tpu.memory_space<hbm>>
      %dma_start3A_41 = tpu.memref_squeeze %dma_start3A_40 : memref<1x128x128xf32, #tpu.memory_space<hbm>> -> memref<128x128xf32, #tpu.memory_space<hbm>>
      %dma_start3A_42 = arith.constant 0 : i32
      %dma_start3A_43 = tpu.memref_slice %arg6[%arg0, %add3A_35, %dma_start3A_42] : memref<2x10240x128xf32, #tpu.memory_space<hbm>> -> memref<1x128x128xf32, #tpu.memory_space<hbm>>
      %dma_start3A_44 = tpu.memref_squeeze %dma_start3A_43 : memref<1x128x128xf32, #tpu.memory_space<hbm>> -> memref<128x128xf32, #tpu.memory_space<hbm>>
      tpu.enqueue_dma source(%arg10 : memref<128x128xf32, #tpu.memory_space<vmem>>) target(%dma_start3A_44 : memref<128x128xf32, #tpu.memory_space<hbm>>) target_semaphore(%run_scoped3A : memref<!tpu.dma_semaphore, #tpu.memory_space<semaphore_mem>>)
      %dma_wait3A = arith.constant 0 : i32
      %dma_wait3A_45 = tpu.memref_slice %arg6[%arg0, %add3A_35, %dma_wait3A] : memref<2x10240x128xf32, #tpu.memory_space<hbm>> -> memref<1x128x128xf32, #tpu.memory_space<hbm>>
      %dma_wait3A_46 = tpu.memref_squeeze %dma_wait3A_45 : memref<1x128x128xf32, #tpu.memory_space<hbm>> -> memref<128x128xf32, #tpu.memory_space<hbm>>
      %dma_wait3A_47 = arith.constant 0 : i32
      %dma_wait3A_48 = tpu.memref_slice %arg6[%arg0, %add3A_35, %dma_wait3A_47] : memref<2x10240x128xf32, #tpu.memory_space<hbm>> -> memref<1x128x128xf32, #tpu.memory_space<hbm>>
      %dma_wait3A_49 = tpu.memref_squeeze %dma_wait3A_48 : memref<1x128x128xf32, #tpu.memory_space<hbm>> -> memref<128x128xf32, #tpu.memory_space<hbm>>
      tpu.wait_dma2 semaphore(%run_scoped3A : memref<!tpu.dma_semaphore, #tpu.memory_space<semaphore_mem>>) src(%arg10 : memref<128x128xf32, #tpu.memory_space<vmem>>) dst(%dma_wait3A_49 : memref<128x128xf32, #tpu.memory_space<hbm>>)
      tpu.yield
    }) : () -> ()
    %add3A_36 = arith.constant 384 : i32
    %add3A_37 = arith.addi %mul3A_11, %add3A_36 : i32
    "tpu.region"() ({
      %run_scoped3A = tpu.sem_alloc : memref<!tpu.dma_semaphore, #tpu.memory_space<semaphore_mem>>
      %dma_start3A = arith.constant 0 : i32
      %dma_start3A_40 = tpu.memref_slice %arg7[%add3A_37, %dma_start3A] : memref<10240x128xf32, #tpu.memory_space<vmem_shared>> -> memref<128x128xf32, #tpu.memory_space<vmem_shared>>
      %dma_start3A_41 = arith.constant 0 : i32
      %dma_start3A_42 = tpu.memref_slice %arg7[%add3A_37, %dma_start3A_41] : memref<10240x128xf32, #tpu.memory_space<vmem_shared>> -> memref<128x128xf32, #tpu.memory_space<vmem_shared>>
      tpu.enqueue_dma source(%dma_start3A_42 : memref<128x128xf32, #tpu.memory_space<vmem_shared>>) target(%arg10 : memref<128x128xf32, #tpu.memory_space<vmem>>) target_semaphore(%run_scoped3A : memref<!tpu.dma_semaphore, #tpu.memory_space<semaphore_mem>>)
      %dma_wait3A = arith.constant 0 : i32
      %dma_wait3A_43 = tpu.memref_slice %arg7[%add3A_37, %dma_wait3A] : memref<10240x128xf32, #tpu.memory_space<vmem_shared>> -> memref<128x128xf32, #tpu.memory_space<vmem_shared>>
      %dma_wait3A_44 = arith.constant 0 : i32
      %dma_wait3A_45 = tpu.memref_slice %arg7[%add3A_37, %dma_wait3A_44] : memref<10240x128xf32, #tpu.memory_space<vmem_shared>> -> memref<128x128xf32, #tpu.memory_space<vmem_shared>>
      tpu.wait_dma2 semaphore(%run_scoped3A : memref<!tpu.dma_semaphore, #tpu.memory_space<semaphore_mem>>) src(%dma_wait3A_45 : memref<128x128xf32, #tpu.memory_space<vmem_shared>>) dst(%arg10 : memref<128x128xf32, #tpu.memory_space<vmem>>)
      tpu.yield
    }) : () -> ()
    "tpu.region"() ({
      %run_scoped3A = tpu.sem_alloc : memref<!tpu.dma_semaphore, #tpu.memory_space<semaphore_mem>>
      %dma_start3A = arith.constant 0 : i32
      %dma_start3A_40 = tpu.memref_slice %arg6[%arg0, %add3A_37, %dma_start3A] : memref<2x10240x128xf32, #tpu.memory_space<hbm>> -> memref<1x128x128xf32, #tpu.memory_space<hbm>>
      %dma_start3A_41 = tpu.memref_squeeze %dma_start3A_40 : memref<1x128x128xf32, #tpu.memory_space<hbm>> -> memref<128x128xf32, #tpu.memory_space<hbm>>
      %dma_start3A_42 = arith.constant 0 : i32
      %dma_start3A_43 = tpu.memref_slice %arg6[%arg0, %add3A_37, %dma_start3A_42] : memref<2x10240x128xf32, #tpu.memory_space<hbm>> -> memref<1x128x128xf32, #tpu.memory_space<hbm>>
      %dma_start3A_44 = tpu.memref_squeeze %dma_start3A_43 : memref<1x128x128xf32, #tpu.memory_space<hbm>> -> memref<128x128xf32, #tpu.memory_space<hbm>>
      tpu.enqueue_dma source(%arg10 : memref<128x128xf32, #tpu.memory_space<vmem>>) target(%dma_start3A_44 : memref<128x128xf32, #tpu.memory_space<hbm>>) target_semaphore(%run_scoped3A : memref<!tpu.dma_semaphore, #tpu.memory_space<semaphore_mem>>)
      %dma_wait3A = arith.constant 0 : i32
      %dma_wait3A_45 = tpu.memref_slice %arg6[%arg0, %add3A_37, %dma_wait3A] : memref<2x10240x128xf32, #tpu.memory_space<hbm>> -> memref<1x128x128xf32, #tpu.memory_space<hbm>>
      %dma_wait3A_46 = tpu.memref_squeeze %dma_wait3A_45 : memref<1x128x128xf32, #tpu.memory_space<hbm>> -> memref<128x128xf32, #tpu.memory_space<hbm>>
      %dma_wait3A_47 = arith.constant 0 : i32
      %dma_wait3A_48 = tpu.memref_slice %arg6[%arg0, %add3A_37, %dma_wait3A_47] : memref<2x10240x128xf32, #tpu.memory_space<hbm>> -> memref<1x128x128xf32, #tpu.memory_space<hbm>>
      %dma_wait3A_49 = tpu.memref_squeeze %dma_wait3A_48 : memref<1x128x128xf32, #tpu.memory_space<hbm>> -> memref<128x128xf32, #tpu.memory_space<hbm>>
      tpu.wait_dma2 semaphore(%run_scoped3A : memref<!tpu.dma_semaphore, #tpu.memory_space<semaphore_mem>>) src(%arg10 : memref<128x128xf32, #tpu.memory_space<vmem>>) dst(%dma_wait3A_49 : memref<128x128xf32, #tpu.memory_space<hbm>>)
      tpu.yield
    }) : () -> ()
    %add3A_38 = arith.constant 512 : i32
    %add3A_39 = arith.addi %mul3A_11, %add3A_38 : i32
    "tpu.region"() ({
      %run_scoped3A = tpu.sem_alloc : memref<!tpu.dma_semaphore, #tpu.memory_space<semaphore_mem>>
      %dma_start3A = arith.constant 0 : i32
      %dma_start3A_40 = tpu.memref_slice %arg7[%add3A_39, %dma_start3A] : memref<10240x128xf32, #tpu.memory_space<vmem_shared>> -> memref<128x128xf32, #tpu.memory_space<vmem_shared>>
      %dma_start3A_41 = arith.constant 0 : i32
      %dma_start3A_42 = tpu.memref_slice %arg7[%add3A_39, %dma_start3A_41] : memref<10240x128xf32, #tpu.memory_space<vmem_shared>> -> memref<128x128xf32, #tpu.memory_space<vmem_shared>>
      tpu.enqueue_dma source(%dma_start3A_42 : memref<128x128xf32, #tpu.memory_space<vmem_shared>>) target(%arg10 : memref<128x128xf32, #tpu.memory_space<vmem>>) target_semaphore(%run_scoped3A : memref<!tpu.dma_semaphore, #tpu.memory_space<semaphore_mem>>)
      %dma_wait3A = arith.constant 0 : i32
      %dma_wait3A_43 = tpu.memref_slice %arg7[%add3A_39, %dma_wait3A] : memref<10240x128xf32, #tpu.memory_space<vmem_shared>> -> memref<128x128xf32, #tpu.memory_space<vmem_shared>>
      %dma_wait3A_44 = arith.constant 0 : i32
      %dma_wait3A_45 = tpu.memref_slice %arg7[%add3A_39, %dma_wait3A_44] : memref<10240x128xf32, #tpu.memory_space<vmem_shared>> -> memref<128x128xf32, #tpu.memory_space<vmem_shared>>
      tpu.wait_dma2 semaphore(%run_scoped3A : memref<!tpu.dma_semaphore, #tpu.memory_space<semaphore_mem>>) src(%dma_wait3A_45 : memref<128x128xf32, #tpu.memory_space<vmem_shared>>) dst(%arg10 : memref<128x128xf32, #tpu.memory_space<vmem>>)
      tpu.yield
    }) : () -> ()
    "tpu.region"() ({
      %run_scoped3A = tpu.sem_alloc : memref<!tpu.dma_semaphore, #tpu.memory_space<semaphore_mem>>
      %dma_start3A = arith.constant 0 : i32
      %dma_start3A_40 = tpu.memref_slice %arg6[%arg0, %add3A_39, %dma_start3A] : memref<2x10240x128xf32, #tpu.memory_space<hbm>> -> memref<1x128x128xf32, #tpu.memory_space<hbm>>
      %dma_start3A_41 = tpu.memref_squeeze %dma_start3A_40 : memref<1x128x128xf32, #tpu.memory_space<hbm>> -> memref<128x128xf32, #tpu.memory_space<hbm>>
      %dma_start3A_42 = arith.constant 0 : i32
      %dma_start3A_43 = tpu.memref_slice %arg6[%arg0, %add3A_39, %dma_start3A_42] : memref<2x10240x128xf32, #tpu.memory_space<hbm>> -> memref<1x128x128xf32, #tpu.memory_space<hbm>>
      %dma_start3A_44 = tpu.memref_squeeze %dma_start3A_43 : memref<1x128x128xf32, #tpu.memory_space<hbm>> -> memref<128x128xf32, #tpu.memory_space<hbm>>
      tpu.enqueue_dma source(%arg10 : memref<128x128xf32, #tpu.memory_space<vmem>>) target(%dma_start3A_44 : memref<128x128xf32, #tpu.memory_space<hbm>>) target_semaphore(%run_scoped3A : memref<!tpu.dma_semaphore, #tpu.memory_space<semaphore_mem>>)
      %dma_wait3A = arith.constant 0 : i32
      %dma_wait3A_45 = tpu.memref_slice %arg6[%arg0, %add3A_39, %dma_wait3A] : memref<2x10240x128xf32, #tpu.memory_space<hbm>> -> memref<1x128x128xf32, #tpu.memory_space<hbm>>
      %dma_wait3A_46 = tpu.memref_squeeze %dma_wait3A_45 : memref<1x128x128xf32, #tpu.memory_space<hbm>> -> memref<128x128xf32, #tpu.memory_space<hbm>>
      %dma_wait3A_47 = arith.constant 0 : i32
      %dma_wait3A_48 = tpu.memref_slice %arg6[%arg0, %add3A_39, %dma_wait3A_47] : memref<2x10240x128xf32, #tpu.memory_space<hbm>> -> memref<1x128x128xf32, #tpu.memory_space<hbm>>
      %dma_wait3A_49 = tpu.memref_squeeze %dma_wait3A_48 : memref<1x128x128xf32, #tpu.memory_space<hbm>> -> memref<128x128xf32, #tpu.memory_space<hbm>>
      tpu.wait_dma2 semaphore(%run_scoped3A : memref<!tpu.dma_semaphore, #tpu.memory_space<semaphore_mem>>) src(%arg10 : memref<128x128xf32, #tpu.memory_space<vmem>>) dst(%dma_wait3A_49 : memref<128x128xf32, #tpu.memory_space<hbm>>)
      tpu.yield
    }) : () -> ()
    return
  }
}

module attributes {stable_mosaic.version = 14 : i64} {
  func.func @_gate_body(%arg0: i32, %arg1: memref<512x16xf32, #tpu.memory_space<vmem>>, %arg2: memref<4x16x8xf32, #tpu.memory_space<vmem>>, %arg3: memref<4x1x8xf32, #tpu.memory_space<vmem>>, %arg4: memref<4x8x128xf32, #tpu.memory_space<vmem>>, %arg5: memref<4x1x128xf32, #tpu.memory_space<vmem>>, %arg6: memref<512x128xf32, #tpu.memory_space<vmem>>, %arg7: memref<512x128xf32, #tpu.memory_space<vmem>>, %arg8: memref<512x128xf32, #tpu.memory_space<vmem>>, %arg9: memref<512x128xf32, #tpu.memory_space<vmem>>) attributes {dimension_semantics = [#tpu.dimension_semantics<arbitrary>], iteration_bounds = array<i64: 632>, scalar_prefetch = 0 : i64, scratch_operands = 0 : i64, tpu.core_type = #tpu.core_type<tc>, window_params = [{transform_indices = @transform_0, window_bounds = array<i64: 512, 16>}, {pipeline_mode = #tpu.pipeline_mode<synchronous>, transform_indices = @transform_1, window_bounds = array<i64: 4, 16, 8>}, {pipeline_mode = #tpu.pipeline_mode<synchronous>, transform_indices = @transform_2, window_bounds = array<i64: 4, 1, 8>}, {pipeline_mode = #tpu.pipeline_mode<synchronous>, transform_indices = @transform_3, window_bounds = array<i64: 4, 8, 128>}, {pipeline_mode = #tpu.pipeline_mode<synchronous>, transform_indices = @transform_4, window_bounds = array<i64: 4, 1, 128>}, {transform_indices = @transform_5, window_bounds = array<i64: 512, 128>}, {transform_indices = @transform_6, window_bounds = array<i64: 512, 128>}, {transform_indices = @transform_7, window_bounds = array<i64: 512, 128>}, {transform_indices = @transform_8, window_bounds = array<i64: 512, 128>}]} {
    %get3A = arith.constant 0 : index
    %get3A_0 = arith.constant 0 : index
    %get3A_1 = vector.load %arg1[%get3A, %get3A_0] : memref<512x16xf32, #tpu.memory_space<vmem>>, vector<512x16xf32>
    %get3A_2 = arith.constant 0 : index
    %get3A_3 = arith.constant 0 : index
    %get3A_4 = arith.constant 0 : index
    %get3A_5 = vector.load %arg2[%get3A_2, %get3A_3, %get3A_4] : memref<4x16x8xf32, #tpu.memory_space<vmem>>, vector<1x16x8xf32>
    %get3A_6 = vector.shape_cast %get3A_5 : vector<1x16x8xf32> to vector<16x8xf32>
    %dot_general3A = arith.constant dense<0.000000e+00> : vector<512x8xf32>
    %dot_general3A_7 = tpu.matmul %get3A_1, %get3A_6, %dot_general3A {dimension_numbers = #tpu.dot_dimension_numbers<[1], [0], [0], [1], [0, 0, 1, 1], [], []>, transpose_lhs_hint = false} : vector<512x16xf32>, vector<16x8xf32>, vector<512x8xf32> -> vector<512x8xf32>
    %get3A_8 = arith.constant 0 : index
    %get3A_9 = arith.constant 0 : index
    %get3A_10 = arith.constant 0 : index
    %get3A_11 = vector.load %arg3[%get3A_8, %get3A_9, %get3A_10] : memref<4x1x8xf32, #tpu.memory_space<vmem>>, vector<1x1x8xf32>
    %get3A_12 = vector.shape_cast %get3A_11 : vector<1x1x8xf32> to vector<1x8xf32>
    %add3A = vector.broadcast %get3A_12 : vector<1x8xf32> to vector<512x8xf32>
    %add3A_13 = arith.addf %dot_general3A_7, %add3A : vector<512x8xf32>
    %ge3A = arith.constant 0.000000e+00 : f32
    %ge3A_14 = vector.broadcast %ge3A : f32 to vector<512x8xf32>
    %ge3A_15 = arith.cmpf oge, %add3A_13, %ge3A_14 : vector<512x8xf32>
    %mul3A = arith.constant 0.00999999977 : f32
    %mul3A_16 = vector.broadcast %mul3A : f32 to vector<512x8xf32>
    %mul3A_17 = arith.mulf %mul3A_16, %add3A_13 : vector<512x8xf32>
    %select_n3A = arith.select %ge3A_15, %add3A_13, %mul3A_17 : vector<512x8xi1>, vector<512x8xf32>
    %get3A_18 = arith.constant 0 : index
    %get3A_19 = arith.constant 0 : index
    %get3A_20 = arith.constant 0 : index
    %get3A_21 = vector.load %arg4[%get3A_18, %get3A_19, %get3A_20] : memref<4x8x128xf32, #tpu.memory_space<vmem>>, vector<1x8x128xf32>
    %get3A_22 = vector.shape_cast %get3A_21 : vector<1x8x128xf32> to vector<8x128xf32>
    %dot_general3A_23 = arith.constant dense<0.000000e+00> : vector<512x128xf32>
    %dot_general3A_24 = tpu.matmul %select_n3A, %get3A_22, %dot_general3A_23 {dimension_numbers = #tpu.dot_dimension_numbers<[1], [0], [0], [1], [0, 0, 1, 1], [], []>, transpose_lhs_hint = false} : vector<512x8xf32>, vector<8x128xf32>, vector<512x128xf32> -> vector<512x128xf32>
    %get3A_25 = arith.constant 0 : index
    %get3A_26 = arith.constant 0 : index
    %get3A_27 = arith.constant 0 : index
    %get3A_28 = vector.load %arg5[%get3A_25, %get3A_26, %get3A_27] : memref<4x1x128xf32, #tpu.memory_space<vmem>>, vector<1x1x128xf32>
    %get3A_29 = vector.shape_cast %get3A_28 : vector<1x1x128xf32> to vector<1x128xf32>
    %add3A_30 = vector.broadcast %get3A_29 : vector<1x128xf32> to vector<512x128xf32>
    %add3A_31 = arith.addf %dot_general3A_24, %add3A_30 : vector<512x128xf32>
    %gt3A = arith.constant 0.000000e+00 : f32
    %gt3A_32 = vector.broadcast %gt3A : f32 to vector<512x128xf32>
    %gt3A_33 = arith.cmpf ogt, %add3A_31, %gt3A_32 : vector<512x128xf32>
    %exp3A = math.exp %add3A_31 : vector<512x128xf32>
    %sub3A = arith.constant 1.000000e+00 : f32
    %sub3A_34 = vector.broadcast %sub3A : f32 to vector<512x128xf32>
    %sub3A_35 = arith.subf %exp3A, %sub3A_34 : vector<512x128xf32>
    %select_n3A_36 = arith.select %gt3A_33, %add3A_31, %sub3A_35 : vector<512x128xi1>, vector<512x128xf32>
    %swap3A = arith.constant 0 : index
    %swap3A_37 = arith.constant 0 : index
    %swap3A_38 = vector.load %arg6[%swap3A, %swap3A_37] : memref<512x128xf32, #tpu.memory_space<vmem>>, vector<512x128xf32>
    tpu.vector_store %arg6[%swap3A, %swap3A_37], %select_n3A_36 {strides = array<i32>} : memref<512x128xf32, #tpu.memory_space<vmem>>, vector<512x128xf32>,
    %get3A_39 = arith.constant 1 : index
    %get3A_40 = arith.constant 0 : index
    %get3A_41 = arith.constant 0 : index
    %get3A_42 = vector.load %arg2[%get3A_39, %get3A_40, %get3A_41] : memref<4x16x8xf32, #tpu.memory_space<vmem>>, vector<1x16x8xf32>
    %get3A_43 = vector.shape_cast %get3A_42 : vector<1x16x8xf32> to vector<16x8xf32>
    %dot_general3A_44 = arith.constant dense<0.000000e+00> : vector<512x8xf32>
    %dot_general3A_45 = tpu.matmul %get3A_1, %get3A_43, %dot_general3A_44 {dimension_numbers = #tpu.dot_dimension_numbers<[1], [0], [0], [1], [0, 0, 1, 1], [], []>, transpose_lhs_hint = false} : vector<512x16xf32>, vector<16x8xf32>, vector<512x8xf32> -> vector<512x8xf32>
    %get3A_46 = arith.constant 1 : index
    %get3A_47 = arith.constant 0 : index
    %get3A_48 = arith.constant 0 : index
    %get3A_49 = vector.load %arg3[%get3A_46, %get3A_47, %get3A_48] : memref<4x1x8xf32, #tpu.memory_space<vmem>>, vector<1x1x8xf32>
    %get3A_50 = vector.shape_cast %get3A_49 : vector<1x1x8xf32> to vector<1x8xf32>
    %add3A_51 = vector.broadcast %get3A_50 : vector<1x8xf32> to vector<512x8xf32>
    %add3A_52 = arith.addf %dot_general3A_45, %add3A_51 : vector<512x8xf32>
    %ge3A_53 = arith.constant 0.000000e+00 : f32
    %ge3A_54 = vector.broadcast %ge3A_53 : f32 to vector<512x8xf32>
    %ge3A_55 = arith.cmpf oge, %add3A_52, %ge3A_54 : vector<512x8xf32>
    %mul3A_56 = arith.constant 0.00999999977 : f32
    %mul3A_57 = vector.broadcast %mul3A_56 : f32 to vector<512x8xf32>
    %mul3A_58 = arith.mulf %mul3A_57, %add3A_52 : vector<512x8xf32>
    %select_n3A_59 = arith.select %ge3A_55, %add3A_52, %mul3A_58 : vector<512x8xi1>, vector<512x8xf32>
    %get3A_60 = arith.constant 1 : index
    %get3A_61 = arith.constant 0 : index
    %get3A_62 = arith.constant 0 : index
    %get3A_63 = vector.load %arg4[%get3A_60, %get3A_61, %get3A_62] : memref<4x8x128xf32, #tpu.memory_space<vmem>>, vector<1x8x128xf32>
    %get3A_64 = vector.shape_cast %get3A_63 : vector<1x8x128xf32> to vector<8x128xf32>
    %dot_general3A_65 = arith.constant dense<0.000000e+00> : vector<512x128xf32>
    %dot_general3A_66 = tpu.matmul %select_n3A_59, %get3A_64, %dot_general3A_65 {dimension_numbers = #tpu.dot_dimension_numbers<[1], [0], [0], [1], [0, 0, 1, 1], [], []>, transpose_lhs_hint = false} : vector<512x8xf32>, vector<8x128xf32>, vector<512x128xf32> -> vector<512x128xf32>
    %get3A_67 = arith.constant 1 : index
    %get3A_68 = arith.constant 0 : index
    %get3A_69 = arith.constant 0 : index
    %get3A_70 = vector.load %arg5[%get3A_67, %get3A_68, %get3A_69] : memref<4x1x128xf32, #tpu.memory_space<vmem>>, vector<1x1x128xf32>
    %get3A_71 = vector.shape_cast %get3A_70 : vector<1x1x128xf32> to vector<1x128xf32>
    %add3A_72 = vector.broadcast %get3A_71 : vector<1x128xf32> to vector<512x128xf32>
    %add3A_73 = arith.addf %dot_general3A_66, %add3A_72 : vector<512x128xf32>
    %gt3A_74 = arith.constant 0.000000e+00 : f32
    %gt3A_75 = vector.broadcast %gt3A_74 : f32 to vector<512x128xf32>
    %gt3A_76 = arith.cmpf ogt, %add3A_73, %gt3A_75 : vector<512x128xf32>
    %exp3A_77 = math.exp %add3A_73 : vector<512x128xf32>
    %sub3A_78 = arith.constant 1.000000e+00 : f32
    %sub3A_79 = vector.broadcast %sub3A_78 : f32 to vector<512x128xf32>
    %sub3A_80 = arith.subf %exp3A_77, %sub3A_79 : vector<512x128xf32>
    %select_n3A_81 = arith.select %gt3A_76, %add3A_73, %sub3A_80 : vector<512x128xi1>, vector<512x128xf32>
    %swap3A_82 = arith.constant 0 : index
    %swap3A_83 = arith.constant 0 : index
    %swap3A_84 = vector.load %arg7[%swap3A_82, %swap3A_83] : memref<512x128xf32, #tpu.memory_space<vmem>>, vector<512x128xf32>
    tpu.vector_store %arg7[%swap3A_82, %swap3A_83], %select_n3A_81 {strides = array<i32>} : memref<512x128xf32, #tpu.memory_space<vmem>>, vector<512x128xf32>,
    %get3A_85 = arith.constant 2 : index
    %get3A_86 = arith.constant 0 : index
    %get3A_87 = arith.constant 0 : index
    %get3A_88 = vector.load %arg2[%get3A_85, %get3A_86, %get3A_87] : memref<4x16x8xf32, #tpu.memory_space<vmem>>, vector<1x16x8xf32>
    %get3A_89 = vector.shape_cast %get3A_88 : vector<1x16x8xf32> to vector<16x8xf32>
    %dot_general3A_90 = arith.constant dense<0.000000e+00> : vector<512x8xf32>
    %dot_general3A_91 = tpu.matmul %get3A_1, %get3A_89, %dot_general3A_90 {dimension_numbers = #tpu.dot_dimension_numbers<[1], [0], [0], [1], [0, 0, 1, 1], [], []>, transpose_lhs_hint = false} : vector<512x16xf32>, vector<16x8xf32>, vector<512x8xf32> -> vector<512x8xf32>
    %get3A_92 = arith.constant 2 : index
    %get3A_93 = arith.constant 0 : index
    %get3A_94 = arith.constant 0 : index
    %get3A_95 = vector.load %arg3[%get3A_92, %get3A_93, %get3A_94] : memref<4x1x8xf32, #tpu.memory_space<vmem>>, vector<1x1x8xf32>
    %get3A_96 = vector.shape_cast %get3A_95 : vector<1x1x8xf32> to vector<1x8xf32>
    %add3A_97 = vector.broadcast %get3A_96 : vector<1x8xf32> to vector<512x8xf32>
    %add3A_98 = arith.addf %dot_general3A_91, %add3A_97 : vector<512x8xf32>
    %ge3A_99 = arith.constant 0.000000e+00 : f32
    %ge3A_100 = vector.broadcast %ge3A_99 : f32 to vector<512x8xf32>
    %ge3A_101 = arith.cmpf oge, %add3A_98, %ge3A_100 : vector<512x8xf32>
    %mul3A_102 = arith.constant 0.00999999977 : f32
    %mul3A_103 = vector.broadcast %mul3A_102 : f32 to vector<512x8xf32>
    %mul3A_104 = arith.mulf %mul3A_103, %add3A_98 : vector<512x8xf32>
    %select_n3A_105 = arith.select %ge3A_101, %add3A_98, %mul3A_104 : vector<512x8xi1>, vector<512x8xf32>
    %get3A_106 = arith.constant 2 : index
    %get3A_107 = arith.constant 0 : index
    %get3A_108 = arith.constant 0 : index
    %get3A_109 = vector.load %arg4[%get3A_106, %get3A_107, %get3A_108] : memref<4x8x128xf32, #tpu.memory_space<vmem>>, vector<1x8x128xf32>
    %get3A_110 = vector.shape_cast %get3A_109 : vector<1x8x128xf32> to vector<8x128xf32>
    %dot_general3A_111 = arith.constant dense<0.000000e+00> : vector<512x128xf32>
    %dot_general3A_112 = tpu.matmul %select_n3A_105, %get3A_110, %dot_general3A_111 {dimension_numbers = #tpu.dot_dimension_numbers<[1], [0], [0], [1], [0, 0, 1, 1], [], []>, transpose_lhs_hint = false} : vector<512x8xf32>, vector<8x128xf32>, vector<512x128xf32> -> vector<512x128xf32>
    %get3A_113 = arith.constant 2 : index
    %get3A_114 = arith.constant 0 : index
    %get3A_115 = arith.constant 0 : index
    %get3A_116 = vector.load %arg5[%get3A_113, %get3A_114, %get3A_115] : memref<4x1x128xf32, #tpu.memory_space<vmem>>, vector<1x1x128xf32>
    %get3A_117 = vector.shape_cast %get3A_116 : vector<1x1x128xf32> to vector<1x128xf32>
    %add3A_118 = vector.broadcast %get3A_117 : vector<1x128xf32> to vector<512x128xf32>
    %add3A_119 = arith.addf %dot_general3A_112, %add3A_118 : vector<512x128xf32>
    %gt3A_120 = arith.constant 0.000000e+00 : f32
    %gt3A_121 = vector.broadcast %gt3A_120 : f32 to vector<512x128xf32>
    %gt3A_122 = arith.cmpf ogt, %add3A_119, %gt3A_121 : vector<512x128xf32>
    %exp3A_123 = math.exp %add3A_119 : vector<512x128xf32>
    %sub3A_124 = arith.constant 1.000000e+00 : f32
    %sub3A_125 = vector.broadcast %sub3A_124 : f32 to vector<512x128xf32>
    %sub3A_126 = arith.subf %exp3A_123, %sub3A_125 : vector<512x128xf32>
    %select_n3A_127 = arith.select %gt3A_122, %add3A_119, %sub3A_126 : vector<512x128xi1>, vector<512x128xf32>
    %swap3A_128 = arith.constant 0 : index
    %swap3A_129 = arith.constant 0 : index
    %swap3A_130 = vector.load %arg8[%swap3A_128, %swap3A_129] : memref<512x128xf32, #tpu.memory_space<vmem>>, vector<512x128xf32>
    tpu.vector_store %arg8[%swap3A_128, %swap3A_129], %select_n3A_127 {strides = array<i32>} : memref<512x128xf32, #tpu.memory_space<vmem>>, vector<512x128xf32>,
    %get3A_131 = arith.constant 3 : index
    %get3A_132 = arith.constant 0 : index
    %get3A_133 = arith.constant 0 : index
    %get3A_134 = vector.load %arg2[%get3A_131, %get3A_132, %get3A_133] : memref<4x16x8xf32, #tpu.memory_space<vmem>>, vector<1x16x8xf32>
    %get3A_135 = vector.shape_cast %get3A_134 : vector<1x16x8xf32> to vector<16x8xf32>
    %dot_general3A_136 = arith.constant dense<0.000000e+00> : vector<512x8xf32>
    %dot_general3A_137 = tpu.matmul %get3A_1, %get3A_135, %dot_general3A_136 {dimension_numbers = #tpu.dot_dimension_numbers<[1], [0], [0], [1], [0, 0, 1, 1], [], []>, transpose_lhs_hint = false} : vector<512x16xf32>, vector<16x8xf32>, vector<512x8xf32> -> vector<512x8xf32>
    %get3A_138 = arith.constant 3 : index
    %get3A_139 = arith.constant 0 : index
    %get3A_140 = arith.constant 0 : index
    %get3A_141 = vector.load %arg3[%get3A_138, %get3A_139, %get3A_140] : memref<4x1x8xf32, #tpu.memory_space<vmem>>, vector<1x1x8xf32>
    %get3A_142 = vector.shape_cast %get3A_141 : vector<1x1x8xf32> to vector<1x8xf32>
    %add3A_143 = vector.broadcast %get3A_142 : vector<1x8xf32> to vector<512x8xf32>
    %add3A_144 = arith.addf %dot_general3A_137, %add3A_143 : vector<512x8xf32>
    %ge3A_145 = arith.constant 0.000000e+00 : f32
    %ge3A_146 = vector.broadcast %ge3A_145 : f32 to vector<512x8xf32>
    %ge3A_147 = arith.cmpf oge, %add3A_144, %ge3A_146 : vector<512x8xf32>
    %mul3A_148 = arith.constant 0.00999999977 : f32
    %mul3A_149 = vector.broadcast %mul3A_148 : f32 to vector<512x8xf32>
    %mul3A_150 = arith.mulf %mul3A_149, %add3A_144 : vector<512x8xf32>
    %select_n3A_151 = arith.select %ge3A_147, %add3A_144, %mul3A_150 : vector<512x8xi1>, vector<512x8xf32>
    %get3A_152 = arith.constant 3 : index
    %get3A_153 = arith.constant 0 : index
    %get3A_154 = arith.constant 0 : index
    %get3A_155 = vector.load %arg4[%get3A_152, %get3A_153, %get3A_154] : memref<4x8x128xf32, #tpu.memory_space<vmem>>, vector<1x8x128xf32>
    %get3A_156 = vector.shape_cast %get3A_155 : vector<1x8x128xf32> to vector<8x128xf32>
    %dot_general3A_157 = arith.constant dense<0.000000e+00> : vector<512x128xf32>
    %dot_general3A_158 = tpu.matmul %select_n3A_151, %get3A_156, %dot_general3A_157 {dimension_numbers = #tpu.dot_dimension_numbers<[1], [0], [0], [1], [0, 0, 1, 1], [], []>, transpose_lhs_hint = false} : vector<512x8xf32>, vector<8x128xf32>, vector<512x128xf32> -> vector<512x128xf32>
    %get3A_159 = arith.constant 3 : index
    %get3A_160 = arith.constant 0 : index
    %get3A_161 = arith.constant 0 : index
    %get3A_162 = vector.load %arg5[%get3A_159, %get3A_160, %get3A_161] : memref<4x1x128xf32, #tpu.memory_space<vmem>>, vector<1x1x128xf32>
    %get3A_163 = vector.shape_cast %get3A_162 : vector<1x1x128xf32> to vector<1x128xf32>
    %add3A_164 = vector.broadcast %get3A_163 : vector<1x128xf32> to vector<512x128xf32>
    %add3A_165 = arith.addf %dot_general3A_158, %add3A_164 : vector<512x128xf32>
    %gt3A_166 = arith.constant 0.000000e+00 : f32
    %gt3A_167 = vector.broadcast %gt3A_166 : f32 to vector<512x128xf32>
    %gt3A_168 = arith.cmpf ogt, %add3A_165, %gt3A_167 : vector<512x128xf32>
    %exp3A_169 = math.exp %add3A_165 : vector<512x128xf32>
    %sub3A_170 = arith.constant 1.000000e+00 : f32
    %sub3A_171 = vector.broadcast %sub3A_170 : f32 to vector<512x128xf32>
    %sub3A_172 = arith.subf %exp3A_169, %sub3A_171 : vector<512x128xf32>
    %select_n3A_173 = arith.select %gt3A_168, %add3A_165, %sub3A_172 : vector<512x128xi1>, vector<512x128xf32>
    %swap3A_174 = arith.constant 0 : index
    %swap3A_175 = arith.constant 0 : index
    %swap3A_176 = vector.load %arg9[%swap3A_174, %swap3A_175] : memref<512x128xf32, #tpu.memory_space<vmem>>, vector<512x128xf32>
    tpu.vector_store %arg9[%swap3A_174, %swap3A_175], %select_n3A_173 {strides = array<i32>} : memref<512x128xf32, #tpu.memory_space<vmem>>, vector<512x128xf32>,
    return
  }
  func.func @transform_0(%arg0: i32) -> (i32, i32) {
    %c0_i32 = arith.constant 0 : i32
    %c0_i32_0 = arith.constant 0 : i32
    return %arg0, %c0_i32 : i32, i32
  }
  func.func @transform_1(%arg0: i32) -> (i32, i32, i32) {
    %c0_i32 = arith.constant 0 : i32
    %c0_i32_0 = arith.constant 0 : i32
    %c0_i32_1 = arith.constant 0 : i32
    %c0_i32_2 = arith.constant 0 : i32
    return %c0_i32, %c0_i32_0, %c0_i32_1 : i32, i32, i32
  }
  func.func @transform_2(%arg0: i32) -> (i32, i32, i32) {
    %c0_i32 = arith.constant 0 : i32
    %c0_i32_0 = arith.constant 0 : i32
    %c0_i32_1 = arith.constant 0 : i32
    %c0_i32_2 = arith.constant 0 : i32
    return %c0_i32, %c0_i32_0, %c0_i32_1 : i32, i32, i32
  }
  func.func @transform_3(%arg0: i32) -> (i32, i32, i32) {
    %c0_i32 = arith.constant 0 : i32
    %c0_i32_0 = arith.constant 0 : i32
    %c0_i32_1 = arith.constant 0 : i32
    %c0_i32_2 = arith.constant 0 : i32
    return %c0_i32, %c0_i32_0, %c0_i32_1 : i32, i32, i32
  }
  func.func @transform_4(%arg0: i32) -> (i32, i32, i32) {
    %c0_i32 = arith.constant 0 : i32
    %c0_i32_0 = arith.constant 0 : i32
    %c0_i32_1 = arith.constant 0 : i32
    %c0_i32_2 = arith.constant 0 : i32
    return %c0_i32, %c0_i32_0, %c0_i32_1 : i32, i32, i32
  }
  func.func @transform_5(%arg0: i32) -> (i32, i32) {
    %c0_i32 = arith.constant 0 : i32
    %c0_i32_0 = arith.constant 0 : i32
    return %arg0, %c0_i32 : i32, i32
  }
  func.func @transform_6(%arg0: i32) -> (i32, i32) {
    %c0_i32 = arith.constant 0 : i32
    %c0_i32_0 = arith.constant 0 : i32
    return %arg0, %c0_i32 : i32, i32
  }
  func.func @transform_7(%arg0: i32) -> (i32, i32) {
    %c0_i32 = arith.constant 0 : i32
    %c0_i32_0 = arith.constant 0 : i32
    return %arg0, %c0_i32 : i32, i32
  }
  func.func @transform_8(%arg0: i32) -> (i32, i32) {
    %c0_i32 = arith.constant 0 : i32
    %c0_i32_0 = arith.constant 0 : i32
    return %arg0, %c0_i32 : i32, i32
  }
}

module attributes {stable_mosaic.version = 14 : i64} {
  func.func @_node_body(%arg0: memref<2x10240x128xf32, #tpu.memory_space<vmem>>, %arg1: memref<10000x128xf32, #tpu.memory_space<vmem>>, %arg2: memref<1x1xf32, #tpu.memory_space<vmem>>, %arg3: memref<128x128xf32, #tpu.memory_space<vmem>>, %arg4: memref<1x128xf32, #tpu.memory_space<vmem>>, %arg5: memref<128x128xf32, #tpu.memory_space<vmem>>, %arg6: memref<1x128xf32, #tpu.memory_space<vmem>>, %arg7: memref<1x128xf32, #tpu.memory_space<vmem>>, %arg8: memref<1x128xf32, #tpu.memory_space<vmem>>, %arg9: memref<10000x128xf32, #tpu.memory_space<vmem>>) attributes {dimension_semantics = [], scalar_prefetch = 0 : i64, scratch_operands = 0 : i64, tpu.core_type = #tpu.core_type<tc>} {
    %get3A = arith.constant 0 : index
    %get3A_0 = arith.constant 0 : index
    %get3A_1 = arith.constant 0 : index
    %get3A_2 = vector.load %arg0[%get3A, %get3A_0, %get3A_1] : memref<2x10240x128xf32, #tpu.memory_space<vmem>>, vector<1x10000x128xf32>
    %get3A_3 = vector.shape_cast %get3A_2 : vector<1x10000x128xf32> to vector<10000x128xf32>
    %get3A_4 = arith.constant 1 : index
    %get3A_5 = arith.constant 0 : index
    %get3A_6 = arith.constant 0 : index
    %get3A_7 = vector.load %arg0[%get3A_4, %get3A_5, %get3A_6] : memref<2x10240x128xf32, #tpu.memory_space<vmem>>, vector<1x10000x128xf32>
    %get3A_8 = vector.shape_cast %get3A_7 : vector<1x10000x128xf32> to vector<10000x128xf32>
    %add3A = arith.addf %get3A_3, %get3A_8 : vector<10000x128xf32>
    %get3A_9 = arith.constant 0 : index
    %get3A_10 = arith.constant 0 : index
    %get3A_11 = vector.load %arg2[%get3A_9, %get3A_10] : memref<1x1xf32, #tpu.memory_space<vmem>>, vector<1x1xf32>
    %get3A_12 = vector.extract %get3A_11[0, 0] : f32 from vector<1x1xf32>
    %add3A_13 = arith.constant 1.000000e+00 : f32
    %add3A_14 = arith.addf %add3A_13, %get3A_12 : f32
    %get3A_15 = arith.constant 0 : index
    %get3A_16 = arith.constant 0 : index
    %get3A_17 = vector.load %arg1[%get3A_15, %get3A_16] : memref<10000x128xf32, #tpu.memory_space<vmem>>, vector<10000x128xf32>
    %mul3A = vector.broadcast %add3A_14 : f32 to vector<10000x128xf32>
    %mul3A_18 = arith.mulf %mul3A, %get3A_17 : vector<10000x128xf32>
    %add3A_19 = arith.addf %add3A, %mul3A_18 : vector<10000x128xf32>
    %get3A_20 = arith.constant 0 : index
    %get3A_21 = arith.constant 0 : index
    %get3A_22 = vector.load %arg3[%get3A_20, %get3A_21] : memref<128x128xf32, #tpu.memory_space<vmem>>, vector<128x128xf32>
    %dot_general3A = arith.constant dense<0.000000e+00> : vector<10000x128xf32>
    %dot_general3A_23 = tpu.matmul %add3A_19, %get3A_22, %dot_general3A {dimension_numbers = #tpu.dot_dimension_numbers<[1], [0], [0], [1], [0, 0, 1, 1], [], []>, transpose_lhs_hint = false} : vector<10000x128xf32>, vector<128x128xf32>, vector<10000x128xf32> -> vector<10000x128xf32>
    %get3A_24 = arith.constant 0 : index
    %get3A_25 = arith.constant 0 : index
    %get3A_26 = vector.load %arg4[%get3A_24, %get3A_25] : memref<1x128xf32, #tpu.memory_space<vmem>>, vector<1x128xf32>
    %add3A_27 = vector.broadcast %get3A_26 : vector<1x128xf32> to vector<10000x128xf32>
    %add3A_28 = arith.addf %dot_general3A_23, %add3A_27 : vector<10000x128xf32>
    %ge3A = arith.constant 0.000000e+00 : f32
    %ge3A_29 = vector.broadcast %ge3A : f32 to vector<10000x128xf32>
    %ge3A_30 = arith.cmpf oge, %add3A_28, %ge3A_29 : vector<10000x128xf32>
    %mul3A_31 = arith.constant 0.00999999977 : f32
    %mul3A_32 = vector.broadcast %mul3A_31 : f32 to vector<10000x128xf32>
    %mul3A_33 = arith.mulf %mul3A_32, %add3A_28 : vector<10000x128xf32>
    %select_n3A = arith.select %ge3A_30, %add3A_28, %mul3A_33 : vector<10000x128xi1>, vector<10000x128xf32>
    %get3A_34 = arith.constant 0 : index
    %get3A_35 = arith.constant 0 : index
    %get3A_36 = vector.load %arg5[%get3A_34, %get3A_35] : memref<128x128xf32, #tpu.memory_space<vmem>>, vector<128x128xf32>
    %dot_general3A_37 = arith.constant dense<0.000000e+00> : vector<10000x128xf32>
    %dot_general3A_38 = tpu.matmul %select_n3A, %get3A_36, %dot_general3A_37 {dimension_numbers = #tpu.dot_dimension_numbers<[1], [0], [0], [1], [0, 0, 1, 1], [], []>, transpose_lhs_hint = false} : vector<10000x128xf32>, vector<128x128xf32>, vector<10000x128xf32> -> vector<10000x128xf32>
    %get3A_39 = arith.constant 0 : index
    %get3A_40 = arith.constant 0 : index
    %get3A_41 = vector.load %arg6[%get3A_39, %get3A_40] : memref<1x128xf32, #tpu.memory_space<vmem>>, vector<1x128xf32>
    %add3A_42 = vector.broadcast %get3A_41 : vector<1x128xf32> to vector<10000x128xf32>
    %add3A_43 = arith.addf %dot_general3A_38, %add3A_42 : vector<10000x128xf32>
    %ge3A_44 = arith.constant 0.000000e+00 : f32
    %ge3A_45 = vector.broadcast %ge3A_44 : f32 to vector<10000x128xf32>
    %ge3A_46 = arith.cmpf oge, %add3A_43, %ge3A_45 : vector<10000x128xf32>
    %mul3A_47 = arith.constant 0.00999999977 : f32
    %mul3A_48 = vector.broadcast %mul3A_47 : f32 to vector<10000x128xf32>
    %mul3A_49 = arith.mulf %mul3A_48, %add3A_43 : vector<10000x128xf32>
    %select_n3A_50 = arith.select %ge3A_46, %add3A_43, %mul3A_49 : vector<10000x128xi1>, vector<10000x128xf32>
    %reduce_sum3A = arith.constant dense<0.000000e+00> : vector<128xf32>
    %reduce_sum3A_51 = vector.multi_reduction <add>, %select_n3A_50, %reduce_sum3A [0] : vector<10000x128xf32> to vector<128xf32>
    %broadcast_in_dim3A = vector.shape_cast %reduce_sum3A_51 : vector<128xf32> to vector<1x128xf32>
    %div3A = arith.constant 1.000000e+04 : f32
    %div3A_52 = vector.broadcast %div3A : f32 to vector<1x128xf32>
    %div3A_53 = arith.divf %broadcast_in_dim3A, %div3A_52 : vector<1x128xf32>
    %sub3A = vector.broadcast %div3A_53 : vector<1x128xf32> to vector<10000x128xf32>
    %sub3A_54 = arith.subf %select_n3A_50, %sub3A : vector<10000x128xf32>
    %integer_pow3A = arith.mulf %sub3A_54, %sub3A_54 : vector<10000x128xf32>
    %reduce_sum3A_55 = arith.constant dense<0.000000e+00> : vector<128xf32>
    %reduce_sum3A_56 = vector.multi_reduction <add>, %integer_pow3A, %reduce_sum3A_55 [0] : vector<10000x128xf32> to vector<128xf32>
    %broadcast_in_dim3A_57 = vector.shape_cast %reduce_sum3A_56 : vector<128xf32> to vector<1x128xf32>
    %div3A_58 = arith.constant 1.000000e+04 : f32
    %div3A_59 = vector.broadcast %div3A_58 : f32 to vector<1x128xf32>
    %div3A_60 = arith.divf %broadcast_in_dim3A_57, %div3A_59 : vector<1x128xf32>
    %get3A_61 = arith.constant 0 : index
    %get3A_62 = arith.constant 0 : index
    %get3A_63 = vector.load %arg7[%get3A_61, %get3A_62] : memref<1x128xf32, #tpu.memory_space<vmem>>, vector<1x128xf32>
    %sub3A_64 = vector.broadcast %div3A_53 : vector<1x128xf32> to vector<10000x128xf32>
    %sub3A_65 = arith.subf %select_n3A_50, %sub3A_64 : vector<10000x128xf32>
    %mul3A_66 = vector.broadcast %get3A_63 : vector<1x128xf32> to vector<10000x128xf32>
    %mul3A_67 = arith.mulf %mul3A_66, %sub3A_65 : vector<10000x128xf32>
    %add3A_68 = arith.constant 9.99999974E-6 : f32
    %add3A_69 = vector.broadcast %add3A_68 : f32 to vector<1x128xf32>
    %add3A_70 = arith.addf %div3A_60, %add3A_69 : vector<1x128xf32>
    %rsqrt3A = math.rsqrt %add3A_70 : vector<1x128xf32>
    %mul3A_71 = vector.broadcast %rsqrt3A : vector<1x128xf32> to vector<10000x128xf32>
    %mul3A_72 = arith.mulf %mul3A_67, %mul3A_71 : vector<10000x128xf32>
    %get3A_73 = arith.constant 0 : index
    %get3A_74 = arith.constant 0 : index
    %get3A_75 = vector.load %arg8[%get3A_73, %get3A_74] : memref<1x128xf32, #tpu.memory_space<vmem>>, vector<1x128xf32>
    %add3A_76 = vector.broadcast %get3A_75 : vector<1x128xf32> to vector<10000x128xf32>
    %add3A_77 = arith.addf %mul3A_72, %add3A_76 : vector<10000x128xf32>
    %swap3A = arith.constant 0 : index
    %swap3A_78 = arith.constant 0 : index
    %swap3A_79 = vector.load %arg9[%swap3A, %swap3A_78] : memref<10000x128xf32, #tpu.memory_space<vmem>>, vector<10000x128xf32>
    tpu.vector_store %arg9[%swap3A, %swap3A_78], %add3A_77 {strides = array<i32>} : memref<10000x128xf32, #tpu.memory_space<vmem>>, vector<10000x128xf32>,
    return
  }
}

module attributes {stable_mosaic.version = 14 : i64} {
  func.func @_node_body(%arg0: memref<2x10240x128xf32, #tpu.memory_space<vmem>>, %arg1: memref<10000x128xf32, #tpu.memory_space<vmem>>, %arg2: memref<1x1xf32, #tpu.memory_space<vmem>>, %arg3: memref<128x128xf32, #tpu.memory_space<vmem>>, %arg4: memref<1x128xf32, #tpu.memory_space<vmem>>, %arg5: memref<128x128xf32, #tpu.memory_space<vmem>>, %arg6: memref<1x128xf32, #tpu.memory_space<vmem>>, %arg7: memref<1x128xf32, #tpu.memory_space<vmem>>, %arg8: memref<1x128xf32, #tpu.memory_space<vmem>>, %arg9: memref<10000x128xf32, #tpu.memory_space<vmem>>, %arg10: memref<10000x128xf32, #tpu.memory_space<vmem>>) attributes {dimension_semantics = [], scalar_prefetch = 0 : i64, scratch_operands = 0 : i64, tpu.core_type = #tpu.core_type<tc>} {
    %get3A = arith.constant 0 : index
    %get3A_0 = arith.constant 0 : index
    %get3A_1 = arith.constant 0 : index
    %get3A_2 = vector.load %arg0[%get3A, %get3A_0, %get3A_1] : memref<2x10240x128xf32, #tpu.memory_space<vmem>>, vector<1x10000x128xf32>
    %get3A_3 = vector.shape_cast %get3A_2 : vector<1x10000x128xf32> to vector<10000x128xf32>
    %get3A_4 = arith.constant 1 : index
    %get3A_5 = arith.constant 0 : index
    %get3A_6 = arith.constant 0 : index
    %get3A_7 = vector.load %arg0[%get3A_4, %get3A_5, %get3A_6] : memref<2x10240x128xf32, #tpu.memory_space<vmem>>, vector<1x10000x128xf32>
    %get3A_8 = vector.shape_cast %get3A_7 : vector<1x10000x128xf32> to vector<10000x128xf32>
    %add3A = arith.addf %get3A_3, %get3A_8 : vector<10000x128xf32>
    %get3A_9 = arith.constant 0 : index
    %get3A_10 = arith.constant 0 : index
    %get3A_11 = vector.load %arg2[%get3A_9, %get3A_10] : memref<1x1xf32, #tpu.memory_space<vmem>>, vector<1x1xf32>
    %get3A_12 = vector.extract %get3A_11[0, 0] : f32 from vector<1x1xf32>
    %add3A_13 = arith.constant 1.000000e+00 : f32
    %add3A_14 = arith.addf %add3A_13, %get3A_12 : f32
    %get3A_15 = arith.constant 0 : index
    %get3A_16 = arith.constant 0 : index
    %get3A_17 = vector.load %arg1[%get3A_15, %get3A_16] : memref<10000x128xf32, #tpu.memory_space<vmem>>, vector<10000x128xf32>
    %mul3A = vector.broadcast %add3A_14 : f32 to vector<10000x128xf32>
    %mul3A_18 = arith.mulf %mul3A, %get3A_17 : vector<10000x128xf32>
    %add3A_19 = arith.addf %add3A, %mul3A_18 : vector<10000x128xf32>
    %get3A_20 = arith.constant 0 : index
    %get3A_21 = arith.constant 0 : index
    %get3A_22 = vector.load %arg3[%get3A_20, %get3A_21] : memref<128x128xf32, #tpu.memory_space<vmem>>, vector<128x128xf32>
    %dot_general3A = arith.constant dense<0.000000e+00> : vector<10000x128xf32>
    %dot_general3A_23 = tpu.matmul %add3A_19, %get3A_22, %dot_general3A {dimension_numbers = #tpu.dot_dimension_numbers<[1], [0], [0], [1], [0, 0, 1, 1], [], []>, transpose_lhs_hint = false} : vector<10000x128xf32>, vector<128x128xf32>, vector<10000x128xf32> -> vector<10000x128xf32>
    %get3A_24 = arith.constant 0 : index
    %get3A_25 = arith.constant 0 : index
    %get3A_26 = vector.load %arg4[%get3A_24, %get3A_25] : memref<1x128xf32, #tpu.memory_space<vmem>>, vector<1x128xf32>
    %add3A_27 = vector.broadcast %get3A_26 : vector<1x128xf32> to vector<10000x128xf32>
    %add3A_28 = arith.addf %dot_general3A_23, %add3A_27 : vector<10000x128xf32>
    %ge3A = arith.constant 0.000000e+00 : f32
    %ge3A_29 = vector.broadcast %ge3A : f32 to vector<10000x128xf32>
    %ge3A_30 = arith.cmpf oge, %add3A_28, %ge3A_29 : vector<10000x128xf32>
    %mul3A_31 = arith.constant 0.00999999977 : f32
    %mul3A_32 = vector.broadcast %mul3A_31 : f32 to vector<10000x128xf32>
    %mul3A_33 = arith.mulf %mul3A_32, %add3A_28 : vector<10000x128xf32>
    %select_n3A = arith.select %ge3A_30, %add3A_28, %mul3A_33 : vector<10000x128xi1>, vector<10000x128xf32>
    %get3A_34 = arith.constant 0 : index
    %get3A_35 = arith.constant 0 : index
    %get3A_36 = vector.load %arg5[%get3A_34, %get3A_35] : memref<128x128xf32, #tpu.memory_space<vmem>>, vector<128x128xf32>
    %dot_general3A_37 = arith.constant dense<0.000000e+00> : vector<10000x128xf32>
    %dot_general3A_38 = tpu.matmul %select_n3A, %get3A_36, %dot_general3A_37 {dimension_numbers = #tpu.dot_dimension_numbers<[1], [0], [0], [1], [0, 0, 1, 1], [], []>, transpose_lhs_hint = false} : vector<10000x128xf32>, vector<128x128xf32>, vector<10000x128xf32> -> vector<10000x128xf32>
    %get3A_39 = arith.constant 0 : index
    %get3A_40 = arith.constant 0 : index
    %get3A_41 = vector.load %arg6[%get3A_39, %get3A_40] : memref<1x128xf32, #tpu.memory_space<vmem>>, vector<1x128xf32>
    %add3A_42 = vector.broadcast %get3A_41 : vector<1x128xf32> to vector<10000x128xf32>
    %add3A_43 = arith.addf %dot_general3A_38, %add3A_42 : vector<10000x128xf32>
    %ge3A_44 = arith.constant 0.000000e+00 : f32
    %ge3A_45 = vector.broadcast %ge3A_44 : f32 to vector<10000x128xf32>
    %ge3A_46 = arith.cmpf oge, %add3A_43, %ge3A_45 : vector<10000x128xf32>
    %mul3A_47 = arith.constant 0.00999999977 : f32
    %mul3A_48 = vector.broadcast %mul3A_47 : f32 to vector<10000x128xf32>
    %mul3A_49 = arith.mulf %mul3A_48, %add3A_43 : vector<10000x128xf32>
    %select_n3A_50 = arith.select %ge3A_46, %add3A_43, %mul3A_49 : vector<10000x128xi1>, vector<10000x128xf32>
    %reduce_sum3A = arith.constant dense<0.000000e+00> : vector<128xf32>
    %reduce_sum3A_51 = vector.multi_reduction <add>, %select_n3A_50, %reduce_sum3A [0] : vector<10000x128xf32> to vector<128xf32>
    %broadcast_in_dim3A = vector.shape_cast %reduce_sum3A_51 : vector<128xf32> to vector<1x128xf32>
    %div3A = arith.constant 1.000000e+04 : f32
    %div3A_52 = vector.broadcast %div3A : f32 to vector<1x128xf32>
    %div3A_53 = arith.divf %broadcast_in_dim3A, %div3A_52 : vector<1x128xf32>
    %sub3A = vector.broadcast %div3A_53 : vector<1x128xf32> to vector<10000x128xf32>
    %sub3A_54 = arith.subf %select_n3A_50, %sub3A : vector<10000x128xf32>
    %integer_pow3A = arith.mulf %sub3A_54, %sub3A_54 : vector<10000x128xf32>
    %reduce_sum3A_55 = arith.constant dense<0.000000e+00> : vector<128xf32>
    %reduce_sum3A_56 = vector.multi_reduction <add>, %integer_pow3A, %reduce_sum3A_55 [0] : vector<10000x128xf32> to vector<128xf32>
    %broadcast_in_dim3A_57 = vector.shape_cast %reduce_sum3A_56 : vector<128xf32> to vector<1x128xf32>
    %div3A_58 = arith.constant 1.000000e+04 : f32
    %div3A_59 = vector.broadcast %div3A_58 : f32 to vector<1x128xf32>
    %div3A_60 = arith.divf %broadcast_in_dim3A_57, %div3A_59 : vector<1x128xf32>
    %get3A_61 = arith.constant 0 : index
    %get3A_62 = arith.constant 0 : index
    %get3A_63 = vector.load %arg7[%get3A_61, %get3A_62] : memref<1x128xf32, #tpu.memory_space<vmem>>, vector<1x128xf32>
    %sub3A_64 = vector.broadcast %div3A_53 : vector<1x128xf32> to vector<10000x128xf32>
    %sub3A_65 = arith.subf %select_n3A_50, %sub3A_64 : vector<10000x128xf32>
    %mul3A_66 = vector.broadcast %get3A_63 : vector<1x128xf32> to vector<10000x128xf32>
    %mul3A_67 = arith.mulf %mul3A_66, %sub3A_65 : vector<10000x128xf32>
    %add3A_68 = arith.constant 9.99999974E-6 : f32
    %add3A_69 = vector.broadcast %add3A_68 : f32 to vector<1x128xf32>
    %add3A_70 = arith.addf %div3A_60, %add3A_69 : vector<1x128xf32>
    %rsqrt3A = math.rsqrt %add3A_70 : vector<1x128xf32>
    %mul3A_71 = vector.broadcast %rsqrt3A : vector<1x128xf32> to vector<10000x128xf32>
    %mul3A_72 = arith.mulf %mul3A_67, %mul3A_71 : vector<10000x128xf32>
    %get3A_73 = arith.constant 0 : index
    %get3A_74 = arith.constant 0 : index
    %get3A_75 = vector.load %arg8[%get3A_73, %get3A_74] : memref<1x128xf32, #tpu.memory_space<vmem>>, vector<1x128xf32>
    %add3A_76 = vector.broadcast %get3A_75 : vector<1x128xf32> to vector<10000x128xf32>
    %add3A_77 = arith.addf %mul3A_72, %add3A_76 : vector<10000x128xf32>
    %get3A_78 = arith.constant 0 : index
    %get3A_79 = arith.constant 0 : index
    %get3A_80 = vector.load %arg9[%get3A_78, %get3A_79] : memref<10000x128xf32, #tpu.memory_space<vmem>>, vector<10000x128xf32>
    %add3A_81 = arith.addf %add3A_77, %get3A_80 : vector<10000x128xf32>
    %swap3A = arith.constant 0 : index
    %swap3A_82 = arith.constant 0 : index
    %swap3A_83 = vector.load %arg10[%swap3A, %swap3A_82] : memref<10000x128xf32, #tpu.memory_space<vmem>>, vector<10000x128xf32>
    tpu.vector_store %arg10[%swap3A, %swap3A_82], %add3A_81 {strides = array<i32>} : memref<10000x128xf32, #tpu.memory_space<vmem>>, vector<10000x128xf32>,
    return
  }
}

module attributes {stable_mosaic.version = 14 : i64} {
  func.func @_set2set_body(%arg0: memref<10000x128xf32, #tpu.memory_space<vmem>>, %arg1: memref<10000x1xi32, #tpu.memory_space<vmem>>, %arg2: memref<256x512xf32, #tpu.memory_space<vmem>>, %arg3: memref<128x512xf32, #tpu.memory_space<vmem>>, %arg4: memref<1x512xf32, #tpu.memory_space<vmem>>, %arg5: memref<1x512xf32, #tpu.memory_space<vmem>>, %arg6: memref<128x512xf32, #tpu.memory_space<vmem>>, %arg7: memref<128x512xf32, #tpu.memory_space<vmem>>, %arg8: memref<1x512xf32, #tpu.memory_space<vmem>>, %arg9: memref<1x512xf32, #tpu.memory_space<vmem>>, %arg10: memref<256x10xf32, #tpu.memory_space<vmem>>, %arg11: memref<1x10xf32, #tpu.memory_space<vmem>>, %arg12: memref<64x10xf32, #tpu.memory_space<vmem>>) attributes {dimension_semantics = [], scalar_prefetch = 0 : i64, scratch_operands = 0 : i64, tpu.core_type = #tpu.core_type<tc>} {
    %get3A = arith.constant 0 : index
    %get3A_0 = arith.constant 0 : index
    %get3A_1 = vector.load %arg0[%get3A, %get3A_0] : memref<10000x128xf32, #tpu.memory_space<vmem>>, vector<10000x128xf32>
    %get3A_2 = arith.constant 0 : index
    %get3A_3 = arith.constant 0 : index
    %get3A_4 = vector.load %arg1[%get3A_2, %get3A_3] : memref<10000x1xi32, #tpu.memory_space<vmem>>, vector<10000x1xi32>
    %iota3A = tpu.iota {dimensions = array<i32: 1>} : vector<10000x64xi32>
    %eq3A = vector.broadcast %get3A_4 : vector<10000x1xi32> to vector<10000x64xi32>
    %eq3A_5 = arith.cmpi eq, %eq3A, %iota3A : vector<10000x64xi32>
    %convert_element_type3A = arith.extui %eq3A_5 : vector<10000x64xi1> to vector<10000x64xi32>
    %convert_element_type3A_6 = arith.sitofp %convert_element_type3A : vector<10000x64xi32> to vector<10000x64xf32>
    %get3A_7 = arith.constant 0 : index
    %get3A_8 = arith.constant 0 : index
    %get3A_9 = vector.load %arg2[%get3A_7, %get3A_8] : memref<256x512xf32, #tpu.memory_space<vmem>>, vector<256x512xf32>
    %get3A_10 = arith.constant 0 : index
    %get3A_11 = arith.constant 0 : index
    %get3A_12 = vector.load %arg6[%get3A_10, %get3A_11] : memref<128x512xf32, #tpu.memory_space<vmem>>, vector<128x512xf32>
    %get3A_13 = arith.constant 0 : index
    %get3A_14 = arith.constant 0 : index
    %get3A_15 = vector.load %arg3[%get3A_13, %get3A_14] : memref<128x512xf32, #tpu.memory_space<vmem>>, vector<128x512xf32>
    %get3A_16 = arith.constant 0 : index
    %get3A_17 = arith.constant 0 : index
    %get3A_18 = vector.load %arg7[%get3A_16, %get3A_17] : memref<128x512xf32, #tpu.memory_space<vmem>>, vector<128x512xf32>
    %get3A_19 = arith.constant 0 : index
    %get3A_20 = arith.constant 0 : index
    %get3A_21 = vector.load %arg4[%get3A_19, %get3A_20] : memref<1x512xf32, #tpu.memory_space<vmem>>, vector<1x512xf32>
    %get3A_22 = arith.constant 0 : index
    %get3A_23 = arith.constant 0 : index
    %get3A_24 = vector.load %arg8[%get3A_22, %get3A_23] : memref<1x512xf32, #tpu.memory_space<vmem>>, vector<1x512xf32>
    %get3A_25 = arith.constant 0 : index
    %get3A_26 = arith.constant 0 : index
    %get3A_27 = vector.load %arg5[%get3A_25, %get3A_26] : memref<1x512xf32, #tpu.memory_space<vmem>>, vector<1x512xf32>
    %get3A_28 = arith.constant 0 : index
    %get3A_29 = arith.constant 0 : index
    %get3A_30 = vector.load %arg9[%get3A_28, %get3A_29] : memref<1x512xf32, #tpu.memory_space<vmem>>, vector<1x512xf32>
    %broadcast_in_dim3A = arith.constant 0.000000e+00 : f32
    %broadcast_in_dim3A_31 = vector.broadcast %broadcast_in_dim3A : f32 to vector<64x256xf32>
    %broadcast_in_dim3A_32 = arith.constant 0.000000e+00 : f32
    %broadcast_in_dim3A_33 = vector.broadcast %broadcast_in_dim3A_32 : f32 to vector<64x128xf32>
    %broadcast_in_dim3A_34 = arith.constant 0.000000e+00 : f32
    %broadcast_in_dim3A_35 = vector.broadcast %broadcast_in_dim3A_34 : f32 to vector<64x128xf32>
    %broadcast_in_dim3A_36 = arith.constant 0.000000e+00 : f32
    %broadcast_in_dim3A_37 = vector.broadcast %broadcast_in_dim3A_36 : f32 to vector<64x128xf32>
    %broadcast_in_dim3A_38 = arith.constant 0.000000e+00 : f32
    %broadcast_in_dim3A_39 = vector.broadcast %broadcast_in_dim3A_38 : f32 to vector<64x128xf32>
    %dot_general3A = arith.constant dense<0.000000e+00> : vector<64x512xf32>
    %dot_general3A_40 = tpu.matmul %broadcast_in_dim3A_31, %get3A_9, %dot_general3A {dimension_numbers = #tpu.dot_dimension_numbers<[1], [0], [0], [1], [0, 0, 1, 1], [], []>, transpose_lhs_hint = false} : vector<64x256xf32>, vector<256x512xf32>, vector<64x512xf32> -> vector<64x512xf32>
    %add3A = vector.broadcast %get3A_21 : vector<1x512xf32> to vector<64x512xf32>
    %add3A_41 = arith.addf %dot_general3A_40, %add3A : vector<64x512xf32>
    %dot_general3A_42 = arith.constant dense<0.000000e+00> : vector<64x512xf32>
    %dot_general3A_43 = tpu.matmul %broadcast_in_dim3A_33, %get3A_15, %dot_general3A_42 {dimension_numbers = #tpu.dot_dimension_numbers<[1], [0], [0], [1], [0, 0, 1, 1], [], []>, transpose_lhs_hint = false} : vector<64x128xf32>, vector<128x512xf32>, vector<64x512xf32> -> vector<64x512xf32>
    %add3A_44 = arith.addf %add3A_41, %dot_general3A_43 : vector<64x512xf32>
    %add3A_45 = vector.broadcast %get3A_27 : vector<1x512xf32> to vector<64x512xf32>
    %add3A_46 = arith.addf %add3A_44, %add3A_45 : vector<64x512xf32>
    %slice3A = vector.extract_strided_slice %add3A_46 {offsets = [0, 0], sizes = [64, 128], strides = [1, 1]} : vector<64x512xf32> to vector<64x128xf32>
    %slice3A_47 = vector.extract_strided_slice %add3A_46 {offsets = [0, 128], sizes = [64, 128], strides = [1, 1]} : vector<64x512xf32> to vector<64x128xf32>
    %slice3A_48 = vector.extract_strided_slice %add3A_46 {offsets = [0, 256], sizes = [64, 128], strides = [1, 1]} : vector<64x512xf32> to vector<64x128xf32>
    %slice3A_49 = vector.extract_strided_slice %add3A_46 {offsets = [0, 384], sizes = [64, 128], strides = [1, 1]} : vector<64x512xf32> to vector<64x128xf32>
    %logistic3A = arith.negf %slice3A_47 : vector<64x128xf32>
    %logistic3A_50 = math.exp %logistic3A : vector<64x128xf32>
    %logistic3A_51 = arith.constant 1.000000e+00 : f32
    %logistic3A_52 = vector.broadcast %logistic3A_51 : f32 to vector<64x128xf32>
    %logistic3A_53 = arith.addf %logistic3A_52, %logistic3A_50 : vector<64x128xf32>
    %logistic3A_54 = arith.divf %logistic3A_52, %logistic3A_53 : vector<64x128xf32>
    %mul3A = arith.mulf %logistic3A_54, %broadcast_in_dim3A_37 : vector<64x128xf32>
    %logistic3A_55 = arith.negf %slice3A : vector<64x128xf32>
    %logistic3A_56 = math.exp %logistic3A_55 : vector<64x128xf32>
    %logistic3A_57 = arith.constant 1.000000e+00 : f32
    %logistic3A_58 = vector.broadcast %logistic3A_57 : f32 to vector<64x128xf32>
    %logistic3A_59 = arith.addf %logistic3A_58, %logistic3A_56 : vector<64x128xf32>
    %logistic3A_60 = arith.divf %logistic3A_58, %logistic3A_59 : vector<64x128xf32>
    %tanh3A = math.tanh %slice3A_48 : vector<64x128xf32>
    %mul3A_61 = arith.mulf %logistic3A_60, %tanh3A : vector<64x128xf32>
    %add3A_62 = arith.addf %mul3A, %mul3A_61 : vector<64x128xf32>
    %logistic3A_63 = arith.negf %slice3A_49 : vector<64x128xf32>
    %logistic3A_64 = math.exp %logistic3A_63 : vector<64x128xf32>
    %logistic3A_65 = arith.constant 1.000000e+00 : f32
    %logistic3A_66 = vector.broadcast %logistic3A_65 : f32 to vector<64x128xf32>
    %logistic3A_67 = arith.addf %logistic3A_66, %logistic3A_64 : vector<64x128xf32>
    %logistic3A_68 = arith.divf %logistic3A_66, %logistic3A_67 : vector<64x128xf32>
    %tanh3A_69 = math.tanh %add3A_62 : vector<64x128xf32>
    %mul3A_70 = arith.mulf %logistic3A_68, %tanh3A_69 : vector<64x128xf32>
    %dot_general3A_71 = arith.constant dense<0.000000e+00> : vector<64x512xf32>
    %dot_general3A_72 = tpu.matmul %mul3A_70, %get3A_12, %dot_general3A_71 {dimension_numbers = #tpu.dot_dimension_numbers<[1], [0], [0], [1], [0, 0, 1, 1], [], []>, transpose_lhs_hint = false} : vector<64x128xf32>, vector<128x512xf32>, vector<64x512xf32> -> vector<64x512xf32>
    %add3A_73 = vector.broadcast %get3A_24 : vector<1x512xf32> to vector<64x512xf32>
    %add3A_74 = arith.addf %dot_general3A_72, %add3A_73 : vector<64x512xf32>
    %dot_general3A_75 = arith.constant dense<0.000000e+00> : vector<64x512xf32>
    %dot_general3A_76 = tpu.matmul %broadcast_in_dim3A_35, %get3A_18, %dot_general3A_75 {dimension_numbers = #tpu.dot_dimension_numbers<[1], [0], [0], [1], [0, 0, 1, 1], [], []>, transpose_lhs_hint = false} : vector<64x128xf32>, vector<128x512xf32>, vector<64x512xf32> -> vector<64x512xf32>
    %add3A_77 = arith.addf %add3A_74, %dot_general3A_76 : vector<64x512xf32>
    %add3A_78 = vector.broadcast %get3A_30 : vector<1x512xf32> to vector<64x512xf32>
    %add3A_79 = arith.addf %add3A_77, %add3A_78 : vector<64x512xf32>
    %slice3A_80 = vector.extract_strided_slice %add3A_79 {offsets = [0, 0], sizes = [64, 128], strides = [1, 1]} : vector<64x512xf32> to vector<64x128xf32>
    %slice3A_81 = vector.extract_strided_slice %add3A_79 {offsets = [0, 128], sizes = [64, 128], strides = [1, 1]} : vector<64x512xf32> to vector<64x128xf32>
    %slice3A_82 = vector.extract_strided_slice %add3A_79 {offsets = [0, 256], sizes = [64, 128], strides = [1, 1]} : vector<64x512xf32> to vector<64x128xf32>
    %slice3A_83 = vector.extract_strided_slice %add3A_79 {offsets = [0, 384], sizes = [64, 128], strides = [1, 1]} : vector<64x512xf32> to vector<64x128xf32>
    %logistic3A_84 = arith.negf %slice3A_81 : vector<64x128xf32>
    %logistic3A_85 = math.exp %logistic3A_84 : vector<64x128xf32>
    %logistic3A_86 = arith.constant 1.000000e+00 : f32
    %logistic3A_87 = vector.broadcast %logistic3A_86 : f32 to vector<64x128xf32>
    %logistic3A_88 = arith.addf %logistic3A_87, %logistic3A_85 : vector<64x128xf32>
    %logistic3A_89 = arith.divf %logistic3A_87, %logistic3A_88 : vector<64x128xf32>
    %mul3A_90 = arith.mulf %logistic3A_89, %broadcast_in_dim3A_39 : vector<64x128xf32>
    %logistic3A_91 = arith.negf %slice3A_80 : vector<64x128xf32>
    %logistic3A_92 = math.exp %logistic3A_91 : vector<64x128xf32>
    %logistic3A_93 = arith.constant 1.000000e+00 : f32
    %logistic3A_94 = vector.broadcast %logistic3A_93 : f32 to vector<64x128xf32>
    %logistic3A_95 = arith.addf %logistic3A_94, %logistic3A_92 : vector<64x128xf32>
    %logistic3A_96 = arith.divf %logistic3A_94, %logistic3A_95 : vector<64x128xf32>
    %tanh3A_97 = math.tanh %slice3A_82 : vector<64x128xf32>
    %mul3A_98 = arith.mulf %logistic3A_96, %tanh3A_97 : vector<64x128xf32>
    %add3A_99 = arith.addf %mul3A_90, %mul3A_98 : vector<64x128xf32>
    %logistic3A_100 = arith.negf %slice3A_83 : vector<64x128xf32>
    %logistic3A_101 = math.exp %logistic3A_100 : vector<64x128xf32>
    %logistic3A_102 = arith.constant 1.000000e+00 : f32
    %logistic3A_103 = vector.broadcast %logistic3A_102 : f32 to vector<64x128xf32>
    %logistic3A_104 = arith.addf %logistic3A_103, %logistic3A_101 : vector<64x128xf32>
    %logistic3A_105 = arith.divf %logistic3A_103, %logistic3A_104 : vector<64x128xf32>
    %tanh3A_106 = math.tanh %add3A_99 : vector<64x128xf32>
    %mul3A_107 = arith.mulf %logistic3A_105, %tanh3A_106 : vector<64x128xf32>
    %dot_general3A_108 = arith.constant dense<0.000000e+00> : vector<10000x128xf32>
    %dot_general3A_109 = tpu.matmul %convert_element_type3A_6, %mul3A_107, %dot_general3A_108 {dimension_numbers = #tpu.dot_dimension_numbers<[1], [0], [0], [1], [0, 0, 1, 1], [], []>, transpose_lhs_hint = false} : vector<10000x64xf32>, vector<64x128xf32>, vector<10000x128xf32> -> vector<10000x128xf32>
    %mul3A_110 = arith.mulf %get3A_1, %dot_general3A_109 : vector<10000x128xf32>
    %reduce_sum3A = arith.constant dense<0.000000e+00> : vector<10000xf32>
    %reduce_sum3A_111 = vector.multi_reduction <add>, %mul3A_110, %reduce_sum3A [1] : vector<10000x128xf32> to vector<10000xf32>
    %broadcast_in_dim3A_112 = vector.shape_cast %reduce_sum3A_111 : vector<10000xf32> to vector<10000x1xf32>
    %gt3A = arith.constant 0.000000e+00 : f32
    %gt3A_113 = vector.broadcast %gt3A : f32 to vector<10000x64xf32>
    %gt3A_114 = arith.cmpf ogt, %convert_element_type3A_6, %gt3A_113 : vector<10000x64xf32>
    %jit3A = arith.constant 0xFF800000 : f32
    %broadcast_in_dim3A_115 = vector.shape_cast %broadcast_in_dim3A_112 : vector<10000x1xf32> to vector<10000x1xf32>
    %broadcast_in_dim3A_116 = vector.broadcast %broadcast_in_dim3A_115 : vector<10000x1xf32> to vector<10000x64xf32>
    %broadcast_in_dim3A_117 = vector.broadcast %jit3A : f32 to vector<10000x64xf32>
    %select_n3A = arith.select %gt3A_114, %broadcast_in_dim3A_116, %broadcast_in_dim3A_117 : vector<10000x64xi1>, vector<10000x64xf32>
    %reduce_max3A = arith.constant dense<0xFF800000> : vector<64xf32>
    %reduce_max3A_118 = vector.multi_reduction <maximumf>, %select_n3A, %reduce_max3A [0] : vector<10000x64xf32> to vector<64xf32>
    %broadcast_in_dim3A_119 = vector.shape_cast %reduce_max3A_118 : vector<64xf32> to vector<1x64xf32>
    %is_finite3A = tpu.weird %broadcast_in_dim3A_119 : vector<1x64xf32> -> vector<1x64xi1>
    %is_finite3A_120 = arith.constant dense<true> : vector<1x64xi1>
    %is_finite3A_121 = arith.xori %is_finite3A, %is_finite3A_120 : vector<1x64xi1>
    %jit3A_122 = arith.constant 0.000000e+00 : f32
    %broadcast_in_dim3A_123 = vector.broadcast %jit3A_122 : f32 to vector<1x64xf32>
    %select_n3A_124 = arith.select %is_finite3A_121, %broadcast_in_dim3A_119, %broadcast_in_dim3A_123 : vector<1x64xi1>, vector<1x64xf32>
    %transpose3A = tpu.transpose %select_n3A_124, [1, 0] : vector<1x64xf32> -> vector<64x1xf32>
    %dot_general3A_125 = arith.constant dense<0.000000e+00> : vector<10000x1xf32>
    %dot_general3A_126 = tpu.matmul %convert_element_type3A_6, %transpose3A, %dot_general3A_125 {dimension_numbers = #tpu.dot_dimension_numbers<[1], [0], [0], [1], [0, 0, 1, 1], [], []>, transpose_lhs_hint = false} : vector<10000x64xf32>, vector<64x1xf32>, vector<10000x1xf32> -> vector<10000x1xf32>
    %sub3A = arith.subf %broadcast_in_dim3A_112, %dot_general3A_126 : vector<10000x1xf32>
    %exp3A = math.exp %sub3A : vector<10000x1xf32>
    %dot_general3A_127 = arith.constant dense<0.000000e+00> : vector<64x1xf32>
    %dot_general3A_128 = tpu.matmul %convert_element_type3A_6, %exp3A, %dot_general3A_127 {dimension_numbers = #tpu.dot_dimension_numbers<[0], [0], [1], [1], [0, 1, 1, 1], [], []>, transpose_lhs_hint = false} : vector<10000x64xf32>, vector<10000x1xf32>, vector<64x1xf32> -> vector<64x1xf32>
    %dot_general3A_129 = arith.constant dense<0.000000e+00> : vector<10000x1xf32>
    %dot_general3A_130 = tpu.matmul %convert_element_type3A_6, %dot_general3A_128, %dot_general3A_129 {dimension_numbers = #tpu.dot_dimension_numbers<[1], [0], [0], [1], [0, 0, 1, 1], [], []>, transpose_lhs_hint = false} : vector<10000x64xf32>, vector<64x1xf32>, vector<10000x1xf32> -> vector<10000x1xf32>
    %add3A_131 = arith.constant 1.000000e-16 : f32
    %add3A_132 = vector.broadcast %add3A_131 : f32 to vector<10000x1xf32>
    %add3A_133 = arith.addf %dot_general3A_130, %add3A_132 : vector<10000x1xf32>
    %div3A = arith.divf %exp3A, %add3A_133 : vector<10000x1xf32>
    %mul3A_134 = vector.broadcast %div3A : vector<10000x1xf32> to vector<10000x128xf32>
    %mul3A_135 = arith.mulf %mul3A_134, %get3A_1 : vector<10000x128xf32>
    %dot_general3A_136 = arith.constant dense<0.000000e+00> : vector<64x128xf32>
    %dot_general3A_137 = tpu.matmul %convert_element_type3A_6, %mul3A_135, %dot_general3A_136 {dimension_numbers = #tpu.dot_dimension_numbers<[0], [0], [1], [1], [0, 1, 1, 1], [], []>, transpose_lhs_hint = false} : vector<10000x64xf32>, vector<10000x128xf32>, vector<64x128xf32> -> vector<64x128xf32>
    %concatenate3A = tpu.concatenate %mul3A_107, %dot_general3A_137 in 1 : vector<64x128xf32>, vector<64x128xf32> -> vector<64x256xf32>
    %dot_general3A_138 = arith.constant dense<0.000000e+00> : vector<64x512xf32>
    %dot_general3A_139 = tpu.matmul %concatenate3A, %get3A_9, %dot_general3A_138 {dimension_numbers = #tpu.dot_dimension_numbers<[1], [0], [0], [1], [0, 0, 1, 1], [], []>, transpose_lhs_hint = false} : vector<64x256xf32>, vector<256x512xf32>, vector<64x512xf32> -> vector<64x512xf32>
    %add3A_140 = vector.broadcast %get3A_21 : vector<1x512xf32> to vector<64x512xf32>
    %add3A_141 = arith.addf %dot_general3A_139, %add3A_140 : vector<64x512xf32>
    %dot_general3A_142 = arith.constant dense<0.000000e+00> : vector<64x512xf32>
    %dot_general3A_143 = tpu.matmul %mul3A_70, %get3A_15, %dot_general3A_142 {dimension_numbers = #tpu.dot_dimension_numbers<[1], [0], [0], [1], [0, 0, 1, 1], [], []>, transpose_lhs_hint = false} : vector<64x128xf32>, vector<128x512xf32>, vector<64x512xf32> -> vector<64x512xf32>
    %add3A_144 = arith.addf %add3A_141, %dot_general3A_143 : vector<64x512xf32>
    %add3A_145 = vector.broadcast %get3A_27 : vector<1x512xf32> to vector<64x512xf32>
    %add3A_146 = arith.addf %add3A_144, %add3A_145 : vector<64x512xf32>
    %slice3A_147 = vector.extract_strided_slice %add3A_146 {offsets = [0, 0], sizes = [64, 128], strides = [1, 1]} : vector<64x512xf32> to vector<64x128xf32>
    %slice3A_148 = vector.extract_strided_slice %add3A_146 {offsets = [0, 128], sizes = [64, 128], strides = [1, 1]} : vector<64x512xf32> to vector<64x128xf32>
    %slice3A_149 = vector.extract_strided_slice %add3A_146 {offsets = [0, 256], sizes = [64, 128], strides = [1, 1]} : vector<64x512xf32> to vector<64x128xf32>
    %slice3A_150 = vector.extract_strided_slice %add3A_146 {offsets = [0, 384], sizes = [64, 128], strides = [1, 1]} : vector<64x512xf32> to vector<64x128xf32>
    %logistic3A_151 = arith.negf %slice3A_148 : vector<64x128xf32>
    %logistic3A_152 = math.exp %logistic3A_151 : vector<64x128xf32>
    %logistic3A_153 = arith.constant 1.000000e+00 : f32
    %logistic3A_154 = vector.broadcast %logistic3A_153 : f32 to vector<64x128xf32>
    %logistic3A_155 = arith.addf %logistic3A_154, %logistic3A_152 : vector<64x128xf32>
    %logistic3A_156 = arith.divf %logistic3A_154, %logistic3A_155 : vector<64x128xf32>
    %mul3A_157 = arith.mulf %logistic3A_156, %add3A_62 : vector<64x128xf32>
    %logistic3A_158 = arith.negf %slice3A_147 : vector<64x128xf32>
    %logistic3A_159 = math.exp %logistic3A_158 : vector<64x128xf32>
    %logistic3A_160 = arith.constant 1.000000e+00 : f32
    %logistic3A_161 = vector.broadcast %logistic3A_160 : f32 to vector<64x128xf32>
    %logistic3A_162 = arith.addf %logistic3A_161, %logistic3A_159 : vector<64x128xf32>
    %logistic3A_163 = arith.divf %logistic3A_161, %logistic3A_162 : vector<64x128xf32>
    %tanh3A_164 = math.tanh %slice3A_149 : vector<64x128xf32>
    %mul3A_165 = arith.mulf %logistic3A_163, %tanh3A_164 : vector<64x128xf32>
    %add3A_166 = arith.addf %mul3A_157, %mul3A_165 : vector<64x128xf32>
    %logistic3A_167 = arith.negf %slice3A_150 : vector<64x128xf32>
    %logistic3A_168 = math.exp %logistic3A_167 : vector<64x128xf32>
    %logistic3A_169 = arith.constant 1.000000e+00 : f32
    %logistic3A_170 = vector.broadcast %logistic3A_169 : f32 to vector<64x128xf32>
    %logistic3A_171 = arith.addf %logistic3A_170, %logistic3A_168 : vector<64x128xf32>
    %logistic3A_172 = arith.divf %logistic3A_170, %logistic3A_171 : vector<64x128xf32>
    %tanh3A_173 = math.tanh %add3A_166 : vector<64x128xf32>
    %mul3A_174 = arith.mulf %logistic3A_172, %tanh3A_173 : vector<64x128xf32>
    %dot_general3A_175 = arith.constant dense<0.000000e+00> : vector<64x512xf32>
    %dot_general3A_176 = tpu.matmul %mul3A_174, %get3A_12, %dot_general3A_175 {dimension_numbers = #tpu.dot_dimension_numbers<[1], [0], [0], [1], [0, 0, 1, 1], [], []>, transpose_lhs_hint = false} : vector<64x128xf32>, vector<128x512xf32>, vector<64x512xf32> -> vector<64x512xf32>
    %add3A_177 = vector.broadcast %get3A_24 : vector<1x512xf32> to vector<64x512xf32>
    %add3A_178 = arith.addf %dot_general3A_176, %add3A_177 : vector<64x512xf32>
    %dot_general3A_179 = arith.constant dense<0.000000e+00> : vector<64x512xf32>
    %dot_general3A_180 = tpu.matmul %mul3A_107, %get3A_18, %dot_general3A_179 {dimension_numbers = #tpu.dot_dimension_numbers<[1], [0], [0], [1], [0, 0, 1, 1], [], []>, transpose_lhs_hint = false} : vector<64x128xf32>, vector<128x512xf32>, vector<64x512xf32> -> vector<64x512xf32>
    %add3A_181 = arith.addf %add3A_178, %dot_general3A_180 : vector<64x512xf32>
    %add3A_182 = vector.broadcast %get3A_30 : vector<1x512xf32> to vector<64x512xf32>
    %add3A_183 = arith.addf %add3A_181, %add3A_182 : vector<64x512xf32>
    %slice3A_184 = vector.extract_strided_slice %add3A_183 {offsets = [0, 0], sizes = [64, 128], strides = [1, 1]} : vector<64x512xf32> to vector<64x128xf32>
    %slice3A_185 = vector.extract_strided_slice %add3A_183 {offsets = [0, 128], sizes = [64, 128], strides = [1, 1]} : vector<64x512xf32> to vector<64x128xf32>
    %slice3A_186 = vector.extract_strided_slice %add3A_183 {offsets = [0, 256], sizes = [64, 128], strides = [1, 1]} : vector<64x512xf32> to vector<64x128xf32>
    %slice3A_187 = vector.extract_strided_slice %add3A_183 {offsets = [0, 384], sizes = [64, 128], strides = [1, 1]} : vector<64x512xf32> to vector<64x128xf32>
    %logistic3A_188 = arith.negf %slice3A_185 : vector<64x128xf32>
    %logistic3A_189 = math.exp %logistic3A_188 : vector<64x128xf32>
    %logistic3A_190 = arith.constant 1.000000e+00 : f32
    %logistic3A_191 = vector.broadcast %logistic3A_190 : f32 to vector<64x128xf32>
    %logistic3A_192 = arith.addf %logistic3A_191, %logistic3A_189 : vector<64x128xf32>
    %logistic3A_193 = arith.divf %logistic3A_191, %logistic3A_192 : vector<64x128xf32>
    %mul3A_194 = arith.mulf %logistic3A_193, %add3A_99 : vector<64x128xf32>
    %logistic3A_195 = arith.negf %slice3A_184 : vector<64x128xf32>
    %logistic3A_196 = math.exp %logistic3A_195 : vector<64x128xf32>
    %logistic3A_197 = arith.constant 1.000000e+00 : f32
    %logistic3A_198 = vector.broadcast %logistic3A_197 : f32 to vector<64x128xf32>
    %logistic3A_199 = arith.addf %logistic3A_198, %logistic3A_196 : vector<64x128xf32>
    %logistic3A_200 = arith.divf %logistic3A_198, %logistic3A_199 : vector<64x128xf32>
    %tanh3A_201 = math.tanh %slice3A_186 : vector<64x128xf32>
    %mul3A_202 = arith.mulf %logistic3A_200, %tanh3A_201 : vector<64x128xf32>
    %add3A_203 = arith.addf %mul3A_194, %mul3A_202 : vector<64x128xf32>
    %logistic3A_204 = arith.negf %slice3A_187 : vector<64x128xf32>
    %logistic3A_205 = math.exp %logistic3A_204 : vector<64x128xf32>
    %logistic3A_206 = arith.constant 1.000000e+00 : f32
    %logistic3A_207 = vector.broadcast %logistic3A_206 : f32 to vector<64x128xf32>
    %logistic3A_208 = arith.addf %logistic3A_207, %logistic3A_205 : vector<64x128xf32>
    %logistic3A_209 = arith.divf %logistic3A_207, %logistic3A_208 : vector<64x128xf32>
    %tanh3A_210 = math.tanh %add3A_203 : vector<64x128xf32>
    %mul3A_211 = arith.mulf %logistic3A_209, %tanh3A_210 : vector<64x128xf32>
    %dot_general3A_212 = arith.constant dense<0.000000e+00> : vector<10000x128xf32>
    %dot_general3A_213 = tpu.matmul %convert_element_type3A_6, %mul3A_211, %dot_general3A_212 {dimension_numbers = #tpu.dot_dimension_numbers<[1], [0], [0], [1], [0, 0, 1, 1], [], []>, transpose_lhs_hint = false} : vector<10000x64xf32>, vector<64x128xf32>, vector<10000x128xf32> -> vector<10000x128xf32>
    %mul3A_214 = arith.mulf %get3A_1, %dot_general3A_213 : vector<10000x128xf32>
    %reduce_sum3A_215 = arith.constant dense<0.000000e+00> : vector<10000xf32>
    %reduce_sum3A_216 = vector.multi_reduction <add>, %mul3A_214, %reduce_sum3A_215 [1] : vector<10000x128xf32> to vector<10000xf32>
    %broadcast_in_dim3A_217 = vector.shape_cast %reduce_sum3A_216 : vector<10000xf32> to vector<10000x1xf32>
    %gt3A_218 = arith.constant 0.000000e+00 : f32
    %gt3A_219 = vector.broadcast %gt3A_218 : f32 to vector<10000x64xf32>
    %gt3A_220 = arith.cmpf ogt, %convert_element_type3A_6, %gt3A_219 : vector<10000x64xf32>
    %jit3A_221 = arith.constant 0xFF800000 : f32
    %broadcast_in_dim3A_222 = vector.shape_cast %broadcast_in_dim3A_217 : vector<10000x1xf32> to vector<10000x1xf32>
    %broadcast_in_dim3A_223 = vector.broadcast %broadcast_in_dim3A_222 : vector<10000x1xf32> to vector<10000x64xf32>
    %broadcast_in_dim3A_224 = vector.broadcast %jit3A_221 : f32 to vector<10000x64xf32>
    %select_n3A_225 = arith.select %gt3A_220, %broadcast_in_dim3A_223, %broadcast_in_dim3A_224 : vector<10000x64xi1>, vector<10000x64xf32>
    %reduce_max3A_226 = arith.constant dense<0xFF800000> : vector<64xf32>
    %reduce_max3A_227 = vector.multi_reduction <maximumf>, %select_n3A_225, %reduce_max3A_226 [0] : vector<10000x64xf32> to vector<64xf32>
    %broadcast_in_dim3A_228 = vector.shape_cast %reduce_max3A_227 : vector<64xf32> to vector<1x64xf32>
    %is_finite3A_229 = tpu.weird %broadcast_in_dim3A_228 : vector<1x64xf32> -> vector<1x64xi1>
    %is_finite3A_230 = arith.constant dense<true> : vector<1x64xi1>
    %is_finite3A_231 = arith.xori %is_finite3A_229, %is_finite3A_230 : vector<1x64xi1>
    %jit3A_232 = arith.constant 0.000000e+00 : f32
    %broadcast_in_dim3A_233 = vector.broadcast %jit3A_232 : f32 to vector<1x64xf32>
    %select_n3A_234 = arith.select %is_finite3A_231, %broadcast_in_dim3A_228, %broadcast_in_dim3A_233 : vector<1x64xi1>, vector<1x64xf32>
    %transpose3A_235 = tpu.transpose %select_n3A_234, [1, 0] : vector<1x64xf32> -> vector<64x1xf32>
    %dot_general3A_236 = arith.constant dense<0.000000e+00> : vector<10000x1xf32>
    %dot_general3A_237 = tpu.matmul %convert_element_type3A_6, %transpose3A_235, %dot_general3A_236 {dimension_numbers = #tpu.dot_dimension_numbers<[1], [0], [0], [1], [0, 0, 1, 1], [], []>, transpose_lhs_hint = false} : vector<10000x64xf32>, vector<64x1xf32>, vector<10000x1xf32> -> vector<10000x1xf32>
    %sub3A_238 = arith.subf %broadcast_in_dim3A_217, %dot_general3A_237 : vector<10000x1xf32>
    %exp3A_239 = math.exp %sub3A_238 : vector<10000x1xf32>
    %dot_general3A_240 = arith.constant dense<0.000000e+00> : vector<64x1xf32>
    %dot_general3A_241 = tpu.matmul %convert_element_type3A_6, %exp3A_239, %dot_general3A_240 {dimension_numbers = #tpu.dot_dimension_numbers<[0], [0], [1], [1], [0, 1, 1, 1], [], []>, transpose_lhs_hint = false} : vector<10000x64xf32>, vector<10000x1xf32>, vector<64x1xf32> -> vector<64x1xf32>
    %dot_general3A_242 = arith.constant dense<0.000000e+00> : vector<10000x1xf32>
    %dot_general3A_243 = tpu.matmul %convert_element_type3A_6, %dot_general3A_241, %dot_general3A_242 {dimension_numbers = #tpu.dot_dimension_numbers<[1], [0], [0], [1], [0, 0, 1, 1], [], []>, transpose_lhs_hint = false} : vector<10000x64xf32>, vector<64x1xf32>, vector<10000x1xf32> -> vector<10000x1xf32>
    %add3A_244 = arith.constant 1.000000e-16 : f32
    %add3A_245 = vector.broadcast %add3A_244 : f32 to vector<10000x1xf32>
    %add3A_246 = arith.addf %dot_general3A_243, %add3A_245 : vector<10000x1xf32>
    %div3A_247 = arith.divf %exp3A_239, %add3A_246 : vector<10000x1xf32>
    %mul3A_248 = vector.broadcast %div3A_247 : vector<10000x1xf32> to vector<10000x128xf32>
    %mul3A_249 = arith.mulf %mul3A_248, %get3A_1 : vector<10000x128xf32>
    %dot_general3A_250 = arith.constant dense<0.000000e+00> : vector<64x128xf32>
    %dot_general3A_251 = tpu.matmul %convert_element_type3A_6, %mul3A_249, %dot_general3A_250 {dimension_numbers = #tpu.dot_dimension_numbers<[0], [0], [1], [1], [0, 1, 1, 1], [], []>, transpose_lhs_hint = false} : vector<10000x64xf32>, vector<10000x128xf32>, vector<64x128xf32> -> vector<64x128xf32>
    %concatenate3A_252 = tpu.concatenate %mul3A_211, %dot_general3A_251 in 1 : vector<64x128xf32>, vector<64x128xf32> -> vector<64x256xf32>
    %dot_general3A_253 = arith.constant dense<0.000000e+00> : vector<64x512xf32>
    %dot_general3A_254 = tpu.matmul %concatenate3A_252, %get3A_9, %dot_general3A_253 {dimension_numbers = #tpu.dot_dimension_numbers<[1], [0], [0], [1], [0, 0, 1, 1], [], []>, transpose_lhs_hint = false} : vector<64x256xf32>, vector<256x512xf32>, vector<64x512xf32> -> vector<64x512xf32>
    %add3A_255 = vector.broadcast %get3A_21 : vector<1x512xf32> to vector<64x512xf32>
    %add3A_256 = arith.addf %dot_general3A_254, %add3A_255 : vector<64x512xf32>
    %dot_general3A_257 = arith.constant dense<0.000000e+00> : vector<64x512xf32>
    %dot_general3A_258 = tpu.matmul %mul3A_174, %get3A_15, %dot_general3A_257 {dimension_numbers = #tpu.dot_dimension_numbers<[1], [0], [0], [1], [0, 0, 1, 1], [], []>, transpose_lhs_hint = false} : vector<64x128xf32>, vector<128x512xf32>, vector<64x512xf32> -> vector<64x512xf32>
    %add3A_259 = arith.addf %add3A_256, %dot_general3A_258 : vector<64x512xf32>
    %add3A_260 = vector.broadcast %get3A_27 : vector<1x512xf32> to vector<64x512xf32>
    %add3A_261 = arith.addf %add3A_259, %add3A_260 : vector<64x512xf32>
    %slice3A_262 = vector.extract_strided_slice %add3A_261 {offsets = [0, 0], sizes = [64, 128], strides = [1, 1]} : vector<64x512xf32> to vector<64x128xf32>
    %slice3A_263 = vector.extract_strided_slice %add3A_261 {offsets = [0, 128], sizes = [64, 128], strides = [1, 1]} : vector<64x512xf32> to vector<64x128xf32>
    %slice3A_264 = vector.extract_strided_slice %add3A_261 {offsets = [0, 256], sizes = [64, 128], strides = [1, 1]} : vector<64x512xf32> to vector<64x128xf32>
    %slice3A_265 = vector.extract_strided_slice %add3A_261 {offsets = [0, 384], sizes = [64, 128], strides = [1, 1]} : vector<64x512xf32> to vector<64x128xf32>
    %logistic3A_266 = arith.negf %slice3A_263 : vector<64x128xf32>
    %logistic3A_267 = math.exp %logistic3A_266 : vector<64x128xf32>
    %logistic3A_268 = arith.constant 1.000000e+00 : f32
    %logistic3A_269 = vector.broadcast %logistic3A_268 : f32 to vector<64x128xf32>
    %logistic3A_270 = arith.addf %logistic3A_269, %logistic3A_267 : vector<64x128xf32>
    %logistic3A_271 = arith.divf %logistic3A_269, %logistic3A_270 : vector<64x128xf32>
    %mul3A_272 = arith.mulf %logistic3A_271, %add3A_166 : vector<64x128xf32>
    %logistic3A_273 = arith.negf %slice3A_262 : vector<64x128xf32>
    %logistic3A_274 = math.exp %logistic3A_273 : vector<64x128xf32>
    %logistic3A_275 = arith.constant 1.000000e+00 : f32
    %logistic3A_276 = vector.broadcast %logistic3A_275 : f32 to vector<64x128xf32>
    %logistic3A_277 = arith.addf %logistic3A_276, %logistic3A_274 : vector<64x128xf32>
    %logistic3A_278 = arith.divf %logistic3A_276, %logistic3A_277 : vector<64x128xf32>
    %tanh3A_279 = math.tanh %slice3A_264 : vector<64x128xf32>
    %mul3A_280 = arith.mulf %logistic3A_278, %tanh3A_279 : vector<64x128xf32>
    %add3A_281 = arith.addf %mul3A_272, %mul3A_280 : vector<64x128xf32>
    %logistic3A_282 = arith.negf %slice3A_265 : vector<64x128xf32>
    %logistic3A_283 = math.exp %logistic3A_282 : vector<64x128xf32>
    %logistic3A_284 = arith.constant 1.000000e+00 : f32
    %logistic3A_285 = vector.broadcast %logistic3A_284 : f32 to vector<64x128xf32>
    %logistic3A_286 = arith.addf %logistic3A_285, %logistic3A_283 : vector<64x128xf32>
    %logistic3A_287 = arith.divf %logistic3A_285, %logistic3A_286 : vector<64x128xf32>
    %tanh3A_288 = math.tanh %add3A_281 : vector<64x128xf32>
    %mul3A_289 = arith.mulf %logistic3A_287, %tanh3A_288 : vector<64x128xf32>
    %dot_general3A_290 = arith.constant dense<0.000000e+00> : vector<64x512xf32>
    %dot_general3A_291 = tpu.matmul %mul3A_289, %get3A_12, %dot_general3A_290 {dimension_numbers = #tpu.dot_dimension_numbers<[1], [0], [0], [1], [0, 0, 1, 1], [], []>, transpose_lhs_hint = false} : vector<64x128xf32>, vector<128x512xf32>, vector<64x512xf32> -> vector<64x512xf32>
    %add3A_292 = vector.broadcast %get3A_24 : vector<1x512xf32> to vector<64x512xf32>
    %add3A_293 = arith.addf %dot_general3A_291, %add3A_292 : vector<64x512xf32>
    %dot_general3A_294 = arith.constant dense<0.000000e+00> : vector<64x512xf32>
    %dot_general3A_295 = tpu.matmul %mul3A_211, %get3A_18, %dot_general3A_294 {dimension_numbers = #tpu.dot_dimension_numbers<[1], [0], [0], [1], [0, 0, 1, 1], [], []>, transpose_lhs_hint = false} : vector<64x128xf32>, vector<128x512xf32>, vector<64x512xf32> -> vector<64x512xf32>
    %add3A_296 = arith.addf %add3A_293, %dot_general3A_295 : vector<64x512xf32>
    %add3A_297 = vector.broadcast %get3A_30 : vector<1x512xf32> to vector<64x512xf32>
    %add3A_298 = arith.addf %add3A_296, %add3A_297 : vector<64x512xf32>
    %slice3A_299 = vector.extract_strided_slice %add3A_298 {offsets = [0, 0], sizes = [64, 128], strides = [1, 1]} : vector<64x512xf32> to vector<64x128xf32>
    %slice3A_300 = vector.extract_strided_slice %add3A_298 {offsets = [0, 128], sizes = [64, 128], strides = [1, 1]} : vector<64x512xf32> to vector<64x128xf32>
    %slice3A_301 = vector.extract_strided_slice %add3A_298 {offsets = [0, 256], sizes = [64, 128], strides = [1, 1]} : vector<64x512xf32> to vector<64x128xf32>
    %slice3A_302 = vector.extract_strided_slice %add3A_298 {offsets = [0, 384], sizes = [64, 128], strides = [1, 1]} : vector<64x512xf32> to vector<64x128xf32>
    %logistic3A_303 = arith.negf %slice3A_300 : vector<64x128xf32>
    %logistic3A_304 = math.exp %logistic3A_303 : vector<64x128xf32>
    %logistic3A_305 = arith.constant 1.000000e+00 : f32
    %logistic3A_306 = vector.broadcast %logistic3A_305 : f32 to vector<64x128xf32>
    %logistic3A_307 = arith.addf %logistic3A_306, %logistic3A_304 : vector<64x128xf32>
    %logistic3A_308 = arith.divf %logistic3A_306, %logistic3A_307 : vector<64x128xf32>
    %mul3A_309 = arith.mulf %logistic3A_308, %add3A_203 : vector<64x128xf32>
    %logistic3A_310 = arith.negf %slice3A_299 : vector<64x128xf32>
    %logistic3A_311 = math.exp %logistic3A_310 : vector<64x128xf32>
    %logistic3A_312 = arith.constant 1.000000e+00 : f32
    %logistic3A_313 = vector.broadcast %logistic3A_312 : f32 to vector<64x128xf32>
    %logistic3A_314 = arith.addf %logistic3A_313, %logistic3A_311 : vector<64x128xf32>
    %logistic3A_315 = arith.divf %logistic3A_313, %logistic3A_314 : vector<64x128xf32>
    %tanh3A_316 = math.tanh %slice3A_301 : vector<64x128xf32>
    %mul3A_317 = arith.mulf %logistic3A_315, %tanh3A_316 : vector<64x128xf32>
    %add3A_318 = arith.addf %mul3A_309, %mul3A_317 : vector<64x128xf32>
    %logistic3A_319 = arith.negf %slice3A_302 : vector<64x128xf32>
    %logistic3A_320 = math.exp %logistic3A_319 : vector<64x128xf32>
    %logistic3A_321 = arith.constant 1.000000e+00 : f32
    %logistic3A_322 = vector.broadcast %logistic3A_321 : f32 to vector<64x128xf32>
    %logistic3A_323 = arith.addf %logistic3A_322, %logistic3A_320 : vector<64x128xf32>
    %logistic3A_324 = arith.divf %logistic3A_322, %logistic3A_323 : vector<64x128xf32>
    %tanh3A_325 = math.tanh %add3A_318 : vector<64x128xf32>
    %mul3A_326 = arith.mulf %logistic3A_324, %tanh3A_325 : vector<64x128xf32>
    %dot_general3A_327 = arith.constant dense<0.000000e+00> : vector<10000x128xf32>
    %dot_general3A_328 = tpu.matmul %convert_element_type3A_6, %mul3A_326, %dot_general3A_327 {dimension_numbers = #tpu.dot_dimension_numbers<[1], [0], [0], [1], [0, 0, 1, 1], [], []>, transpose_lhs_hint = false} : vector<10000x64xf32>, vector<64x128xf32>, vector<10000x128xf32> -> vector<10000x128xf32>
    %mul3A_329 = arith.mulf %get3A_1, %dot_general3A_328 : vector<10000x128xf32>
    %reduce_sum3A_330 = arith.constant dense<0.000000e+00> : vector<10000xf32>
    %reduce_sum3A_331 = vector.multi_reduction <add>, %mul3A_329, %reduce_sum3A_330 [1] : vector<10000x128xf32> to vector<10000xf32>
    %broadcast_in_dim3A_332 = vector.shape_cast %reduce_sum3A_331 : vector<10000xf32> to vector<10000x1xf32>
    %gt3A_333 = arith.constant 0.000000e+00 : f32
    %gt3A_334 = vector.broadcast %gt3A_333 : f32 to vector<10000x64xf32>
    %gt3A_335 = arith.cmpf ogt, %convert_element_type3A_6, %gt3A_334 : vector<10000x64xf32>
    %jit3A_336 = arith.constant 0xFF800000 : f32
    %broadcast_in_dim3A_337 = vector.shape_cast %broadcast_in_dim3A_332 : vector<10000x1xf32> to vector<10000x1xf32>
    %broadcast_in_dim3A_338 = vector.broadcast %broadcast_in_dim3A_337 : vector<10000x1xf32> to vector<10000x64xf32>
    %broadcast_in_dim3A_339 = vector.broadcast %jit3A_336 : f32 to vector<10000x64xf32>
    %select_n3A_340 = arith.select %gt3A_335, %broadcast_in_dim3A_338, %broadcast_in_dim3A_339 : vector<10000x64xi1>, vector<10000x64xf32>
    %reduce_max3A_341 = arith.constant dense<0xFF800000> : vector<64xf32>
    %reduce_max3A_342 = vector.multi_reduction <maximumf>, %select_n3A_340, %reduce_max3A_341 [0] : vector<10000x64xf32> to vector<64xf32>
    %broadcast_in_dim3A_343 = vector.shape_cast %reduce_max3A_342 : vector<64xf32> to vector<1x64xf32>
    %is_finite3A_344 = tpu.weird %broadcast_in_dim3A_343 : vector<1x64xf32> -> vector<1x64xi1>
    %is_finite3A_345 = arith.constant dense<true> : vector<1x64xi1>
    %is_finite3A_346 = arith.xori %is_finite3A_344, %is_finite3A_345 : vector<1x64xi1>
    %jit3A_347 = arith.constant 0.000000e+00 : f32
    %broadcast_in_dim3A_348 = vector.broadcast %jit3A_347 : f32 to vector<1x64xf32>
    %select_n3A_349 = arith.select %is_finite3A_346, %broadcast_in_dim3A_343, %broadcast_in_dim3A_348 : vector<1x64xi1>, vector<1x64xf32>
    %transpose3A_350 = tpu.transpose %select_n3A_349, [1, 0] : vector<1x64xf32> -> vector<64x1xf32>
    %dot_general3A_351 = arith.constant dense<0.000000e+00> : vector<10000x1xf32>
    %dot_general3A_352 = tpu.matmul %convert_element_type3A_6, %transpose3A_350, %dot_general3A_351 {dimension_numbers = #tpu.dot_dimension_numbers<[1], [0], [0], [1], [0, 0, 1, 1], [], []>, transpose_lhs_hint = false} : vector<10000x64xf32>, vector<64x1xf32>, vector<10000x1xf32> -> vector<10000x1xf32>
    %sub3A_353 = arith.subf %broadcast_in_dim3A_332, %dot_general3A_352 : vector<10000x1xf32>
    %exp3A_354 = math.exp %sub3A_353 : vector<10000x1xf32>
    %dot_general3A_355 = arith.constant dense<0.000000e+00> : vector<64x1xf32>
    %dot_general3A_356 = tpu.matmul %convert_element_type3A_6, %exp3A_354, %dot_general3A_355 {dimension_numbers = #tpu.dot_dimension_numbers<[0], [0], [1], [1], [0, 1, 1, 1], [], []>, transpose_lhs_hint = false} : vector<10000x64xf32>, vector<10000x1xf32>, vector<64x1xf32> -> vector<64x1xf32>
    %dot_general3A_357 = arith.constant dense<0.000000e+00> : vector<10000x1xf32>
    %dot_general3A_358 = tpu.matmul %convert_element_type3A_6, %dot_general3A_356, %dot_general3A_357 {dimension_numbers = #tpu.dot_dimension_numbers<[1], [0], [0], [1], [0, 0, 1, 1], [], []>, transpose_lhs_hint = false} : vector<10000x64xf32>, vector<64x1xf32>, vector<10000x1xf32> -> vector<10000x1xf32>
    %add3A_359 = arith.constant 1.000000e-16 : f32
    %add3A_360 = vector.broadcast %add3A_359 : f32 to vector<10000x1xf32>
    %add3A_361 = arith.addf %dot_general3A_358, %add3A_360 : vector<10000x1xf32>
    %div3A_362 = arith.divf %exp3A_354, %add3A_361 : vector<10000x1xf32>
    %mul3A_363 = vector.broadcast %div3A_362 : vector<10000x1xf32> to vector<10000x128xf32>
    %mul3A_364 = arith.mulf %mul3A_363, %get3A_1 : vector<10000x128xf32>
    %dot_general3A_365 = arith.constant dense<0.000000e+00> : vector<64x128xf32>
    %dot_general3A_366 = tpu.matmul %convert_element_type3A_6, %mul3A_364, %dot_general3A_365 {dimension_numbers = #tpu.dot_dimension_numbers<[0], [0], [1], [1], [0, 1, 1, 1], [], []>, transpose_lhs_hint = false} : vector<10000x64xf32>, vector<10000x128xf32>, vector<64x128xf32> -> vector<64x128xf32>
    %concatenate3A_367 = tpu.concatenate %mul3A_326, %dot_general3A_366 in 1 : vector<64x128xf32>, vector<64x128xf32> -> vector<64x256xf32>
    %dot_general3A_368 = arith.constant dense<0.000000e+00> : vector<64x512xf32>
    %dot_general3A_369 = tpu.matmul %concatenate3A_367, %get3A_9, %dot_general3A_368 {dimension_numbers = #tpu.dot_dimension_numbers<[1], [0], [0], [1], [0, 0, 1, 1], [], []>, transpose_lhs_hint = false} : vector<64x256xf32>, vector<256x512xf32>, vector<64x512xf32> -> vector<64x512xf32>
    %add3A_370 = vector.broadcast %get3A_21 : vector<1x512xf32> to vector<64x512xf32>
    %add3A_371 = arith.addf %dot_general3A_369, %add3A_370 : vector<64x512xf32>
    %dot_general3A_372 = arith.constant dense<0.000000e+00> : vector<64x512xf32>
    %dot_general3A_373 = tpu.matmul %mul3A_289, %get3A_15, %dot_general3A_372 {dimension_numbers = #tpu.dot_dimension_numbers<[1], [0], [0], [1], [0, 0, 1, 1], [], []>, transpose_lhs_hint = false} : vector<64x128xf32>, vector<128x512xf32>, vector<64x512xf32> -> vector<64x512xf32>
    %add3A_374 = arith.addf %add3A_371, %dot_general3A_373 : vector<64x512xf32>
    %add3A_375 = vector.broadcast %get3A_27 : vector<1x512xf32> to vector<64x512xf32>
    %add3A_376 = arith.addf %add3A_374, %add3A_375 : vector<64x512xf32>
    %slice3A_377 = vector.extract_strided_slice %add3A_376 {offsets = [0, 0], sizes = [64, 128], strides = [1, 1]} : vector<64x512xf32> to vector<64x128xf32>
    %slice3A_378 = vector.extract_strided_slice %add3A_376 {offsets = [0, 128], sizes = [64, 128], strides = [1, 1]} : vector<64x512xf32> to vector<64x128xf32>
    %slice3A_379 = vector.extract_strided_slice %add3A_376 {offsets = [0, 256], sizes = [64, 128], strides = [1, 1]} : vector<64x512xf32> to vector<64x128xf32>
    %slice3A_380 = vector.extract_strided_slice %add3A_376 {offsets = [0, 384], sizes = [64, 128], strides = [1, 1]} : vector<64x512xf32> to vector<64x128xf32>
    %logistic3A_381 = arith.negf %slice3A_378 : vector<64x128xf32>
    %logistic3A_382 = math.exp %logistic3A_381 : vector<64x128xf32>
    %logistic3A_383 = arith.constant 1.000000e+00 : f32
    %logistic3A_384 = vector.broadcast %logistic3A_383 : f32 to vector<64x128xf32>
    %logistic3A_385 = arith.addf %logistic3A_384, %logistic3A_382 : vector<64x128xf32>
    %logistic3A_386 = arith.divf %logistic3A_384, %logistic3A_385 : vector<64x128xf32>
    %mul3A_387 = arith.mulf %logistic3A_386, %add3A_281 : vector<64x128xf32>
    %logistic3A_388 = arith.negf %slice3A_377 : vector<64x128xf32>
    %logistic3A_389 = math.exp %logistic3A_388 : vector<64x128xf32>
    %logistic3A_390 = arith.constant 1.000000e+00 : f32
    %logistic3A_391 = vector.broadcast %logistic3A_390 : f32 to vector<64x128xf32>
    %logistic3A_392 = arith.addf %logistic3A_391, %logistic3A_389 : vector<64x128xf32>
    %logistic3A_393 = arith.divf %logistic3A_391, %logistic3A_392 : vector<64x128xf32>
    %tanh3A_394 = math.tanh %slice3A_379 : vector<64x128xf32>
    %mul3A_395 = arith.mulf %logistic3A_393, %tanh3A_394 : vector<64x128xf32>
    %add3A_396 = arith.addf %mul3A_387, %mul3A_395 : vector<64x128xf32>
    %logistic3A_397 = arith.negf %slice3A_380 : vector<64x128xf32>
    %logistic3A_398 = math.exp %logistic3A_397 : vector<64x128xf32>
    %logistic3A_399 = arith.constant 1.000000e+00 : f32
    %logistic3A_400 = vector.broadcast %logistic3A_399 : f32 to vector<64x128xf32>
    %logistic3A_401 = arith.addf %logistic3A_400, %logistic3A_398 : vector<64x128xf32>
    %logistic3A_402 = arith.divf %logistic3A_400, %logistic3A_401 : vector<64x128xf32>
    %tanh3A_403 = math.tanh %add3A_396 : vector<64x128xf32>
    %mul3A_404 = arith.mulf %logistic3A_402, %tanh3A_403 : vector<64x128xf32>
    %dot_general3A_405 = arith.constant dense<0.000000e+00> : vector<64x512xf32>
    %dot_general3A_406 = tpu.matmul %mul3A_404, %get3A_12, %dot_general3A_405 {dimension_numbers = #tpu.dot_dimension_numbers<[1], [0], [0], [1], [0, 0, 1, 1], [], []>, transpose_lhs_hint = false} : vector<64x128xf32>, vector<128x512xf32>, vector<64x512xf32> -> vector<64x512xf32>
    %add3A_407 = vector.broadcast %get3A_24 : vector<1x512xf32> to vector<64x512xf32>
    %add3A_408 = arith.addf %dot_general3A_406, %add3A_407 : vector<64x512xf32>
    %dot_general3A_409 = arith.constant dense<0.000000e+00> : vector<64x512xf32>
    %dot_general3A_410 = tpu.matmul %mul3A_326, %get3A_18, %dot_general3A_409 {dimension_numbers = #tpu.dot_dimension_numbers<[1], [0], [0], [1], [0, 0, 1, 1], [], []>, transpose_lhs_hint = false} : vector<64x128xf32>, vector<128x512xf32>, vector<64x512xf32> -> vector<64x512xf32>
    %add3A_411 = arith.addf %add3A_408, %dot_general3A_410 : vector<64x512xf32>
    %add3A_412 = vector.broadcast %get3A_30 : vector<1x512xf32> to vector<64x512xf32>
    %add3A_413 = arith.addf %add3A_411, %add3A_412 : vector<64x512xf32>
    %slice3A_414 = vector.extract_strided_slice %add3A_413 {offsets = [0, 0], sizes = [64, 128], strides = [1, 1]} : vector<64x512xf32> to vector<64x128xf32>
    %slice3A_415 = vector.extract_strided_slice %add3A_413 {offsets = [0, 128], sizes = [64, 128], strides = [1, 1]} : vector<64x512xf32> to vector<64x128xf32>
    %slice3A_416 = vector.extract_strided_slice %add3A_413 {offsets = [0, 256], sizes = [64, 128], strides = [1, 1]} : vector<64x512xf32> to vector<64x128xf32>
    %slice3A_417 = vector.extract_strided_slice %add3A_413 {offsets = [0, 384], sizes = [64, 128], strides = [1, 1]} : vector<64x512xf32> to vector<64x128xf32>
    %logistic3A_418 = arith.negf %slice3A_415 : vector<64x128xf32>
    %logistic3A_419 = math.exp %logistic3A_418 : vector<64x128xf32>
    %logistic3A_420 = arith.constant 1.000000e+00 : f32
    %logistic3A_421 = vector.broadcast %logistic3A_420 : f32 to vector<64x128xf32>
    %logistic3A_422 = arith.addf %logistic3A_421, %logistic3A_419 : vector<64x128xf32>
    %logistic3A_423 = arith.divf %logistic3A_421, %logistic3A_422 : vector<64x128xf32>
    %mul3A_424 = arith.mulf %logistic3A_423, %add3A_318 : vector<64x128xf32>
    %logistic3A_425 = arith.negf %slice3A_414 : vector<64x128xf32>
    %logistic3A_426 = math.exp %logistic3A_425 : vector<64x128xf32>
    %logistic3A_427 = arith.constant 1.000000e+00 : f32
    %logistic3A_428 = vector.broadcast %logistic3A_427 : f32 to vector<64x128xf32>
    %logistic3A_429 = arith.addf %logistic3A_428, %logistic3A_426 : vector<64x128xf32>
    %logistic3A_430 = arith.divf %logistic3A_428, %logistic3A_429 : vector<64x128xf32>
    %tanh3A_431 = math.tanh %slice3A_416 : vector<64x128xf32>
    %mul3A_432 = arith.mulf %logistic3A_430, %tanh3A_431 : vector<64x128xf32>
    %add3A_433 = arith.addf %mul3A_424, %mul3A_432 : vector<64x128xf32>
    %logistic3A_434 = arith.negf %slice3A_417 : vector<64x128xf32>
    %logistic3A_435 = math.exp %logistic3A_434 : vector<64x128xf32>
    %logistic3A_436 = arith.constant 1.000000e+00 : f32
    %logistic3A_437 = vector.broadcast %logistic3A_436 : f32 to vector<64x128xf32>
    %logistic3A_438 = arith.addf %logistic3A_437, %logistic3A_435 : vector<64x128xf32>
    %logistic3A_439 = arith.divf %logistic3A_437, %logistic3A_438 : vector<64x128xf32>
    %tanh3A_440 = math.tanh %add3A_433 : vector<64x128xf32>
    %mul3A_441 = arith.mulf %logistic3A_439, %tanh3A_440 : vector<64x128xf32>
    %dot_general3A_442 = arith.constant dense<0.000000e+00> : vector<10000x128xf32>
    %dot_general3A_443 = tpu.matmul %convert_element_type3A_6, %mul3A_441, %dot_general3A_442 {dimension_numbers = #tpu.dot_dimension_numbers<[1], [0], [0], [1], [0, 0, 1, 1], [], []>, transpose_lhs_hint = false} : vector<10000x64xf32>, vector<64x128xf32>, vector<10000x128xf32> -> vector<10000x128xf32>
    %mul3A_444 = arith.mulf %get3A_1, %dot_general3A_443 : vector<10000x128xf32>
    %reduce_sum3A_445 = arith.constant dense<0.000000e+00> : vector<10000xf32>
    %reduce_sum3A_446 = vector.multi_reduction <add>, %mul3A_444, %reduce_sum3A_445 [1] : vector<10000x128xf32> to vector<10000xf32>
    %broadcast_in_dim3A_447 = vector.shape_cast %reduce_sum3A_446 : vector<10000xf32> to vector<10000x1xf32>
    %gt3A_448 = arith.constant 0.000000e+00 : f32
    %gt3A_449 = vector.broadcast %gt3A_448 : f32 to vector<10000x64xf32>
    %gt3A_450 = arith.cmpf ogt, %convert_element_type3A_6, %gt3A_449 : vector<10000x64xf32>
    %jit3A_451 = arith.constant 0xFF800000 : f32
    %broadcast_in_dim3A_452 = vector.shape_cast %broadcast_in_dim3A_447 : vector<10000x1xf32> to vector<10000x1xf32>
    %broadcast_in_dim3A_453 = vector.broadcast %broadcast_in_dim3A_452 : vector<10000x1xf32> to vector<10000x64xf32>
    %broadcast_in_dim3A_454 = vector.broadcast %jit3A_451 : f32 to vector<10000x64xf32>
    %select_n3A_455 = arith.select %gt3A_450, %broadcast_in_dim3A_453, %broadcast_in_dim3A_454 : vector<10000x64xi1>, vector<10000x64xf32>
    %reduce_max3A_456 = arith.constant dense<0xFF800000> : vector<64xf32>
    %reduce_max3A_457 = vector.multi_reduction <maximumf>, %select_n3A_455, %reduce_max3A_456 [0] : vector<10000x64xf32> to vector<64xf32>
    %broadcast_in_dim3A_458 = vector.shape_cast %reduce_max3A_457 : vector<64xf32> to vector<1x64xf32>
    %is_finite3A_459 = tpu.weird %broadcast_in_dim3A_458 : vector<1x64xf32> -> vector<1x64xi1>
    %is_finite3A_460 = arith.constant dense<true> : vector<1x64xi1>
    %is_finite3A_461 = arith.xori %is_finite3A_459, %is_finite3A_460 : vector<1x64xi1>
    %jit3A_462 = arith.constant 0.000000e+00 : f32
    %broadcast_in_dim3A_463 = vector.broadcast %jit3A_462 : f32 to vector<1x64xf32>
    %select_n3A_464 = arith.select %is_finite3A_461, %broadcast_in_dim3A_458, %broadcast_in_dim3A_463 : vector<1x64xi1>, vector<1x64xf32>
    %transpose3A_465 = tpu.transpose %select_n3A_464, [1, 0] : vector<1x64xf32> -> vector<64x1xf32>
    %dot_general3A_466 = arith.constant dense<0.000000e+00> : vector<10000x1xf32>
    %dot_general3A_467 = tpu.matmul %convert_element_type3A_6, %transpose3A_465, %dot_general3A_466 {dimension_numbers = #tpu.dot_dimension_numbers<[1], [0], [0], [1], [0, 0, 1, 1], [], []>, transpose_lhs_hint = false} : vector<10000x64xf32>, vector<64x1xf32>, vector<10000x1xf32> -> vector<10000x1xf32>
    %sub3A_468 = arith.subf %broadcast_in_dim3A_447, %dot_general3A_467 : vector<10000x1xf32>
    %exp3A_469 = math.exp %sub3A_468 : vector<10000x1xf32>
    %dot_general3A_470 = arith.constant dense<0.000000e+00> : vector<64x1xf32>
    %dot_general3A_471 = tpu.matmul %convert_element_type3A_6, %exp3A_469, %dot_general3A_470 {dimension_numbers = #tpu.dot_dimension_numbers<[0], [0], [1], [1], [0, 1, 1, 1], [], []>, transpose_lhs_hint = false} : vector<10000x64xf32>, vector<10000x1xf32>, vector<64x1xf32> -> vector<64x1xf32>
    %dot_general3A_472 = arith.constant dense<0.000000e+00> : vector<10000x1xf32>
    %dot_general3A_473 = tpu.matmul %convert_element_type3A_6, %dot_general3A_471, %dot_general3A_472 {dimension_numbers = #tpu.dot_dimension_numbers<[1], [0], [0], [1], [0, 0, 1, 1], [], []>, transpose_lhs_hint = false} : vector<10000x64xf32>, vector<64x1xf32>, vector<10000x1xf32> -> vector<10000x1xf32>
    %add3A_474 = arith.constant 1.000000e-16 : f32
    %add3A_475 = vector.broadcast %add3A_474 : f32 to vector<10000x1xf32>
    %add3A_476 = arith.addf %dot_general3A_473, %add3A_475 : vector<10000x1xf32>
    %div3A_477 = arith.divf %exp3A_469, %add3A_476 : vector<10000x1xf32>
    %mul3A_478 = vector.broadcast %div3A_477 : vector<10000x1xf32> to vector<10000x128xf32>
    %mul3A_479 = arith.mulf %mul3A_478, %get3A_1 : vector<10000x128xf32>
    %dot_general3A_480 = arith.constant dense<0.000000e+00> : vector<64x128xf32>
    %dot_general3A_481 = tpu.matmul %convert_element_type3A_6, %mul3A_479, %dot_general3A_480 {dimension_numbers = #tpu.dot_dimension_numbers<[0], [0], [1], [1], [0, 1, 1, 1], [], []>, transpose_lhs_hint = false} : vector<10000x64xf32>, vector<10000x128xf32>, vector<64x128xf32> -> vector<64x128xf32>
    %concatenate3A_482 = tpu.concatenate %mul3A_441, %dot_general3A_481 in 1 : vector<64x128xf32>, vector<64x128xf32> -> vector<64x256xf32>
    %dot_general3A_483 = arith.constant dense<0.000000e+00> : vector<64x512xf32>
    %dot_general3A_484 = tpu.matmul %concatenate3A_482, %get3A_9, %dot_general3A_483 {dimension_numbers = #tpu.dot_dimension_numbers<[1], [0], [0], [1], [0, 0, 1, 1], [], []>, transpose_lhs_hint = false} : vector<64x256xf32>, vector<256x512xf32>, vector<64x512xf32> -> vector<64x512xf32>
    %add3A_485 = vector.broadcast %get3A_21 : vector<1x512xf32> to vector<64x512xf32>
    %add3A_486 = arith.addf %dot_general3A_484, %add3A_485 : vector<64x512xf32>
    %dot_general3A_487 = arith.constant dense<0.000000e+00> : vector<64x512xf32>
    %dot_general3A_488 = tpu.matmul %mul3A_404, %get3A_15, %dot_general3A_487 {dimension_numbers = #tpu.dot_dimension_numbers<[1], [0], [0], [1], [0, 0, 1, 1], [], []>, transpose_lhs_hint = false} : vector<64x128xf32>, vector<128x512xf32>, vector<64x512xf32> -> vector<64x512xf32>
    %add3A_489 = arith.addf %add3A_486, %dot_general3A_488 : vector<64x512xf32>
    %add3A_490 = vector.broadcast %get3A_27 : vector<1x512xf32> to vector<64x512xf32>
    %add3A_491 = arith.addf %add3A_489, %add3A_490 : vector<64x512xf32>
    %slice3A_492 = vector.extract_strided_slice %add3A_491 {offsets = [0, 0], sizes = [64, 128], strides = [1, 1]} : vector<64x512xf32> to vector<64x128xf32>
    %slice3A_493 = vector.extract_strided_slice %add3A_491 {offsets = [0, 128], sizes = [64, 128], strides = [1, 1]} : vector<64x512xf32> to vector<64x128xf32>
    %slice3A_494 = vector.extract_strided_slice %add3A_491 {offsets = [0, 256], sizes = [64, 128], strides = [1, 1]} : vector<64x512xf32> to vector<64x128xf32>
    %slice3A_495 = vector.extract_strided_slice %add3A_491 {offsets = [0, 384], sizes = [64, 128], strides = [1, 1]} : vector<64x512xf32> to vector<64x128xf32>
    %logistic3A_496 = arith.negf %slice3A_493 : vector<64x128xf32>
    %logistic3A_497 = math.exp %logistic3A_496 : vector<64x128xf32>
    %logistic3A_498 = arith.constant 1.000000e+00 : f32
    %logistic3A_499 = vector.broadcast %logistic3A_498 : f32 to vector<64x128xf32>
    %logistic3A_500 = arith.addf %logistic3A_499, %logistic3A_497 : vector<64x128xf32>
    %logistic3A_501 = arith.divf %logistic3A_499, %logistic3A_500 : vector<64x128xf32>
    %mul3A_502 = arith.mulf %logistic3A_501, %add3A_396 : vector<64x128xf32>
    %logistic3A_503 = arith.negf %slice3A_492 : vector<64x128xf32>
    %logistic3A_504 = math.exp %logistic3A_503 : vector<64x128xf32>
    %logistic3A_505 = arith.constant 1.000000e+00 : f32
    %logistic3A_506 = vector.broadcast %logistic3A_505 : f32 to vector<64x128xf32>
    %logistic3A_507 = arith.addf %logistic3A_506, %logistic3A_504 : vector<64x128xf32>
    %logistic3A_508 = arith.divf %logistic3A_506, %logistic3A_507 : vector<64x128xf32>
    %tanh3A_509 = math.tanh %slice3A_494 : vector<64x128xf32>
    %mul3A_510 = arith.mulf %logistic3A_508, %tanh3A_509 : vector<64x128xf32>
    %add3A_511 = arith.addf %mul3A_502, %mul3A_510 : vector<64x128xf32>
    %logistic3A_512 = arith.negf %slice3A_495 : vector<64x128xf32>
    %logistic3A_513 = math.exp %logistic3A_512 : vector<64x128xf32>
    %logistic3A_514 = arith.constant 1.000000e+00 : f32
    %logistic3A_515 = vector.broadcast %logistic3A_514 : f32 to vector<64x128xf32>
    %logistic3A_516 = arith.addf %logistic3A_515, %logistic3A_513 : vector<64x128xf32>
    %logistic3A_517 = arith.divf %logistic3A_515, %logistic3A_516 : vector<64x128xf32>
    %tanh3A_518 = math.tanh %add3A_511 : vector<64x128xf32>
    %mul3A_519 = arith.mulf %logistic3A_517, %tanh3A_518 : vector<64x128xf32>
    %dot_general3A_520 = arith.constant dense<0.000000e+00> : vector<64x512xf32>
    %dot_general3A_521 = tpu.matmul %mul3A_519, %get3A_12, %dot_general3A_520 {dimension_numbers = #tpu.dot_dimension_numbers<[1], [0], [0], [1], [0, 0, 1, 1], [], []>, transpose_lhs_hint = false} : vector<64x128xf32>, vector<128x512xf32>, vector<64x512xf32> -> vector<64x512xf32>
    %add3A_522 = vector.broadcast %get3A_24 : vector<1x512xf32> to vector<64x512xf32>
    %add3A_523 = arith.addf %dot_general3A_521, %add3A_522 : vector<64x512xf32>
    %dot_general3A_524 = arith.constant dense<0.000000e+00> : vector<64x512xf32>
    %dot_general3A_525 = tpu.matmul %mul3A_441, %get3A_18, %dot_general3A_524 {dimension_numbers = #tpu.dot_dimension_numbers<[1], [0], [0], [1], [0, 0, 1, 1], [], []>, transpose_lhs_hint = false} : vector<64x128xf32>, vector<128x512xf32>, vector<64x512xf32> -> vector<64x512xf32>
    %add3A_526 = arith.addf %add3A_523, %dot_general3A_525 : vector<64x512xf32>
    %add3A_527 = vector.broadcast %get3A_30 : vector<1x512xf32> to vector<64x512xf32>
    %add3A_528 = arith.addf %add3A_526, %add3A_527 : vector<64x512xf32>
    %slice3A_529 = vector.extract_strided_slice %add3A_528 {offsets = [0, 0], sizes = [64, 128], strides = [1, 1]} : vector<64x512xf32> to vector<64x128xf32>
    %slice3A_530 = vector.extract_strided_slice %add3A_528 {offsets = [0, 128], sizes = [64, 128], strides = [1, 1]} : vector<64x512xf32> to vector<64x128xf32>
    %slice3A_531 = vector.extract_strided_slice %add3A_528 {offsets = [0, 256], sizes = [64, 128], strides = [1, 1]} : vector<64x512xf32> to vector<64x128xf32>
    %slice3A_532 = vector.extract_strided_slice %add3A_528 {offsets = [0, 384], sizes = [64, 128], strides = [1, 1]} : vector<64x512xf32> to vector<64x128xf32>
    %logistic3A_533 = arith.negf %slice3A_530 : vector<64x128xf32>
    %logistic3A_534 = math.exp %logistic3A_533 : vector<64x128xf32>
    %logistic3A_535 = arith.constant 1.000000e+00 : f32
    %logistic3A_536 = vector.broadcast %logistic3A_535 : f32 to vector<64x128xf32>
    %logistic3A_537 = arith.addf %logistic3A_536, %logistic3A_534 : vector<64x128xf32>
    %logistic3A_538 = arith.divf %logistic3A_536, %logistic3A_537 : vector<64x128xf32>
    %mul3A_539 = arith.mulf %logistic3A_538, %add3A_433 : vector<64x128xf32>
    %logistic3A_540 = arith.negf %slice3A_529 : vector<64x128xf32>
    %logistic3A_541 = math.exp %logistic3A_540 : vector<64x128xf32>
    %logistic3A_542 = arith.constant 1.000000e+00 : f32
    %logistic3A_543 = vector.broadcast %logistic3A_542 : f32 to vector<64x128xf32>
    %logistic3A_544 = arith.addf %logistic3A_543, %logistic3A_541 : vector<64x128xf32>
    %logistic3A_545 = arith.divf %logistic3A_543, %logistic3A_544 : vector<64x128xf32>
    %tanh3A_546 = math.tanh %slice3A_531 : vector<64x128xf32>
    %mul3A_547 = arith.mulf %logistic3A_545, %tanh3A_546 : vector<64x128xf32>
    %add3A_548 = arith.addf %mul3A_539, %mul3A_547 : vector<64x128xf32>
    %logistic3A_549 = arith.negf %slice3A_532 : vector<64x128xf32>
    %logistic3A_550 = math.exp %logistic3A_549 : vector<64x128xf32>
    %logistic3A_551 = arith.constant 1.000000e+00 : f32
    %logistic3A_552 = vector.broadcast %logistic3A_551 : f32 to vector<64x128xf32>
    %logistic3A_553 = arith.addf %logistic3A_552, %logistic3A_550 : vector<64x128xf32>
    %logistic3A_554 = arith.divf %logistic3A_552, %logistic3A_553 : vector<64x128xf32>
    %tanh3A_555 = math.tanh %add3A_548 : vector<64x128xf32>
    %mul3A_556 = arith.mulf %logistic3A_554, %tanh3A_555 : vector<64x128xf32>
    %dot_general3A_557 = arith.constant dense<0.000000e+00> : vector<10000x128xf32>
    %dot_general3A_558 = tpu.matmul %convert_element_type3A_6, %mul3A_556, %dot_general3A_557 {dimension_numbers = #tpu.dot_dimension_numbers<[1], [0], [0], [1], [0, 0, 1, 1], [], []>, transpose_lhs_hint = false} : vector<10000x64xf32>, vector<64x128xf32>, vector<10000x128xf32> -> vector<10000x128xf32>
    %mul3A_559 = arith.mulf %get3A_1, %dot_general3A_558 : vector<10000x128xf32>
    %reduce_sum3A_560 = arith.constant dense<0.000000e+00> : vector<10000xf32>
    %reduce_sum3A_561 = vector.multi_reduction <add>, %mul3A_559, %reduce_sum3A_560 [1] : vector<10000x128xf32> to vector<10000xf32>
    %broadcast_in_dim3A_562 = vector.shape_cast %reduce_sum3A_561 : vector<10000xf32> to vector<10000x1xf32>
    %gt3A_563 = arith.constant 0.000000e+00 : f32
    %gt3A_564 = vector.broadcast %gt3A_563 : f32 to vector<10000x64xf32>
    %gt3A_565 = arith.cmpf ogt, %convert_element_type3A_6, %gt3A_564 : vector<10000x64xf32>
    %jit3A_566 = arith.constant 0xFF800000 : f32
    %broadcast_in_dim3A_567 = vector.shape_cast %broadcast_in_dim3A_562 : vector<10000x1xf32> to vector<10000x1xf32>
    %broadcast_in_dim3A_568 = vector.broadcast %broadcast_in_dim3A_567 : vector<10000x1xf32> to vector<10000x64xf32>
    %broadcast_in_dim3A_569 = vector.broadcast %jit3A_566 : f32 to vector<10000x64xf32>
    %select_n3A_570 = arith.select %gt3A_565, %broadcast_in_dim3A_568, %broadcast_in_dim3A_569 : vector<10000x64xi1>, vector<10000x64xf32>
    %reduce_max3A_571 = arith.constant dense<0xFF800000> : vector<64xf32>
    %reduce_max3A_572 = vector.multi_reduction <maximumf>, %select_n3A_570, %reduce_max3A_571 [0] : vector<10000x64xf32> to vector<64xf32>
    %broadcast_in_dim3A_573 = vector.shape_cast %reduce_max3A_572 : vector<64xf32> to vector<1x64xf32>
    %is_finite3A_574 = tpu.weird %broadcast_in_dim3A_573 : vector<1x64xf32> -> vector<1x64xi1>
    %is_finite3A_575 = arith.constant dense<true> : vector<1x64xi1>
    %is_finite3A_576 = arith.xori %is_finite3A_574, %is_finite3A_575 : vector<1x64xi1>
    %jit3A_577 = arith.constant 0.000000e+00 : f32
    %broadcast_in_dim3A_578 = vector.broadcast %jit3A_577 : f32 to vector<1x64xf32>
    %select_n3A_579 = arith.select %is_finite3A_576, %broadcast_in_dim3A_573, %broadcast_in_dim3A_578 : vector<1x64xi1>, vector<1x64xf32>
    %transpose3A_580 = tpu.transpose %select_n3A_579, [1, 0] : vector<1x64xf32> -> vector<64x1xf32>
    %dot_general3A_581 = arith.constant dense<0.000000e+00> : vector<10000x1xf32>
    %dot_general3A_582 = tpu.matmul %convert_element_type3A_6, %transpose3A_580, %dot_general3A_581 {dimension_numbers = #tpu.dot_dimension_numbers<[1], [0], [0], [1], [0, 0, 1, 1], [], []>, transpose_lhs_hint = false} : vector<10000x64xf32>, vector<64x1xf32>, vector<10000x1xf32> -> vector<10000x1xf32>
    %sub3A_583 = arith.subf %broadcast_in_dim3A_562, %dot_general3A_582 : vector<10000x1xf32>
    %exp3A_584 = math.exp %sub3A_583 : vector<10000x1xf32>
    %dot_general3A_585 = arith.constant dense<0.000000e+00> : vector<64x1xf32>
    %dot_general3A_586 = tpu.matmul %convert_element_type3A_6, %exp3A_584, %dot_general3A_585 {dimension_numbers = #tpu.dot_dimension_numbers<[0], [0], [1], [1], [0, 1, 1, 1], [], []>, transpose_lhs_hint = false} : vector<10000x64xf32>, vector<10000x1xf32>, vector<64x1xf32> -> vector<64x1xf32>
    %dot_general3A_587 = arith.constant dense<0.000000e+00> : vector<10000x1xf32>
    %dot_general3A_588 = tpu.matmul %convert_element_type3A_6, %dot_general3A_586, %dot_general3A_587 {dimension_numbers = #tpu.dot_dimension_numbers<[1], [0], [0], [1], [0, 0, 1, 1], [], []>, transpose_lhs_hint = false} : vector<10000x64xf32>, vector<64x1xf32>, vector<10000x1xf32> -> vector<10000x1xf32>
    %add3A_589 = arith.constant 1.000000e-16 : f32
    %add3A_590 = vector.broadcast %add3A_589 : f32 to vector<10000x1xf32>
    %add3A_591 = arith.addf %dot_general3A_588, %add3A_590 : vector<10000x1xf32>
    %div3A_592 = arith.divf %exp3A_584, %add3A_591 : vector<10000x1xf32>
    %mul3A_593 = vector.broadcast %div3A_592 : vector<10000x1xf32> to vector<10000x128xf32>
    %mul3A_594 = arith.mulf %mul3A_593, %get3A_1 : vector<10000x128xf32>
    %dot_general3A_595 = arith.constant dense<0.000000e+00> : vector<64x128xf32>
    %dot_general3A_596 = tpu.matmul %convert_element_type3A_6, %mul3A_594, %dot_general3A_595 {dimension_numbers = #tpu.dot_dimension_numbers<[0], [0], [1], [1], [0, 1, 1, 1], [], []>, transpose_lhs_hint = false} : vector<10000x64xf32>, vector<10000x128xf32>, vector<64x128xf32> -> vector<64x128xf32>
    %concatenate3A_597 = tpu.concatenate %mul3A_556, %dot_general3A_596 in 1 : vector<64x128xf32>, vector<64x128xf32> -> vector<64x256xf32>
    %get3A_598 = arith.constant 0 : index
    %get3A_599 = arith.constant 0 : index
    %get3A_600 = vector.load %arg10[%get3A_598, %get3A_599] : memref<256x10xf32, #tpu.memory_space<vmem>>, vector<256x10xf32>
    %dot_general3A_601 = arith.constant dense<0.000000e+00> : vector<64x10xf32>
    %dot_general3A_602 = tpu.matmul %concatenate3A_597, %get3A_600, %dot_general3A_601 {dimension_numbers = #tpu.dot_dimension_numbers<[1], [0], [0], [1], [0, 0, 1, 1], [], []>, transpose_lhs_hint = false} : vector<64x256xf32>, vector<256x10xf32>, vector<64x10xf32> -> vector<64x10xf32>
    %get3A_603 = arith.constant 0 : index
    %get3A_604 = arith.constant 0 : index
    %get3A_605 = vector.load %arg11[%get3A_603, %get3A_604] : memref<1x10xf32, #tpu.memory_space<vmem>>, vector<1x10xf32>
    %add3A_606 = vector.broadcast %get3A_605 : vector<1x10xf32> to vector<64x10xf32>
    %add3A_607 = arith.addf %dot_general3A_602, %add3A_606 : vector<64x10xf32>
    %reduce_max3A_608 = arith.constant dense<0xFF800000> : vector<64xf32>
    %reduce_max3A_609 = vector.multi_reduction <maximumf>, %add3A_607, %reduce_max3A_608 [1] : vector<64x10xf32> to vector<64xf32>
    %broadcast_in_dim3A_610 = vector.shape_cast %reduce_max3A_609 : vector<64xf32> to vector<64x1xf32>
    %sub3A_611 = vector.broadcast %broadcast_in_dim3A_610 : vector<64x1xf32> to vector<64x10xf32>
    %sub3A_612 = arith.subf %add3A_607, %sub3A_611 : vector<64x10xf32>
    %exp3A_613 = math.exp %sub3A_612 : vector<64x10xf32>
    %reduce_sum3A_614 = arith.constant dense<0.000000e+00> : vector<64xf32>
    %reduce_sum3A_615 = vector.multi_reduction <add>, %exp3A_613, %reduce_sum3A_614 [1] : vector<64x10xf32> to vector<64xf32>
    %broadcast_in_dim3A_616 = vector.shape_cast %reduce_sum3A_615 : vector<64xf32> to vector<64x1xf32>
    %log3A = math.log %broadcast_in_dim3A_616 : vector<64x1xf32>
    %add3A_617 = arith.addf %broadcast_in_dim3A_610, %log3A : vector<64x1xf32>
    %sub3A_618 = vector.broadcast %add3A_617 : vector<64x1xf32> to vector<64x10xf32>
    %sub3A_619 = arith.subf %add3A_607, %sub3A_618 : vector<64x10xf32>
    %swap3A = arith.constant 0 : index
    %swap3A_620 = arith.constant 0 : index
    %swap3A_621 = vector.load %arg12[%swap3A, %swap3A_620] : memref<64x10xf32, #tpu.memory_space<vmem>>, vector<64x10xf32>
    tpu.vector_store %arg12[%swap3A, %swap3A_620], %sub3A_619 {strides = array<i32>} : memref<64x10xf32, #tpu.memory_space<vmem>>, vector<64x10xf32>,
    return
  }
}

</mosaic_0001>

<sc_bundles>
// kernel: kernel.12.cloned.1.call-start
scs
__scs_entry_jumppad:
0x0: {  	(pc) =	sbr.rel $0x88, $3  }
0x1: {  	(tag) =	ssettag $0x0;
	lr =	simm.s32 $0x1  }
0x2: {  	[smem:$0x3F67] =	sst lr;
	_ =	strace $0xD0000000  }
0x3: {  	_ = 	snop  }
0x4: {  	_ = 	snop  }
0x5: {  	_ = 	snop  }
0x6: {  	_ = 	snop  }
0x7: {  	_ = 	snop  }
__scs_overlays_trampoline_lowered:
0x8: {  	[smem:$0x3F76] =	sst s0  }
0x9: {  	[smem:$0x3F77] =	sst s1  }
0xa: {  	[smem:$0x3F78] =	sst s2  }
0xb: {  	[smem:$0x3F79] =	sst s3  }
0xc: {  	[smem:$0x3F7A] =	sst s4  }
0xd: {  	[smem:$0x3F7B] =	sst s5  }
0xe: {  	[smem:$0x3F7C] =	sst s6  }
0xf: {  	[smem:$0x3F7D] =	sst s7  }
0x10: {  	[smem:$0x3F7E] =	sst s8  }
0x11: {  	[smem:$0x3F7F] =	sst s9;
	s0 =	simm.s32 @!p0 $0x0  }
0x12: {  	s1 =	sld [smem:$0x3F65];
	s0 =	simm.s32 @p0 $0x1  }
0x13: {  	[smem:$0x3F80] =	sst s0;
	s0 =	simm.s32 @!p1 $0x0  }
0x14: {  	s2 =	sld [smem:$0x3F64];
	s0 =	simm.s32 @p1 $0x1  }
0x15: {  	[smem:$0x3F81] =	sst s0;
	s0 =	simm.s32 @!p2 $0x0  }
0x16: {  	s3 =	sld [smem:$0x3FDB];
	s0 =	simm.s32 @p2 $0x1  }
0x17: {  	s4 =	simm.s32 $0x1BF5;
	[smem:$0x3F83] =	sst s0  }
0x18: {  	s0 =	sld [smem:$0x3F66];
	_ =	swait.ge [sflag:s4], $0x0  }
0x19: {  	s7 =	sld [smem:$0x3F67]  }
0x1a: {  	s8 =	sadd.s32 $0xFFFFE003, lr  }
0x1b: {  	s9 =	sadd.s32 $0xFFFFFEF7, lr;
	s5 =	simm.s32 $0xFFFFFFFF;
	p2 =	slt.u32 s8, $0xFFFFF086  }
0x1c: {  	p1 =	slt.u32 s9, $0xF7A;
	s5 =	simm.s32 @!p2 $0x0  }
0x1d: {  	s5 =	simm.s32 @p1 $0x1;
	p0 =	seq.s32 s7, s2  }
0x1e: {  	s7 =	smul.u32 @!p0 $0xF7A, s2;
	p2 =	seq.s32 @!p0 s5, $0x0  }
0x1f: {  	s9 =	smul.u32 $0xF7A, s1;
	s8 =	simm.s32 @!p0 $0x1BF5;
	p2 =	por !p2, p0  }
0x20: {  	[sflag:s8] =	ssyncset.s32 @!p0 $0xFFFFF086;
	s6 =	sadd.s32 @!p0 s3, s7;
	s7 =	simm.s32 @!p0 $0x108  }
0x21: {  	s3 =	sadd.s32 s3, s9;
	s6 =	sadd.s32 @!p0 $0x88, s6;
	s7 =	simm.s32 @p2 $0x1082  }
0x22: {  	[simem:s7], [sflag:s8] =	dma.local @!p0 [hbm:s6], $0xF7A  }
0x23: {  	s9 =	sor.u32 $0xD0000000, s2;
	s6 =	simm.s32 $0x108;
	_ =	swait.ge @!p0 [sflag:s8], $0x0  }
0x24: {  	s3 =	sadd.s32 $0x88, s3;
	s6 =	simm.s32 @!p1 $0x1082;
	[sflag:s4] =	ssyncset.s32 $0xFFFFF086  }
0x25: {  	[simem:s6], [sflag:s4] =	dma.local [hbm:s3], $0xF7A  }
0x26: {  	[smem:$0x3F67] =	sst s1;
	(tag) =	ssettag s2;
	_ =	strace s9  }
0x27: {  	s1 =	sld [smem:$0x3F77]  }
0x28: {  	s2 =	sld [smem:$0x3F78]  }
0x29: {  	s4 =	sld [smem:$0x3F7A]  }
0x2a: {  	p0 =	seq.s32 s5, $0x0;
	s5 =	sld [smem:$0x3F7B]  }
0x2b: {  	s6 =	sld [smem:$0x3F7C]  }
0x2c: {  	s7 =	sld [smem:$0x3F7D]  }
0x2d: {  	s3 =	simm.s32 $0x108;
	s8 =	sld [smem:$0x3F7E]  }
0x2e: {  	s3 =	simm.s32 @!p0 $0x1082;
	s9 =	sld [smem:$0x3F7F]  }
0x2f: {  	lr =	sadd.s32 s0, s3;
	s0 =	sld [smem:$0x3F76]  }
0x30: {  	s3 =	sld [smem:$0x3F79]  }
0x31: {  	[smem:$0x3F82] =	sst s10  }
0x32: {  	s10 =	sld [smem:$0x3F80];
	_ =	sdelay $0x3  }
0x33: {  	p0 =	seq.s32 s10, $0x1;
	s10 =	sld [smem:$0x3F82];
	_ =	sdelay $0x3  }
0x34: {  	[smem:$0x3F82] =	sst s10  }
0x35: {  	s10 =	sld [smem:$0x3F81];
	_ =	sdelay $0x3  }
0x36: {  	p1 =	seq.s32 s10, $0x1;
	s10 =	sld [smem:$0x3F82];
	_ =	sdelay $0x3  }
0x37: {  	[smem:$0x3F82] =	sst s10  }
0x38: {  	s10 =	sld [smem:$0x3F83]  }
0x39: {  	_ = 	snop;
	(pc) =	sbr.ind lr, $3  }
0x3a: {  	_ = 	snop  }
0x3b: {  	_ = 	snop  }
0x3c: {  	p2 =	seq.s32 s10, $0x1;
	s10 =	sld [smem:$0x3F82]  }
0x3d: {  	_ =	shalt  }
0x3e: {  	_ =	shalt  }
0x3f: {  	_ =	shalt  }
0x40: {  	_ =	shalt  }
0x41: {  	_ =	shalt  }
0x42: {  	_ =	shalt  }
0x43: {  	_ =	shalt  }
0x44: {  	_ =	shalt  }
0x45: {  	_ =	shalt  }
0x46: {  	_ =	shalt  }
0x47: {  	_ =	shalt  }
0x48: {  	_ =	shalt  }
0x49: {  	_ =	shalt  }
0x4a: {  	_ =	shalt  }
0x4b: {  	_ =	shalt  }
0x4c: {  	_ =	shalt  }
0x4d: {  	_ =	shalt  }
0x4e: {  	_ =	shalt  }
0x4f: {  	_ =	shalt  }
0x50: {  	_ =	shalt  }
0x51: {  	_ =	shalt  }
0x52: {  	_ =	shalt  }
0x53: {  	_ =	shalt  }
0x54: {  	_ =	shalt  }
0x55: {  	_ =	shalt  }
0x56: {  	_ =	shalt  }
0x57: {  	_ =	shalt  }
0x58: {  	_ =	shalt  }
0x59: {  	_ =	shalt  }
0x5a: {  	_ =	shalt  }
0x5b: {  	_ =	shalt  }
0x5c: {  	_ =	shalt  }
0x5d: {  	_ =	shalt  }
0x5e: {  	_ =	shalt  }
0x5f: {  	_ =	shalt  }
0x60: {  	_ =	shalt  }
0x61: {  	_ =	shalt  }
0x62: {  	_ =	shalt  }
0x63: {  	_ =	shalt  }
0x64: {  	_ =	shalt  }
0x65: {  	_ =	shalt  }
0x66: {  	_ =	shalt  }
0x67: {  	_ =	shalt  }
0x68: {  	_ =	shalt  }
0x69: {  	_ =	shalt  }
0x6a: {  	_ =	shalt  }
0x6b: {  	_ =	shalt  }
0x6c: {  	_ =	shalt  }
0x6d: {  	_ =	shalt  }
0x6e: {  	_ =	shalt  }
0x6f: {  	_ =	shalt  }
0x70: {  	_ =	shalt  }
0x71: {  	_ =	shalt  }
0x72: {  	_ =	shalt  }
0x73: {  	_ =	shalt  }
0x74: {  	_ =	shalt  }
0x75: {  	_ =	shalt  }
0x76: {  	_ =	shalt  }
0x77: {  	_ =	shalt  }
0x78: {  	_ =	shalt  }
0x79: {  	_ =	shalt  }
0x7a: {  	_ =	shalt  }
0x7b: {  	_ =	shalt  }
0x7c: {  	_ =	shalt  }
0x7d: {  	_ =	shalt  }
0x7e: {  	_ =	shalt  }
0x7f: {  	_ =	shalt  }
0x80: {  	_ =	shalt  }
0x81: {  	_ =	shalt  }
0x82: {  	_ =	shalt  }
0x83: {  	_ =	shalt  }
0x84: {  	_ =	shalt  }
0x85: {  	_ =	shalt  }
0x86: {  	_ =	shalt  }
0x87: {  	_ =	shalt  }
.Lfunc_end0:
.L_simem_size_0:
called_computation_lowered:
.L_overlay_start_0:
0x88: {  	s2 =	sld [smem:$0x3FD9]  }
0x89: {  	s3 =	sld [smem:$0x3FFE];
	_ =	sdelay $0x1  }
0x8a: {  	s1 =	srdreg.scid  }
0x8b: {  	s0 =	sand.u32 $0x1, s1  }
0x8c: {  	s17 =	sshll.u32 s0, $0xA;
	s2 =	sadd.s32 s3, s2  }
0x8d: {  	s2 =	sadd.s32 s2, s17  }
0x8e: {  	[smem:$0x3F8E] =	sst s2  }
0x8f: {  	_ = 	snop  }
0x90: {  	s2 =	sld [smem:$0x3FC9];
	(tm) =	ssettm $0x1  }
0x91: {  	s18 =	sld [smem:$0x3FFB];
	_ =	sdelay $0x3  }
0x92: {  	_ =	strace s18  }
0x93: {  	s3 =	sld [smem:$0x3FFC];
	_ =	sdelay $0x3  }
0x94: {  	_ =	strace s3  }
0x95: {  	s3 =	sld [smem:$0x3FFD];
	_ =	sdelay $0x3  }
0x96: {  	_ =	strace s3  }
0x97: {  	_ =	strace $0x8FFFFFFF  }
0x98: {  	s19 =	sld [smem:$0x3FDB];
	_ =	sdelay $0x1  }
0x99: {  	s4 =	simm.s32 $_scs_section_size  }
0x9a: {  	s5 =	simm.s32 $_size__tile_overlayer_lowered;
	s6 =	simm.s32 $_tile_overlayer_lowered  }
0x9b: {  	s22 =	simm.s32 $0x1BFF;
	s21 =	sshll.u32 s6, $0x1;
	s3 =	sadd.s32 s4, s19  }
0x9c: {  	s7 =	simm.s32 $0x0;
	s20 =	sshll.u32 s5, $0x1;
	s5 =	sadd.s32 s21, s3  }
0x9d: {  	[timem:s7], [sflag:s22] =	dma.local [hbm:s5], s20  }
0x9e: {  	_ =	swait.ge [sflag:s22], s20  }
0x9f: {  	s4 =	ssub.s32 $0x0, s20;
	[sflag:s22] =	ssyncset.done $0x0  }
0xa0: {  	[sflag:s22] =	ssyncadd.s32 s4;
	_ =	sdelay $0x1  }
0xa1: {  	s23 =	simm.s32 $0x1B8B  }
0xa2: {  	_ =	swait.ge [sflag:s23], $0x1  }
0xa3: {  	[sflag:s23] =	ssyncset.done $0x0  }
0xa4: {  	s25 =	simm.s32 $0x1B8E;
	s24 =	sld [smem:$0x3FFE];
	[sflag:s23] =	ssyncadd.s32 $0xFFFFFFFF  }
0xa5: {  	s26 =	simm.s32 $execute0_lowered;
	[smem:$0x3FD2] =	sst s25  }
0xa6: {  	s5 =	sshll.u32 s26, $0x1;
	_ =	strace $0x80000046;
	[dreg:$0x1] =	wrdreg $0xFFFFFFFF  }
0xa7: {  	s28 =	simm.s32 $_size_execute0_lowered;
	s3 =	sadd.s32 s3, s5;
	[dreg:$0x0] =	wrdreg $0x0  }
0xa8: {  	s5 =	sshll.u32 s28, $0x1;
	[dreg:$0x2] =	wrdreg s3  }
0xa9: {  	[dreg:$0x3] =	wrdreg s5  }
0xaa: {  	[dreg:$0x4] =	wrdreg $0xC0  }
0xab: {  	_ =	task [dreg:s7], $0x5FFFF  }
0xac: {  	[dreg:$0x1] =	wrdreg $0xFFFFFFFF  }
0xad: {  	[dreg:$0x0] =	wrdreg $0x60  }
0xae: {  	[dreg:$0x2] =	wrdreg s2  }
0xaf: {  	[dreg:$0x3] =	wrdreg s24  }
0xb0: {  	[dreg:$0x4] =	wrdreg $0x0  }
0xb1: {  	[dreg:$0x5] =	wrdreg $0x9  }
0xb2: {  	_ =	task.clear_ibuf [dreg:s7], $0x6FFFF;
	_ =	strace $0x90000046  }
0xb3: {  	s29 =	simm.s32 $0x9;
	_ =	strace $0x80000048  }
0xb4: {  	_ =	swait.ge [sflag:s29], $0x1  }
0xb5: {  	[sflag:s29] =	ssyncadd.s32 $0xFFFFFFFF  }
0xb6: {  	_ =	strace $0x90000048  }
0xb7: {  	_ =	sfence  }
0xb8: {  	s30 =	sld [smem:$0x0];
	_ =	sdelay $0x2  }
0xb9: {  	s31 =	sshll.u32 s1, $0xD;
	s1 =	sshrl.u32 s1, $0x2  }
0xba: {  	s3 =	sand.u32 $0x4000, s31;
	s1 =	sadd.s32 s1, s30  }
0xbb: {  	s0 =	sor.u32 s3, s0;
	s1 =	sshll.u32 s1, $0x11  }
0xbc: {  	s0 =	sor.u32 s1, s0  }
0xbd: {  	s0 =	sadd.s32 $0x8F2B, s0  }
0xbe: {  	[sflag:s0] =	ssyncadd.remote.s32 $0x1  }
0xbf: {  	_ =	sfence.sel $0xFFFF  }
0xc0: {  	[dreg:$0x0] =	wrdreg $0xFFFFFFFF;
	(pc) =	sbr.abs _section_cstart, $3  }
0xc1: {  	[dreg:$0x1] =	wrdreg $0xFFFFFFFF  }
0xc2: {  	_ =	task.clear_ibuf [dreg:s7], $0x2FFFF;
	_ =	strace $0x9FFFFFFF  }
0xc3: {  	(tm) =	ssettm $0x7FFFFFFF  }
tec
execute0_lowered:
.L_overlay_start_1:
0x0: {  	(tag) =	ssettag $0x1  }
0x1: {  	s1 =	rddreg [dreg:$0x0]  }
0x2: {  	s0 =	rddreg [dreg:$0x1]  }
0x3: {  	s2 =	rddreg [dreg:$0x2];
	s3 =	simm.s32 $0x0;
	s7 =	srdreg.scid  }
0x4: {  	s4 =	stileid.u32;
	s22 =	simm.s32 $0x14000;
	s23 =	simm.s32 $0x14080  }
0x5: {  	s24 =	simm.s32 $0x80;
	s25 =	simm.s32 $0x14100;
	s26 =	simm.s32 $0x1  }
0x6: {  	s28 =	simm.s32 $0x0;
	[smem:$0x7FF] =	sst s3;
	s5 =	sadd.s32 $0x9DA600, s0  }
0x7: {  	s6 =	sadd.s32 $0x8600, s0;
	s10 =	sand.u32 $0x1, s7;
	s9 =	smul.u32 $0x50000, s4  }
0x8: {  	s7 =	sadd.s32 $0x12400, s0;
	s0 =	sadd.s32 $0x1C200, s0;
	s13 =	smul.u32 $0x14000, s4  }
0x9: {  	_ =	strace $0x80000047;
	s8 =	ssub.s32 $0x2, s10;
	s12 =	sshll.u32 s10, $0x4  }
0xa: {  	s17 =	smul.u32 $0x140000, s10;
	s11 =	sshrl.u32 s8, $0x1;
	s12 =	sor.u32 s4, s12  }
0xb: {  	s9 =	sshrl.u32 s9, $0x2;
	s14 =	sadd.s32 $0x4000, s13;
	s16 =	sadd.s32 $0x8000, s13  }
0xc: {  	s18 =	sadd.s32 $0xC000, s13;
	s20 =	sadd.s32 $0x10000, s13;
	s19 =	ssub.s32 s8, s11  }
0xd: {  	s8 =	smul.u32 $0x2780, s12;
	s9 =	sadd.s32 s9, s2;
	s10 =	sadd.s32 s14, s2  }
0xe: {  	s11 =	sadd.s32 s16, s2;
	s12 =	sadd.s32 s18, s2;
	s15 =	sadd.s32 s13, s17  }
0xf: {  	s14 =	sadd.s32 s17, s14;
	s13 =	sadd.s32 s20, s2;
	s16 =	sadd.s32 s17, s16  }
0x10: {  	s18 =	sadd.s32 s17, s18;
	s17 =	sadd.s32 s17, s20;
	s15 =	sshrl.u32 s15, $0x3  }
0x11: {  	s21 =	sshrl.u32 s14, $0x3;
	s16 =	sshrl.u32 s16, $0x3;
	s18 =	sshrl.u32 s18, $0x3  }
0x12: {  	s20 =	sshrl.u32 s17, $0x3;
	s19 =	smax.u32 s19, $0x1;
	s14 =	sadd.s32 s0, s15  }
0x13: {  	s15 =	sadd.s32 s0, s21;
	s16 =	sadd.s32 s0, s16;
	s17 =	sadd.s32 s0, s18  }
0x14: {  	v0 =	vimm.f32 $0.0e+00;
	s18 =	sadd.s32 s0, s20;
	s20 =	simm.s32 $0x18100;
	s21 =	simm.s32 $0x2  }
.LBB2_1:
0x15: {  	s0 =	simm.s32 $0x0;
	s29 =	simm.s32 $0x200  }
.LBB2_2:
0x16: {  	p0 =	sne.s32 s29, $0xFE00;
	[tilespmem:s0+$0x18170] =	vst v0  }
0x17: {  	[tilespmem:s0+$0x18100] =	vst v0  }
0x18: {  	[tilespmem:s0+$0x18110] =	vst v0  }
.Ltmp0:
0x19: {  	[tilespmem:s0+$0x18120] =	vst v0;
	(pc) =	sbr.rel @p0 .LBB2_2-.Ltmp0, $4  }
0x1a: {  	[tilespmem:s0+$0x18130] =	vst v0  }
0x1b: {  	[tilespmem:s0+$0x18140] =	vst v0  }
0x1c: {  	[tilespmem:s0+$0x18150] =	vst v0  }
0x1d: {  	[tilespmem:s0+$0x18160] =	vst v0;
	s0 =	sshra.s32 s29, $0x2;
	s29 =	sadd.s32 $0x200, s29  }
0x1e: {  	[tilespmem:s0+$0x18170] =	vst v0  }
0x1f: {  	[tilespmem:s0+$0x18100] =	vst v0  }
0x20: {  	[tilespmem:s0+$0x18110] =	vst v0  }
0x21: {  	[tilespmem:s0+$0x18120] =	vst v0  }
0x22: {  	[tilespmem:s0+$0x18130] =	vst v0  }
0x23: {  	[tilespmem:s0+$0x18140] =	vst v0  }
0x24: {  	[tilespmem:s0+$0x18150] =	vst v0  }
0x25: {  	[tilespmem:s0+$0x18160] =	vst v0  }
0x26: {  	[spmem:s9] =	stream.linear.scatter [tilespmem:s20], [sflag:$0x2], $0x4000, $0x38;
	[tilespmem:$0x1C100] =	vst v63  }
0x27: {  	_ =	swait.ge [sflag:s21], $0x4000  }
0x28: {  	[sflag:s21] =	ssyncset.done $0x0  }
0x29: {  	[sflag:s21] =	ssyncadd.s32 $0xFFFFC000  }
0x2a: {  	[spmem:s10] =	stream.linear.scatter [tilespmem:s20], [sflag:$0x2], $0x4000, $0x38;
	[tilespmem:$0x1C100] =	vst v63  }
0x2b: {  	_ =	swait.ge [sflag:s21], $0x4000  }
0x2c: {  	[sflag:s21] =	ssyncset.done $0x0  }
0x2d: {  	[sflag:s21] =	ssyncadd.s32 $0xFFFFC000  }
0x2e: {  	[spmem:s11] =	stream.linear.scatter [tilespmem:s20], [sflag:$0x2], $0x4000, $0x38;
	[tilespmem:$0x1C100] =	vst v63  }
0x2f: {  	_ =	swait.ge [sflag:s21], $0x4000  }
0x30: {  	[sflag:s21] =	ssyncset.done $0x0  }
0x31: {  	[sflag:s21] =	ssyncadd.s32 $0xFFFFC000  }
0x32: {  	[spmem:s12] =	stream.linear.scatter [tilespmem:s20], [sflag:$0x2], $0x4000, $0x38;
	[tilespmem:$0x1C100] =	vst v63  }
0x33: {  	_ =	swait.ge [sflag:s21], $0x4000  }
0x34: {  	[sflag:s21] =	ssyncset.done $0x0  }
0x35: {  	[sflag:s21] =	ssyncadd.s32 $0xFFFFC000  }
0x36: {  	[spmem:s13] =	stream.linear.scatter [tilespmem:s20], [sflag:$0x2], $0x4000, $0x38;
	[tilespmem:$0x1C100] =	vst v63  }
0x37: {  	_ =	swait.ge [sflag:s21], $0x4000  }
0x38: {  	[sflag:s21] =	ssyncset.done $0x0  }
0x39: {  	[sflag:s21] =	ssyncadd.s32 $0xFFFFC000  }
0x3a: {  	s29 =	simm.s32 $0x0;
	s30 =	simm.s32 $0x0;
	[bflag:$0x0] =	sbarrier.arrive $0xFFFF  }
.LBB2_4:
0x3b: {  	s0 =	sshll.u32 s30, $0x7  }
0x3c: {  	s0 =	sadd.s32 s8, s0  }
0x3d: {  	s31 =	sshrl.u32 s0, $0x3  }
0x3e: {  	s4 =	sadd.s32 s6, s31  }
0x3f: {  	[tilespmem:s22], [sflag:$0x2] =	stream.linear.gather [hbm4b:s4+s29], $0x80, $0x38;
	[tilespmem:$0x1C100] =	vst v63  }
0x40: {  	_ =	swait.ge [sflag:s21], $0x80  }
0x41: {  	[sflag:s21] =	ssyncset.done $0x0  }
0x42: {  	s4 =	sadd.s32 s7, s31;
	[sflag:s21] =	ssyncadd.s32 $0xFFFFFF80  }
0x43: {  	[tilespmem:s23], [sflag:$0x2] =	stream.linear.gather [hbm4b:s4+s29], $0x80, $0x38;
	[tilespmem:$0x1C100] =	vst v63  }
0x44: {  	_ =	swait.ge [sflag:s21], $0x80  }
0x45: {  	[sflag:s21] =	ssyncset.done $0x0  }
0x46: {  	[sflag:s21] =	ssyncadd.s32 $0xFFFFFF80  }
0x47: {  	[tilespmem:s25], [sflag:$0x1] =	stream.indirect.gather [hbm4b:s1+s24], $0x80, s22, s24, $0xb8;
	[tilespmem:$0x1C100] =	vst v63  }
0x48: {  	_ =	swait.ge [sflag:s26], $0x4000  }
0x49: {  	s0 =	sshll.u32 s0, $0x4;
	[sflag:s26] =	ssyncset.done $0x0  }
0x4a: {  	s0 =	sadd.s32 s5, s0;
	[sflag:s26] =	ssyncadd.s32 $0xFFFFC000  }
0x4b: {  	[tilespmem:s20], [sflag:$0x2] =	stream.linear.gather [hbm4b:s0+s29], $0x4000, $0x38;
	[tilespmem:$0x1C100] =	vst v63  }
0x4c: {  	_ =	swait.ge [sflag:s21], $0x4000  }
0x4d: {  	[sflag:s21] =	ssyncset.done $0x0  }
0x4e: {  	s31 =	simm.s32 $0x0;
	[sflag:s21] =	ssyncadd.s32 $0xFFFFC000  }
0x4f: {  	v8 =	vld [tilespmem:s31+$0x14100]  }
0x50: {  	v12 =	vld [tilespmem:s31+$0x14110]  }
0x51: {  	v6 =	vld [tilespmem:s31+$0x14120]  }
0x52: {  	v5 =	vld [tilespmem:s31+$0x14130]  }
0x53: {  	v4 =	vld [tilespmem:s31+$0x14140]  }
0x54: {  	v3 =	vld [tilespmem:s31+$0x14150]  }
0x55: {  	v2 =	vld [tilespmem:s31+$0x14160]  }
0x56: {  	v1 =	vld [tilespmem:s31+$0x14170]  }
0x57: {  	v13 =	vld [tilespmem:s31+$0x18100]  }
0x58: {  	v14 =	vld [tilespmem:s31+$0x18110]  }
0x59: {  	v11 =	vld [tilespmem:s31+$0x18120]  }
0x5a: {  	v10 =	vld [tilespmem:s31+$0x18130]  }
0x5b: {  	v9 =	vld [tilespmem:s31+$0x18140]  }
0x5c: {  	v7 =	vld [tilespmem:s31+$0x18150];
	v13 =	vmul.f32 v8, v13  }
0x5d: {  	s0 =	simm.s32 $0x200;
	v12 =	vmul.f32 v12, v14;
	v8 =	vld [tilespmem:s31+$0x18160]  }
.LBB2_5:
0x5e: {  	s4 =	sshra.s32 s0, $0x2;
	p0 =	sne.s32 s0, $0xFE00;
	[tilespmem:s31+$0x18100] =	vst v13;
	v6 =	vmul.f32 v6, v11;
	v11 =	vld [tilespmem:s31+$0x18170]  }
0x5f: {  	v13 =	vld [tilespmem:s4+$0x14100];
	[tilespmem:s31+$0x18110] =	vst v12;
	v5 =	vmul.f32 v5, v10  }
0x60: {  	v12 =	vld [tilespmem:s4+$0x14110];
	[tilespmem:s31+$0x18120] =	vst v6;
	v4 =	vmul.f32 v4, v9  }
0x61: {  	v6 =	vld [tilespmem:s4+$0x14120];
	[tilespmem:s31+$0x18130] =	vst v5;
	v3 =	vmul.f32 v3, v7  }
0x62: {  	v5 =	vld [tilespmem:s4+$0x14130];
	[tilespmem:s31+$0x18140] =	vst v4;
	v2 =	vmul.f32 v2, v8  }
0x63: {  	v4 =	vld [tilespmem:s4+$0x14140];
	[tilespmem:s31+$0x18150] =	vst v3;
	v1 =	vmul.f32 v1, v11  }
0x64: {  	v3 =	vld [tilespmem:s4+$0x14150];
	[tilespmem:s31+$0x18160] =	vst v2  }
0x65: {  	v2 =	vld [tilespmem:s4+$0x14160];
	[tilespmem:s31+$0x18170] =	vst v1;
	s31 =	smov.u32 s4  }
0x66: {  	v1 =	vld [tilespmem:s31+$0x14170]  }
0x67: {  	v7 =	vld [tilespmem:s31+$0x18100]  }
0x68: {  	v8 =	vld [tilespmem:s31+$0x18110]  }
.Ltmp1:
0x69: {  	v11 =	vld [tilespmem:s31+$0x18120];
	(pc) =	sbr.rel @p0 .LBB2_5-.Ltmp1, $4  }
0x6a: {  	v10 =	vld [tilespmem:s31+$0x18130]  }
0x6b: {  	v9 =	vld [tilespmem:s31+$0x18140]  }
0x6c: {  	v13 =	vmul.f32 v13, v7;
	v7 =	vld [tilespmem:s31+$0x18150]  }
0x6d: {  	s0 =	sadd.s32 $0x200, s0;
	v12 =	vmul.f32 v12, v8;
	v8 =	vld [tilespmem:s31+$0x18160]  }
0x6e: {  	[tilespmem:s31+$0x18100] =	vst v13;
	v6 =	vmul.f32 v6, v11;
	v63 =	vld [tilespmem:s31+$0x18170]  }
0x6f: {  	[tilespmem:s31+$0x18110] =	vst v12;
	v5 =	vmul.f32 v5, v10  }
0x70: {  	[tilespmem:s31+$0x18120] =	vst v6;
	v4 =	vmul.f32 v4, v9  }
0x71: {  	[tilespmem:s31+$0x18130] =	vst v5;
	v3 =	vmul.f32 v3, v7  }
0x72: {  	[tilespmem:s31+$0x18140] =	vst v4;
	v2 =	vmul.f32 v2, v8  }
0x73: {  	s30 =	sadd.s32 $0x1, s30;
	[tilespmem:s31+$0x18150] =	vst v3;
	v1 =	vmul.f32 v1, v63  }
0x74: {  	p0 =	sne.s32 s30, $0x4F;
	[tilespmem:s31+$0x18160] =	vst v2  }
.Ltmp2:
0x75: {  	[tilespmem:s31+$0x18170] =	vst v1;
	(pc) =	sbr.rel @p0 .LBB2_4-.Ltmp2, $4  }
0x76: {  	[spmem:s2] =	stream.indirect.scatter.add.f32 [tilespmem:s20], [sflag:$0x2], $0x80, s23, s24, $0xb8;
	[tilespmem:$0x1C100] =	vst v63  }
0x77: {  	_ =	swait.ge [sflag:s21], $0x4000  }
0x78: {  	[sflag:s21] =	ssyncset.done $0x0  }
0x79: {  	[sflag:s21] =	ssyncadd.s32 $0xFFFFC000  }
0x7a: {  	[bflag:$0x0] =	sbarrier.arrive $0xFFFF  }
0x7b: {  	[tilespmem:s25], [sflag:$0x2] =	stream.linear.gather [spmem:s9], $0x4000, $0x38;
	[tilespmem:$0x1C100] =	vst v63  }
0x7c: {  	_ =	swait.ge [sflag:s21], $0x4000  }
0x7d: {  	[sflag:s21] =	ssyncset.done $0x0  }
0x7e: {  	[sflag:s21] =	ssyncadd.s32 $0xFFFFC000  }
0x7f: {  	[hbm4b:s14+s3] =	stream.linear.scatter [tilespmem:s25], [sflag:$0x2], $0x4000, $0x38;
	[tilespmem:$0x1C100] =	vst v63  }
0x80: {  	_ =	swait.ge [sflag:s21], $0x4000  }
0x81: {  	[sflag:s21] =	ssyncset.done $0x0  }
0x82: {  	[sflag:s21] =	ssyncadd.s32 $0xFFFFC000  }
0x83: {  	[tilespmem:s25], [sflag:$0x2] =	stream.linear.gather [spmem:s10], $0x4000, $0x38;
	[tilespmem:$0x1C100] =	vst v63  }
0x84: {  	_ =	swait.ge [sflag:s21], $0x4000  }
0x85: {  	[sflag:s21] =	ssyncset.done $0x0  }
0x86: {  	[sflag:s21] =	ssyncadd.s32 $0xFFFFC000  }
0x87: {  	[hbm4b:s15+s3] =	stream.linear.scatter [tilespmem:s25], [sflag:$0x2], $0x4000, $0x38;
	[tilespmem:$0x1C100] =	vst v63  }
0x88: {  	_ =	swait.ge [sflag:s21], $0x4000  }
0x89: {  	[sflag:s21] =	ssyncset.done $0x0  }
0x8a: {  	[sflag:s21] =	ssyncadd.s32 $0xFFFFC000  }
0x8b: {  	[tilespmem:s25], [sflag:$0x2] =	stream.linear.gather [spmem:s11], $0x4000, $0x38;
	[tilespmem:$0x1C100] =	vst v63  }
0x8c: {  	_ =	swait.ge [sflag:s21], $0x4000  }
0x8d: {  	[sflag:s21] =	ssyncset.done $0x0  }
0x8e: {  	[sflag:s21] =	ssyncadd.s32 $0xFFFFC000  }
0x8f: {  	[hbm4b:s16+s3] =	stream.linear.scatter [tilespmem:s25], [sflag:$0x2], $0x4000, $0x38;
	[tilespmem:$0x1C100] =	vst v63  }
0x90: {  	_ =	swait.ge [sflag:s21], $0x4000  }
0x91: {  	[sflag:s21] =	ssyncset.done $0x0  }
0x92: {  	[sflag:s21] =	ssyncadd.s32 $0xFFFFC000  }
0x93: {  	[tilespmem:s25], [sflag:$0x2] =	stream.linear.gather [spmem:s12], $0x4000, $0x38;
	[tilespmem:$0x1C100] =	vst v63  }
0x94: {  	_ =	swait.ge [sflag:s21], $0x4000  }
0x95: {  	[sflag:s21] =	ssyncset.done $0x0  }
0x96: {  	[sflag:s21] =	ssyncadd.s32 $0xFFFFC000  }
0x97: {  	[hbm4b:s17+s3] =	stream.linear.scatter [tilespmem:s25], [sflag:$0x2], $0x4000, $0x38;
	[tilespmem:$0x1C100] =	vst v63  }
0x98: {  	_ =	swait.ge [sflag:s21], $0x4000  }
0x99: {  	[sflag:s21] =	ssyncset.done $0x0  }
0x9a: {  	[sflag:s21] =	ssyncadd.s32 $0xFFFFC000  }
0x9b: {  	[tilespmem:s25], [sflag:$0x2] =	stream.linear.gather [spmem:s13], $0x4000, $0x38;
	[tilespmem:$0x1C100] =	vst v63  }
0x9c: {  	s28 =	sadd.s32 $0x1, s28;
	_ =	swait.ge [sflag:s21], $0x4000  }
0x9d: {  	p0 =	sne.s32 s28, s19;
	[sflag:s21] =	ssyncset.done $0x0  }
.Ltmp3:
0x9e: {  	[sflag:s21] =	ssyncadd.s32 $0xFFFFC000;
	(pc) =	sbr.rel @p0 .LBB2_1-.Ltmp3, $4  }
0x9f: {  	[hbm4b:s18+s3] =	stream.linear.scatter [tilespmem:s25], [sflag:$0x2], $0x4000, $0x38;
	[tilespmem:$0x1C100] =	vst v63  }
0xa0: {  	_ =	swait.ge [sflag:s21], $0x4000  }
0xa1: {  	[sflag:s21] =	ssyncset.done $0x0  }
0xa2: {  	[sflag:s21] =	ssyncadd.s32 $0xFFFFC000  }
0xa3: {  	_ =	sfence.sel $0x180000  }
0xa4: {  	[bflag:$0x0] =	sbarrier.arrive $0xFFFF  }
0xa5: {  	_ =	strace $0x90000047  }
0xa6: {  	s0 =	stileid.u32;
	[bflag:$0x2] =	sbarrier.arrive $0xFFFF  }
0xa7: {  	p0 =	sne.s32 s0, $0x0;
	s0 =	rddreg [dreg:$0x3]  }
0xa8: {  	s0 =	sadd.s32 @!p0 $0x100000, s0  }
0xa9: {  	[sflag:s0] =	ssyncadd.tile.s32 @!p0 $0x1;
	_ =	shalt  }
.Lfunc_end2:
_tile_overlayer_lowered:
.L_overlay_start_2:
0xaa: {  	(tag) =	ssettag $0x2  }
0xab: {  	s0 =	rddreg [dreg:$0x0];
	s2 =	stileid.u32  }
0xac: {  	s1 =	rddreg [dreg:$0x1];
	p0 =	sne.s32 s2, $0x0  }
0xad: {  	s3 =	rddreg [dreg:$0x2];
	[bflag:$0x3] =	sbarrier.arrive $0xFFFF;
	s2 =	simm.s32 @!p0 $0x1C02  }
0xae: {  	[timem:s3], [sflag:s2] =	dma.local @!p0 [hbm:s0], s1  }
0xaf: {  	s0 =	simm.s32 @!p0 $0x2  }
0xb0: {  	_ =	swait.ge @!p0 [sflag:s0], s1  }
0xb1: {  	s1 =	ssub.s32 @!p0 $0x0, s1;
	[sflag:s0] =	ssyncset.done @!p0 $0x0  }
0xb2: {  	[sflag:s0] =	ssyncadd.s32 @!p0 s1  }
0xb3: {  	[bflag:$0x3] =	sbarrier.arrive $0xFFFF  }
0xb4: {  	_ =	shalt  }

// kernel: kernel.15.cloned.1.call-start
scs
__scs_entry_jumppad:
0x0: {  	(pc) =	sbr.rel $0x88, $3  }
0x1: {  	(tag) =	ssettag $0x0;
	lr =	simm.s32 $0x1  }
0x2: {  	[smem:$0x3F67] =	sst lr;
	_ =	strace $0xD0000000  }
0x3: {  	_ = 	snop  }
0x4: {  	_ = 	snop  }
0x5: {  	_ = 	snop  }
0x6: {  	_ = 	snop  }
0x7: {  	_ = 	snop  }
__scs_overlays_trampoline_lowered:
0x8: {  	[smem:$0x3F76] =	sst s0  }
0x9: {  	[smem:$0x3F77] =	sst s1  }
0xa: {  	[smem:$0x3F78] =	sst s2  }
0xb: {  	[smem:$0x3F79] =	sst s3  }
0xc: {  	[smem:$0x3F7A] =	sst s4  }
0xd: {  	[smem:$0x3F7B] =	sst s5  }
0xe: {  	[smem:$0x3F7C] =	sst s6  }
0xf: {  	[smem:$0x3F7D] =	sst s7  }
0x10: {  	[smem:$0x3F7E] =	sst s8  }
0x11: {  	[smem:$0x3F7F] =	sst s9;
	s0 =	simm.s32 @!p0 $0x0  }
0x12: {  	s1 =	sld [smem:$0x3F65];
	s0 =	simm.s32 @p0 $0x1  }
0x13: {  	[smem:$0x3F80] =	sst s0;
	s0 =	simm.s32 @!p1 $0x0  }
0x14: {  	s2 =	sld [smem:$0x3F64];
	s0 =	simm.s32 @p1 $0x1  }
0x15: {  	[smem:$0x3F81] =	sst s0;
	s0 =	simm.s32 @!p2 $0x0  }
0x16: {  	s3 =	sld [smem:$0x3FDB];
	s0 =	simm.s32 @p2 $0x1  }
0x17: {  	s4 =	simm.s32 $0x1BF5;
	[smem:$0x3F83] =	sst s0  }
0x18: {  	s0 =	sld [smem:$0x3F66];
	_ =	swait.ge [sflag:s4], $0x0  }
0x19: {  	s7 =	sld [smem:$0x3F67]  }
0x1a: {  	s8 =	sadd.s32 $0xFFFFE003, lr  }
0x1b: {  	s9 =	sadd.s32 $0xFFFFFEF7, lr;
	s5 =	simm.s32 $0xFFFFFFFF;
	p2 =	slt.u32 s8, $0xFFFFF086  }
0x1c: {  	p1 =	slt.u32 s9, $0xF7A;
	s5 =	simm.s32 @!p2 $0x0  }
0x1d: {  	s5 =	simm.s32 @p1 $0x1;
	p0 =	seq.s32 s7, s2  }
0x1e: {  	s7 =	smul.u32 @!p0 $0xF7A, s2;
	p2 =	seq.s32 @!p0 s5, $0x0  }
0x1f: {  	s9 =	smul.u32 $0xF7A, s1;
	s8 =	simm.s32 @!p0 $0x1BF5;
	p2 =	por !p2, p0  }
0x20: {  	[sflag:s8] =	ssyncset.s32 @!p0 $0xFFFFF086;
	s6 =	sadd.s32 @!p0 s3, s7;
	s7 =	simm.s32 @!p0 $0x108  }
0x21: {  	s3 =	sadd.s32 s3, s9;
	s6 =	sadd.s32 @!p0 $0x88, s6;
	s7 =	simm.s32 @p2 $0x1082  }
0x22: {  	[simem:s7], [sflag:s8] =	dma.local @!p0 [hbm:s6], $0xF7A  }
0x23: {  	s9 =	sor.u32 $0xD0000000, s2;
	s6 =	simm.s32 $0x108;
	_ =	swait.ge @!p0 [sflag:s8], $0x0  }
0x24: {  	s3 =	sadd.s32 $0x88, s3;
	s6 =	simm.s32 @!p1 $0x1082;
	[sflag:s4] =	ssyncset.s32 $0xFFFFF086  }
0x25: {  	[simem:s6], [sflag:s4] =	dma.local [hbm:s3], $0xF7A  }
0x26: {  	[smem:$0x3F67] =	sst s1;
	(tag) =	ssettag s2;
	_ =	strace s9  }
0x27: {  	s1 =	sld [smem:$0x3F77]  }
0x28: {  	s2 =	sld [smem:$0x3F78]  }
0x29: {  	s4 =	sld [smem:$0x3F7A]  }
0x2a: {  	p0 =	seq.s32 s5, $0x0;
	s5 =	sld [smem:$0x3F7B]  }
0x2b: {  	s6 =	sld [smem:$0x3F7C]  }
0x2c: {  	s7 =	sld [smem:$0x3F7D]  }
0x2d: {  	s3 =	simm.s32 $0x108;
	s8 =	sld [smem:$0x3F7E]  }
0x2e: {  	s3 =	simm.s32 @!p0 $0x1082;
	s9 =	sld [smem:$0x3F7F]  }
0x2f: {  	lr =	sadd.s32 s0, s3;
	s0 =	sld [smem:$0x3F76]  }
0x30: {  	s3 =	sld [smem:$0x3F79]  }
0x31: {  	[smem:$0x3F82] =	sst s10  }
0x32: {  	s10 =	sld [smem:$0x3F80];
	_ =	sdelay $0x3  }
0x33: {  	p0 =	seq.s32 s10, $0x1;
	s10 =	sld [smem:$0x3F82];
	_ =	sdelay $0x3  }
0x34: {  	[smem:$0x3F82] =	sst s10  }
0x35: {  	s10 =	sld [smem:$0x3F81];
	_ =	sdelay $0x3  }
0x36: {  	p1 =	seq.s32 s10, $0x1;
	s10 =	sld [smem:$0x3F82];
	_ =	sdelay $0x3  }
0x37: {  	[smem:$0x3F82] =	sst s10  }
0x38: {  	s10 =	sld [smem:$0x3F83]  }
0x39: {  	_ = 	snop;
	(pc) =	sbr.ind lr, $3  }
0x3a: {  	_ = 	snop  }
0x3b: {  	_ = 	snop  }
0x3c: {  	p2 =	seq.s32 s10, $0x1;
	s10 =	sld [smem:$0x3F82]  }
0x3d: {  	_ =	shalt  }
0x3e: {  	_ =	shalt  }
0x3f: {  	_ =	shalt  }
0x40: {  	_ =	shalt  }
0x41: {  	_ =	shalt  }
0x42: {  	_ =	shalt  }
0x43: {  	_ =	shalt  }
0x44: {  	_ =	shalt  }
0x45: {  	_ =	shalt  }
0x46: {  	_ =	shalt  }
0x47: {  	_ =	shalt  }
0x48: {  	_ =	shalt  }
0x49: {  	_ =	shalt  }
0x4a: {  	_ =	shalt  }
0x4b: {  	_ =	shalt  }
0x4c: {  	_ =	shalt  }
0x4d: {  	_ =	shalt  }
0x4e: {  	_ =	shalt  }
0x4f: {  	_ =	shalt  }
0x50: {  	_ =	shalt  }
0x51: {  	_ =	shalt  }
0x52: {  	_ =	shalt  }
0x53: {  	_ =	shalt  }
0x54: {  	_ =	shalt  }
0x55: {  	_ =	shalt  }
0x56: {  	_ =	shalt  }
0x57: {  	_ =	shalt  }
0x58: {  	_ =	shalt  }
0x59: {  	_ =	shalt  }
0x5a: {  	_ =	shalt  }
0x5b: {  	_ =	shalt  }
0x5c: {  	_ =	shalt  }
0x5d: {  	_ =	shalt  }
0x5e: {  	_ =	shalt  }
0x5f: {  	_ =	shalt  }
0x60: {  	_ =	shalt  }
0x61: {  	_ =	shalt  }
0x62: {  	_ =	shalt  }
0x63: {  	_ =	shalt  }
0x64: {  	_ =	shalt  }
0x65: {  	_ =	shalt  }
0x66: {  	_ =	shalt  }
0x67: {  	_ =	shalt  }
0x68: {  	_ =	shalt  }
0x69: {  	_ =	shalt  }
0x6a: {  	_ =	shalt  }
0x6b: {  	_ =	shalt  }
0x6c: {  	_ =	shalt  }
0x6d: {  	_ =	shalt  }
0x6e: {  	_ =	shalt  }
0x6f: {  	_ =	shalt  }
0x70: {  	_ =	shalt  }
0x71: {  	_ =	shalt  }
0x72: {  	_ =	shalt  }
0x73: {  	_ =	shalt  }
0x74: {  	_ =	shalt  }
0x75: {  	_ =	shalt  }
0x76: {  	_ =	shalt  }
0x77: {  	_ =	shalt  }
0x78: {  	_ =	shalt  }
0x79: {  	_ =	shalt  }
0x7a: {  	_ =	shalt  }
0x7b: {  	_ =	shalt  }
0x7c: {  	_ =	shalt  }
0x7d: {  	_ =	shalt  }
0x7e: {  	_ =	shalt  }
0x7f: {  	_ =	shalt  }
0x80: {  	_ =	shalt  }
0x81: {  	_ =	shalt  }
0x82: {  	_ =	shalt  }
0x83: {  	_ =	shalt  }
0x84: {  	_ =	shalt  }
0x85: {  	_ =	shalt  }
0x86: {  	_ =	shalt  }
0x87: {  	_ =	shalt  }
.Lfunc_end0:
.L_simem_size_0:
called_computation.1_lowered:
.L_overlay_start_0:
0x88: {  	s2 =	sld [smem:$0x3FD9]  }
0x89: {  	s3 =	sld [smem:$0x3FFE];
	_ =	sdelay $0x1  }
0x8a: {  	s1 =	srdreg.scid  }
0x8b: {  	s0 =	sand.u32 $0x1, s1  }
0x8c: {  	s16 =	sshll.u32 s0, $0xA;
	s2 =	sadd.s32 s3, s2  }
0x8d: {  	s2 =	sadd.s32 s2, s16  }
0x8e: {  	[smem:$0x3F8E] =	sst s2  }
0x8f: {  	_ = 	snop  }
0x90: {  	(tm) =	ssettm $0x1  }
0x91: {  	s17 =	sld [smem:$0x3FFB];
	_ =	sdelay $0x3  }
0x92: {  	_ =	strace s17  }
0x93: {  	s2 =	sld [smem:$0x3FFC];
	_ =	sdelay $0x3  }
0x94: {  	_ =	strace s2  }
0x95: {  	s2 =	sld [smem:$0x3FFD];
	_ =	sdelay $0x3  }
0x96: {  	_ =	strace s2  }
0x97: {  	_ =	strace $0x8FFFFFFF  }
0x98: {  	s18 =	sld [smem:$0x3FDB];
	_ =	sdelay $0x1  }
0x99: {  	s19 =	simm.s32 $_scs_section_size  }
0x9a: {  	s4 =	simm.s32 $_size__tile_overlayer_lowered;
	s5 =	simm.s32 $_tile_overlayer_lowered  }
0x9b: {  	s22 =	simm.s32 $0x1BFF;
	s21 =	sshll.u32 s5, $0x1;
	s2 =	sadd.s32 s19, s18  }
0x9c: {  	s6 =	simm.s32 $0x0;
	s20 =	sshll.u32 s4, $0x1;
	s4 =	sadd.s32 s21, s2  }
0x9d: {  	[timem:s6], [sflag:s22] =	dma.local [hbm:s4], s20  }
0x9e: {  	_ =	swait.ge [sflag:s22], s20  }
0x9f: {  	s3 =	ssub.s32 $0x0, s20;
	[sflag:s22] =	ssyncset.done $0x0  }
0xa0: {  	[sflag:s22] =	ssyncadd.s32 s3;
	_ =	sdelay $0x1  }
0xa1: {  	s23 =	simm.s32 $0x1B8B  }
0xa2: {  	_ =	swait.ge [sflag:s23], $0x1  }
0xa3: {  	[sflag:s23] =	ssyncset.done $0x0  }
0xa4: {  	s25 =	simm.s32 $0x1B8E;
	s24 =	sld [smem:$0x3FFE];
	[sflag:s23] =	ssyncadd.s32 $0xFFFFFFFF  }
0xa5: {  	s26 =	simm.s32 $execute0_lowered;
	[smem:$0x3FD2] =	sst s25  }
0xa6: {  	s4 =	sshll.u32 s26, $0x1;
	_ =	strace $0x80000049;
	[dreg:$0x1] =	wrdreg $0xFFFFFFFF  }
0xa7: {  	s28 =	simm.s32 $_size_execute0_lowered;
	s2 =	sadd.s32 s2, s4;
	[dreg:$0x0] =	wrdreg $0x0  }
0xa8: {  	s4 =	sshll.u32 s28, $0x1;
	[dreg:$0x2] =	wrdreg s2  }
0xa9: {  	[dreg:$0x3] =	wrdreg s4  }
0xaa: {  	[dreg:$0x4] =	wrdreg $0xC0  }
0xab: {  	_ =	task [dreg:s6], $0x5FFFF  }
0xac: {  	[dreg:$0x1] =	wrdreg $0xFFFFFFFF  }
0xad: {  	[dreg:$0x0] =	wrdreg $0x60  }
0xae: {  	[dreg:$0x2] =	wrdreg s24  }
0xaf: {  	[dreg:$0x3] =	wrdreg $0x0  }
0xb0: {  	[dreg:$0x4] =	wrdreg $0x9  }
0xb1: {  	_ =	task.clear_ibuf [dreg:s6], $0x5FFFF;
	_ =	strace $0x90000049  }
0xb2: {  	s29 =	simm.s32 $0x9;
	_ =	strace $0x8000004B  }
0xb3: {  	_ =	swait.ge [sflag:s29], $0x1  }
0xb4: {  	[sflag:s29] =	ssyncadd.s32 $0xFFFFFFFF  }
0xb5: {  	_ =	strace $0x9000004B  }
0xb6: {  	_ =	sfence  }
0xb7: {  	s30 =	sld [smem:$0x0];
	_ =	sdelay $0x2  }
0xb8: {  	s31 =	sshll.u32 s1, $0xD;
	s1 =	sshrl.u32 s1, $0x2  }
0xb9: {  	s3 =	sand.u32 $0x4000, s31;
	s1 =	sadd.s32 s1, s30  }
0xba: {  	s0 =	sor.u32 s3, s0;
	s1 =	sshll.u32 s1, $0x11  }
0xbb: {  	s0 =	sor.u32 s1, s0  }
0xbc: {  	s0 =	sadd.s32 $0x8F2B, s0  }
0xbd: {  	[sflag:s0] =	ssyncadd.remote.s32 $0x1  }
0xbe: {  	_ =	sfence.sel $0xFFFF  }
0xbf: {  	[dreg:$0x0] =	wrdreg $0xFFFFFFFF;
	(pc) =	sbr.abs _section_cstart, $3  }
0xc0: {  	[dreg:$0x1] =	wrdreg $0xFFFFFFFF  }
0xc1: {  	_ =	task.clear_ibuf [dreg:s6], $0x2FFFF;
	_ =	strace $0x9FFFFFFF  }
0xc2: {  	(tm) =	ssettm $0x7FFFFFFF  }
0xc3: {  	_ =	shalt  }
tec
execute0_lowered:
.L_overlay_start_1:
0x0: {  	(tag) =	ssettag $0x1  }
0x1: {  	s0 =	rddreg [dreg:$0x0]  }
0x2: {  	s1 =	rddreg [dreg:$0x1]  }
0x3: {  	s2 =	simm.s32 $0x0;
	s7 =	srdreg.scid;
	s3 =	stileid.u32  }
0x4: {  	s22 =	simm.s32 $0x14000;
	s23 =	simm.s32 $0x14080;
	s24 =	simm.s32 $0x80  }
0x5: {  	s25 =	simm.s32 $0x14100;
	s26 =	simm.s32 $0x1;
	s28 =	simm.s32 $0x0  }
0x6: {  	[smem:$0x7FF] =	sst s2;
	s4 =	sadd.s32 $0x1C200, s0;
	s5 =	sadd.s32 $0xECA600, s0  }
0x7: {  	s6 =	sadd.s32 $0x8600, s0;
	s10 =	sand.u32 $0x1, s7;
	s9 =	smul.u32 $0x50000, s3  }
0x8: {  	s7 =	sadd.s32 $0x12400, s0;
	s0 =	sadd.s32 $0x43400, s0;
	s13 =	smul.u32 $0x14000, s3  }
0x9: {  	_ =	strace $0x8000004A;
	s8 =	ssub.s32 $0x2, s10;
	s12 =	sshll.u32 s10, $0x4  }
0xa: {  	s17 =	smul.u32 $0x140000, s10;
	s11 =	sshrl.u32 s8, $0x1;
	s12 =	sor.u32 s3, s12  }
0xb: {  	s9 =	sshrl.u32 s9, $0x2;
	s14 =	sadd.s32 $0x4000, s13;
	s16 =	sadd.s32 $0x8000, s13  }
0xc: {  	s18 =	sadd.s32 $0xC000, s13;
	s20 =	sadd.s32 $0x10000, s13;
	s19 =	ssub.s32 s8, s11  }
0xd: {  	s8 =	smul.u32 $0x2780, s12;
	s9 =	sadd.s32 s9, s1;
	s10 =	sadd.s32 s14, s1  }
0xe: {  	s11 =	sadd.s32 s16, s1;
	s12 =	sadd.s32 s18, s1;
	s15 =	sadd.s32 s13, s17  }
0xf: {  	s14 =	sadd.s32 s17, s14;
	s13 =	sadd.s32 s20, s1;
	s16 =	sadd.s32 s17, s16  }
0x10: {  	s18 =	sadd.s32 s17, s18;
	s17 =	sadd.s32 s17, s20;
	s15 =	sshrl.u32 s15, $0x3  }
0x11: {  	s21 =	sshrl.u32 s14, $0x3;
	s16 =	sshrl.u32 s16, $0x3;
	s18 =	sshrl.u32 s18, $0x3  }
0x12: {  	s20 =	sshrl.u32 s17, $0x3;
	s19 =	smax.u32 s19, $0x1;
	s14 =	sadd.s32 s0, s15  }
0x13: {  	s15 =	sadd.s32 s0, s21;
	s16 =	sadd.s32 s0, s16;
	s17 =	sadd.s32 s0, s18  }
0x14: {  	v0 =	vimm.f32 $0.0e+00;
	s18 =	sadd.s32 s0, s20;
	s20 =	simm.s32 $0x18100;
	s21 =	simm.s32 $0x2  }
.LBB2_1:
0x15: {  	s0 =	simm.s32 $0x0;
	s29 =	simm.s32 $0x200  }
.LBB2_2:
0x16: {  	p0 =	sne.s32 s29, $0xFE00;
	[tilespmem:s0+$0x18170] =	vst v0  }
0x17: {  	[tilespmem:s0+$0x18100] =	vst v0  }
0x18: {  	[tilespmem:s0+$0x18110] =	vst v0  }
.Ltmp0:
0x19: {  	[tilespmem:s0+$0x18120] =	vst v0;
	(pc) =	sbr.rel @p0 .LBB2_2-.Ltmp0, $4  }
0x1a: {  	[tilespmem:s0+$0x18130] =	vst v0  }
0x1b: {  	[tilespmem:s0+$0x18140] =	vst v0  }
0x1c: {  	[tilespmem:s0+$0x18150] =	vst v0  }
0x1d: {  	[tilespmem:s0+$0x18160] =	vst v0;
	s0 =	sshra.s32 s29, $0x2;
	s29 =	sadd.s32 $0x200, s29  }
0x1e: {  	[tilespmem:s0+$0x18170] =	vst v0  }
0x1f: {  	[tilespmem:s0+$0x18100] =	vst v0  }
0x20: {  	[tilespmem:s0+$0x18110] =	vst v0  }
0x21: {  	[tilespmem:s0+$0x18120] =	vst v0  }
0x22: {  	[tilespmem:s0+$0x18130] =	vst v0  }
0x23: {  	[tilespmem:s0+$0x18140] =	vst v0  }
0x24: {  	[tilespmem:s0+$0x18150] =	vst v0  }
0x25: {  	[tilespmem:s0+$0x18160] =	vst v0  }
0x26: {  	[spmem:s9] =	stream.linear.scatter [tilespmem:s20], [sflag:$0x2], $0x4000, $0x38;
	[tilespmem:$0x1C100] =	vst v63  }
0x27: {  	_ =	swait.ge [sflag:s21], $0x4000  }
0x28: {  	[sflag:s21] =	ssyncset.done $0x0  }
0x29: {  	[sflag:s21] =	ssyncadd.s32 $0xFFFFC000  }
0x2a: {  	[spmem:s10] =	stream.linear.scatter [tilespmem:s20], [sflag:$0x2], $0x4000, $0x38;
	[tilespmem:$0x1C100] =	vst v63  }
0x2b: {  	_ =	swait.ge [sflag:s21], $0x4000  }
0x2c: {  	[sflag:s21] =	ssyncset.done $0x0  }
0x2d: {  	[sflag:s21] =	ssyncadd.s32 $0xFFFFC000  }
0x2e: {  	[spmem:s11] =	stream.linear.scatter [tilespmem:s20], [sflag:$0x2], $0x4000, $0x38;
	[tilespmem:$0x1C100] =	vst v63  }
0x2f: {  	_ =	swait.ge [sflag:s21], $0x4000  }
0x30: {  	[sflag:s21] =	ssyncset.done $0x0  }
0x31: {  	[sflag:s21] =	ssyncadd.s32 $0xFFFFC000  }
0x32: {  	[spmem:s12] =	stream.linear.scatter [tilespmem:s20], [sflag:$0x2], $0x4000, $0x38;
	[tilespmem:$0x1C100] =	vst v63  }
0x33: {  	_ =	swait.ge [sflag:s21], $0x4000  }
0x34: {  	[sflag:s21] =	ssyncset.done $0x0  }
0x35: {  	[sflag:s21] =	ssyncadd.s32 $0xFFFFC000  }
0x36: {  	[spmem:s13] =	stream.linear.scatter [tilespmem:s20], [sflag:$0x2], $0x4000, $0x38;
	[tilespmem:$0x1C100] =	vst v63  }
0x37: {  	_ =	swait.ge [sflag:s21], $0x4000  }
0x38: {  	[sflag:s21] =	ssyncset.done $0x0  }
0x39: {  	[sflag:s21] =	ssyncadd.s32 $0xFFFFC000  }
0x3a: {  	s29 =	simm.s32 $0x0;
	s30 =	simm.s32 $0x0;
	[bflag:$0x0] =	sbarrier.arrive $0xFFFF  }
.LBB2_4:
0x3b: {  	s0 =	sshll.u32 s30, $0x7  }
0x3c: {  	s0 =	sadd.s32 s8, s0  }
0x3d: {  	s31 =	sshrl.u32 s0, $0x3  }
0x3e: {  	s3 =	sadd.s32 s6, s31  }
0x3f: {  	[tilespmem:s22], [sflag:$0x2] =	stream.linear.gather [hbm4b:s3+s29], $0x80, $0x38;
	[tilespmem:$0x1C100] =	vst v63  }
0x40: {  	_ =	swait.ge [sflag:s21], $0x80  }
0x41: {  	[sflag:s21] =	ssyncset.done $0x0  }
0x42: {  	s3 =	sadd.s32 s7, s31;
	[sflag:s21] =	ssyncadd.s32 $0xFFFFFF80  }
0x43: {  	[tilespmem:s23], [sflag:$0x2] =	stream.linear.gather [hbm4b:s3+s29], $0x80, $0x38;
	[tilespmem:$0x1C100] =	vst v63  }
0x44: {  	_ =	swait.ge [sflag:s21], $0x80  }
0x45: {  	[sflag:s21] =	ssyncset.done $0x0  }
0x46: {  	[sflag:s21] =	ssyncadd.s32 $0xFFFFFF80  }
0x47: {  	[tilespmem:s25], [sflag:$0x1] =	stream.indirect.gather [hbm4b:s4+s24], $0x80, s22, s24, $0xb8;
	[tilespmem:$0x1C100] =	vst v63  }
0x48: {  	_ =	swait.ge [sflag:s26], $0x4000  }
0x49: {  	s0 =	sshll.u32 s0, $0x4;
	[sflag:s26] =	ssyncset.done $0x0  }
0x4a: {  	s0 =	sadd.s32 s5, s0;
	[sflag:s26] =	ssyncadd.s32 $0xFFFFC000  }
0x4b: {  	[tilespmem:s20], [sflag:$0x2] =	stream.linear.gather [hbm4b:s0+s29], $0x4000, $0x38;
	[tilespmem:$0x1C100] =	vst v63  }
0x4c: {  	_ =	swait.ge [sflag:s21], $0x4000  }
0x4d: {  	[sflag:s21] =	ssyncset.done $0x0  }
0x4e: {  	s31 =	simm.s32 $0x0;
	[sflag:s21] =	ssyncadd.s32 $0xFFFFC000  }
0x4f: {  	v8 =	vld [tilespmem:s31+$0x14100]  }
0x50: {  	v12 =	vld [tilespmem:s31+$0x14110]  }
0x51: {  	v6 =	vld [tilespmem:s31+$0x14120]  }
0x52: {  	v5 =	vld [tilespmem:s31+$0x14130]  }
0x53: {  	v4 =	vld [tilespmem:s31+$0x14140]  }
0x54: {  	v3 =	vld [tilespmem:s31+$0x14150]  }
0x55: {  	v2 =	vld [tilespmem:s31+$0x14160]  }
0x56: {  	v1 =	vld [tilespmem:s31+$0x14170]  }
0x57: {  	v13 =	vld [tilespmem:s31+$0x18100]  }
0x58: {  	v14 =	vld [tilespmem:s31+$0x18110]  }
0x59: {  	v11 =	vld [tilespmem:s31+$0x18120]  }
0x5a: {  	v10 =	vld [tilespmem:s31+$0x18130]  }
0x5b: {  	v9 =	vld [tilespmem:s31+$0x18140]  }
0x5c: {  	v7 =	vld [tilespmem:s31+$0x18150];
	v13 =	vmul.f32 v8, v13  }
0x5d: {  	s0 =	simm.s32 $0x200;
	v12 =	vmul.f32 v12, v14;
	v8 =	vld [tilespmem:s31+$0x18160]  }
.LBB2_5:
0x5e: {  	s3 =	sshra.s32 s0, $0x2;
	p0 =	sne.s32 s0, $0xFE00;
	[tilespmem:s31+$0x18100] =	vst v13;
	v6 =	vmul.f32 v6, v11;
	v11 =	vld [tilespmem:s31+$0x18170]  }
0x5f: {  	v13 =	vld [tilespmem:s3+$0x14100];
	[tilespmem:s31+$0x18110] =	vst v12;
	v5 =	vmul.f32 v5, v10  }
0x60: {  	v12 =	vld [tilespmem:s3+$0x14110];
	[tilespmem:s31+$0x18120] =	vst v6;
	v4 =	vmul.f32 v4, v9  }
0x61: {  	v6 =	vld [tilespmem:s3+$0x14120];
	[tilespmem:s31+$0x18130] =	vst v5;
	v3 =	vmul.f32 v3, v7  }
0x62: {  	v5 =	vld [tilespmem:s3+$0x14130];
	[tilespmem:s31+$0x18140] =	vst v4;
	v2 =	vmul.f32 v2, v8  }
0x63: {  	v4 =	vld [tilespmem:s3+$0x14140];
	[tilespmem:s31+$0x18150] =	vst v3;
	v1 =	vmul.f32 v1, v11  }
0x64: {  	v3 =	vld [tilespmem:s3+$0x14150];
	[tilespmem:s31+$0x18160] =	vst v2  }
0x65: {  	v2 =	vld [tilespmem:s3+$0x14160];
	[tilespmem:s31+$0x18170] =	vst v1;
	s31 =	smov.u32 s3  }
0x66: {  	v1 =	vld [tilespmem:s31+$0x14170]  }
0x67: {  	v7 =	vld [tilespmem:s31+$0x18100]  }
0x68: {  	v8 =	vld [tilespmem:s31+$0x18110]  }
.Ltmp1:
0x69: {  	v11 =	vld [tilespmem:s31+$0x18120];
	(pc) =	sbr.rel @p0 .LBB2_5-.Ltmp1, $4  }
0x6a: {  	v10 =	vld [tilespmem:s31+$0x18130]  }
0x6b: {  	v9 =	vld [tilespmem:s31+$0x18140]  }
0x6c: {  	v13 =	vmul.f32 v13, v7;
	v7 =	vld [tilespmem:s31+$0x18150]  }
0x6d: {  	s0 =	sadd.s32 $0x200, s0;
	v12 =	vmul.f32 v12, v8;
	v8 =	vld [tilespmem:s31+$0x18160]  }
0x6e: {  	[tilespmem:s31+$0x18100] =	vst v13;
	v6 =	vmul.f32 v6, v11;
	v63 =	vld [tilespmem:s31+$0x18170]  }
0x6f: {  	[tilespmem:s31+$0x18110] =	vst v12;
	v5 =	vmul.f32 v5, v10  }
0x70: {  	[tilespmem:s31+$0x18120] =	vst v6;
	v4 =	vmul.f32 v4, v9  }
0x71: {  	[tilespmem:s31+$0x18130] =	vst v5;
	v3 =	vmul.f32 v3, v7  }
0x72: {  	[tilespmem:s31+$0x18140] =	vst v4;
	v2 =	vmul.f32 v2, v8  }
0x73: {  	s30 =	sadd.s32 $0x1, s30;
	[tilespmem:s31+$0x18150] =	vst v3;
	v1 =	vmul.f32 v1, v63  }
0x74: {  	p0 =	sne.s32 s30, $0x4F;
	[tilespmem:s31+$0x18160] =	vst v2  }
.Ltmp2:
0x75: {  	[tilespmem:s31+$0x18170] =	vst v1;
	(pc) =	sbr.rel @p0 .LBB2_4-.Ltmp2, $4  }
0x76: {  	[spmem:s1] =	stream.indirect.scatter.add.f32 [tilespmem:s20], [sflag:$0x2], $0x80, s23, s24, $0xb8;
	[tilespmem:$0x1C100] =	vst v63  }
0x77: {  	_ =	swait.ge [sflag:s21], $0x4000  }
0x78: {  	[sflag:s21] =	ssyncset.done $0x0  }
0x79: {  	[sflag:s21] =	ssyncadd.s32 $0xFFFFC000  }
0x7a: {  	[bflag:$0x0] =	sbarrier.arrive $0xFFFF  }
0x7b: {  	[tilespmem:s25], [sflag:$0x2] =	stream.linear.gather [spmem:s9], $0x4000, $0x38;
	[tilespmem:$0x1C100] =	vst v63  }
0x7c: {  	_ =	swait.ge [sflag:s21], $0x4000  }
0x7d: {  	[sflag:s21] =	ssyncset.done $0x0  }
0x7e: {  	[sflag:s21] =	ssyncadd.s32 $0xFFFFC000  }
0x7f: {  	[hbm4b:s14+s2] =	stream.linear.scatter [tilespmem:s25], [sflag:$0x2], $0x4000, $0x38;
	[tilespmem:$0x1C100] =	vst v63  }
0x80: {  	_ =	swait.ge [sflag:s21], $0x4000  }
0x81: {  	[sflag:s21] =	ssyncset.done $0x0  }
0x82: {  	[sflag:s21] =	ssyncadd.s32 $0xFFFFC000  }
0x83: {  	[tilespmem:s25], [sflag:$0x2] =	stream.linear.gather [spmem:s10], $0x4000, $0x38;
	[tilespmem:$0x1C100] =	vst v63  }
0x84: {  	_ =	swait.ge [sflag:s21], $0x4000  }
0x85: {  	[sflag:s21] =	ssyncset.done $0x0  }
0x86: {  	[sflag:s21] =	ssyncadd.s32 $0xFFFFC000  }
0x87: {  	[hbm4b:s15+s2] =	stream.linear.scatter [tilespmem:s25], [sflag:$0x2], $0x4000, $0x38;
	[tilespmem:$0x1C100] =	vst v63  }
0x88: {  	_ =	swait.ge [sflag:s21], $0x4000  }
0x89: {  	[sflag:s21] =	ssyncset.done $0x0  }
0x8a: {  	[sflag:s21] =	ssyncadd.s32 $0xFFFFC000  }
0x8b: {  	[tilespmem:s25], [sflag:$0x2] =	stream.linear.gather [spmem:s11], $0x4000, $0x38;
	[tilespmem:$0x1C100] =	vst v63  }
0x8c: {  	_ =	swait.ge [sflag:s21], $0x4000  }
0x8d: {  	[sflag:s21] =	ssyncset.done $0x0  }
0x8e: {  	[sflag:s21] =	ssyncadd.s32 $0xFFFFC000  }
0x8f: {  	[hbm4b:s16+s2] =	stream.linear.scatter [tilespmem:s25], [sflag:$0x2], $0x4000, $0x38;
	[tilespmem:$0x1C100] =	vst v63  }
0x90: {  	_ =	swait.ge [sflag:s21], $0x4000  }
0x91: {  	[sflag:s21] =	ssyncset.done $0x0  }
0x92: {  	[sflag:s21] =	ssyncadd.s32 $0xFFFFC000  }
0x93: {  	[tilespmem:s25], [sflag:$0x2] =	stream.linear.gather [spmem:s12], $0x4000, $0x38;
	[tilespmem:$0x1C100] =	vst v63  }
0x94: {  	_ =	swait.ge [sflag:s21], $0x4000  }
0x95: {  	[sflag:s21] =	ssyncset.done $0x0  }
0x96: {  	[sflag:s21] =	ssyncadd.s32 $0xFFFFC000  }
0x97: {  	[hbm4b:s17+s2] =	stream.linear.scatter [tilespmem:s25], [sflag:$0x2], $0x4000, $0x38;
	[tilespmem:$0x1C100] =	vst v63  }
0x98: {  	_ =	swait.ge [sflag:s21], $0x4000  }
0x99: {  	[sflag:s21] =	ssyncset.done $0x0  }
0x9a: {  	[sflag:s21] =	ssyncadd.s32 $0xFFFFC000  }
0x9b: {  	[tilespmem:s25], [sflag:$0x2] =	stream.linear.gather [spmem:s13], $0x4000, $0x38;
	[tilespmem:$0x1C100] =	vst v63  }
0x9c: {  	s28 =	sadd.s32 $0x1, s28;
	_ =	swait.ge [sflag:s21], $0x4000  }
0x9d: {  	p0 =	sne.s32 s28, s19;
	[sflag:s21] =	ssyncset.done $0x0  }
.Ltmp3:
0x9e: {  	[sflag:s21] =	ssyncadd.s32 $0xFFFFC000;
	(pc) =	sbr.rel @p0 .LBB2_1-.Ltmp3, $4  }
0x9f: {  	[hbm4b:s18+s2] =	stream.linear.scatter [tilespmem:s25], [sflag:$0x2], $0x4000, $0x38;
	[tilespmem:$0x1C100] =	vst v63  }
0xa0: {  	_ =	swait.ge [sflag:s21], $0x4000  }
0xa1: {  	[sflag:s21] =	ssyncset.done $0x0  }
0xa2: {  	[sflag:s21] =	ssyncadd.s32 $0xFFFFC000  }
0xa3: {  	_ =	sfence.sel $0x180000  }
0xa4: {  	[bflag:$0x0] =	sbarrier.arrive $0xFFFF  }
0xa5: {  	_ =	strace $0x9000004A  }
0xa6: {  	s0 =	stileid.u32;
	[bflag:$0x2] =	sbarrier.arrive $0xFFFF  }
0xa7: {  	p0 =	sne.s32 s0, $0x0;
	s0 =	rddreg [dreg:$0x2]  }
0xa8: {  	s0 =	sadd.s32 @!p0 $0x100000, s0  }
0xa9: {  	[sflag:s0] =	ssyncadd.tile.s32 @!p0 $0x1;
	_ =	shalt  }
.Lfunc_end2:
_tile_overlayer_lowered:
.L_overlay_start_2:
0xaa: {  	(tag) =	ssettag $0x2  }
0xab: {  	s0 =	rddreg [dreg:$0x0];
	s2 =	stileid.u32  }
0xac: {  	s1 =	rddreg [dreg:$0x1];
	p0 =	sne.s32 s2, $0x0  }
0xad: {  	s3 =	rddreg [dreg:$0x2];
	[bflag:$0x3] =	sbarrier.arrive $0xFFFF;
	s2 =	simm.s32 @!p0 $0x1C02  }
0xae: {  	[timem:s3], [sflag:s2] =	dma.local @!p0 [hbm:s0], s1  }
0xaf: {  	s0 =	simm.s32 @!p0 $0x2  }
0xb0: {  	_ =	swait.ge @!p0 [sflag:s0], s1  }
0xb1: {  	s1 =	ssub.s32 @!p0 $0x0, s1;
	[sflag:s0] =	ssyncset.done @!p0 $0x0  }
0xb2: {  	[sflag:s0] =	ssyncadd.s32 @!p0 s1  }
0xb3: {  	[bflag:$0x3] =	sbarrier.arrive $0xFFFF  }
0xb4: {  	_ =	shalt  }

// kernel: kernel.18.cloned.1.call-start
scs
__scs_entry_jumppad:
0x0: {  	(pc) =	sbr.rel $0x88, $3  }
0x1: {  	(tag) =	ssettag $0x0;
	lr =	simm.s32 $0x1  }
0x2: {  	[smem:$0x3F67] =	sst lr;
	_ =	strace $0xD0000000  }
0x3: {  	_ = 	snop  }
0x4: {  	_ = 	snop  }
0x5: {  	_ = 	snop  }
0x6: {  	_ = 	snop  }
0x7: {  	_ = 	snop  }
__scs_overlays_trampoline_lowered:
0x8: {  	[smem:$0x3F76] =	sst s0  }
0x9: {  	[smem:$0x3F77] =	sst s1  }
0xa: {  	[smem:$0x3F78] =	sst s2  }
0xb: {  	[smem:$0x3F79] =	sst s3  }
0xc: {  	[smem:$0x3F7A] =	sst s4  }
0xd: {  	[smem:$0x3F7B] =	sst s5  }
0xe: {  	[smem:$0x3F7C] =	sst s6  }
0xf: {  	[smem:$0x3F7D] =	sst s7  }
0x10: {  	[smem:$0x3F7E] =	sst s8  }
0x11: {  	[smem:$0x3F7F] =	sst s9;
	s0 =	simm.s32 @!p0 $0x0  }
0x12: {  	s1 =	sld [smem:$0x3F65];
	s0 =	simm.s32 @p0 $0x1  }
0x13: {  	[smem:$0x3F80] =	sst s0;
	s0 =	simm.s32 @!p1 $0x0  }
0x14: {  	s2 =	sld [smem:$0x3F64];
	s0 =	simm.s32 @p1 $0x1  }
0x15: {  	[smem:$0x3F81] =	sst s0;
	s0 =	simm.s32 @!p2 $0x0  }
0x16: {  	s3 =	sld [smem:$0x3FDB];
	s0 =	simm.s32 @p2 $0x1  }
0x17: {  	s4 =	simm.s32 $0x1BF5;
	[smem:$0x3F83] =	sst s0  }
0x18: {  	s0 =	sld [smem:$0x3F66];
	_ =	swait.ge [sflag:s4], $0x0  }
0x19: {  	s7 =	sld [smem:$0x3F67]  }
0x1a: {  	s8 =	sadd.s32 $0xFFFFE003, lr  }
0x1b: {  	s9 =	sadd.s32 $0xFFFFFEF7, lr;
	s5 =	simm.s32 $0xFFFFFFFF;
	p2 =	slt.u32 s8, $0xFFFFF086  }
0x1c: {  	p1 =	slt.u32 s9, $0xF7A;
	s5 =	simm.s32 @!p2 $0x0  }
0x1d: {  	s5 =	simm.s32 @p1 $0x1;
	p0 =	seq.s32 s7, s2  }
0x1e: {  	s7 =	smul.u32 @!p0 $0xF7A, s2;
	p2 =	seq.s32 @!p0 s5, $0x0  }
0x1f: {  	s9 =	smul.u32 $0xF7A, s1;
	s8 =	simm.s32 @!p0 $0x1BF5;
	p2 =	por !p2, p0  }
0x20: {  	[sflag:s8] =	ssyncset.s32 @!p0 $0xFFFFF086;
	s6 =	sadd.s32 @!p0 s3, s7;
	s7 =	simm.s32 @!p0 $0x108  }
0x21: {  	s3 =	sadd.s32 s3, s9;
	s6 =	sadd.s32 @!p0 $0x88, s6;
	s7 =	simm.s32 @p2 $0x1082  }
0x22: {  	[simem:s7], [sflag:s8] =	dma.local @!p0 [hbm:s6], $0xF7A  }
0x23: {  	s9 =	sor.u32 $0xD0000000, s2;
	s6 =	simm.s32 $0x108;
	_ =	swait.ge @!p0 [sflag:s8], $0x0  }
0x24: {  	s3 =	sadd.s32 $0x88, s3;
	s6 =	simm.s32 @!p1 $0x1082;
	[sflag:s4] =	ssyncset.s32 $0xFFFFF086  }
0x25: {  	[simem:s6], [sflag:s4] =	dma.local [hbm:s3], $0xF7A  }
0x26: {  	[smem:$0x3F67] =	sst s1;
	(tag) =	ssettag s2;
	_ =	strace s9  }
0x27: {  	s1 =	sld [smem:$0x3F77]  }
0x28: {  	s2 =	sld [smem:$0x3F78]  }
0x29: {  	s4 =	sld [smem:$0x3F7A]  }
0x2a: {  	p0 =	seq.s32 s5, $0x0;
	s5 =	sld [smem:$0x3F7B]  }
0x2b: {  	s6 =	sld [smem:$0x3F7C]  }
0x2c: {  	s7 =	sld [smem:$0x3F7D]  }
0x2d: {  	s3 =	simm.s32 $0x108;
	s8 =	sld [smem:$0x3F7E]  }
0x2e: {  	s3 =	simm.s32 @!p0 $0x1082;
	s9 =	sld [smem:$0x3F7F]  }
0x2f: {  	lr =	sadd.s32 s0, s3;
	s0 =	sld [smem:$0x3F76]  }
0x30: {  	s3 =	sld [smem:$0x3F79]  }
0x31: {  	[smem:$0x3F82] =	sst s10  }
0x32: {  	s10 =	sld [smem:$0x3F80];
	_ =	sdelay $0x3  }
0x33: {  	p0 =	seq.s32 s10, $0x1;
	s10 =	sld [smem:$0x3F82];
	_ =	sdelay $0x3  }
0x34: {  	[smem:$0x3F82] =	sst s10  }
0x35: {  	s10 =	sld [smem:$0x3F81];
	_ =	sdelay $0x3  }
0x36: {  	p1 =	seq.s32 s10, $0x1;
	s10 =	sld [smem:$0x3F82];
	_ =	sdelay $0x3  }
0x37: {  	[smem:$0x3F82] =	sst s10  }
0x38: {  	s10 =	sld [smem:$0x3F83]  }
0x39: {  	_ = 	snop;
	(pc) =	sbr.ind lr, $3  }
0x3a: {  	_ = 	snop  }
0x3b: {  	_ = 	snop  }
0x3c: {  	p2 =	seq.s32 s10, $0x1;
	s10 =	sld [smem:$0x3F82]  }
0x3d: {  	_ =	shalt  }
0x3e: {  	_ =	shalt  }
0x3f: {  	_ =	shalt  }
0x40: {  	_ =	shalt  }
0x41: {  	_ =	shalt  }
0x42: {  	_ =	shalt  }
0x43: {  	_ =	shalt  }
0x44: {  	_ =	shalt  }
0x45: {  	_ =	shalt  }
0x46: {  	_ =	shalt  }
0x47: {  	_ =	shalt  }
0x48: {  	_ =	shalt  }
0x49: {  	_ =	shalt  }
0x4a: {  	_ =	shalt  }
0x4b: {  	_ =	shalt  }
0x4c: {  	_ =	shalt  }
0x4d: {  	_ =	shalt  }
0x4e: {  	_ =	shalt  }
0x4f: {  	_ =	shalt  }
0x50: {  	_ =	shalt  }
0x51: {  	_ =	shalt  }
0x52: {  	_ =	shalt  }
0x53: {  	_ =	shalt  }
0x54: {  	_ =	shalt  }
0x55: {  	_ =	shalt  }
0x56: {  	_ =	shalt  }
0x57: {  	_ =	shalt  }
0x58: {  	_ =	shalt  }
0x59: {  	_ =	shalt  }
0x5a: {  	_ =	shalt  }
0x5b: {  	_ =	shalt  }
0x5c: {  	_ =	shalt  }
0x5d: {  	_ =	shalt  }
0x5e: {  	_ =	shalt  }
0x5f: {  	_ =	shalt  }
0x60: {  	_ =	shalt  }
0x61: {  	_ =	shalt  }
0x62: {  	_ =	shalt  }
0x63: {  	_ =	shalt  }
0x64: {  	_ =	shalt  }
0x65: {  	_ =	shalt  }
0x66: {  	_ =	shalt  }
0x67: {  	_ =	shalt  }
0x68: {  	_ =	shalt  }
0x69: {  	_ =	shalt  }
0x6a: {  	_ =	shalt  }
0x6b: {  	_ =	shalt  }
0x6c: {  	_ =	shalt  }
0x6d: {  	_ =	shalt  }
0x6e: {  	_ =	shalt  }
0x6f: {  	_ =	shalt  }
0x70: {  	_ =	shalt  }
0x71: {  	_ =	shalt  }
0x72: {  	_ =	shalt  }
0x73: {  	_ =	shalt  }
0x74: {  	_ =	shalt  }
0x75: {  	_ =	shalt  }
0x76: {  	_ =	shalt  }
0x77: {  	_ =	shalt  }
0x78: {  	_ =	shalt  }
0x79: {  	_ =	shalt  }
0x7a: {  	_ =	shalt  }
0x7b: {  	_ =	shalt  }
0x7c: {  	_ =	shalt  }
0x7d: {  	_ =	shalt  }
0x7e: {  	_ =	shalt  }
0x7f: {  	_ =	shalt  }
0x80: {  	_ =	shalt  }
0x81: {  	_ =	shalt  }
0x82: {  	_ =	shalt  }
0x83: {  	_ =	shalt  }
0x84: {  	_ =	shalt  }
0x85: {  	_ =	shalt  }
0x86: {  	_ =	shalt  }
0x87: {  	_ =	shalt  }
.Lfunc_end0:
.L_simem_size_0:
called_computation.2_lowered:
.L_overlay_start_0:
0x88: {  	s2 =	sld [smem:$0x3FD9]  }
0x89: {  	s3 =	sld [smem:$0x3FFE];
	_ =	sdelay $0x1  }
0x8a: {  	s1 =	srdreg.scid  }
0x8b: {  	s0 =	sand.u32 $0x1, s1  }
0x8c: {  	s16 =	sshll.u32 s0, $0xA;
	s2 =	sadd.s32 s3, s2  }
0x8d: {  	s2 =	sadd.s32 s2, s16  }
0x8e: {  	[smem:$0x3F8E] =	sst s2  }
0x8f: {  	_ = 	snop  }
0x90: {  	(tm) =	ssettm $0x1  }
0x91: {  	s17 =	sld [smem:$0x3FFB];
	_ =	sdelay $0x3  }
0x92: {  	_ =	strace s17  }
0x93: {  	s2 =	sld [smem:$0x3FFC];
	_ =	sdelay $0x3  }
0x94: {  	_ =	strace s2  }
0x95: {  	s2 =	sld [smem:$0x3FFD];
	_ =	sdelay $0x3  }
0x96: {  	_ =	strace s2  }
0x97: {  	_ =	strace $0x8FFFFFFF  }
0x98: {  	s18 =	sld [smem:$0x3FDB];
	_ =	sdelay $0x1  }
0x99: {  	s19 =	simm.s32 $_scs_section_size  }
0x9a: {  	s4 =	simm.s32 $_size__tile_overlayer_lowered;
	s5 =	simm.s32 $_tile_overlayer_lowered  }
0x9b: {  	s22 =	simm.s32 $0x1BFF;
	s21 =	sshll.u32 s5, $0x1;
	s2 =	sadd.s32 s19, s18  }
0x9c: {  	s6 =	simm.s32 $0x0;
	s20 =	sshll.u32 s4, $0x1;
	s4 =	sadd.s32 s21, s2  }
0x9d: {  	[timem:s6], [sflag:s22] =	dma.local [hbm:s4], s20  }
0x9e: {  	_ =	swait.ge [sflag:s22], s20  }
0x9f: {  	s3 =	ssub.s32 $0x0, s20;
	[sflag:s22] =	ssyncset.done $0x0  }
0xa0: {  	[sflag:s22] =	ssyncadd.s32 s3;
	_ =	sdelay $0x1  }
0xa1: {  	s23 =	simm.s32 $0x1B8B  }
0xa2: {  	_ =	swait.ge [sflag:s23], $0x1  }
0xa3: {  	[sflag:s23] =	ssyncset.done $0x0  }
0xa4: {  	s25 =	simm.s32 $0x1B8E;
	s24 =	sld [smem:$0x3FFE];
	[sflag:s23] =	ssyncadd.s32 $0xFFFFFFFF  }
0xa5: {  	s26 =	simm.s32 $execute0_lowered;
	[smem:$0x3FD2] =	sst s25  }
0xa6: {  	s4 =	sshll.u32 s26, $0x1;
	_ =	strace $0x8000004C;
	[dreg:$0x1] =	wrdreg $0xFFFFFFFF  }
0xa7: {  	s28 =	simm.s32 $_size_execute0_lowered;
	s2 =	sadd.s32 s2, s4;
	[dreg:$0x0] =	wrdreg $0x0  }
0xa8: {  	s4 =	sshll.u32 s28, $0x1;
	[dreg:$0x2] =	wrdreg s2  }
0xa9: {  	[dreg:$0x3] =	wrdreg s4  }
0xaa: {  	[dreg:$0x4] =	wrdreg $0xC0  }
0xab: {  	_ =	task [dreg:s6], $0x5FFFF  }
0xac: {  	[dreg:$0x1] =	wrdreg $0xFFFFFFFF  }
0xad: {  	[dreg:$0x0] =	wrdreg $0x60  }
0xae: {  	[dreg:$0x2] =	wrdreg s24  }
0xaf: {  	[dreg:$0x3] =	wrdreg $0x0  }
0xb0: {  	[dreg:$0x4] =	wrdreg $0x9  }
0xb1: {  	_ =	task.clear_ibuf [dreg:s6], $0x5FFFF;
	_ =	strace $0x9000004C  }
0xb2: {  	s29 =	simm.s32 $0x9;
	_ =	strace $0x8000004E  }
0xb3: {  	_ =	swait.ge [sflag:s29], $0x1  }
0xb4: {  	[sflag:s29] =	ssyncadd.s32 $0xFFFFFFFF  }
0xb5: {  	_ =	strace $0x9000004E  }
0xb6: {  	_ =	sfence  }
0xb7: {  	s30 =	sld [smem:$0x0];
	_ =	sdelay $0x2  }
0xb8: {  	s31 =	sshll.u32 s1, $0xD;
	s1 =	sshrl.u32 s1, $0x2  }
0xb9: {  	s3 =	sand.u32 $0x4000, s31;
	s1 =	sadd.s32 s1, s30  }
0xba: {  	s0 =	sor.u32 s3, s0;
	s1 =	sshll.u32 s1, $0x11  }
0xbb: {  	s0 =	sor.u32 s1, s0  }
0xbc: {  	s0 =	sadd.s32 $0x8F2B, s0  }
0xbd: {  	[sflag:s0] =	ssyncadd.remote.s32 $0x1  }
0xbe: {  	_ =	sfence.sel $0xFFFF  }
0xbf: {  	[dreg:$0x0] =	wrdreg $0xFFFFFFFF;
	(pc) =	sbr.abs _section_cstart, $3  }
0xc0: {  	[dreg:$0x1] =	wrdreg $0xFFFFFFFF  }
0xc1: {  	_ =	task.clear_ibuf [dreg:s6], $0x2FFFF;
	_ =	strace $0x9FFFFFFF  }
0xc2: {  	(tm) =	ssettm $0x7FFFFFFF  }
0xc3: {  	_ =	shalt  }
tec
execute0_lowered:
.L_overlay_start_1:
0x0: {  	(tag) =	ssettag $0x1  }
0x1: {  	s0 =	rddreg [dreg:$0x0]  }
0x2: {  	s1 =	rddreg [dreg:$0x1]  }
0x3: {  	s2 =	simm.s32 $0x0;
	s7 =	srdreg.scid;
	s3 =	stileid.u32  }
0x4: {  	s22 =	simm.s32 $0x14000;
	s23 =	simm.s32 $0x14080;
	s24 =	simm.s32 $0x80  }
0x5: {  	s25 =	simm.s32 $0x14100;
	s26 =	simm.s32 $0x1;
	s28 =	simm.s32 $0x0  }
0x6: {  	[smem:$0x7FF] =	sst s2;
	s4 =	sadd.s32 $0x43400, s0;
	s5 =	sadd.s32 $0x13BA600, s0  }
0x7: {  	s6 =	sadd.s32 $0x8600, s0;
	s10 =	sand.u32 $0x1, s7;
	s9 =	smul.u32 $0x50000, s3  }
0x8: {  	s7 =	sadd.s32 $0x12400, s0;
	s0 =	sadd.s32 $0x6A600, s0;
	s13 =	smul.u32 $0x14000, s3  }
0x9: {  	_ =	strace $0x8000004D;
	s8 =	ssub.s32 $0x2, s10;
	s12 =	sshll.u32 s10, $0x4  }
0xa: {  	s17 =	smul.u32 $0x140000, s10;
	s11 =	sshrl.u32 s8, $0x1;
	s12 =	sor.u32 s3, s12  }
0xb: {  	s9 =	sshrl.u32 s9, $0x2;
	s14 =	sadd.s32 $0x4000, s13;
	s16 =	sadd.s32 $0x8000, s13  }
0xc: {  	s18 =	sadd.s32 $0xC000, s13;
	s20 =	sadd.s32 $0x10000, s13;
	s19 =	ssub.s32 s8, s11  }
0xd: {  	s8 =	smul.u32 $0x2780, s12;
	s9 =	sadd.s32 s9, s1;
	s10 =	sadd.s32 s14, s1  }
0xe: {  	s11 =	sadd.s32 s16, s1;
	s12 =	sadd.s32 s18, s1;
	s15 =	sadd.s32 s13, s17  }
0xf: {  	s14 =	sadd.s32 s17, s14;
	s13 =	sadd.s32 s20, s1;
	s16 =	sadd.s32 s17, s16  }
0x10: {  	s18 =	sadd.s32 s17, s18;
	s17 =	sadd.s32 s17, s20;
	s15 =	sshrl.u32 s15, $0x3  }
0x11: {  	s21 =	sshrl.u32 s14, $0x3;
	s16 =	sshrl.u32 s16, $0x3;
	s18 =	sshrl.u32 s18, $0x3  }
0x12: {  	s20 =	sshrl.u32 s17, $0x3;
	s19 =	smax.u32 s19, $0x1;
	s14 =	sadd.s32 s0, s15  }
0x13: {  	s15 =	sadd.s32 s0, s21;
	s16 =	sadd.s32 s0, s16;
	s17 =	sadd.s32 s0, s18  }
0x14: {  	v0 =	vimm.f32 $0.0e+00;
	s18 =	sadd.s32 s0, s20;
	s20 =	simm.s32 $0x18100;
	s21 =	simm.s32 $0x2  }
.LBB2_1:
0x15: {  	s0 =	simm.s32 $0x0;
	s29 =	simm.s32 $0x200  }
.LBB2_2:
0x16: {  	p0 =	sne.s32 s29, $0xFE00;
	[tilespmem:s0+$0x18170] =	vst v0  }
0x17: {  	[tilespmem:s0+$0x18100] =	vst v0  }
0x18: {  	[tilespmem:s0+$0x18110] =	vst v0  }
.Ltmp0:
0x19: {  	[tilespmem:s0+$0x18120] =	vst v0;
	(pc) =	sbr.rel @p0 .LBB2_2-.Ltmp0, $4  }
0x1a: {  	[tilespmem:s0+$0x18130] =	vst v0  }
0x1b: {  	[tilespmem:s0+$0x18140] =	vst v0  }
0x1c: {  	[tilespmem:s0+$0x18150] =	vst v0  }
0x1d: {  	[tilespmem:s0+$0x18160] =	vst v0;
	s0 =	sshra.s32 s29, $0x2;
	s29 =	sadd.s32 $0x200, s29  }
0x1e: {  	[tilespmem:s0+$0x18170] =	vst v0  }
0x1f: {  	[tilespmem:s0+$0x18100] =	vst v0  }
0x20: {  	[tilespmem:s0+$0x18110] =	vst v0  }
0x21: {  	[tilespmem:s0+$0x18120] =	vst v0  }
0x22: {  	[tilespmem:s0+$0x18130] =	vst v0  }
0x23: {  	[tilespmem:s0+$0x18140] =	vst v0  }
0x24: {  	[tilespmem:s0+$0x18150] =	vst v0  }
0x25: {  	[tilespmem:s0+$0x18160] =	vst v0  }
0x26: {  	[spmem:s9] =	stream.linear.scatter [tilespmem:s20], [sflag:$0x2], $0x4000, $0x38;
	[tilespmem:$0x1C100] =	vst v63  }
0x27: {  	_ =	swait.ge [sflag:s21], $0x4000  }
0x28: {  	[sflag:s21] =	ssyncset.done $0x0  }
0x29: {  	[sflag:s21] =	ssyncadd.s32 $0xFFFFC000  }
0x2a: {  	[spmem:s10] =	stream.linear.scatter [tilespmem:s20], [sflag:$0x2], $0x4000, $0x38;
	[tilespmem:$0x1C100] =	vst v63  }
0x2b: {  	_ =	swait.ge [sflag:s21], $0x4000  }
0x2c: {  	[sflag:s21] =	ssyncset.done $0x0  }
0x2d: {  	[sflag:s21] =	ssyncadd.s32 $0xFFFFC000  }
0x2e: {  	[spmem:s11] =	stream.linear.scatter [tilespmem:s20], [sflag:$0x2], $0x4000, $0x38;
	[tilespmem:$0x1C100] =	vst v63  }
0x2f: {  	_ =	swait.ge [sflag:s21], $0x4000  }
0x30: {  	[sflag:s21] =	ssyncset.done $0x0  }
0x31: {  	[sflag:s21] =	ssyncadd.s32 $0xFFFFC000  }
0x32: {  	[spmem:s12] =	stream.linear.scatter [tilespmem:s20], [sflag:$0x2], $0x4000, $0x38;
	[tilespmem:$0x1C100] =	vst v63  }
0x33: {  	_ =	swait.ge [sflag:s21], $0x4000  }
0x34: {  	[sflag:s21] =	ssyncset.done $0x0  }
0x35: {  	[sflag:s21] =	ssyncadd.s32 $0xFFFFC000  }
0x36: {  	[spmem:s13] =	stream.linear.scatter [tilespmem:s20], [sflag:$0x2], $0x4000, $0x38;
	[tilespmem:$0x1C100] =	vst v63  }
0x37: {  	_ =	swait.ge [sflag:s21], $0x4000  }
0x38: {  	[sflag:s21] =	ssyncset.done $0x0  }
0x39: {  	[sflag:s21] =	ssyncadd.s32 $0xFFFFC000  }
0x3a: {  	s29 =	simm.s32 $0x0;
	s30 =	simm.s32 $0x0;
	[bflag:$0x0] =	sbarrier.arrive $0xFFFF  }
.LBB2_4:
0x3b: {  	s0 =	sshll.u32 s30, $0x7  }
0x3c: {  	s0 =	sadd.s32 s8, s0  }
0x3d: {  	s31 =	sshrl.u32 s0, $0x3  }
0x3e: {  	s3 =	sadd.s32 s6, s31  }
0x3f: {  	[tilespmem:s22], [sflag:$0x2] =	stream.linear.gather [hbm4b:s3+s29], $0x80, $0x38;
	[tilespmem:$0x1C100] =	vst v63  }
0x40: {  	_ =	swait.ge [sflag:s21], $0x80  }
0x41: {  	[sflag:s21] =	ssyncset.done $0x0  }
0x42: {  	s3 =	sadd.s32 s7, s31;
	[sflag:s21] =	ssyncadd.s32 $0xFFFFFF80  }
0x43: {  	[tilespmem:s23], [sflag:$0x2] =	stream.linear.gather [hbm4b:s3+s29], $0x80, $0x38;
	[tilespmem:$0x1C100] =	vst v63  }
0x44: {  	_ =	swait.ge [sflag:s21], $0x80  }
0x45: {  	[sflag:s21] =	ssyncset.done $0x0  }
0x46: {  	[sflag:s21] =	ssyncadd.s32 $0xFFFFFF80  }
0x47: {  	[tilespmem:s25], [sflag:$0x1] =	stream.indirect.gather [hbm4b:s4+s24], $0x80, s22, s24, $0xb8;
	[tilespmem:$0x1C100] =	vst v63  }
0x48: {  	_ =	swait.ge [sflag:s26], $0x4000  }
0x49: {  	s0 =	sshll.u32 s0, $0x4;
	[sflag:s26] =	ssyncset.done $0x0  }
0x4a: {  	s0 =	sadd.s32 s5, s0;
	[sflag:s26] =	ssyncadd.s32 $0xFFFFC000  }
0x4b: {  	[tilespmem:s20], [sflag:$0x2] =	stream.linear.gather [hbm4b:s0+s29], $0x4000, $0x38;
	[tilespmem:$0x1C100] =	vst v63  }
0x4c: {  	_ =	swait.ge [sflag:s21], $0x4000  }
0x4d: {  	[sflag:s21] =	ssyncset.done $0x0  }
0x4e: {  	s31 =	simm.s32 $0x0;
	[sflag:s21] =	ssyncadd.s32 $0xFFFFC000  }
0x4f: {  	v8 =	vld [tilespmem:s31+$0x14100]  }
0x50: {  	v12 =	vld [tilespmem:s31+$0x14110]  }
0x51: {  	v6 =	vld [tilespmem:s31+$0x14120]  }
0x52: {  	v5 =	vld [tilespmem:s31+$0x14130]  }
0x53: {  	v4 =	vld [tilespmem:s31+$0x14140]  }
0x54: {  	v3 =	vld [tilespmem:s31+$0x14150]  }
0x55: {  	v2 =	vld [tilespmem:s31+$0x14160]  }
0x56: {  	v1 =	vld [tilespmem:s31+$0x14170]  }
0x57: {  	v13 =	vld [tilespmem:s31+$0x18100]  }
0x58: {  	v14 =	vld [tilespmem:s31+$0x18110]  }
0x59: {  	v11 =	vld [tilespmem:s31+$0x18120]  }
0x5a: {  	v10 =	vld [tilespmem:s31+$0x18130]  }
0x5b: {  	v9 =	vld [tilespmem:s31+$0x18140]  }
0x5c: {  	v7 =	vld [tilespmem:s31+$0x18150];
	v13 =	vmul.f32 v8, v13  }
0x5d: {  	s0 =	simm.s32 $0x200;
	v12 =	vmul.f32 v12, v14;
	v8 =	vld [tilespmem:s31+$0x18160]  }
.LBB2_5:
0x5e: {  	s3 =	sshra.s32 s0, $0x2;
	p0 =	sne.s32 s0, $0xFE00;
	[tilespmem:s31+$0x18100] =	vst v13;
	v6 =	vmul.f32 v6, v11;
	v11 =	vld [tilespmem:s31+$0x18170]  }
0x5f: {  	v13 =	vld [tilespmem:s3+$0x14100];
	[tilespmem:s31+$0x18110] =	vst v12;
	v5 =	vmul.f32 v5, v10  }
0x60: {  	v12 =	vld [tilespmem:s3+$0x14110];
	[tilespmem:s31+$0x18120] =	vst v6;
	v4 =	vmul.f32 v4, v9  }
0x61: {  	v6 =	vld [tilespmem:s3+$0x14120];
	[tilespmem:s31+$0x18130] =	vst v5;
	v3 =	vmul.f32 v3, v7  }
0x62: {  	v5 =	vld [tilespmem:s3+$0x14130];
	[tilespmem:s31+$0x18140] =	vst v4;
	v2 =	vmul.f32 v2, v8  }
0x63: {  	v4 =	vld [tilespmem:s3+$0x14140];
	[tilespmem:s31+$0x18150] =	vst v3;
	v1 =	vmul.f32 v1, v11  }
0x64: {  	v3 =	vld [tilespmem:s3+$0x14150];
	[tilespmem:s31+$0x18160] =	vst v2  }
0x65: {  	v2 =	vld [tilespmem:s3+$0x14160];
	[tilespmem:s31+$0x18170] =	vst v1;
	s31 =	smov.u32 s3  }
0x66: {  	v1 =	vld [tilespmem:s31+$0x14170]  }
0x67: {  	v7 =	vld [tilespmem:s31+$0x18100]  }
0x68: {  	v8 =	vld [tilespmem:s31+$0x18110]  }
.Ltmp1:
0x69: {  	v11 =	vld [tilespmem:s31+$0x18120];
	(pc) =	sbr.rel @p0 .LBB2_5-.Ltmp1, $4  }
0x6a: {  	v10 =	vld [tilespmem:s31+$0x18130]  }
0x6b: {  	v9 =	vld [tilespmem:s31+$0x18140]  }
0x6c: {  	v13 =	vmul.f32 v13, v7;
	v7 =	vld [tilespmem:s31+$0x18150]  }
0x6d: {  	s0 =	sadd.s32 $0x200, s0;
	v12 =	vmul.f32 v12, v8;
	v8 =	vld [tilespmem:s31+$0x18160]  }
0x6e: {  	[tilespmem:s31+$0x18100] =	vst v13;
	v6 =	vmul.f32 v6, v11;
	v63 =	vld [tilespmem:s31+$0x18170]  }
0x6f: {  	[tilespmem:s31+$0x18110] =	vst v12;
	v5 =	vmul.f32 v5, v10  }
0x70: {  	[tilespmem:s31+$0x18120] =	vst v6;
	v4 =	vmul.f32 v4, v9  }
0x71: {  	[tilespmem:s31+$0x18130] =	vst v5;
	v3 =	vmul.f32 v3, v7  }
0x72: {  	[tilespmem:s31+$0x18140] =	vst v4;
	v2 =	vmul.f32 v2, v8  }
0x73: {  	s30 =	sadd.s32 $0x1, s30;
	[tilespmem:s31+$0x18150] =	vst v3;
	v1 =	vmul.f32 v1, v63  }
0x74: {  	p0 =	sne.s32 s30, $0x4F;
	[tilespmem:s31+$0x18160] =	vst v2  }
.Ltmp2:
0x75: {  	[tilespmem:s31+$0x18170] =	vst v1;
	(pc) =	sbr.rel @p0 .LBB2_4-.Ltmp2, $4  }
0x76: {  	[spmem:s1] =	stream.indirect.scatter.add.f32 [tilespmem:s20], [sflag:$0x2], $0x80, s23, s24, $0xb8;
	[tilespmem:$0x1C100] =	vst v63  }
0x77: {  	_ =	swait.ge [sflag:s21], $0x4000  }
0x78: {  	[sflag:s21] =	ssyncset.done $0x0  }
0x79: {  	[sflag:s21] =	ssyncadd.s32 $0xFFFFC000  }
0x7a: {  	[bflag:$0x0] =	sbarrier.arrive $0xFFFF  }
0x7b: {  	[tilespmem:s25], [sflag:$0x2] =	stream.linear.gather [spmem:s9], $0x4000, $0x38;
	[tilespmem:$0x1C100] =	vst v63  }
0x7c: {  	_ =	swait.ge [sflag:s21], $0x4000  }
0x7d: {  	[sflag:s21] =	ssyncset.done $0x0  }
0x7e: {  	[sflag:s21] =	ssyncadd.s32 $0xFFFFC000  }
0x7f: {  	[hbm4b:s14+s2] =	stream.linear.scatter [tilespmem:s25], [sflag:$0x2], $0x4000, $0x38;
	[tilespmem:$0x1C100] =	vst v63  }
0x80: {  	_ =	swait.ge [sflag:s21], $0x4000  }
0x81: {  	[sflag:s21] =	ssyncset.done $0x0  }
0x82: {  	[sflag:s21] =	ssyncadd.s32 $0xFFFFC000  }
0x83: {  	[tilespmem:s25], [sflag:$0x2] =	stream.linear.gather [spmem:s10], $0x4000, $0x38;
	[tilespmem:$0x1C100] =	vst v63  }
0x84: {  	_ =	swait.ge [sflag:s21], $0x4000  }
0x85: {  	[sflag:s21] =	ssyncset.done $0x0  }
0x86: {  	[sflag:s21] =	ssyncadd.s32 $0xFFFFC000  }
0x87: {  	[hbm4b:s15+s2] =	stream.linear.scatter [tilespmem:s25], [sflag:$0x2], $0x4000, $0x38;
	[tilespmem:$0x1C100] =	vst v63  }
0x88: {  	_ =	swait.ge [sflag:s21], $0x4000  }
0x89: {  	[sflag:s21] =	ssyncset.done $0x0  }
0x8a: {  	[sflag:s21] =	ssyncadd.s32 $0xFFFFC000  }
0x8b: {  	[tilespmem:s25], [sflag:$0x2] =	stream.linear.gather [spmem:s11], $0x4000, $0x38;
	[tilespmem:$0x1C100] =	vst v63  }
0x8c: {  	_ =	swait.ge [sflag:s21], $0x4000  }
0x8d: {  	[sflag:s21] =	ssyncset.done $0x0  }
0x8e: {  	[sflag:s21] =	ssyncadd.s32 $0xFFFFC000  }
0x8f: {  	[hbm4b:s16+s2] =	stream.linear.scatter [tilespmem:s25], [sflag:$0x2], $0x4000, $0x38;
	[tilespmem:$0x1C100] =	vst v63  }
0x90: {  	_ =	swait.ge [sflag:s21], $0x4000  }
0x91: {  	[sflag:s21] =	ssyncset.done $0x0  }
0x92: {  	[sflag:s21] =	ssyncadd.s32 $0xFFFFC000  }
0x93: {  	[tilespmem:s25], [sflag:$0x2] =	stream.linear.gather [spmem:s12], $0x4000, $0x38;
	[tilespmem:$0x1C100] =	vst v63  }
0x94: {  	_ =	swait.ge [sflag:s21], $0x4000  }
0x95: {  	[sflag:s21] =	ssyncset.done $0x0  }
0x96: {  	[sflag:s21] =	ssyncadd.s32 $0xFFFFC000  }
0x97: {  	[hbm4b:s17+s2] =	stream.linear.scatter [tilespmem:s25], [sflag:$0x2], $0x4000, $0x38;
	[tilespmem:$0x1C100] =	vst v63  }
0x98: {  	_ =	swait.ge [sflag:s21], $0x4000  }
0x99: {  	[sflag:s21] =	ssyncset.done $0x0  }
0x9a: {  	[sflag:s21] =	ssyncadd.s32 $0xFFFFC000  }
0x9b: {  	[tilespmem:s25], [sflag:$0x2] =	stream.linear.gather [spmem:s13], $0x4000, $0x38;
	[tilespmem:$0x1C100] =	vst v63  }
0x9c: {  	s28 =	sadd.s32 $0x1, s28;
	_ =	swait.ge [sflag:s21], $0x4000  }
0x9d: {  	p0 =	sne.s32 s28, s19;
	[sflag:s21] =	ssyncset.done $0x0  }
.Ltmp3:
0x9e: {  	[sflag:s21] =	ssyncadd.s32 $0xFFFFC000;
	(pc) =	sbr.rel @p0 .LBB2_1-.Ltmp3, $4  }
0x9f: {  	[hbm4b:s18+s2] =	stream.linear.scatter [tilespmem:s25], [sflag:$0x2], $0x4000, $0x38;
	[tilespmem:$0x1C100] =	vst v63  }
0xa0: {  	_ =	swait.ge [sflag:s21], $0x4000  }
0xa1: {  	[sflag:s21] =	ssyncset.done $0x0  }
0xa2: {  	[sflag:s21] =	ssyncadd.s32 $0xFFFFC000  }
0xa3: {  	_ =	sfence.sel $0x180000  }
0xa4: {  	[bflag:$0x0] =	sbarrier.arrive $0xFFFF  }
0xa5: {  	_ =	strace $0x9000004D  }
0xa6: {  	s0 =	stileid.u32;
	[bflag:$0x2] =	sbarrier.arrive $0xFFFF  }
0xa7: {  	p0 =	sne.s32 s0, $0x0;
	s0 =	rddreg [dreg:$0x2]  }
0xa8: {  	s0 =	sadd.s32 @!p0 $0x100000, s0  }
0xa9: {  	[sflag:s0] =	ssyncadd.tile.s32 @!p0 $0x1;
	_ =	shalt  }
.Lfunc_end2:
_tile_overlayer_lowered:
.L_overlay_start_2:
0xaa: {  	(tag) =	ssettag $0x2  }
0xab: {  	s0 =	rddreg [dreg:$0x0];
	s2 =	stileid.u32  }
0xac: {  	s1 =	rddreg [dreg:$0x1];
	p0 =	sne.s32 s2, $0x0  }
0xad: {  	s3 =	rddreg [dreg:$0x2];
	[bflag:$0x3] =	sbarrier.arrive $0xFFFF;
	s2 =	simm.s32 @!p0 $0x1C02  }
0xae: {  	[timem:s3], [sflag:s2] =	dma.local @!p0 [hbm:s0], s1  }
0xaf: {  	s0 =	simm.s32 @!p0 $0x2  }
0xb0: {  	_ =	swait.ge @!p0 [sflag:s0], s1  }
0xb1: {  	s1 =	ssub.s32 @!p0 $0x0, s1;
	[sflag:s0] =	ssyncset.done @!p0 $0x0  }
0xb2: {  	[sflag:s0] =	ssyncadd.s32 @!p0 s1  }
0xb3: {  	[bflag:$0x3] =	sbarrier.arrive $0xFFFF  }
0xb4: {  	_ =	shalt  }

// kernel: kernel.21.cloned.1.call-start
scs
__scs_entry_jumppad:
0x0: {  	(pc) =	sbr.rel $0x88, $3  }
0x1: {  	(tag) =	ssettag $0x0;
	lr =	simm.s32 $0x1  }
0x2: {  	[smem:$0x3F67] =	sst lr;
	_ =	strace $0xD0000000  }
0x3: {  	_ = 	snop  }
0x4: {  	_ = 	snop  }
0x5: {  	_ = 	snop  }
0x6: {  	_ = 	snop  }
0x7: {  	_ = 	snop  }
__scs_overlays_trampoline_lowered:
0x8: {  	[smem:$0x3F76] =	sst s0  }
0x9: {  	[smem:$0x3F77] =	sst s1  }
0xa: {  	[smem:$0x3F78] =	sst s2  }
0xb: {  	[smem:$0x3F79] =	sst s3  }
0xc: {  	[smem:$0x3F7A] =	sst s4  }
0xd: {  	[smem:$0x3F7B] =	sst s5  }
0xe: {  	[smem:$0x3F7C] =	sst s6  }
0xf: {  	[smem:$0x3F7D] =	sst s7  }
0x10: {  	[smem:$0x3F7E] =	sst s8  }
0x11: {  	[smem:$0x3F7F] =	sst s9;
	s0 =	simm.s32 @!p0 $0x0  }
0x12: {  	s1 =	sld [smem:$0x3F65];
	s0 =	simm.s32 @p0 $0x1  }
0x13: {  	[smem:$0x3F80] =	sst s0;
	s0 =	simm.s32 @!p1 $0x0  }
0x14: {  	s2 =	sld [smem:$0x3F64];
	s0 =	simm.s32 @p1 $0x1  }
0x15: {  	[smem:$0x3F81] =	sst s0;
	s0 =	simm.s32 @!p2 $0x0  }
0x16: {  	s3 =	sld [smem:$0x3FDB];
	s0 =	simm.s32 @p2 $0x1  }
0x17: {  	s4 =	simm.s32 $0x1BF5;
	[smem:$0x3F83] =	sst s0  }
0x18: {  	s0 =	sld [smem:$0x3F66];
	_ =	swait.ge [sflag:s4], $0x0  }
0x19: {  	s7 =	sld [smem:$0x3F67]  }
0x1a: {  	s8 =	sadd.s32 $0xFFFFE003, lr  }
0x1b: {  	s9 =	sadd.s32 $0xFFFFFEF7, lr;
	s5 =	simm.s32 $0xFFFFFFFF;
	p2 =	slt.u32 s8, $0xFFFFF086  }
0x1c: {  	p1 =	slt.u32 s9, $0xF7A;
	s5 =	simm.s32 @!p2 $0x0  }
0x1d: {  	s5 =	simm.s32 @p1 $0x1;
	p0 =	seq.s32 s7, s2  }
0x1e: {  	s7 =	smul.u32 @!p0 $0xF7A, s2;
	p2 =	seq.s32 @!p0 s5, $0x0  }
0x1f: {  	s9 =	smul.u32 $0xF7A, s1;
	s8 =	simm.s32 @!p0 $0x1BF5;
	p2 =	por !p2, p0  }
0x20: {  	[sflag:s8] =	ssyncset.s32 @!p0 $0xFFFFF086;
	s6 =	sadd.s32 @!p0 s3, s7;
	s7 =	simm.s32 @!p0 $0x108  }
0x21: {  	s3 =	sadd.s32 s3, s9;
	s6 =	sadd.s32 @!p0 $0x88, s6;
	s7 =	simm.s32 @p2 $0x1082  }
0x22: {  	[simem:s7], [sflag:s8] =	dma.local @!p0 [hbm:s6], $0xF7A  }
0x23: {  	s9 =	sor.u32 $0xD0000000, s2;
	s6 =	simm.s32 $0x108;
	_ =	swait.ge @!p0 [sflag:s8], $0x0  }
0x24: {  	s3 =	sadd.s32 $0x88, s3;
	s6 =	simm.s32 @!p1 $0x1082;
	[sflag:s4] =	ssyncset.s32 $0xFFFFF086  }
0x25: {  	[simem:s6], [sflag:s4] =	dma.local [hbm:s3], $0xF7A  }
0x26: {  	[smem:$0x3F67] =	sst s1;
	(tag) =	ssettag s2;
	_ =	strace s9  }
0x27: {  	s1 =	sld [smem:$0x3F77]  }
0x28: {  	s2 =	sld [smem:$0x3F78]  }
0x29: {  	s4 =	sld [smem:$0x3F7A]  }
0x2a: {  	p0 =	seq.s32 s5, $0x0;
	s5 =	sld [smem:$0x3F7B]  }
0x2b: {  	s6 =	sld [smem:$0x3F7C]  }
0x2c: {  	s7 =	sld [smem:$0x3F7D]  }
0x2d: {  	s3 =	simm.s32 $0x108;
	s8 =	sld [smem:$0x3F7E]  }
0x2e: {  	s3 =	simm.s32 @!p0 $0x1082;
	s9 =	sld [smem:$0x3F7F]  }
0x2f: {  	lr =	sadd.s32 s0, s3;
	s0 =	sld [smem:$0x3F76]  }
0x30: {  	s3 =	sld [smem:$0x3F79]  }
0x31: {  	[smem:$0x3F82] =	sst s10  }
0x32: {  	s10 =	sld [smem:$0x3F80];
	_ =	sdelay $0x3  }
0x33: {  	p0 =	seq.s32 s10, $0x1;
	s10 =	sld [smem:$0x3F82];
	_ =	sdelay $0x3  }
0x34: {  	[smem:$0x3F82] =	sst s10  }
0x35: {  	s10 =	sld [smem:$0x3F81];
	_ =	sdelay $0x3  }
0x36: {  	p1 =	seq.s32 s10, $0x1;
	s10 =	sld [smem:$0x3F82];
	_ =	sdelay $0x3  }
0x37: {  	[smem:$0x3F82] =	sst s10  }
0x38: {  	s10 =	sld [smem:$0x3F83]  }
0x39: {  	_ = 	snop;
	(pc) =	sbr.ind lr, $3  }
0x3a: {  	_ = 	snop  }
0x3b: {  	_ = 	snop  }
0x3c: {  	p2 =	seq.s32 s10, $0x1;
	s10 =	sld [smem:$0x3F82]  }
0x3d: {  	_ =	shalt  }
0x3e: {  	_ =	shalt  }
0x3f: {  	_ =	shalt  }
0x40: {  	_ =	shalt  }
0x41: {  	_ =	shalt  }
0x42: {  	_ =	shalt  }
0x43: {  	_ =	shalt  }
0x44: {  	_ =	shalt  }
0x45: {  	_ =	shalt  }
0x46: {  	_ =	shalt  }
0x47: {  	_ =	shalt  }
0x48: {  	_ =	shalt  }
0x49: {  	_ =	shalt  }
0x4a: {  	_ =	shalt  }
0x4b: {  	_ =	shalt  }
0x4c: {  	_ =	shalt  }
0x4d: {  	_ =	shalt  }
0x4e: {  	_ =	shalt  }
0x4f: {  	_ =	shalt  }
0x50: {  	_ =	shalt  }
0x51: {  	_ =	shalt  }
0x52: {  	_ =	shalt  }
0x53: {  	_ =	shalt  }
0x54: {  	_ =	shalt  }
0x55: {  	_ =	shalt  }
0x56: {  	_ =	shalt  }
0x57: {  	_ =	shalt  }
0x58: {  	_ =	shalt  }
0x59: {  	_ =	shalt  }
0x5a: {  	_ =	shalt  }
0x5b: {  	_ =	shalt  }
0x5c: {  	_ =	shalt  }
0x5d: {  	_ =	shalt  }
0x5e: {  	_ =	shalt  }
0x5f: {  	_ =	shalt  }
0x60: {  	_ =	shalt  }
0x61: {  	_ =	shalt  }
0x62: {  	_ =	shalt  }
0x63: {  	_ =	shalt  }
0x64: {  	_ =	shalt  }
0x65: {  	_ =	shalt  }
0x66: {  	_ =	shalt  }
0x67: {  	_ =	shalt  }
0x68: {  	_ =	shalt  }
0x69: {  	_ =	shalt  }
0x6a: {  	_ =	shalt  }
0x6b: {  	_ =	shalt  }
0x6c: {  	_ =	shalt  }
0x6d: {  	_ =	shalt  }
0x6e: {  	_ =	shalt  }
0x6f: {  	_ =	shalt  }
0x70: {  	_ =	shalt  }
0x71: {  	_ =	shalt  }
0x72: {  	_ =	shalt  }
0x73: {  	_ =	shalt  }
0x74: {  	_ =	shalt  }
0x75: {  	_ =	shalt  }
0x76: {  	_ =	shalt  }
0x77: {  	_ =	shalt  }
0x78: {  	_ =	shalt  }
0x79: {  	_ =	shalt  }
0x7a: {  	_ =	shalt  }
0x7b: {  	_ =	shalt  }
0x7c: {  	_ =	shalt  }
0x7d: {  	_ =	shalt  }
0x7e: {  	_ =	shalt  }
0x7f: {  	_ =	shalt  }
0x80: {  	_ =	shalt  }
0x81: {  	_ =	shalt  }
0x82: {  	_ =	shalt  }
0x83: {  	_ =	shalt  }
0x84: {  	_ =	shalt  }
0x85: {  	_ =	shalt  }
0x86: {  	_ =	shalt  }
0x87: {  	_ =	shalt  }
.Lfunc_end0:
.L_simem_size_0:
called_computation.3_lowered:
.L_overlay_start_0:
0x88: {  	s2 =	sld [smem:$0x3FD9]  }
0x89: {  	s3 =	sld [smem:$0x3FFE];
	_ =	sdelay $0x1  }
0x8a: {  	s1 =	srdreg.scid  }
0x8b: {  	s0 =	sand.u32 $0x1, s1  }
0x8c: {  	s16 =	sshll.u32 s0, $0xA;
	s2 =	sadd.s32 s3, s2  }
0x8d: {  	s2 =	sadd.s32 s2, s16  }
0x8e: {  	[smem:$0x3F8E] =	sst s2  }
0x8f: {  	_ = 	snop  }
0x90: {  	(tm) =	ssettm $0x1  }
0x91: {  	s17 =	sld [smem:$0x3FFB];
	_ =	sdelay $0x3  }
0x92: {  	_ =	strace s17  }
0x93: {  	s2 =	sld [smem:$0x3FFC];
	_ =	sdelay $0x3  }
0x94: {  	_ =	strace s2  }
0x95: {  	s2 =	sld [smem:$0x3FFD];
	_ =	sdelay $0x3  }
0x96: {  	_ =	strace s2  }
0x97: {  	_ =	strace $0x8FFFFFFF  }
0x98: {  	s18 =	sld [smem:$0x3FDB];
	_ =	sdelay $0x1  }
0x99: {  	s19 =	simm.s32 $_scs_section_size  }
0x9a: {  	s4 =	simm.s32 $_size__tile_overlayer_lowered;
	s5 =	simm.s32 $_tile_overlayer_lowered  }
0x9b: {  	s22 =	simm.s32 $0x1BFF;
	s21 =	sshll.u32 s5, $0x1;
	s2 =	sadd.s32 s19, s18  }
0x9c: {  	s6 =	simm.s32 $0x0;
	s20 =	sshll.u32 s4, $0x1;
	s4 =	sadd.s32 s21, s2  }
0x9d: {  	[timem:s6], [sflag:s22] =	dma.local [hbm:s4], s20  }
0x9e: {  	_ =	swait.ge [sflag:s22], s20  }
0x9f: {  	s3 =	ssub.s32 $0x0, s20;
	[sflag:s22] =	ssyncset.done $0x0  }
0xa0: {  	[sflag:s22] =	ssyncadd.s32 s3;
	_ =	sdelay $0x1  }
0xa1: {  	s23 =	simm.s32 $0x1B8B  }
0xa2: {  	_ =	swait.ge [sflag:s23], $0x1  }
0xa3: {  	[sflag:s23] =	ssyncset.done $0x0  }
0xa4: {  	s25 =	simm.s32 $0x1B8E;
	s24 =	sld [smem:$0x3FFE];
	[sflag:s23] =	ssyncadd.s32 $0xFFFFFFFF  }
0xa5: {  	s26 =	simm.s32 $execute0_lowered;
	[smem:$0x3FD2] =	sst s25  }
0xa6: {  	s4 =	sshll.u32 s26, $0x1;
	_ =	strace $0x8000004F;
	[dreg:$0x1] =	wrdreg $0xFFFFFFFF  }
0xa7: {  	s28 =	simm.s32 $_size_execute0_lowered;
	s2 =	sadd.s32 s2, s4;
	[dreg:$0x0] =	wrdreg $0x0  }
0xa8: {  	s4 =	sshll.u32 s28, $0x1;
	[dreg:$0x2] =	wrdreg s2  }
0xa9: {  	[dreg:$0x3] =	wrdreg s4  }
0xaa: {  	[dreg:$0x4] =	wrdreg $0xC0  }
0xab: {  	_ =	task [dreg:s6], $0x5FFFF  }
0xac: {  	[dreg:$0x1] =	wrdreg $0xFFFFFFFF  }
0xad: {  	[dreg:$0x0] =	wrdreg $0x60  }
0xae: {  	[dreg:$0x2] =	wrdreg s24  }
0xaf: {  	[dreg:$0x3] =	wrdreg $0x0  }
0xb0: {  	[dreg:$0x4] =	wrdreg $0x9  }
0xb1: {  	_ =	task.clear_ibuf [dreg:s6], $0x5FFFF;
	_ =	strace $0x9000004F  }
0xb2: {  	s29 =	simm.s32 $0x9;
	_ =	strace $0x80000051  }
0xb3: {  	_ =	swait.ge [sflag:s29], $0x1  }
0xb4: {  	[sflag:s29] =	ssyncadd.s32 $0xFFFFFFFF  }
0xb5: {  	_ =	strace $0x90000051  }
0xb6: {  	_ =	sfence  }
0xb7: {  	s30 =	sld [smem:$0x0];
	_ =	sdelay $0x2  }
0xb8: {  	s31 =	sshll.u32 s1, $0xD;
	s1 =	sshrl.u32 s1, $0x2  }
0xb9: {  	s3 =	sand.u32 $0x4000, s31;
	s1 =	sadd.s32 s1, s30  }
0xba: {  	s0 =	sor.u32 s3, s0;
	s1 =	sshll.u32 s1, $0x11  }
0xbb: {  	s0 =	sor.u32 s1, s0  }
0xbc: {  	s0 =	sadd.s32 $0x8F2B, s0  }
0xbd: {  	[sflag:s0] =	ssyncadd.remote.s32 $0x1  }
0xbe: {  	_ =	sfence.sel $0xFFFF  }
0xbf: {  	[dreg:$0x0] =	wrdreg $0xFFFFFFFF;
	(pc) =	sbr.abs _section_cstart, $3  }
0xc0: {  	[dreg:$0x1] =	wrdreg $0xFFFFFFFF  }
0xc1: {  	_ =	task.clear_ibuf [dreg:s6], $0x2FFFF;
	_ =	strace $0x9FFFFFFF  }
0xc2: {  	(tm) =	ssettm $0x7FFFFFFF  }
0xc3: {  	_ =	shalt  }
tec
execute0_lowered:
.L_overlay_start_1:
0x0: {  	(tag) =	ssettag $0x1  }
0x1: {  	s0 =	rddreg [dreg:$0x0]  }
0x2: {  	s1 =	rddreg [dreg:$0x1]  }
0x3: {  	s2 =	simm.s32 $0x0;
	s7 =	srdreg.scid;
	s3 =	stileid.u32  }
0x4: {  	s22 =	simm.s32 $0x14000;
	s23 =	simm.s32 $0x14080;
	s24 =	simm.s32 $0x80  }
0x5: {  	s25 =	simm.s32 $0x14100;
	s26 =	simm.s32 $0x1;
	s28 =	simm.s32 $0x0  }
0x6: {  	[smem:$0x7FF] =	sst s2;
	s4 =	sadd.s32 $0x43400, s0;
	s5 =	sadd.s32 $0x18AA600, s0  }
0x7: {  	s6 =	sadd.s32 $0x8600, s0;
	s10 =	sand.u32 $0x1, s7;
	s9 =	smul.u32 $0x50000, s3  }
0x8: {  	s7 =	sadd.s32 $0x12400, s0;
	s0 =	sadd.s32 $0x6A600, s0;
	s13 =	smul.u32 $0x14000, s3  }
0x9: {  	_ =	strace $0x80000050;
	s8 =	ssub.s32 $0x2, s10;
	s12 =	sshll.u32 s10, $0x4  }
0xa: {  	s17 =	smul.u32 $0x140000, s10;
	s11 =	sshrl.u32 s8, $0x1;
	s12 =	sor.u32 s3, s12  }
0xb: {  	s9 =	sshrl.u32 s9, $0x2;
	s14 =	sadd.s32 $0x4000, s13;
	s16 =	sadd.s32 $0x8000, s13  }
0xc: {  	s18 =	sadd.s32 $0xC000, s13;
	s20 =	sadd.s32 $0x10000, s13;
	s19 =	ssub.s32 s8, s11  }
0xd: {  	s8 =	smul.u32 $0x2780, s12;
	s9 =	sadd.s32 s9, s1;
	s10 =	sadd.s32 s14, s1  }
0xe: {  	s11 =	sadd.s32 s16, s1;
	s12 =	sadd.s32 s18, s1;
	s15 =	sadd.s32 s13, s17  }
0xf: {  	s14 =	sadd.s32 s17, s14;
	s13 =	sadd.s32 s20, s1;
	s16 =	sadd.s32 s17, s16  }
0x10: {  	s18 =	sadd.s32 s17, s18;
	s17 =	sadd.s32 s17, s20;
	s15 =	sshrl.u32 s15, $0x3  }
0x11: {  	s21 =	sshrl.u32 s14, $0x3;
	s16 =	sshrl.u32 s16, $0x3;
	s18 =	sshrl.u32 s18, $0x3  }
0x12: {  	s20 =	sshrl.u32 s17, $0x3;
	s19 =	smax.u32 s19, $0x1;
	s14 =	sadd.s32 s0, s15  }
0x13: {  	s15 =	sadd.s32 s0, s21;
	s16 =	sadd.s32 s0, s16;
	s17 =	sadd.s32 s0, s18  }
0x14: {  	v0 =	vimm.f32 $0.0e+00;
	s18 =	sadd.s32 s0, s20;
	s20 =	simm.s32 $0x18100;
	s21 =	simm.s32 $0x2  }
.LBB2_1:
0x15: {  	s0 =	simm.s32 $0x0;
	s29 =	simm.s32 $0x200  }
.LBB2_2:
0x16: {  	p0 =	sne.s32 s29, $0xFE00;
	[tilespmem:s0+$0x18170] =	vst v0  }
0x17: {  	[tilespmem:s0+$0x18100] =	vst v0  }
0x18: {  	[tilespmem:s0+$0x18110] =	vst v0  }
.Ltmp0:
0x19: {  	[tilespmem:s0+$0x18120] =	vst v0;
	(pc) =	sbr.rel @p0 .LBB2_2-.Ltmp0, $4  }
0x1a: {  	[tilespmem:s0+$0x18130] =	vst v0  }
0x1b: {  	[tilespmem:s0+$0x18140] =	vst v0  }
0x1c: {  	[tilespmem:s0+$0x18150] =	vst v0  }
0x1d: {  	[tilespmem:s0+$0x18160] =	vst v0;
	s0 =	sshra.s32 s29, $0x2;
	s29 =	sadd.s32 $0x200, s29  }
0x1e: {  	[tilespmem:s0+$0x18170] =	vst v0  }
0x1f: {  	[tilespmem:s0+$0x18100] =	vst v0  }
0x20: {  	[tilespmem:s0+$0x18110] =	vst v0  }
0x21: {  	[tilespmem:s0+$0x18120] =	vst v0  }
0x22: {  	[tilespmem:s0+$0x18130] =	vst v0  }
0x23: {  	[tilespmem:s0+$0x18140] =	vst v0  }
0x24: {  	[tilespmem:s0+$0x18150] =	vst v0  }
0x25: {  	[tilespmem:s0+$0x18160] =	vst v0  }
0x26: {  	[spmem:s9] =	stream.linear.scatter [tilespmem:s20], [sflag:$0x2], $0x4000, $0x38;
	[tilespmem:$0x1C100] =	vst v63  }
0x27: {  	_ =	swait.ge [sflag:s21], $0x4000  }
0x28: {  	[sflag:s21] =	ssyncset.done $0x0  }
0x29: {  	[sflag:s21] =	ssyncadd.s32 $0xFFFFC000  }
0x2a: {  	[spmem:s10] =	stream.linear.scatter [tilespmem:s20], [sflag:$0x2], $0x4000, $0x38;
	[tilespmem:$0x1C100] =	vst v63  }
0x2b: {  	_ =	swait.ge [sflag:s21], $0x4000  }
0x2c: {  	[sflag:s21] =	ssyncset.done $0x0  }
0x2d: {  	[sflag:s21] =	ssyncadd.s32 $0xFFFFC000  }
0x2e: {  	[spmem:s11] =	stream.linear.scatter [tilespmem:s20], [sflag:$0x2], $0x4000, $0x38;
	[tilespmem:$0x1C100] =	vst v63  }
0x2f: {  	_ =	swait.ge [sflag:s21], $0x4000  }
0x30: {  	[sflag:s21] =	ssyncset.done $0x0  }
0x31: {  	[sflag:s21] =	ssyncadd.s32 $0xFFFFC000  }
0x32: {  	[spmem:s12] =	stream.linear.scatter [tilespmem:s20], [sflag:$0x2], $0x4000, $0x38;
	[tilespmem:$0x1C100] =	vst v63  }
0x33: {  	_ =	swait.ge [sflag:s21], $0x4000  }
0x34: {  	[sflag:s21] =	ssyncset.done $0x0  }
0x35: {  	[sflag:s21] =	ssyncadd.s32 $0xFFFFC000  }
0x36: {  	[spmem:s13] =	stream.linear.scatter [tilespmem:s20], [sflag:$0x2], $0x4000, $0x38;
	[tilespmem:$0x1C100] =	vst v63  }
0x37: {  	_ =	swait.ge [sflag:s21], $0x4000  }
0x38: {  	[sflag:s21] =	ssyncset.done $0x0  }
0x39: {  	[sflag:s21] =	ssyncadd.s32 $0xFFFFC000  }
0x3a: {  	s29 =	simm.s32 $0x0;
	s30 =	simm.s32 $0x0;
	[bflag:$0x0] =	sbarrier.arrive $0xFFFF  }
.LBB2_4:
0x3b: {  	s0 =	sshll.u32 s30, $0x7  }
0x3c: {  	s0 =	sadd.s32 s8, s0  }
0x3d: {  	s31 =	sshrl.u32 s0, $0x3  }
0x3e: {  	s3 =	sadd.s32 s6, s31  }
0x3f: {  	[tilespmem:s22], [sflag:$0x2] =	stream.linear.gather [hbm4b:s3+s29], $0x80, $0x38;
	[tilespmem:$0x1C100] =	vst v63  }
0x40: {  	_ =	swait.ge [sflag:s21], $0x80  }
0x41: {  	[sflag:s21] =	ssyncset.done $0x0  }
0x42: {  	s3 =	sadd.s32 s7, s31;
	[sflag:s21] =	ssyncadd.s32 $0xFFFFFF80  }
0x43: {  	[tilespmem:s23], [sflag:$0x2] =	stream.linear.gather [hbm4b:s3+s29], $0x80, $0x38;
	[tilespmem:$0x1C100] =	vst v63  }
0x44: {  	_ =	swait.ge [sflag:s21], $0x80  }
0x45: {  	[sflag:s21] =	ssyncset.done $0x0  }
0x46: {  	[sflag:s21] =	ssyncadd.s32 $0xFFFFFF80  }
0x47: {  	[tilespmem:s25], [sflag:$0x1] =	stream.indirect.gather [hbm4b:s4+s24], $0x80, s22, s24, $0xb8;
	[tilespmem:$0x1C100] =	vst v63  }
0x48: {  	_ =	swait.ge [sflag:s26], $0x4000  }
0x49: {  	s0 =	sshll.u32 s0, $0x4;
	[sflag:s26] =	ssyncset.done $0x0  }
0x4a: {  	s0 =	sadd.s32 s5, s0;
	[sflag:s26] =	ssyncadd.s32 $0xFFFFC000  }
0x4b: {  	[tilespmem:s20], [sflag:$0x2] =	stream.linear.gather [hbm4b:s0+s29], $0x4000, $0x38;
	[tilespmem:$0x1C100] =	vst v63  }
0x4c: {  	_ =	swait.ge [sflag:s21], $0x4000  }
0x4d: {  	[sflag:s21] =	ssyncset.done $0x0  }
0x4e: {  	s31 =	simm.s32 $0x0;
	[sflag:s21] =	ssyncadd.s32 $0xFFFFC000  }
0x4f: {  	v8 =	vld [tilespmem:s31+$0x14100]  }
0x50: {  	v12 =	vld [tilespmem:s31+$0x14110]  }
0x51: {  	v6 =	vld [tilespmem:s31+$0x14120]  }
0x52: {  	v5 =	vld [tilespmem:s31+$0x14130]  }
0x53: {  	v4 =	vld [tilespmem:s31+$0x14140]  }
0x54: {  	v3 =	vld [tilespmem:s31+$0x14150]  }
0x55: {  	v2 =	vld [tilespmem:s31+$0x14160]  }
0x56: {  	v1 =	vld [tilespmem:s31+$0x14170]  }
0x57: {  	v13 =	vld [tilespmem:s31+$0x18100]  }
0x58: {  	v14 =	vld [tilespmem:s31+$0x18110]  }
0x59: {  	v11 =	vld [tilespmem:s31+$0x18120]  }
0x5a: {  	v10 =	vld [tilespmem:s31+$0x18130]  }
0x5b: {  	v9 =	vld [tilespmem:s31+$0x18140]  }
0x5c: {  	v7 =	vld [tilespmem:s31+$0x18150];
	v13 =	vmul.f32 v8, v13  }
0x5d: {  	s0 =	simm.s32 $0x200;
	v12 =	vmul.f32 v12, v14;
	v8 =	vld [tilespmem:s31+$0x18160]  }
.LBB2_5:
0x5e: {  	s3 =	sshra.s32 s0, $0x2;
	p0 =	sne.s32 s0, $0xFE00;
	[tilespmem:s31+$0x18100] =	vst v13;
	v6 =	vmul.f32 v6, v11;
	v11 =	vld [tilespmem:s31+$0x18170]  }
0x5f: {  	v13 =	vld [tilespmem:s3+$0x14100];
	[tilespmem:s31+$0x18110] =	vst v12;
	v5 =	vmul.f32 v5, v10  }
0x60: {  	v12 =	vld [tilespmem:s3+$0x14110];
	[tilespmem:s31+$0x18120] =	vst v6;
	v4 =	vmul.f32 v4, v9  }
0x61: {  	v6 =	vld [tilespmem:s3+$0x14120];
	[tilespmem:s31+$0x18130] =	vst v5;
	v3 =	vmul.f32 v3, v7  }
0x62: {  	v5 =	vld [tilespmem:s3+$0x14130];
	[tilespmem:s31+$0x18140] =	vst v4;
	v2 =	vmul.f32 v2, v8  }
0x63: {  	v4 =	vld [tilespmem:s3+$0x14140];
	[tilespmem:s31+$0x18150] =	vst v3;
	v1 =	vmul.f32 v1, v11  }
0x64: {  	v3 =	vld [tilespmem:s3+$0x14150];
	[tilespmem:s31+$0x18160] =	vst v2  }
0x65: {  	v2 =	vld [tilespmem:s3+$0x14160];
	[tilespmem:s31+$0x18170] =	vst v1;
	s31 =	smov.u32 s3  }
0x66: {  	v1 =	vld [tilespmem:s31+$0x14170]  }
0x67: {  	v7 =	vld [tilespmem:s31+$0x18100]  }
0x68: {  	v8 =	vld [tilespmem:s31+$0x18110]  }
.Ltmp1:
0x69: {  	v11 =	vld [tilespmem:s31+$0x18120];
	(pc) =	sbr.rel @p0 .LBB2_5-.Ltmp1, $4  }
0x6a: {  	v10 =	vld [tilespmem:s31+$0x18130]  }
0x6b: {  	v9 =	vld [tilespmem:s31+$0x18140]  }
0x6c: {  	v13 =	vmul.f32 v13, v7;
	v7 =	vld [tilespmem:s31+$0x18150]  }
0x6d: {  	s0 =	sadd.s32 $0x200, s0;
	v12 =	vmul.f32 v12, v8;
	v8 =	vld [tilespmem:s31+$0x18160]  }
0x6e: {  	[tilespmem:s31+$0x18100] =	vst v13;
	v6 =	vmul.f32 v6, v11;
	v63 =	vld [tilespmem:s31+$0x18170]  }
0x6f: {  	[tilespmem:s31+$0x18110] =	vst v12;
	v5 =	vmul.f32 v5, v10  }
0x70: {  	[tilespmem:s31+$0x18120] =	vst v6;
	v4 =	vmul.f32 v4, v9  }
0x71: {  	[tilespmem:s31+$0x18130] =	vst v5;
	v3 =	vmul.f32 v3, v7  }
0x72: {  	[tilespmem:s31+$0x18140] =	vst v4;
	v2 =	vmul.f32 v2, v8  }
0x73: {  	s30 =	sadd.s32 $0x1, s30;
	[tilespmem:s31+$0x18150] =	vst v3;
	v1 =	vmul.f32 v1, v63  }
0x74: {  	p0 =	sne.s32 s30, $0x4F;
	[tilespmem:s31+$0x18160] =	vst v2  }
.Ltmp2:
0x75: {  	[tilespmem:s31+$0x18170] =	vst v1;
	(pc) =	sbr.rel @p0 .LBB2_4-.Ltmp2, $4  }
0x76: {  	[spmem:s1] =	stream.indirect.scatter.add.f32 [tilespmem:s20], [sflag:$0x2], $0x80, s23, s24, $0xb8;
	[tilespmem:$0x1C100] =	vst v63  }
0x77: {  	_ =	swait.ge [sflag:s21], $0x4000  }
0x78: {  	[sflag:s21] =	ssyncset.done $0x0  }
0x79: {  	[sflag:s21] =	ssyncadd.s32 $0xFFFFC000  }
0x7a: {  	[bflag:$0x0] =	sbarrier.arrive $0xFFFF  }
0x7b: {  	[tilespmem:s25], [sflag:$0x2] =	stream.linear.gather [spmem:s9], $0x4000, $0x38;
	[tilespmem:$0x1C100] =	vst v63  }
0x7c: {  	_ =	swait.ge [sflag:s21], $0x4000  }
0x7d: {  	[sflag:s21] =	ssyncset.done $0x0  }
0x7e: {  	[sflag:s21] =	ssyncadd.s32 $0xFFFFC000  }
0x7f: {  	[hbm4b:s14+s2] =	stream.linear.scatter [tilespmem:s25], [sflag:$0x2], $0x4000, $0x38;
	[tilespmem:$0x1C100] =	vst v63  }
0x80: {  	_ =	swait.ge [sflag:s21], $0x4000  }
0x81: {  	[sflag:s21] =	ssyncset.done $0x0  }
0x82: {  	[sflag:s21] =	ssyncadd.s32 $0xFFFFC000  }
0x83: {  	[tilespmem:s25], [sflag:$0x2] =	stream.linear.gather [spmem:s10], $0x4000, $0x38;
	[tilespmem:$0x1C100] =	vst v63  }
0x84: {  	_ =	swait.ge [sflag:s21], $0x4000  }
0x85: {  	[sflag:s21] =	ssyncset.done $0x0  }
0x86: {  	[sflag:s21] =	ssyncadd.s32 $0xFFFFC000  }
0x87: {  	[hbm4b:s15+s2] =	stream.linear.scatter [tilespmem:s25], [sflag:$0x2], $0x4000, $0x38;
	[tilespmem:$0x1C100] =	vst v63  }
0x88: {  	_ =	swait.ge [sflag:s21], $0x4000  }
0x89: {  	[sflag:s21] =	ssyncset.done $0x0  }
0x8a: {  	[sflag:s21] =	ssyncadd.s32 $0xFFFFC000  }
0x8b: {  	[tilespmem:s25], [sflag:$0x2] =	stream.linear.gather [spmem:s11], $0x4000, $0x38;
	[tilespmem:$0x1C100] =	vst v63  }
0x8c: {  	_ =	swait.ge [sflag:s21], $0x4000  }
0x8d: {  	[sflag:s21] =	ssyncset.done $0x0  }
0x8e: {  	[sflag:s21] =	ssyncadd.s32 $0xFFFFC000  }
0x8f: {  	[hbm4b:s16+s2] =	stream.linear.scatter [tilespmem:s25], [sflag:$0x2], $0x4000, $0x38;
	[tilespmem:$0x1C100] =	vst v63  }
0x90: {  	_ =	swait.ge [sflag:s21], $0x4000  }
0x91: {  	[sflag:s21] =	ssyncset.done $0x0  }
0x92: {  	[sflag:s21] =	ssyncadd.s32 $0xFFFFC000  }
0x93: {  	[tilespmem:s25], [sflag:$0x2] =	stream.linear.gather [spmem:s12], $0x4000, $0x38;
	[tilespmem:$0x1C100] =	vst v63  }
0x94: {  	_ =	swait.ge [sflag:s21], $0x4000  }
0x95: {  	[sflag:s21] =	ssyncset.done $0x0  }
0x96: {  	[sflag:s21] =	ssyncadd.s32 $0xFFFFC000  }
0x97: {  	[hbm4b:s17+s2] =	stream.linear.scatter [tilespmem:s25], [sflag:$0x2], $0x4000, $0x38;
	[tilespmem:$0x1C100] =	vst v63  }
0x98: {  	_ =	swait.ge [sflag:s21], $0x4000  }
0x99: {  	[sflag:s21] =	ssyncset.done $0x0  }
0x9a: {  	[sflag:s21] =	ssyncadd.s32 $0xFFFFC000  }
0x9b: {  	[tilespmem:s25], [sflag:$0x2] =	stream.linear.gather [spmem:s13], $0x4000, $0x38;
	[tilespmem:$0x1C100] =	vst v63  }
0x9c: {  	s28 =	sadd.s32 $0x1, s28;
	_ =	swait.ge [sflag:s21], $0x4000  }
0x9d: {  	p0 =	sne.s32 s28, s19;
	[sflag:s21] =	ssyncset.done $0x0  }
.Ltmp3:
0x9e: {  	[sflag:s21] =	ssyncadd.s32 $0xFFFFC000;
	(pc) =	sbr.rel @p0 .LBB2_1-.Ltmp3, $4  }
0x9f: {  	[hbm4b:s18+s2] =	stream.linear.scatter [tilespmem:s25], [sflag:$0x2], $0x4000, $0x38;
	[tilespmem:$0x1C100] =	vst v63  }
0xa0: {  	_ =	swait.ge [sflag:s21], $0x4000  }
0xa1: {  	[sflag:s21] =	ssyncset.done $0x0  }
0xa2: {  	[sflag:s21] =	ssyncadd.s32 $0xFFFFC000  }
0xa3: {  	_ =	sfence.sel $0x180000  }
0xa4: {  	[bflag:$0x0] =	sbarrier.arrive $0xFFFF  }
0xa5: {  	_ =	strace $0x90000050  }
0xa6: {  	s0 =	stileid.u32;
	[bflag:$0x2] =	sbarrier.arrive $0xFFFF  }
0xa7: {  	p0 =	sne.s32 s0, $0x0;
	s0 =	rddreg [dreg:$0x2]  }
0xa8: {  	s0 =	sadd.s32 @!p0 $0x100000, s0  }
0xa9: {  	[sflag:s0] =	ssyncadd.tile.s32 @!p0 $0x1;
	_ =	shalt  }
.Lfunc_end2:
_tile_overlayer_lowered:
.L_overlay_start_2:
0xaa: {  	(tag) =	ssettag $0x2  }
0xab: {  	s0 =	rddreg [dreg:$0x0];
	s2 =	stileid.u32  }
0xac: {  	s1 =	rddreg [dreg:$0x1];
	p0 =	sne.s32 s2, $0x0  }
0xad: {  	s3 =	rddreg [dreg:$0x2];
	[bflag:$0x3] =	sbarrier.arrive $0xFFFF;
	s2 =	simm.s32 @!p0 $0x1C02  }
0xae: {  	[timem:s3], [sflag:s2] =	dma.local @!p0 [hbm:s0], s1  }
0xaf: {  	s0 =	simm.s32 @!p0 $0x2  }
0xb0: {  	_ =	swait.ge @!p0 [sflag:s0], s1  }
0xb1: {  	s1 =	ssub.s32 @!p0 $0x0, s1;
	[sflag:s0] =	ssyncset.done @!p0 $0x0  }
0xb2: {  	[sflag:s0] =	ssyncadd.s32 @!p0 s1  }
0xb3: {  	[bflag:$0x3] =	sbarrier.arrive $0xFFFF  }
0xb4: {  	_ =	shalt  }

</sc_bundles>
